<compile_context>
chip_gen: v7x
topology: tpu7x:2x2x1
jax: 0.10.2.dev20260603
libtpu: 0.0.44.dev20260713+nightly
codegen_flags: <defaults>
</compile_context>

<pallas_src>
import jax
import jax.numpy as jnp
from jax import lax
from jax.experimental import pallas as pl
from jax.experimental.pallas import tpu as pltpu
from jax.experimental.pallas import tpu_sc as plsc

_S = 2048
_D = 768
_RC = 2568
_PAD = 2560
_NW = 32
_SPW = 25
_SLOTS = 28
_G = 7
_GS = 4
_KR = 6
_KC = 4


def _build_body(ctx_ref, comb_ref):
    x = ctx_ref[0]
    r = x.reshape(512, 4, _D)
    comb_ref[0, 0:512, :] = jnp.maximum(
        jnp.maximum(r[:, 0, :], r[:, 1, :]),
        jnp.maximum(r[:, 2, :], r[:, 3, :]))
    for k in range(1, 5):
        s = 4 ** (k - 1)
        n = 512 - 3 * s
        prev = (k - 1) * 512
        a = comb_ref[0, pl.ds(prev, n), :]
        b = comb_ref[0, pl.ds(prev + s, n), :]
        c = comb_ref[0, pl.ds(prev + 2 * s, n), :]
        d = comb_ref[0, pl.ds(prev + 3 * s, n), :]
        comb_ref[0, pl.ds(k * 512, n), :] = jnp.maximum(
            jnp.maximum(a, b), jnp.maximum(c, d))
    comb_ref[0, pl.ds(_PAD, 8), :] = jnp.full((8, _D), -jnp.inf, jnp.float32)


def _sc_query(ctx_hbm, comb_hbm, idxr_hbm, idxc_hbm, out_hbm,
              idxr_v, idxc_v, raw0, raw1, raw2, cmb0, cmb1, cmb2, out_v,
              sr0, sr1, sr2, sc0, sc1, sc2):
    w = lax.axis_index("s") * 2 + lax.axis_index("c")
    pltpu.sync_copy(idxr_hbm.at[w], idxr_v)
    pltpu.sync_copy(idxc_hbm.at[w], idxc_v)
    raws, cmbs = [raw0, raw1, raw2], [cmb0, cmb1, cmb2]
    srs, scs = [sr0, sr1, sr2], [sc0, sc1, sc2]
    hr, hc = [None] * _G, [None] * _G

    def issue(g):
        hr[g] = pltpu.async_copy(ctx_hbm.at[idxr_v.at[g]], raws[g % 3],
                                 srs[g % 3])
        hc[g] = pltpu.async_copy(comb_hbm.at[idxc_v.at[g]], cmbs[g % 3],
                                 scs[g % 3])

    issue(0)
    issue(1)
    for g in range(_G):
        if g + 2 < _G:
            issue(g + 2)
        hr[g].wait()
        hc[g].wait()
        rb, cb = raws[g % 3], cmbs[g % 3]
        for s4 in range(_GS):
            def chunk(c, _, s4=s4, rb=rb, cb=cb, g=g):
                off = c * 16
                acc = rb[s4 * _KR, pl.ds(off, 16)]
                for r in range(1, _KR):
                    acc = jnp.maximum(acc, rb[s4 * _KR + r, pl.ds(off, 16)])
                for r in range(_KC):
                    acc = jnp.maximum(acc, cb[s4 * _KC + r, pl.ds(off, 16)])
                out_v[g * _GS + s4, pl.ds(off, 16)] = acc
                return 0
            jax.lax.fori_loop(0, _D // 16, chunk, 0)
    pltpu.sync_copy(out_v, out_hbm.at[pl.ds(w * 32, 32)])


def _make_indices(spans, B, S, n):
    b = spans[..., 0].astype(jnp.int32).reshape(-1)
    e = spans[..., 1].astype(jnp.int32).reshape(-1)
    e = jnp.where(e == b, b + 1, e)

    a1 = (b + 3) & ~3
    z1 = e & ~3
    w4 = a1 > z1
    nl = jnp.where(w4, e - b, a1 - b)
    nr = jnp.where(w4, 0, e - z1)
    jr = jnp.arange(_KR, dtype=jnp.int32)[None, :]
    raw = jnp.where(jr < nl[:, None], b[:, None] + jr,
                    jnp.where(jr < (nl + nr)[:, None],
                              z1[:, None] + jr - nl[:, None], b[:, None]))

    p = a1 >> 2
    q = z1 >> 2
    il = q - p
    hast = (~w4) & (il > 0)
    k4 = (31 - lax.clz(jnp.maximum(il, 1))) >> 1
    s4 = jnp.int32(1) << (2 * k4)
    ji = jnp.arange(_KC, dtype=jnp.int32)[None, :]
    cov = jnp.minimum(p[:, None] + ji * s4[:, None], (q - s4)[:, None])
    comb = jnp.where(hast[:, None], (k4 << 9)[:, None] + cov, _PAD)

    boff = (jnp.arange(B * n, dtype=jnp.int32) // n)[:, None]
    raw = (raw + boff * S).reshape(_NW, _SPW, _KR)
    comb = (comb + boff * _RC).reshape(_NW, _SPW, _KC)
    idx_raw = jnp.pad(raw, ((0, 0), (0, _SLOTS - _SPW), (0, 0))
                      ).reshape(_NW, _G, _GS * _KR)
    idx_cmb = jnp.pad(comb, ((0, 0), (0, _SLOTS - _SPW), (0, 0)),
                      constant_values=_PAD).reshape(_NW, _G, _GS * _KC)
    return idx_raw, idx_cmb


@jax.jit
def kernel(context, spans):
    B, S, D = context.shape
    n = spans.shape[1]
    idx_raw, idx_cmb = _make_indices(spans, B, S, n)

    comb_rows = pl.pallas_call(
        _build_body,
        grid=(B,),
        in_specs=[pl.BlockSpec((1, S, D), lambda i: (i, 0, 0))],
        out_specs=pl.BlockSpec((1, _RC, D), lambda i: (i, 0, 0)),
        out_shape=jax.ShapeDtypeStruct((B, _RC, D), jnp.float32),
    )(context)

    mesh = plsc.VectorSubcoreMesh(core_axis_name="c", subcore_axis_name="s")
    out_pad = pl.kernel(
        _sc_query,
        mesh=mesh,
        out_type=jax.ShapeDtypeStruct((_NW * 32, D), jnp.float32),
        scratch_types=[
            pltpu.VMEM((_G, _GS * _KR), jnp.int32),
            pltpu.VMEM((_G, _GS * _KC), jnp.int32),
            pltpu.VMEM((_GS * _KR, D), jnp.float32),
            pltpu.VMEM((_GS * _KR, D), jnp.float32),
            pltpu.VMEM((_GS * _KR, D), jnp.float32),
            pltpu.VMEM((_GS * _KC, D), jnp.float32),
            pltpu.VMEM((_GS * _KC, D), jnp.float32),
            pltpu.VMEM((_GS * _KC, D), jnp.float32),
            pltpu.VMEM((32, D), jnp.float32),
            pltpu.SemaphoreType.DMA,
            pltpu.SemaphoreType.DMA,
            pltpu.SemaphoreType.DMA,
            pltpu.SemaphoreType.DMA,
            pltpu.SemaphoreType.DMA,
            pltpu.SemaphoreType.DMA,
        ],
    )(context.reshape(B * S, D), comb_rows.reshape(B * _RC, D),
      idx_raw, idx_cmb)

    return out_pad.reshape(_NW, 32, D)[:, :_SPW, :].reshape(B, n, D)

# --- scband reference (transcript-rebuilt; emitter-appended) ---
"""Pipeline reference for scband-max-pooling-sequence-spans-1872605741238 (READ-ONLY COPY).

The authoritative reference and input builder live on the scoring server;
editing this copy changes nothing except your own understanding.
"""

import jax, jax.numpy as jnp
import numpy as np

B, S, D = 8, 2048, 768
N_SPANS = 100

def setup_inputs(seed: int = 0) -> dict:
    key = jax.random.key(seed)
    k1, k2 = jax.random.split(key)
    context = jax.random.normal(k1, (B, S, D), dtype=jnp.float32)
    raw = jax.random.randint(k2, (B, N_SPANS, 2), 0, S, dtype=jnp.int32)
    spans = jnp.sort(raw, axis=-1)  # ensure begin <= end
    return {"context": context, "spans": spans}

def reference(context, spans):
    # Faithful to MaxPoolingSequenceSpans.forward with dim=1, concat_CLS=False:
    # res[b, i] = context[b, begin, :] if begin == end
    #            else max over t in [begin, end) of context[b, t, :]
    # output_shape == number of spans per example (100), so every row is filled.
    Bc, Sc, Dc = context.shape
    n_spans = spans.shape[1]
    t = jnp.arange(Sc)[None, :]  # [1, S]

    def step(i):
        b = spans[:, i, 0][:, None]  # [B, 1]
        e = spans[:, i, 1][:, None]  # [B, 1]
        # begin == end -> single element at begin; else half-open range [begin, end)
        mask = jnp.where(b == e, t == b, (t >= b) & (t < e))  # [B, S]
        masked = jnp.where(mask[:, :, None], context, -jnp.inf)  # [B, S, D]
        return jnp.max(masked, axis=1)  # [B, D]

    res = jax.lax.map(step, jnp.arange(n_spans))  # [n_spans, B, D]
    return jnp.transpose(res, (1, 0, 2))  # [B, n_spans, D]

if __name__ == "__main__":
    import jax
    _d = setup_inputs()
    print(jax.jit(kernel)(*tuple(_d.values())))

</pallas_src>

<mosaic_0001>
#map = affine_map<(d0, d1) -> (0, 0)>
#map1 = affine_map<(d0, d1) -> (0, 0, 0)>
module attributes {stable_mosaic.version = 14 : i64} {
  func.func @_sc_query(%arg0: i32, %arg1: i32, %arg2: memref<16384x768xf32, #tpu.memory_space<hbm>>, %arg3: memref<20544x768xf32, #tpu.memory_space<hbm>>, %arg4: memref<32x7x24xi32, #tpu.memory_space<hbm>>, %arg5: memref<32x7x16xi32, #tpu.memory_space<hbm>>, %arg6: memref<1024x768xf32, #tpu.memory_space<hbm>>, %arg7: memref<7x24xi32, #tpu.memory_space<vmem>>, %arg8: memref<7x16xi32, #tpu.memory_space<vmem>>, %arg9: memref<24x768xf32, #tpu.memory_space<vmem>>, %arg10: memref<24x768xf32, #tpu.memory_space<vmem>>, %arg11: memref<24x768xf32, #tpu.memory_space<vmem>>, %arg12: memref<16x768xf32, #tpu.memory_space<vmem>>, %arg13: memref<16x768xf32, #tpu.memory_space<vmem>>, %arg14: memref<16x768xf32, #tpu.memory_space<vmem>>, %arg15: memref<32x768xf32, #tpu.memory_space<vmem>>, %arg16: memref<!tpu.dma_semaphore, #tpu.memory_space<semaphore_mem>>, %arg17: memref<!tpu.dma_semaphore, #tpu.memory_space<semaphore_mem>>, %arg18: memref<!tpu.dma_semaphore, #tpu.memory_space<semaphore_mem>>, %arg19: memref<!tpu.dma_semaphore, #tpu.memory_space<semaphore_mem>>, %arg20: memref<!tpu.dma_semaphore, #tpu.memory_space<semaphore_mem>>, %arg21: memref<!tpu.dma_semaphore, #tpu.memory_space<semaphore_mem>>) attributes {dimension_semantics = [#tpu.dimension_semantics<core_parallel>, #tpu.dimension_semantics<subcore_parallel>], iteration_bounds = array<i64: 2, 16>, scalar_prefetch = 0 : i64, scratch_operands = 15 : i64, tpu.core_type = #tpu.core_type<sc_vector_subcore>, window_params = [{transform_indices = #map}, {transform_indices = #map}, {transform_indices = #map1}, {transform_indices = #map1}, {transform_indices = #map}]} {
    %mul3A = arith.constant 2 : i32
    %mul3A_0 = arith.muli %arg1, %mul3A : i32
    %add3A = arith.addi %mul3A_0, %arg0 : i32
    "tpu.region"() ({
      %run_scoped3A = tpu.sem_alloc : memref<!tpu.dma_semaphore, #tpu.memory_space<semaphore_mem>>
      %dma_start3A_392 = arith.constant 0 : i32
      %dma_start3A_393 = arith.constant 0 : i32
      %dma_start3A_394 = tpu.memref_slice %arg4[%add3A, %dma_start3A_392, %dma_start3A_393] : memref<32x7x24xi32, #tpu.memory_space<hbm>> -> memref<1x7x24xi32, #tpu.memory_space<hbm>>
      %dma_start3A_395 = tpu.memref_squeeze %dma_start3A_394 : memref<1x7x24xi32, #tpu.memory_space<hbm>> -> memref<7x24xi32, #tpu.memory_space<hbm>>
      %dma_start3A_396 = arith.constant 0 : i32
      %dma_start3A_397 = arith.constant 0 : i32
      %dma_start3A_398 = tpu.memref_slice %arg4[%add3A, %dma_start3A_396, %dma_start3A_397] : memref<32x7x24xi32, #tpu.memory_space<hbm>> -> memref<1x7x24xi32, #tpu.memory_space<hbm>>
      %dma_start3A_399 = tpu.memref_squeeze %dma_start3A_398 : memref<1x7x24xi32, #tpu.memory_space<hbm>> -> memref<7x24xi32, #tpu.memory_space<hbm>>
      tpu.enqueue_dma source(%dma_start3A_399 : memref<7x24xi32, #tpu.memory_space<hbm>>) target(%arg7 : memref<7x24xi32, #tpu.memory_space<vmem>>) target_semaphore(%run_scoped3A : memref<!tpu.dma_semaphore, #tpu.memory_space<semaphore_mem>>)
      %dma_wait3A_400 = arith.constant 0 : i32
      %dma_wait3A_401 = arith.constant 0 : i32
      %dma_wait3A_402 = tpu.memref_slice %arg4[%add3A, %dma_wait3A_400, %dma_wait3A_401] : memref<32x7x24xi32, #tpu.memory_space<hbm>> -> memref<1x7x24xi32, #tpu.memory_space<hbm>>
      %dma_wait3A_403 = tpu.memref_squeeze %dma_wait3A_402 : memref<1x7x24xi32, #tpu.memory_space<hbm>> -> memref<7x24xi32, #tpu.memory_space<hbm>>
      %dma_wait3A_404 = arith.constant 0 : i32
      %dma_wait3A_405 = arith.constant 0 : i32
      %dma_wait3A_406 = tpu.memref_slice %arg4[%add3A, %dma_wait3A_404, %dma_wait3A_405] : memref<32x7x24xi32, #tpu.memory_space<hbm>> -> memref<1x7x24xi32, #tpu.memory_space<hbm>>
      %dma_wait3A_407 = tpu.memref_squeeze %dma_wait3A_406 : memref<1x7x24xi32, #tpu.memory_space<hbm>> -> memref<7x24xi32, #tpu.memory_space<hbm>>
      tpu.wait_dma2 semaphore(%run_scoped3A : memref<!tpu.dma_semaphore, #tpu.memory_space<semaphore_mem>>) src(%dma_wait3A_407 : memref<7x24xi32, #tpu.memory_space<hbm>>) dst(%arg7 : memref<7x24xi32, #tpu.memory_space<vmem>>)
      tpu.yield
    }) : () -> ()
    "tpu.region"() ({
      %run_scoped3A = tpu.sem_alloc : memref<!tpu.dma_semaphore, #tpu.memory_space<semaphore_mem>>
      %dma_start3A_392 = arith.constant 0 : i32
      %dma_start3A_393 = arith.constant 0 : i32
      %dma_start3A_394 = tpu.memref_slice %arg5[%add3A, %dma_start3A_392, %dma_start3A_393] : memref<32x7x16xi32, #tpu.memory_space<hbm>> -> memref<1x7x16xi32, #tpu.memory_space<hbm>>
      %dma_start3A_395 = tpu.memref_squeeze %dma_start3A_394 : memref<1x7x16xi32, #tpu.memory_space<hbm>> -> memref<7x16xi32, #tpu.memory_space<hbm>>
      %dma_start3A_396 = arith.constant 0 : i32
      %dma_start3A_397 = arith.constant 0 : i32
      %dma_start3A_398 = tpu.memref_slice %arg5[%add3A, %dma_start3A_396, %dma_start3A_397] : memref<32x7x16xi32, #tpu.memory_space<hbm>> -> memref<1x7x16xi32, #tpu.memory_space<hbm>>
      %dma_start3A_399 = tpu.memref_squeeze %dma_start3A_398 : memref<1x7x16xi32, #tpu.memory_space<hbm>> -> memref<7x16xi32, #tpu.memory_space<hbm>>
      tpu.enqueue_dma source(%dma_start3A_399 : memref<7x16xi32, #tpu.memory_space<hbm>>) target(%arg8 : memref<7x16xi32, #tpu.memory_space<vmem>>) target_semaphore(%run_scoped3A : memref<!tpu.dma_semaphore, #tpu.memory_space<semaphore_mem>>)
      %dma_wait3A_400 = arith.constant 0 : i32
      %dma_wait3A_401 = arith.constant 0 : i32
      %dma_wait3A_402 = tpu.memref_slice %arg5[%add3A, %dma_wait3A_400, %dma_wait3A_401] : memref<32x7x16xi32, #tpu.memory_space<hbm>> -> memref<1x7x16xi32, #tpu.memory_space<hbm>>
      %dma_wait3A_403 = tpu.memref_squeeze %dma_wait3A_402 : memref<1x7x16xi32, #tpu.memory_space<hbm>> -> memref<7x16xi32, #tpu.memory_space<hbm>>
      %dma_wait3A_404 = arith.constant 0 : i32
      %dma_wait3A_405 = arith.constant 0 : i32
      %dma_wait3A_406 = tpu.memref_slice %arg5[%add3A, %dma_wait3A_404, %dma_wait3A_405] : memref<32x7x16xi32, #tpu.memory_space<hbm>> -> memref<1x7x16xi32, #tpu.memory_space<hbm>>
      %dma_wait3A_407 = tpu.memref_squeeze %dma_wait3A_406 : memref<1x7x16xi32, #tpu.memory_space<hbm>> -> memref<7x16xi32, #tpu.memory_space<hbm>>
      tpu.wait_dma2 semaphore(%run_scoped3A : memref<!tpu.dma_semaphore, #tpu.memory_space<semaphore_mem>>) src(%dma_wait3A_407 : memref<7x16xi32, #tpu.memory_space<hbm>>) dst(%arg8 : memref<7x16xi32, #tpu.memory_space<vmem>>)
      tpu.yield
    }) : () -> ()
    %dma_start3A = arith.constant 0 : i32
    %dma_start3A_1 = arith.constant 0 : i32
    %dma_start3A_2 = tpu.memref_slice %arg7[%dma_start3A, %dma_start3A_1] : memref<7x24xi32, #tpu.memory_space<vmem>> -> memref<1x24xi32, #tpu.memory_space<vmem>>
    %dma_start3A_3 = tpu.memref_squeeze %dma_start3A_2 : memref<1x24xi32, #tpu.memory_space<vmem>> -> memref<24xi32, #tpu.memory_space<vmem>>
    %dma_start3A_4 = arith.constant 0 : i32
    %dma_start3A_5 = arith.constant 0 : i32
    %dma_start3A_6 = tpu.memref_slice %arg2[%dma_start3A_4, %dma_start3A_5] : memref<16384x768xf32, #tpu.memory_space<hbm>> -> memref<16384x768xf32, #tpu.memory_space<hbm>>
    tpu.enqueue_indirect_dma source(%dma_start3A_6 : memref<16384x768xf32, #tpu.memory_space<hbm>>) target(%arg9 : memref<24x768xf32, #tpu.memory_space<vmem>>) offsets(%dma_start3A_3 : memref<24xi32, #tpu.memory_space<vmem>>) semaphore(%arg16 : memref<!tpu.dma_semaphore, #tpu.memory_space<semaphore_mem>>)
    %dma_start3A_7 = arith.constant 0 : i32
    %dma_start3A_8 = arith.constant 0 : i32
    %dma_start3A_9 = tpu.memref_slice %arg8[%dma_start3A_7, %dma_start3A_8] : memref<7x16xi32, #tpu.memory_space<vmem>> -> memref<1x16xi32, #tpu.memory_space<vmem>>
    %dma_start3A_10 = tpu.memref_squeeze %dma_start3A_9 : memref<1x16xi32, #tpu.memory_space<vmem>> -> memref<16xi32, #tpu.memory_space<vmem>>
    %dma_start3A_11 = arith.constant 0 : i32
    %dma_start3A_12 = arith.constant 0 : i32
    %dma_start3A_13 = tpu.memref_slice %arg3[%dma_start3A_11, %dma_start3A_12] : memref<20544x768xf32, #tpu.memory_space<hbm>> -> memref<20544x768xf32, #tpu.memory_space<hbm>>
    tpu.enqueue_indirect_dma source(%dma_start3A_13 : memref<20544x768xf32, #tpu.memory_space<hbm>>) target(%arg12 : memref<16x768xf32, #tpu.memory_space<vmem>>) offsets(%dma_start3A_10 : memref<16xi32, #tpu.memory_space<vmem>>) semaphore(%arg19 : memref<!tpu.dma_semaphore, #tpu.memory_space<semaphore_mem>>)
    %dma_start3A_14 = arith.constant 1 : i32
    %dma_start3A_15 = arith.constant 0 : i32
    %dma_start3A_16 = tpu.memref_slice %arg7[%dma_start3A_14, %dma_start3A_15] : memref<7x24xi32, #tpu.memory_space<vmem>> -> memref<1x24xi32, #tpu.memory_space<vmem>>
    %dma_start3A_17 = tpu.memref_squeeze %dma_start3A_16 : memref<1x24xi32, #tpu.memory_space<vmem>> -> memref<24xi32, #tpu.memory_space<vmem>>
    %dma_start3A_18 = arith.constant 0 : i32
    %dma_start3A_19 = arith.constant 0 : i32
    %dma_start3A_20 = tpu.memref_slice %arg2[%dma_start3A_18, %dma_start3A_19] : memref<16384x768xf32, #tpu.memory_space<hbm>> -> memref<16384x768xf32, #tpu.memory_space<hbm>>
    tpu.enqueue_indirect_dma source(%dma_start3A_20 : memref<16384x768xf32, #tpu.memory_space<hbm>>) target(%arg10 : memref<24x768xf32, #tpu.memory_space<vmem>>) offsets(%dma_start3A_17 : memref<24xi32, #tpu.memory_space<vmem>>) semaphore(%arg17 : memref<!tpu.dma_semaphore, #tpu.memory_space<semaphore_mem>>)
    %dma_start3A_21 = arith.constant 1 : i32
    %dma_start3A_22 = arith.constant 0 : i32
    %dma_start3A_23 = tpu.memref_slice %arg8[%dma_start3A_21, %dma_start3A_22] : memref<7x16xi32, #tpu.memory_space<vmem>> -> memref<1x16xi32, #tpu.memory_space<vmem>>
    %dma_start3A_24 = tpu.memref_squeeze %dma_start3A_23 : memref<1x16xi32, #tpu.memory_space<vmem>> -> memref<16xi32, #tpu.memory_space<vmem>>
    %dma_start3A_25 = arith.constant 0 : i32
    %dma_start3A_26 = arith.constant 0 : i32
    %dma_start3A_27 = tpu.memref_slice %arg3[%dma_start3A_25, %dma_start3A_26] : memref<20544x768xf32, #tpu.memory_space<hbm>> -> memref<20544x768xf32, #tpu.memory_space<hbm>>
    tpu.enqueue_indirect_dma source(%dma_start3A_27 : memref<20544x768xf32, #tpu.memory_space<hbm>>) target(%arg13 : memref<16x768xf32, #tpu.memory_space<vmem>>) offsets(%dma_start3A_24 : memref<16xi32, #tpu.memory_space<vmem>>) semaphore(%arg20 : memref<!tpu.dma_semaphore, #tpu.memory_space<semaphore_mem>>)
    %dma_start3A_28 = arith.constant 2 : i32
    %dma_start3A_29 = arith.constant 0 : i32
    %dma_start3A_30 = tpu.memref_slice %arg7[%dma_start3A_28, %dma_start3A_29] : memref<7x24xi32, #tpu.memory_space<vmem>> -> memref<1x24xi32, #tpu.memory_space<vmem>>
    %dma_start3A_31 = tpu.memref_squeeze %dma_start3A_30 : memref<1x24xi32, #tpu.memory_space<vmem>> -> memref<24xi32, #tpu.memory_space<vmem>>
    %dma_start3A_32 = arith.constant 0 : i32
    %dma_start3A_33 = arith.constant 0 : i32
    %dma_start3A_34 = tpu.memref_slice %arg2[%dma_start3A_32, %dma_start3A_33] : memref<16384x768xf32, #tpu.memory_space<hbm>> -> memref<16384x768xf32, #tpu.memory_space<hbm>>
    tpu.enqueue_indirect_dma source(%dma_start3A_34 : memref<16384x768xf32, #tpu.memory_space<hbm>>) target(%arg11 : memref<24x768xf32, #tpu.memory_space<vmem>>) offsets(%dma_start3A_31 : memref<24xi32, #tpu.memory_space<vmem>>) semaphore(%arg18 : memref<!tpu.dma_semaphore, #tpu.memory_space<semaphore_mem>>)
    %dma_start3A_35 = arith.constant 2 : i32
    %dma_start3A_36 = arith.constant 0 : i32
    %dma_start3A_37 = tpu.memref_slice %arg8[%dma_start3A_35, %dma_start3A_36] : memref<7x16xi32, #tpu.memory_space<vmem>> -> memref<1x16xi32, #tpu.memory_space<vmem>>
    %dma_start3A_38 = tpu.memref_squeeze %dma_start3A_37 : memref<1x16xi32, #tpu.memory_space<vmem>> -> memref<16xi32, #tpu.memory_space<vmem>>
    %dma_start3A_39 = arith.constant 0 : i32
    %dma_start3A_40 = arith.constant 0 : i32
    %dma_start3A_41 = tpu.memref_slice %arg3[%dma_start3A_39, %dma_start3A_40] : memref<20544x768xf32, #tpu.memory_space<hbm>> -> memref<20544x768xf32, #tpu.memory_space<hbm>>
    tpu.enqueue_indirect_dma source(%dma_start3A_41 : memref<20544x768xf32, #tpu.memory_space<hbm>>) target(%arg14 : memref<16x768xf32, #tpu.memory_space<vmem>>) offsets(%dma_start3A_38 : memref<16xi32, #tpu.memory_space<vmem>>) semaphore(%arg21 : memref<!tpu.dma_semaphore, #tpu.memory_space<semaphore_mem>>)
    %dma_wait3A = arith.constant 0 : i32
    %dma_wait3A_42 = arith.constant 0 : i32
    %dma_wait3A_43 = tpu.memref_slice %arg7[%dma_wait3A, %dma_wait3A_42] : memref<7x24xi32, #tpu.memory_space<vmem>> -> memref<1x24xi32, #tpu.memory_space<vmem>>
    %dma_wait3A_44 = tpu.memref_squeeze %dma_wait3A_43 : memref<1x24xi32, #tpu.memory_space<vmem>> -> memref<24xi32, #tpu.memory_space<vmem>>
    %dma_wait3A_45 = arith.constant 0 : i32
    %dma_wait3A_46 = arith.constant 0 : i32
    %dma_wait3A_47 = tpu.memref_slice %arg2[%dma_wait3A_45, %dma_wait3A_46] : memref<16384x768xf32, #tpu.memory_space<hbm>> -> memref<16384x768xf32, #tpu.memory_space<hbm>>
    tpu.wait_indirect_dma semaphore(%arg16 : memref<!tpu.dma_semaphore, #tpu.memory_space<semaphore_mem>>) src(%dma_wait3A_47 : memref<16384x768xf32, #tpu.memory_space<hbm>>) dst(%arg9 : memref<24x768xf32, #tpu.memory_space<vmem>>)
    %dma_wait3A_48 = arith.constant 0 : i32
    %dma_wait3A_49 = arith.constant 0 : i32
    %dma_wait3A_50 = tpu.memref_slice %arg8[%dma_wait3A_48, %dma_wait3A_49] : memref<7x16xi32, #tpu.memory_space<vmem>> -> memref<1x16xi32, #tpu.memory_space<vmem>>
    %dma_wait3A_51 = tpu.memref_squeeze %dma_wait3A_50 : memref<1x16xi32, #tpu.memory_space<vmem>> -> memref<16xi32, #tpu.memory_space<vmem>>
    %dma_wait3A_52 = arith.constant 0 : i32
    %dma_wait3A_53 = arith.constant 0 : i32
    %dma_wait3A_54 = tpu.memref_slice %arg3[%dma_wait3A_52, %dma_wait3A_53] : memref<20544x768xf32, #tpu.memory_space<hbm>> -> memref<20544x768xf32, #tpu.memory_space<hbm>>
    tpu.wait_indirect_dma semaphore(%arg19 : memref<!tpu.dma_semaphore, #tpu.memory_space<semaphore_mem>>) src(%dma_wait3A_54 : memref<20544x768xf32, #tpu.memory_space<hbm>>) dst(%arg12 : memref<16x768xf32, #tpu.memory_space<vmem>>)
    %scan3A = arith.constant 0 : i32
    %scan3A_55 = arith.constant 0 : i32
    %scan3A_56 = arith.constant 48 : i32
    %scan3A_57 = arith.addi %scan3A_55, %scan3A_56 : i32
    %scan3A_58 = arith.constant 1 : i32
    %scan3A_59 = scf.for %scan3A_392 = %scan3A_55 to %scan3A_57 step %scan3A_58 iter_args(%scan3A_393 = %scan3A) -> (i32)  : i32 {
      %mul3A_394 = arith.constant 16 : i32
      %mul3A_395 = arith.muli %scan3A_392, %mul3A_394 : i32
      %get3A = arith.constant 0 : i32
      %get3A_396 = arith.index_cast %get3A : i32 to index
      %get3A_397 = arith.index_cast %mul3A_395 : i32 to index
      %get3A_398 = tpu.vector_load %arg9[%get3A_396, %get3A_397] {strides = array<i32>} : memref<24x768xf32, #tpu.memory_space<vmem>>, vector<1x16xf32>,
      %get3A_399 = vector.shape_cast %get3A_398 : vector<1x16xf32> to vector<16xf32>
      %get3A_400 = arith.constant 1 : i32
      %get3A_401 = arith.index_cast %get3A_400 : i32 to index
      %get3A_402 = arith.index_cast %mul3A_395 : i32 to index
      %get3A_403 = tpu.vector_load %arg9[%get3A_401, %get3A_402] {strides = array<i32>} : memref<24x768xf32, #tpu.memory_space<vmem>>, vector<1x16xf32>,
      %get3A_404 = vector.shape_cast %get3A_403 : vector<1x16xf32> to vector<16xf32>
      %max3A = arith.maximumf %get3A_399, %get3A_404 : vector<16xf32>
      %get3A_405 = arith.constant 2 : i32
      %get3A_406 = arith.index_cast %get3A_405 : i32 to index
      %get3A_407 = arith.index_cast %mul3A_395 : i32 to index
      %get3A_408 = tpu.vector_load %arg9[%get3A_406, %get3A_407] {strides = array<i32>} : memref<24x768xf32, #tpu.memory_space<vmem>>, vector<1x16xf32>,
      %get3A_409 = vector.shape_cast %get3A_408 : vector<1x16xf32> to vector<16xf32>
      %max3A_410 = arith.maximumf %max3A, %get3A_409 : vector<16xf32>
      %get3A_411 = arith.constant 3 : i32
      %get3A_412 = arith.index_cast %get3A_411 : i32 to index
      %get3A_413 = arith.index_cast %mul3A_395 : i32 to index
      %get3A_414 = tpu.vector_load %arg9[%get3A_412, %get3A_413] {strides = array<i32>} : memref<24x768xf32, #tpu.memory_space<vmem>>, vector<1x16xf32>,
      %get3A_415 = vector.shape_cast %get3A_414 : vector<1x16xf32> to vector<16xf32>
      %max3A_416 = arith.maximumf %max3A_410, %get3A_415 : vector<16xf32>
      %get3A_417 = arith.constant 4 : i32
      %get3A_418 = arith.index_cast %get3A_417 : i32 to index
      %get3A_419 = arith.index_cast %mul3A_395 : i32 to index
      %get3A_420 = tpu.vector_load %arg9[%get3A_418, %get3A_419] {strides = array<i32>} : memref<24x768xf32, #tpu.memory_space<vmem>>, vector<1x16xf32>,
      %get3A_421 = vector.shape_cast %get3A_420 : vector<1x16xf32> to vector<16xf32>
      %max3A_422 = arith.maximumf %max3A_416, %get3A_421 : vector<16xf32>
      %get3A_423 = arith.constant 5 : i32
      %get3A_424 = arith.index_cast %get3A_423 : i32 to index
      %get3A_425 = arith.index_cast %mul3A_395 : i32 to index
      %get3A_426 = tpu.vector_load %arg9[%get3A_424, %get3A_425] {strides = array<i32>} : memref<24x768xf32, #tpu.memory_space<vmem>>, vector<1x16xf32>,
      %get3A_427 = vector.shape_cast %get3A_426 : vector<1x16xf32> to vector<16xf32>
      %max3A_428 = arith.maximumf %max3A_422, %get3A_427 : vector<16xf32>
      %get3A_429 = arith.constant 0 : i32
      %get3A_430 = arith.index_cast %get3A_429 : i32 to index
      %get3A_431 = arith.index_cast %mul3A_395 : i32 to index
      %get3A_432 = tpu.vector_load %arg12[%get3A_430, %get3A_431] {strides = array<i32>} : memref<16x768xf32, #tpu.memory_space<vmem>>, vector<1x16xf32>,
      %get3A_433 = vector.shape_cast %get3A_432 : vector<1x16xf32> to vector<16xf32>
      %max3A_434 = arith.maximumf %max3A_428, %get3A_433 : vector<16xf32>
      %get3A_435 = arith.constant 1 : i32
      %get3A_436 = arith.index_cast %get3A_435 : i32 to index
      %get3A_437 = arith.index_cast %mul3A_395 : i32 to index
      %get3A_438 = tpu.vector_load %arg12[%get3A_436, %get3A_437] {strides = array<i32>} : memref<16x768xf32, #tpu.memory_space<vmem>>, vector<1x16xf32>,
      %get3A_439 = vector.shape_cast %get3A_438 : vector<1x16xf32> to vector<16xf32>
      %max3A_440 = arith.maximumf %max3A_434, %get3A_439 : vector<16xf32>
      %get3A_441 = arith.constant 2 : i32
      %get3A_442 = arith.index_cast %get3A_441 : i32 to index
      %get3A_443 = arith.index_cast %mul3A_395 : i32 to index
      %get3A_444 = tpu.vector_load %arg12[%get3A_442, %get3A_443] {strides = array<i32>} : memref<16x768xf32, #tpu.memory_space<vmem>>, vector<1x16xf32>,
      %get3A_445 = vector.shape_cast %get3A_444 : vector<1x16xf32> to vector<16xf32>
      %max3A_446 = arith.maximumf %max3A_440, %get3A_445 : vector<16xf32>
      %get3A_447 = arith.constant 3 : i32
      %get3A_448 = arith.index_cast %get3A_447 : i32 to index
      %get3A_449 = arith.index_cast %mul3A_395 : i32 to index
      %get3A_450 = tpu.vector_load %arg12[%get3A_448, %get3A_449] {strides = array<i32>} : memref<16x768xf32, #tpu.memory_space<vmem>>, vector<1x16xf32>,
      %get3A_451 = vector.shape_cast %get3A_450 : vector<1x16xf32> to vector<16xf32>
      %max3A_452 = arith.maximumf %max3A_446, %get3A_451 : vector<16xf32>
      %swap3A = arith.constant 0 : i32
      %swap3A_453 = arith.index_cast %swap3A : i32 to index
      %swap3A_454 = arith.index_cast %mul3A_395 : i32 to index
      %swap3A_455 = tpu.vector_load %arg15[%swap3A_453, %swap3A_454] {strides = array<i32>} : memref<32x768xf32, #tpu.memory_space<vmem>>, vector<1x16xf32>,
      %swap3A_456 = vector.shape_cast %swap3A_455 : vector<1x16xf32> to vector<16xf32>
      %swap3A_457 = vector.shape_cast %max3A_452 : vector<16xf32> to vector<1x16xf32>
      tpu.vector_store %arg15[%swap3A_453, %swap3A_454], %swap3A_457 {strides = array<i32>} : memref<32x768xf32, #tpu.memory_space<vmem>>, vector<1x16xf32>,
      %scan3A_458 = arith.constant 0 : i32
      scf.yield %scan3A_458 : i32
    }
    %scan3A_60 = arith.constant 48 : i32
    %scan3A_61 = arith.constant 0 : i32
    %scan3A_62 = arith.constant 0 : i32
    %scan3A_63 = arith.constant 48 : i32
    %scan3A_64 = arith.addi %scan3A_62, %scan3A_63 : i32
    %scan3A_65 = arith.constant 1 : i32
    %scan3A_66 = scf.for %scan3A_392 = %scan3A_62 to %scan3A_64 step %scan3A_65 iter_args(%scan3A_393 = %scan3A_61) -> (i32)  : i32 {
      %mul3A_394 = arith.constant 16 : i32
      %mul3A_395 = arith.muli %scan3A_392, %mul3A_394 : i32
      %get3A = arith.constant 6 : i32
      %get3A_396 = arith.index_cast %get3A : i32 to index
      %get3A_397 = arith.index_cast %mul3A_395 : i32 to index
      %get3A_398 = tpu.vector_load %arg9[%get3A_396, %get3A_397] {strides = array<i32>} : memref<24x768xf32, #tpu.memory_space<vmem>>, vector<1x16xf32>,
      %get3A_399 = vector.shape_cast %get3A_398 : vector<1x16xf32> to vector<16xf32>
      %get3A_400 = arith.constant 7 : i32
      %get3A_401 = arith.index_cast %get3A_400 : i32 to index
      %get3A_402 = arith.index_cast %mul3A_395 : i32 to index
      %get3A_403 = tpu.vector_load %arg9[%get3A_401, %get3A_402] {strides = array<i32>} : memref<24x768xf32, #tpu.memory_space<vmem>>, vector<1x16xf32>,
      %get3A_404 = vector.shape_cast %get3A_403 : vector<1x16xf32> to vector<16xf32>
      %max3A = arith.maximumf %get3A_399, %get3A_404 : vector<16xf32>
      %get3A_405 = arith.constant 8 : i32
      %get3A_406 = arith.index_cast %get3A_405 : i32 to index
      %get3A_407 = arith.index_cast %mul3A_395 : i32 to index
      %get3A_408 = tpu.vector_load %arg9[%get3A_406, %get3A_407] {strides = array<i32>} : memref<24x768xf32, #tpu.memory_space<vmem>>, vector<1x16xf32>,
      %get3A_409 = vector.shape_cast %get3A_408 : vector<1x16xf32> to vector<16xf32>
      %max3A_410 = arith.maximumf %max3A, %get3A_409 : vector<16xf32>
      %get3A_411 = arith.constant 9 : i32
      %get3A_412 = arith.index_cast %get3A_411 : i32 to index
      %get3A_413 = arith.index_cast %mul3A_395 : i32 to index
      %get3A_414 = tpu.vector_load %arg9[%get3A_412, %get3A_413] {strides = array<i32>} : memref<24x768xf32, #tpu.memory_space<vmem>>, vector<1x16xf32>,
      %get3A_415 = vector.shape_cast %get3A_414 : vector<1x16xf32> to vector<16xf32>
      %max3A_416 = arith.maximumf %max3A_410, %get3A_415 : vector<16xf32>
      %get3A_417 = arith.constant 10 : i32
      %get3A_418 = arith.index_cast %get3A_417 : i32 to index
      %get3A_419 = arith.index_cast %mul3A_395 : i32 to index
      %get3A_420 = tpu.vector_load %arg9[%get3A_418, %get3A_419] {strides = array<i32>} : memref<24x768xf32, #tpu.memory_space<vmem>>, vector<1x16xf32>,
      %get3A_421 = vector.shape_cast %get3A_420 : vector<1x16xf32> to vector<16xf32>
      %max3A_422 = arith.maximumf %max3A_416, %get3A_421 : vector<16xf32>
      %get3A_423 = arith.constant 11 : i32
      %get3A_424 = arith.index_cast %get3A_423 : i32 to index
      %get3A_425 = arith.index_cast %mul3A_395 : i32 to index
      %get3A_426 = tpu.vector_load %arg9[%get3A_424, %get3A_425] {strides = array<i32>} : memref<24x768xf32, #tpu.memory_space<vmem>>, vector<1x16xf32>,
      %get3A_427 = vector.shape_cast %get3A_426 : vector<1x16xf32> to vector<16xf32>
      %max3A_428 = arith.maximumf %max3A_422, %get3A_427 : vector<16xf32>
      %get3A_429 = arith.constant 4 : i32
      %get3A_430 = arith.index_cast %get3A_429 : i32 to index
      %get3A_431 = arith.index_cast %mul3A_395 : i32 to index
      %get3A_432 = tpu.vector_load %arg12[%get3A_430, %get3A_431] {strides = array<i32>} : memref<16x768xf32, #tpu.memory_space<vmem>>, vector<1x16xf32>,
      %get3A_433 = vector.shape_cast %get3A_432 : vector<1x16xf32> to vector<16xf32>
      %max3A_434 = arith.maximumf %max3A_428, %get3A_433 : vector<16xf32>
      %get3A_435 = arith.constant 5 : i32
      %get3A_436 = arith.index_cast %get3A_435 : i32 to index
      %get3A_437 = arith.index_cast %mul3A_395 : i32 to index
      %get3A_438 = tpu.vector_load %arg12[%get3A_436, %get3A_437] {strides = array<i32>} : memref<16x768xf32, #tpu.memory_space<vmem>>, vector<1x16xf32>,
      %get3A_439 = vector.shape_cast %get3A_438 : vector<1x16xf32> to vector<16xf32>
      %max3A_440 = arith.maximumf %max3A_434, %get3A_439 : vector<16xf32>
      %get3A_441 = arith.constant 6 : i32
      %get3A_442 = arith.index_cast %get3A_441 : i32 to index
      %get3A_443 = arith.index_cast %mul3A_395 : i32 to index
      %get3A_444 = tpu.vector_load %arg12[%get3A_442, %get3A_443] {strides = array<i32>} : memref<16x768xf32, #tpu.memory_space<vmem>>, vector<1x16xf32>,
      %get3A_445 = vector.shape_cast %get3A_444 : vector<1x16xf32> to vector<16xf32>
      %max3A_446 = arith.maximumf %max3A_440, %get3A_445 : vector<16xf32>
      %get3A_447 = arith.constant 7 : i32
      %get3A_448 = arith.index_cast %get3A_447 : i32 to index
      %get3A_449 = arith.index_cast %mul3A_395 : i32 to index
      %get3A_450 = tpu.vector_load %arg12[%get3A_448, %get3A_449] {strides = array<i32>} : memref<16x768xf32, #tpu.memory_space<vmem>>, vector<1x16xf32>,
      %get3A_451 = vector.shape_cast %get3A_450 : vector<1x16xf32> to vector<16xf32>
      %max3A_452 = arith.maximumf %max3A_446, %get3A_451 : vector<16xf32>
      %swap3A = arith.constant 1 : i32
      %swap3A_453 = arith.index_cast %swap3A : i32 to index
      %swap3A_454 = arith.index_cast %mul3A_395 : i32 to index
      %swap3A_455 = tpu.vector_load %arg15[%swap3A_453, %swap3A_454] {strides = array<i32>} : memref<32x768xf32, #tpu.memory_space<vmem>>, vector<1x16xf32>,
      %swap3A_456 = vector.shape_cast %swap3A_455 : vector<1x16xf32> to vector<16xf32>
      %swap3A_457 = vector.shape_cast %max3A_452 : vector<16xf32> to vector<1x16xf32>
      tpu.vector_store %arg15[%swap3A_453, %swap3A_454], %swap3A_457 {strides = array<i32>} : memref<32x768xf32, #tpu.memory_space<vmem>>, vector<1x16xf32>,
      %scan3A_458 = arith.constant 0 : i32
      scf.yield %scan3A_458 : i32
    }
    %scan3A_67 = arith.constant 48 : i32
    %scan3A_68 = arith.constant 0 : i32
    %scan3A_69 = arith.constant 0 : i32
    %scan3A_70 = arith.constant 48 : i32
    %scan3A_71 = arith.addi %scan3A_69, %scan3A_70 : i32
    %scan3A_72 = arith.constant 1 : i32
    %scan3A_73 = scf.for %scan3A_392 = %scan3A_69 to %scan3A_71 step %scan3A_72 iter_args(%scan3A_393 = %scan3A_68) -> (i32)  : i32 {
      %mul3A_394 = arith.constant 16 : i32
      %mul3A_395 = arith.muli %scan3A_392, %mul3A_394 : i32
      %get3A = arith.constant 12 : i32
      %get3A_396 = arith.index_cast %get3A : i32 to index
      %get3A_397 = arith.index_cast %mul3A_395 : i32 to index
      %get3A_398 = tpu.vector_load %arg9[%get3A_396, %get3A_397] {strides = array<i32>} : memref<24x768xf32, #tpu.memory_space<vmem>>, vector<1x16xf32>,
      %get3A_399 = vector.shape_cast %get3A_398 : vector<1x16xf32> to vector<16xf32>
      %get3A_400 = arith.constant 13 : i32
      %get3A_401 = arith.index_cast %get3A_400 : i32 to index
      %get3A_402 = arith.index_cast %mul3A_395 : i32 to index
      %get3A_403 = tpu.vector_load %arg9[%get3A_401, %get3A_402] {strides = array<i32>} : memref<24x768xf32, #tpu.memory_space<vmem>>, vector<1x16xf32>,
      %get3A_404 = vector.shape_cast %get3A_403 : vector<1x16xf32> to vector<16xf32>
      %max3A = arith.maximumf %get3A_399, %get3A_404 : vector<16xf32>
      %get3A_405 = arith.constant 14 : i32
      %get3A_406 = arith.index_cast %get3A_405 : i32 to index
      %get3A_407 = arith.index_cast %mul3A_395 : i32 to index
      %get3A_408 = tpu.vector_load %arg9[%get3A_406, %get3A_407] {strides = array<i32>} : memref<24x768xf32, #tpu.memory_space<vmem>>, vector<1x16xf32>,
      %get3A_409 = vector.shape_cast %get3A_408 : vector<1x16xf32> to vector<16xf32>
      %max3A_410 = arith.maximumf %max3A, %get3A_409 : vector<16xf32>
      %get3A_411 = arith.constant 15 : i32
      %get3A_412 = arith.index_cast %get3A_411 : i32 to index
      %get3A_413 = arith.index_cast %mul3A_395 : i32 to index
      %get3A_414 = tpu.vector_load %arg9[%get3A_412, %get3A_413] {strides = array<i32>} : memref<24x768xf32, #tpu.memory_space<vmem>>, vector<1x16xf32>,
      %get3A_415 = vector.shape_cast %get3A_414 : vector<1x16xf32> to vector<16xf32>
      %max3A_416 = arith.maximumf %max3A_410, %get3A_415 : vector<16xf32>
      %get3A_417 = arith.constant 16 : i32
      %get3A_418 = arith.index_cast %get3A_417 : i32 to index
      %get3A_419 = arith.index_cast %mul3A_395 : i32 to index
      %get3A_420 = tpu.vector_load %arg9[%get3A_418, %get3A_419] {strides = array<i32>} : memref<24x768xf32, #tpu.memory_space<vmem>>, vector<1x16xf32>,
      %get3A_421 = vector.shape_cast %get3A_420 : vector<1x16xf32> to vector<16xf32>
      %max3A_422 = arith.maximumf %max3A_416, %get3A_421 : vector<16xf32>
      %get3A_423 = arith.constant 17 : i32
      %get3A_424 = arith.index_cast %get3A_423 : i32 to index
      %get3A_425 = arith.index_cast %mul3A_395 : i32 to index
      %get3A_426 = tpu.vector_load %arg9[%get3A_424, %get3A_425] {strides = array<i32>} : memref<24x768xf32, #tpu.memory_space<vmem>>, vector<1x16xf32>,
      %get3A_427 = vector.shape_cast %get3A_426 : vector<1x16xf32> to vector<16xf32>
      %max3A_428 = arith.maximumf %max3A_422, %get3A_427 : vector<16xf32>
      %get3A_429 = arith.constant 8 : i32
      %get3A_430 = arith.index_cast %get3A_429 : i32 to index
      %get3A_431 = arith.index_cast %mul3A_395 : i32 to index
      %get3A_432 = tpu.vector_load %arg12[%get3A_430, %get3A_431] {strides = array<i32>} : memref<16x768xf32, #tpu.memory_space<vmem>>, vector<1x16xf32>,
      %get3A_433 = vector.shape_cast %get3A_432 : vector<1x16xf32> to vector<16xf32>
      %max3A_434 = arith.maximumf %max3A_428, %get3A_433 : vector<16xf32>
      %get3A_435 = arith.constant 9 : i32
      %get3A_436 = arith.index_cast %get3A_435 : i32 to index
      %get3A_437 = arith.index_cast %mul3A_395 : i32 to index
      %get3A_438 = tpu.vector_load %arg12[%get3A_436, %get3A_437] {strides = array<i32>} : memref<16x768xf32, #tpu.memory_space<vmem>>, vector<1x16xf32>,
      %get3A_439 = vector.shape_cast %get3A_438 : vector<1x16xf32> to vector<16xf32>
      %max3A_440 = arith.maximumf %max3A_434, %get3A_439 : vector<16xf32>
      %get3A_441 = arith.constant 10 : i32
      %get3A_442 = arith.index_cast %get3A_441 : i32 to index
      %get3A_443 = arith.index_cast %mul3A_395 : i32 to index
      %get3A_444 = tpu.vector_load %arg12[%get3A_442, %get3A_443] {strides = array<i32>} : memref<16x768xf32, #tpu.memory_space<vmem>>, vector<1x16xf32>,
      %get3A_445 = vector.shape_cast %get3A_444 : vector<1x16xf32> to vector<16xf32>
      %max3A_446 = arith.maximumf %max3A_440, %get3A_445 : vector<16xf32>
      %get3A_447 = arith.constant 11 : i32
      %get3A_448 = arith.index_cast %get3A_447 : i32 to index
      %get3A_449 = arith.index_cast %mul3A_395 : i32 to index
      %get3A_450 = tpu.vector_load %arg12[%get3A_448, %get3A_449] {strides = array<i32>} : memref<16x768xf32, #tpu.memory_space<vmem>>, vector<1x16xf32>,
      %get3A_451 = vector.shape_cast %get3A_450 : vector<1x16xf32> to vector<16xf32>
      %max3A_452 = arith.maximumf %max3A_446, %get3A_451 : vector<16xf32>
      %swap3A = arith.constant 2 : i32
      %swap3A_453 = arith.index_cast %swap3A : i32 to index
      %swap3A_454 = arith.index_cast %mul3A_395 : i32 to index
      %swap3A_455 = tpu.vector_load %arg15[%swap3A_453, %swap3A_454] {strides = array<i32>} : memref<32x768xf32, #tpu.memory_space<vmem>>, vector<1x16xf32>,
      %swap3A_456 = vector.shape_cast %swap3A_455 : vector<1x16xf32> to vector<16xf32>
      %swap3A_457 = vector.shape_cast %max3A_452 : vector<16xf32> to vector<1x16xf32>
      tpu.vector_store %arg15[%swap3A_453, %swap3A_454], %swap3A_457 {strides = array<i32>} : memref<32x768xf32, #tpu.memory_space<vmem>>, vector<1x16xf32>,
      %scan3A_458 = arith.constant 0 : i32
      scf.yield %scan3A_458 : i32
    }
    %scan3A_74 = arith.constant 48 : i32
    %scan3A_75 = arith.constant 0 : i32
    %scan3A_76 = arith.constant 0 : i32
    %scan3A_77 = arith.constant 48 : i32
    %scan3A_78 = arith.addi %scan3A_76, %scan3A_77 : i32
    %scan3A_79 = arith.constant 1 : i32
    %scan3A_80 = scf.for %scan3A_392 = %scan3A_76 to %scan3A_78 step %scan3A_79 iter_args(%scan3A_393 = %scan3A_75) -> (i32)  : i32 {
      %mul3A_394 = arith.constant 16 : i32
      %mul3A_395 = arith.muli %scan3A_392, %mul3A_394 : i32
      %get3A = arith.constant 18 : i32
      %get3A_396 = arith.index_cast %get3A : i32 to index
      %get3A_397 = arith.index_cast %mul3A_395 : i32 to index
      %get3A_398 = tpu.vector_load %arg9[%get3A_396, %get3A_397] {strides = array<i32>} : memref<24x768xf32, #tpu.memory_space<vmem>>, vector<1x16xf32>,
      %get3A_399 = vector.shape_cast %get3A_398 : vector<1x16xf32> to vector<16xf32>
      %get3A_400 = arith.constant 19 : i32
      %get3A_401 = arith.index_cast %get3A_400 : i32 to index
      %get3A_402 = arith.index_cast %mul3A_395 : i32 to index
      %get3A_403 = tpu.vector_load %arg9[%get3A_401, %get3A_402] {strides = array<i32>} : memref<24x768xf32, #tpu.memory_space<vmem>>, vector<1x16xf32>,
      %get3A_404 = vector.shape_cast %get3A_403 : vector<1x16xf32> to vector<16xf32>
      %max3A = arith.maximumf %get3A_399, %get3A_404 : vector<16xf32>
      %get3A_405 = arith.constant 20 : i32
      %get3A_406 = arith.index_cast %get3A_405 : i32 to index
      %get3A_407 = arith.index_cast %mul3A_395 : i32 to index
      %get3A_408 = tpu.vector_load %arg9[%get3A_406, %get3A_407] {strides = array<i32>} : memref<24x768xf32, #tpu.memory_space<vmem>>, vector<1x16xf32>,
      %get3A_409 = vector.shape_cast %get3A_408 : vector<1x16xf32> to vector<16xf32>
      %max3A_410 = arith.maximumf %max3A, %get3A_409 : vector<16xf32>
      %get3A_411 = arith.constant 21 : i32
      %get3A_412 = arith.index_cast %get3A_411 : i32 to index
      %get3A_413 = arith.index_cast %mul3A_395 : i32 to index
      %get3A_414 = tpu.vector_load %arg9[%get3A_412, %get3A_413] {strides = array<i32>} : memref<24x768xf32, #tpu.memory_space<vmem>>, vector<1x16xf32>,
      %get3A_415 = vector.shape_cast %get3A_414 : vector<1x16xf32> to vector<16xf32>
      %max3A_416 = arith.maximumf %max3A_410, %get3A_415 : vector<16xf32>
      %get3A_417 = arith.constant 22 : i32
      %get3A_418 = arith.index_cast %get3A_417 : i32 to index
      %get3A_419 = arith.index_cast %mul3A_395 : i32 to index
      %get3A_420 = tpu.vector_load %arg9[%get3A_418, %get3A_419] {strides = array<i32>} : memref<24x768xf32, #tpu.memory_space<vmem>>, vector<1x16xf32>,
      %get3A_421 = vector.shape_cast %get3A_420 : vector<1x16xf32> to vector<16xf32>
      %max3A_422 = arith.maximumf %max3A_416, %get3A_421 : vector<16xf32>
      %get3A_423 = arith.constant 23 : i32
      %get3A_424 = arith.index_cast %get3A_423 : i32 to index
      %get3A_425 = arith.index_cast %mul3A_395 : i32 to index
      %get3A_426 = tpu.vector_load %arg9[%get3A_424, %get3A_425] {strides = array<i32>} : memref<24x768xf32, #tpu.memory_space<vmem>>, vector<1x16xf32>,
      %get3A_427 = vector.shape_cast %get3A_426 : vector<1x16xf32> to vector<16xf32>
      %max3A_428 = arith.maximumf %max3A_422, %get3A_427 : vector<16xf32>
      %get3A_429 = arith.constant 12 : i32
      %get3A_430 = arith.index_cast %get3A_429 : i32 to index
      %get3A_431 = arith.index_cast %mul3A_395 : i32 to index
      %get3A_432 = tpu.vector_load %arg12[%get3A_430, %get3A_431] {strides = array<i32>} : memref<16x768xf32, #tpu.memory_space<vmem>>, vector<1x16xf32>,
      %get3A_433 = vector.shape_cast %get3A_432 : vector<1x16xf32> to vector<16xf32>
      %max3A_434 = arith.maximumf %max3A_428, %get3A_433 : vector<16xf32>
      %get3A_435 = arith.constant 13 : i32
      %get3A_436 = arith.index_cast %get3A_435 : i32 to index
      %get3A_437 = arith.index_cast %mul3A_395 : i32 to index
      %get3A_438 = tpu.vector_load %arg12[%get3A_436, %get3A_437] {strides = array<i32>} : memref<16x768xf32, #tpu.memory_space<vmem>>, vector<1x16xf32>,
      %get3A_439 = vector.shape_cast %get3A_438 : vector<1x16xf32> to vector<16xf32>
      %max3A_440 = arith.maximumf %max3A_434, %get3A_439 : vector<16xf32>
      %get3A_441 = arith.constant 14 : i32
      %get3A_442 = arith.index_cast %get3A_441 : i32 to index
      %get3A_443 = arith.index_cast %mul3A_395 : i32 to index
      %get3A_444 = tpu.vector_load %arg12[%get3A_442, %get3A_443] {strides = array<i32>} : memref<16x768xf32, #tpu.memory_space<vmem>>, vector<1x16xf32>,
      %get3A_445 = vector.shape_cast %get3A_444 : vector<1x16xf32> to vector<16xf32>
      %max3A_446 = arith.maximumf %max3A_440, %get3A_445 : vector<16xf32>
      %get3A_447 = arith.constant 15 : i32
      %get3A_448 = arith.index_cast %get3A_447 : i32 to index
      %get3A_449 = arith.index_cast %mul3A_395 : i32 to index
      %get3A_450 = tpu.vector_load %arg12[%get3A_448, %get3A_449] {strides = array<i32>} : memref<16x768xf32, #tpu.memory_space<vmem>>, vector<1x16xf32>,
      %get3A_451 = vector.shape_cast %get3A_450 : vector<1x16xf32> to vector<16xf32>
      %max3A_452 = arith.maximumf %max3A_446, %get3A_451 : vector<16xf32>
      %swap3A = arith.constant 3 : i32
      %swap3A_453 = arith.index_cast %swap3A : i32 to index
      %swap3A_454 = arith.index_cast %mul3A_395 : i32 to index
      %swap3A_455 = tpu.vector_load %arg15[%swap3A_453, %swap3A_454] {strides = array<i32>} : memref<32x768xf32, #tpu.memory_space<vmem>>, vector<1x16xf32>,
      %swap3A_456 = vector.shape_cast %swap3A_455 : vector<1x16xf32> to vector<16xf32>
      %swap3A_457 = vector.shape_cast %max3A_452 : vector<16xf32> to vector<1x16xf32>
      tpu.vector_store %arg15[%swap3A_453, %swap3A_454], %swap3A_457 {strides = array<i32>} : memref<32x768xf32, #tpu.memory_space<vmem>>, vector<1x16xf32>,
      %scan3A_458 = arith.constant 0 : i32
      scf.yield %scan3A_458 : i32
    }
    %scan3A_81 = arith.constant 48 : i32
    %dma_start3A_82 = arith.constant 3 : i32
    %dma_start3A_83 = arith.constant 0 : i32
    %dma_start3A_84 = tpu.memref_slice %arg7[%dma_start3A_82, %dma_start3A_83] : memref<7x24xi32, #tpu.memory_space<vmem>> -> memref<1x24xi32, #tpu.memory_space<vmem>>
    %dma_start3A_85 = tpu.memref_squeeze %dma_start3A_84 : memref<1x24xi32, #tpu.memory_space<vmem>> -> memref<24xi32, #tpu.memory_space<vmem>>
    %dma_start3A_86 = arith.constant 0 : i32
    %dma_start3A_87 = arith.constant 0 : i32
    %dma_start3A_88 = tpu.memref_slice %arg2[%dma_start3A_86, %dma_start3A_87] : memref<16384x768xf32, #tpu.memory_space<hbm>> -> memref<16384x768xf32, #tpu.memory_space<hbm>>
    tpu.enqueue_indirect_dma source(%dma_start3A_88 : memref<16384x768xf32, #tpu.memory_space<hbm>>) target(%arg9 : memref<24x768xf32, #tpu.memory_space<vmem>>) offsets(%dma_start3A_85 : memref<24xi32, #tpu.memory_space<vmem>>) semaphore(%arg16 : memref<!tpu.dma_semaphore, #tpu.memory_space<semaphore_mem>>)
    %dma_start3A_89 = arith.constant 3 : i32
    %dma_start3A_90 = arith.constant 0 : i32
    %dma_start3A_91 = tpu.memref_slice %arg8[%dma_start3A_89, %dma_start3A_90] : memref<7x16xi32, #tpu.memory_space<vmem>> -> memref<1x16xi32, #tpu.memory_space<vmem>>
    %dma_start3A_92 = tpu.memref_squeeze %dma_start3A_91 : memref<1x16xi32, #tpu.memory_space<vmem>> -> memref<16xi32, #tpu.memory_space<vmem>>
    %dma_start3A_93 = arith.constant 0 : i32
    %dma_start3A_94 = arith.constant 0 : i32
    %dma_start3A_95 = tpu.memref_slice %arg3[%dma_start3A_93, %dma_start3A_94] : memref<20544x768xf32, #tpu.memory_space<hbm>> -> memref<20544x768xf32, #tpu.memory_space<hbm>>
    tpu.enqueue_indirect_dma source(%dma_start3A_95 : memref<20544x768xf32, #tpu.memory_space<hbm>>) target(%arg12 : memref<16x768xf32, #tpu.memory_space<vmem>>) offsets(%dma_start3A_92 : memref<16xi32, #tpu.memory_space<vmem>>) semaphore(%arg19 : memref<!tpu.dma_semaphore, #tpu.memory_space<semaphore_mem>>)
    %dma_wait3A_96 = arith.constant 1 : i32
    %dma_wait3A_97 = arith.constant 0 : i32
    %dma_wait3A_98 = tpu.memref_slice %arg7[%dma_wait3A_96, %dma_wait3A_97] : memref<7x24xi32, #tpu.memory_space<vmem>> -> memref<1x24xi32, #tpu.memory_space<vmem>>
    %dma_wait3A_99 = tpu.memref_squeeze %dma_wait3A_98 : memref<1x24xi32, #tpu.memory_space<vmem>> -> memref<24xi32, #tpu.memory_space<vmem>>
    %dma_wait3A_100 = arith.constant 0 : i32
    %dma_wait3A_101 = arith.constant 0 : i32
    %dma_wait3A_102 = tpu.memref_slice %arg2[%dma_wait3A_100, %dma_wait3A_101] : memref<16384x768xf32, #tpu.memory_space<hbm>> -> memref<16384x768xf32, #tpu.memory_space<hbm>>
    tpu.wait_indirect_dma semaphore(%arg17 : memref<!tpu.dma_semaphore, #tpu.memory_space<semaphore_mem>>) src(%dma_wait3A_102 : memref<16384x768xf32, #tpu.memory_space<hbm>>) dst(%arg10 : memref<24x768xf32, #tpu.memory_space<vmem>>)
    %dma_wait3A_103 = arith.constant 1 : i32
    %dma_wait3A_104 = arith.constant 0 : i32
    %dma_wait3A_105 = tpu.memref_slice %arg8[%dma_wait3A_103, %dma_wait3A_104] : memref<7x16xi32, #tpu.memory_space<vmem>> -> memref<1x16xi32, #tpu.memory_space<vmem>>
    %dma_wait3A_106 = tpu.memref_squeeze %dma_wait3A_105 : memref<1x16xi32, #tpu.memory_space<vmem>> -> memref<16xi32, #tpu.memory_space<vmem>>
    %dma_wait3A_107 = arith.constant 0 : i32
    %dma_wait3A_108 = arith.constant 0 : i32
    %dma_wait3A_109 = tpu.memref_slice %arg3[%dma_wait3A_107, %dma_wait3A_108] : memref<20544x768xf32, #tpu.memory_space<hbm>> -> memref<20544x768xf32, #tpu.memory_space<hbm>>
    tpu.wait_indirect_dma semaphore(%arg20 : memref<!tpu.dma_semaphore, #tpu.memory_space<semaphore_mem>>) src(%dma_wait3A_109 : memref<20544x768xf32, #tpu.memory_space<hbm>>) dst(%arg13 : memref<16x768xf32, #tpu.memory_space<vmem>>)
    %scan3A_110 = arith.constant 0 : i32
    %scan3A_111 = arith.constant 0 : i32
    %scan3A_112 = arith.constant 48 : i32
    %scan3A_113 = arith.addi %scan3A_111, %scan3A_112 : i32
    %scan3A_114 = arith.constant 1 : i32
    %scan3A_115 = scf.for %scan3A_392 = %scan3A_111 to %scan3A_113 step %scan3A_114 iter_args(%scan3A_393 = %scan3A_110) -> (i32)  : i32 {
      %mul3A_394 = arith.constant 16 : i32
      %mul3A_395 = arith.muli %scan3A_392, %mul3A_394 : i32
      %get3A = arith.constant 0 : i32
      %get3A_396 = arith.index_cast %get3A : i32 to index
      %get3A_397 = arith.index_cast %mul3A_395 : i32 to index
      %get3A_398 = tpu.vector_load %arg10[%get3A_396, %get3A_397] {strides = array<i32>} : memref<24x768xf32, #tpu.memory_space<vmem>>, vector<1x16xf32>,
      %get3A_399 = vector.shape_cast %get3A_398 : vector<1x16xf32> to vector<16xf32>
      %get3A_400 = arith.constant 1 : i32
      %get3A_401 = arith.index_cast %get3A_400 : i32 to index
      %get3A_402 = arith.index_cast %mul3A_395 : i32 to index
      %get3A_403 = tpu.vector_load %arg10[%get3A_401, %get3A_402] {strides = array<i32>} : memref<24x768xf32, #tpu.memory_space<vmem>>, vector<1x16xf32>,
      %get3A_404 = vector.shape_cast %get3A_403 : vector<1x16xf32> to vector<16xf32>
      %max3A = arith.maximumf %get3A_399, %get3A_404 : vector<16xf32>
      %get3A_405 = arith.constant 2 : i32
      %get3A_406 = arith.index_cast %get3A_405 : i32 to index
      %get3A_407 = arith.index_cast %mul3A_395 : i32 to index
      %get3A_408 = tpu.vector_load %arg10[%get3A_406, %get3A_407] {strides = array<i32>} : memref<24x768xf32, #tpu.memory_space<vmem>>, vector<1x16xf32>,
      %get3A_409 = vector.shape_cast %get3A_408 : vector<1x16xf32> to vector<16xf32>
      %max3A_410 = arith.maximumf %max3A, %get3A_409 : vector<16xf32>
      %get3A_411 = arith.constant 3 : i32
      %get3A_412 = arith.index_cast %get3A_411 : i32 to index
      %get3A_413 = arith.index_cast %mul3A_395 : i32 to index
      %get3A_414 = tpu.vector_load %arg10[%get3A_412, %get3A_413] {strides = array<i32>} : memref<24x768xf32, #tpu.memory_space<vmem>>, vector<1x16xf32>,
      %get3A_415 = vector.shape_cast %get3A_414 : vector<1x16xf32> to vector<16xf32>
      %max3A_416 = arith.maximumf %max3A_410, %get3A_415 : vector<16xf32>
      %get3A_417 = arith.constant 4 : i32
      %get3A_418 = arith.index_cast %get3A_417 : i32 to index
      %get3A_419 = arith.index_cast %mul3A_395 : i32 to index
      %get3A_420 = tpu.vector_load %arg10[%get3A_418, %get3A_419] {strides = array<i32>} : memref<24x768xf32, #tpu.memory_space<vmem>>, vector<1x16xf32>,
      %get3A_421 = vector.shape_cast %get3A_420 : vector<1x16xf32> to vector<16xf32>
      %max3A_422 = arith.maximumf %max3A_416, %get3A_421 : vector<16xf32>
      %get3A_423 = arith.constant 5 : i32
      %get3A_424 = arith.index_cast %get3A_423 : i32 to index
      %get3A_425 = arith.index_cast %mul3A_395 : i32 to index
      %get3A_426 = tpu.vector_load %arg10[%get3A_424, %get3A_425] {strides = array<i32>} : memref<24x768xf32, #tpu.memory_space<vmem>>, vector<1x16xf32>,
      %get3A_427 = vector.shape_cast %get3A_426 : vector<1x16xf32> to vector<16xf32>
      %max3A_428 = arith.maximumf %max3A_422, %get3A_427 : vector<16xf32>
      %get3A_429 = arith.constant 0 : i32
      %get3A_430 = arith.index_cast %get3A_429 : i32 to index
      %get3A_431 = arith.index_cast %mul3A_395 : i32 to index
      %get3A_432 = tpu.vector_load %arg13[%get3A_430, %get3A_431] {strides = array<i32>} : memref<16x768xf32, #tpu.memory_space<vmem>>, vector<1x16xf32>,
      %get3A_433 = vector.shape_cast %get3A_432 : vector<1x16xf32> to vector<16xf32>
      %max3A_434 = arith.maximumf %max3A_428, %get3A_433 : vector<16xf32>
      %get3A_435 = arith.constant 1 : i32
      %get3A_436 = arith.index_cast %get3A_435 : i32 to index
      %get3A_437 = arith.index_cast %mul3A_395 : i32 to index
      %get3A_438 = tpu.vector_load %arg13[%get3A_436, %get3A_437] {strides = array<i32>} : memref<16x768xf32, #tpu.memory_space<vmem>>, vector<1x16xf32>,
      %get3A_439 = vector.shape_cast %get3A_438 : vector<1x16xf32> to vector<16xf32>
      %max3A_440 = arith.maximumf %max3A_434, %get3A_439 : vector<16xf32>
      %get3A_441 = arith.constant 2 : i32
      %get3A_442 = arith.index_cast %get3A_441 : i32 to index
      %get3A_443 = arith.index_cast %mul3A_395 : i32 to index
      %get3A_444 = tpu.vector_load %arg13[%get3A_442, %get3A_443] {strides = array<i32>} : memref<16x768xf32, #tpu.memory_space<vmem>>, vector<1x16xf32>,
      %get3A_445 = vector.shape_cast %get3A_444 : vector<1x16xf32> to vector<16xf32>
      %max3A_446 = arith.maximumf %max3A_440, %get3A_445 : vector<16xf32>
      %get3A_447 = arith.constant 3 : i32
      %get3A_448 = arith.index_cast %get3A_447 : i32 to index
      %get3A_449 = arith.index_cast %mul3A_395 : i32 to index
      %get3A_450 = tpu.vector_load %arg13[%get3A_448, %get3A_449] {strides = array<i32>} : memref<16x768xf32, #tpu.memory_space<vmem>>, vector<1x16xf32>,
      %get3A_451 = vector.shape_cast %get3A_450 : vector<1x16xf32> to vector<16xf32>
      %max3A_452 = arith.maximumf %max3A_446, %get3A_451 : vector<16xf32>
      %swap3A = arith.constant 4 : i32
      %swap3A_453 = arith.index_cast %swap3A : i32 to index
      %swap3A_454 = arith.index_cast %mul3A_395 : i32 to index
      %swap3A_455 = tpu.vector_load %arg15[%swap3A_453, %swap3A_454] {strides = array<i32>} : memref<32x768xf32, #tpu.memory_space<vmem>>, vector<1x16xf32>,
      %swap3A_456 = vector.shape_cast %swap3A_455 : vector<1x16xf32> to vector<16xf32>
      %swap3A_457 = vector.shape_cast %max3A_452 : vector<16xf32> to vector<1x16xf32>
      tpu.vector_store %arg15[%swap3A_453, %swap3A_454], %swap3A_457 {strides = array<i32>} : memref<32x768xf32, #tpu.memory_space<vmem>>, vector<1x16xf32>,
      %scan3A_458 = arith.constant 0 : i32
      scf.yield %scan3A_458 : i32
    }
    %scan3A_116 = arith.constant 48 : i32
    %scan3A_117 = arith.constant 0 : i32
    %scan3A_118 = arith.constant 0 : i32
    %scan3A_119 = arith.constant 48 : i32
    %scan3A_120 = arith.addi %scan3A_118, %scan3A_119 : i32
    %scan3A_121 = arith.constant 1 : i32
    %scan3A_122 = scf.for %scan3A_392 = %scan3A_118 to %scan3A_120 step %scan3A_121 iter_args(%scan3A_393 = %scan3A_117) -> (i32)  : i32 {
      %mul3A_394 = arith.constant 16 : i32
      %mul3A_395 = arith.muli %scan3A_392, %mul3A_394 : i32
      %get3A = arith.constant 6 : i32
      %get3A_396 = arith.index_cast %get3A : i32 to index
      %get3A_397 = arith.index_cast %mul3A_395 : i32 to index
      %get3A_398 = tpu.vector_load %arg10[%get3A_396, %get3A_397] {strides = array<i32>} : memref<24x768xf32, #tpu.memory_space<vmem>>, vector<1x16xf32>,
      %get3A_399 = vector.shape_cast %get3A_398 : vector<1x16xf32> to vector<16xf32>
      %get3A_400 = arith.constant 7 : i32
      %get3A_401 = arith.index_cast %get3A_400 : i32 to index
      %get3A_402 = arith.index_cast %mul3A_395 : i32 to index
      %get3A_403 = tpu.vector_load %arg10[%get3A_401, %get3A_402] {strides = array<i32>} : memref<24x768xf32, #tpu.memory_space<vmem>>, vector<1x16xf32>,
      %get3A_404 = vector.shape_cast %get3A_403 : vector<1x16xf32> to vector<16xf32>
      %max3A = arith.maximumf %get3A_399, %get3A_404 : vector<16xf32>
      %get3A_405 = arith.constant 8 : i32
      %get3A_406 = arith.index_cast %get3A_405 : i32 to index
      %get3A_407 = arith.index_cast %mul3A_395 : i32 to index
      %get3A_408 = tpu.vector_load %arg10[%get3A_406, %get3A_407] {strides = array<i32>} : memref<24x768xf32, #tpu.memory_space<vmem>>, vector<1x16xf32>,
      %get3A_409 = vector.shape_cast %get3A_408 : vector<1x16xf32> to vector<16xf32>
      %max3A_410 = arith.maximumf %max3A, %get3A_409 : vector<16xf32>
      %get3A_411 = arith.constant 9 : i32
      %get3A_412 = arith.index_cast %get3A_411 : i32 to index
      %get3A_413 = arith.index_cast %mul3A_395 : i32 to index
      %get3A_414 = tpu.vector_load %arg10[%get3A_412, %get3A_413] {strides = array<i32>} : memref<24x768xf32, #tpu.memory_space<vmem>>, vector<1x16xf32>,
      %get3A_415 = vector.shape_cast %get3A_414 : vector<1x16xf32> to vector<16xf32>
      %max3A_416 = arith.maximumf %max3A_410, %get3A_415 : vector<16xf32>
      %get3A_417 = arith.constant 10 : i32
      %get3A_418 = arith.index_cast %get3A_417 : i32 to index
      %get3A_419 = arith.index_cast %mul3A_395 : i32 to index
      %get3A_420 = tpu.vector_load %arg10[%get3A_418, %get3A_419] {strides = array<i32>} : memref<24x768xf32, #tpu.memory_space<vmem>>, vector<1x16xf32>,
      %get3A_421 = vector.shape_cast %get3A_420 : vector<1x16xf32> to vector<16xf32>
      %max3A_422 = arith.maximumf %max3A_416, %get3A_421 : vector<16xf32>
      %get3A_423 = arith.constant 11 : i32
      %get3A_424 = arith.index_cast %get3A_423 : i32 to index
      %get3A_425 = arith.index_cast %mul3A_395 : i32 to index
      %get3A_426 = tpu.vector_load %arg10[%get3A_424, %get3A_425] {strides = array<i32>} : memref<24x768xf32, #tpu.memory_space<vmem>>, vector<1x16xf32>,
      %get3A_427 = vector.shape_cast %get3A_426 : vector<1x16xf32> to vector<16xf32>
      %max3A_428 = arith.maximumf %max3A_422, %get3A_427 : vector<16xf32>
      %get3A_429 = arith.constant 4 : i32
      %get3A_430 = arith.index_cast %get3A_429 : i32 to index
      %get3A_431 = arith.index_cast %mul3A_395 : i32 to index
      %get3A_432 = tpu.vector_load %arg13[%get3A_430, %get3A_431] {strides = array<i32>} : memref<16x768xf32, #tpu.memory_space<vmem>>, vector<1x16xf32>,
      %get3A_433 = vector.shape_cast %get3A_432 : vector<1x16xf32> to vector<16xf32>
      %max3A_434 = arith.maximumf %max3A_428, %get3A_433 : vector<16xf32>
      %get3A_435 = arith.constant 5 : i32
      %get3A_436 = arith.index_cast %get3A_435 : i32 to index
      %get3A_437 = arith.index_cast %mul3A_395 : i32 to index
      %get3A_438 = tpu.vector_load %arg13[%get3A_436, %get3A_437] {strides = array<i32>} : memref<16x768xf32, #tpu.memory_space<vmem>>, vector<1x16xf32>,
      %get3A_439 = vector.shape_cast %get3A_438 : vector<1x16xf32> to vector<16xf32>
      %max3A_440 = arith.maximumf %max3A_434, %get3A_439 : vector<16xf32>
      %get3A_441 = arith.constant 6 : i32
      %get3A_442 = arith.index_cast %get3A_441 : i32 to index
      %get3A_443 = arith.index_cast %mul3A_395 : i32 to index
      %get3A_444 = tpu.vector_load %arg13[%get3A_442, %get3A_443] {strides = array<i32>} : memref<16x768xf32, #tpu.memory_space<vmem>>, vector<1x16xf32>,
      %get3A_445 = vector.shape_cast %get3A_444 : vector<1x16xf32> to vector<16xf32>
      %max3A_446 = arith.maximumf %max3A_440, %get3A_445 : vector<16xf32>
      %get3A_447 = arith.constant 7 : i32
      %get3A_448 = arith.index_cast %get3A_447 : i32 to index
      %get3A_449 = arith.index_cast %mul3A_395 : i32 to index
      %get3A_450 = tpu.vector_load %arg13[%get3A_448, %get3A_449] {strides = array<i32>} : memref<16x768xf32, #tpu.memory_space<vmem>>, vector<1x16xf32>,
      %get3A_451 = vector.shape_cast %get3A_450 : vector<1x16xf32> to vector<16xf32>
      %max3A_452 = arith.maximumf %max3A_446, %get3A_451 : vector<16xf32>
      %swap3A = arith.constant 5 : i32
      %swap3A_453 = arith.index_cast %swap3A : i32 to index
      %swap3A_454 = arith.index_cast %mul3A_395 : i32 to index
      %swap3A_455 = tpu.vector_load %arg15[%swap3A_453, %swap3A_454] {strides = array<i32>} : memref<32x768xf32, #tpu.memory_space<vmem>>, vector<1x16xf32>,
      %swap3A_456 = vector.shape_cast %swap3A_455 : vector<1x16xf32> to vector<16xf32>
      %swap3A_457 = vector.shape_cast %max3A_452 : vector<16xf32> to vector<1x16xf32>
      tpu.vector_store %arg15[%swap3A_453, %swap3A_454], %swap3A_457 {strides = array<i32>} : memref<32x768xf32, #tpu.memory_space<vmem>>, vector<1x16xf32>,
      %scan3A_458 = arith.constant 0 : i32
      scf.yield %scan3A_458 : i32
    }
    %scan3A_123 = arith.constant 48 : i32
    %scan3A_124 = arith.constant 0 : i32
    %scan3A_125 = arith.constant 0 : i32
    %scan3A_126 = arith.constant 48 : i32
    %scan3A_127 = arith.addi %scan3A_125, %scan3A_126 : i32
    %scan3A_128 = arith.constant 1 : i32
    %scan3A_129 = scf.for %scan3A_392 = %scan3A_125 to %scan3A_127 step %scan3A_128 iter_args(%scan3A_393 = %scan3A_124) -> (i32)  : i32 {
      %mul3A_394 = arith.constant 16 : i32
      %mul3A_395 = arith.muli %scan3A_392, %mul3A_394 : i32
      %get3A = arith.constant 12 : i32
      %get3A_396 = arith.index_cast %get3A : i32 to index
      %get3A_397 = arith.index_cast %mul3A_395 : i32 to index
      %get3A_398 = tpu.vector_load %arg10[%get3A_396, %get3A_397] {strides = array<i32>} : memref<24x768xf32, #tpu.memory_space<vmem>>, vector<1x16xf32>,
      %get3A_399 = vector.shape_cast %get3A_398 : vector<1x16xf32> to vector<16xf32>
      %get3A_400 = arith.constant 13 : i32
      %get3A_401 = arith.index_cast %get3A_400 : i32 to index
      %get3A_402 = arith.index_cast %mul3A_395 : i32 to index
      %get3A_403 = tpu.vector_load %arg10[%get3A_401, %get3A_402] {strides = array<i32>} : memref<24x768xf32, #tpu.memory_space<vmem>>, vector<1x16xf32>,
      %get3A_404 = vector.shape_cast %get3A_403 : vector<1x16xf32> to vector<16xf32>
      %max3A = arith.maximumf %get3A_399, %get3A_404 : vector<16xf32>
      %get3A_405 = arith.constant 14 : i32
      %get3A_406 = arith.index_cast %get3A_405 : i32 to index
      %get3A_407 = arith.index_cast %mul3A_395 : i32 to index
      %get3A_408 = tpu.vector_load %arg10[%get3A_406, %get3A_407] {strides = array<i32>} : memref<24x768xf32, #tpu.memory_space<vmem>>, vector<1x16xf32>,
      %get3A_409 = vector.shape_cast %get3A_408 : vector<1x16xf32> to vector<16xf32>
      %max3A_410 = arith.maximumf %max3A, %get3A_409 : vector<16xf32>
      %get3A_411 = arith.constant 15 : i32
      %get3A_412 = arith.index_cast %get3A_411 : i32 to index
      %get3A_413 = arith.index_cast %mul3A_395 : i32 to index
      %get3A_414 = tpu.vector_load %arg10[%get3A_412, %get3A_413] {strides = array<i32>} : memref<24x768xf32, #tpu.memory_space<vmem>>, vector<1x16xf32>,
      %get3A_415 = vector.shape_cast %get3A_414 : vector<1x16xf32> to vector<16xf32>
      %max3A_416 = arith.maximumf %max3A_410, %get3A_415 : vector<16xf32>
      %get3A_417 = arith.constant 16 : i32
      %get3A_418 = arith.index_cast %get3A_417 : i32 to index
      %get3A_419 = arith.index_cast %mul3A_395 : i32 to index
      %get3A_420 = tpu.vector_load %arg10[%get3A_418, %get3A_419] {strides = array<i32>} : memref<24x768xf32, #tpu.memory_space<vmem>>, vector<1x16xf32>,
      %get3A_421 = vector.shape_cast %get3A_420 : vector<1x16xf32> to vector<16xf32>
      %max3A_422 = arith.maximumf %max3A_416, %get3A_421 : vector<16xf32>
      %get3A_423 = arith.constant 17 : i32
      %get3A_424 = arith.index_cast %get3A_423 : i32 to index
      %get3A_425 = arith.index_cast %mul3A_395 : i32 to index
      %get3A_426 = tpu.vector_load %arg10[%get3A_424, %get3A_425] {strides = array<i32>} : memref<24x768xf32, #tpu.memory_space<vmem>>, vector<1x16xf32>,
      %get3A_427 = vector.shape_cast %get3A_426 : vector<1x16xf32> to vector<16xf32>
      %max3A_428 = arith.maximumf %max3A_422, %get3A_427 : vector<16xf32>
      %get3A_429 = arith.constant 8 : i32
      %get3A_430 = arith.index_cast %get3A_429 : i32 to index
      %get3A_431 = arith.index_cast %mul3A_395 : i32 to index
      %get3A_432 = tpu.vector_load %arg13[%get3A_430, %get3A_431] {strides = array<i32>} : memref<16x768xf32, #tpu.memory_space<vmem>>, vector<1x16xf32>,
      %get3A_433 = vector.shape_cast %get3A_432 : vector<1x16xf32> to vector<16xf32>
      %max3A_434 = arith.maximumf %max3A_428, %get3A_433 : vector<16xf32>
      %get3A_435 = arith.constant 9 : i32
      %get3A_436 = arith.index_cast %get3A_435 : i32 to index
      %get3A_437 = arith.index_cast %mul3A_395 : i32 to index
      %get3A_438 = tpu.vector_load %arg13[%get3A_436, %get3A_437] {strides = array<i32>} : memref<16x768xf32, #tpu.memory_space<vmem>>, vector<1x16xf32>,
      %get3A_439 = vector.shape_cast %get3A_438 : vector<1x16xf32> to vector<16xf32>
      %max3A_440 = arith.maximumf %max3A_434, %get3A_439 : vector<16xf32>
      %get3A_441 = arith.constant 10 : i32
      %get3A_442 = arith.index_cast %get3A_441 : i32 to index
      %get3A_443 = arith.index_cast %mul3A_395 : i32 to index
      %get3A_444 = tpu.vector_load %arg13[%get3A_442, %get3A_443] {strides = array<i32>} : memref<16x768xf32, #tpu.memory_space<vmem>>, vector<1x16xf32>,
      %get3A_445 = vector.shape_cast %get3A_444 : vector<1x16xf32> to vector<16xf32>
      %max3A_446 = arith.maximumf %max3A_440, %get3A_445 : vector<16xf32>
      %get3A_447 = arith.constant 11 : i32
      %get3A_448 = arith.index_cast %get3A_447 : i32 to index
      %get3A_449 = arith.index_cast %mul3A_395 : i32 to index
      %get3A_450 = tpu.vector_load %arg13[%get3A_448, %get3A_449] {strides = array<i32>} : memref<16x768xf32, #tpu.memory_space<vmem>>, vector<1x16xf32>,
      %get3A_451 = vector.shape_cast %get3A_450 : vector<1x16xf32> to vector<16xf32>
      %max3A_452 = arith.maximumf %max3A_446, %get3A_451 : vector<16xf32>
      %swap3A = arith.constant 6 : i32
      %swap3A_453 = arith.index_cast %swap3A : i32 to index
      %swap3A_454 = arith.index_cast %mul3A_395 : i32 to index
      %swap3A_455 = tpu.vector_load %arg15[%swap3A_453, %swap3A_454] {strides = array<i32>} : memref<32x768xf32, #tpu.memory_space<vmem>>, vector<1x16xf32>,
      %swap3A_456 = vector.shape_cast %swap3A_455 : vector<1x16xf32> to vector<16xf32>
      %swap3A_457 = vector.shape_cast %max3A_452 : vector<16xf32> to vector<1x16xf32>
      tpu.vector_store %arg15[%swap3A_453, %swap3A_454], %swap3A_457 {strides = array<i32>} : memref<32x768xf32, #tpu.memory_space<vmem>>, vector<1x16xf32>,
      %scan3A_458 = arith.constant 0 : i32
      scf.yield %scan3A_458 : i32
    }
    %scan3A_130 = arith.constant 48 : i32
    %scan3A_131 = arith.constant 0 : i32
    %scan3A_132 = arith.constant 0 : i32
    %scan3A_133 = arith.constant 48 : i32
    %scan3A_134 = arith.addi %scan3A_132, %scan3A_133 : i32
    %scan3A_135 = arith.constant 1 : i32
    %scan3A_136 = scf.for %scan3A_392 = %scan3A_132 to %scan3A_134 step %scan3A_135 iter_args(%scan3A_393 = %scan3A_131) -> (i32)  : i32 {
      %mul3A_394 = arith.constant 16 : i32
      %mul3A_395 = arith.muli %scan3A_392, %mul3A_394 : i32
      %get3A = arith.constant 18 : i32
      %get3A_396 = arith.index_cast %get3A : i32 to index
      %get3A_397 = arith.index_cast %mul3A_395 : i32 to index
      %get3A_398 = tpu.vector_load %arg10[%get3A_396, %get3A_397] {strides = array<i32>} : memref<24x768xf32, #tpu.memory_space<vmem>>, vector<1x16xf32>,
      %get3A_399 = vector.shape_cast %get3A_398 : vector<1x16xf32> to vector<16xf32>
      %get3A_400 = arith.constant 19 : i32
      %get3A_401 = arith.index_cast %get3A_400 : i32 to index
      %get3A_402 = arith.index_cast %mul3A_395 : i32 to index
      %get3A_403 = tpu.vector_load %arg10[%get3A_401, %get3A_402] {strides = array<i32>} : memref<24x768xf32, #tpu.memory_space<vmem>>, vector<1x16xf32>,
      %get3A_404 = vector.shape_cast %get3A_403 : vector<1x16xf32> to vector<16xf32>
      %max3A = arith.maximumf %get3A_399, %get3A_404 : vector<16xf32>
      %get3A_405 = arith.constant 20 : i32
      %get3A_406 = arith.index_cast %get3A_405 : i32 to index
      %get3A_407 = arith.index_cast %mul3A_395 : i32 to index
      %get3A_408 = tpu.vector_load %arg10[%get3A_406, %get3A_407] {strides = array<i32>} : memref<24x768xf32, #tpu.memory_space<vmem>>, vector<1x16xf32>,
      %get3A_409 = vector.shape_cast %get3A_408 : vector<1x16xf32> to vector<16xf32>
      %max3A_410 = arith.maximumf %max3A, %get3A_409 : vector<16xf32>
      %get3A_411 = arith.constant 21 : i32
      %get3A_412 = arith.index_cast %get3A_411 : i32 to index
      %get3A_413 = arith.index_cast %mul3A_395 : i32 to index
      %get3A_414 = tpu.vector_load %arg10[%get3A_412, %get3A_413] {strides = array<i32>} : memref<24x768xf32, #tpu.memory_space<vmem>>, vector<1x16xf32>,
      %get3A_415 = vector.shape_cast %get3A_414 : vector<1x16xf32> to vector<16xf32>
      %max3A_416 = arith.maximumf %max3A_410, %get3A_415 : vector<16xf32>
      %get3A_417 = arith.constant 22 : i32
      %get3A_418 = arith.index_cast %get3A_417 : i32 to index
      %get3A_419 = arith.index_cast %mul3A_395 : i32 to index
      %get3A_420 = tpu.vector_load %arg10[%get3A_418, %get3A_419] {strides = array<i32>} : memref<24x768xf32, #tpu.memory_space<vmem>>, vector<1x16xf32>,
      %get3A_421 = vector.shape_cast %get3A_420 : vector<1x16xf32> to vector<16xf32>
      %max3A_422 = arith.maximumf %max3A_416, %get3A_421 : vector<16xf32>
      %get3A_423 = arith.constant 23 : i32
      %get3A_424 = arith.index_cast %get3A_423 : i32 to index
      %get3A_425 = arith.index_cast %mul3A_395 : i32 to index
      %get3A_426 = tpu.vector_load %arg10[%get3A_424, %get3A_425] {strides = array<i32>} : memref<24x768xf32, #tpu.memory_space<vmem>>, vector<1x16xf32>,
      %get3A_427 = vector.shape_cast %get3A_426 : vector<1x16xf32> to vector<16xf32>
      %max3A_428 = arith.maximumf %max3A_422, %get3A_427 : vector<16xf32>
      %get3A_429 = arith.constant 12 : i32
      %get3A_430 = arith.index_cast %get3A_429 : i32 to index
      %get3A_431 = arith.index_cast %mul3A_395 : i32 to index
      %get3A_432 = tpu.vector_load %arg13[%get3A_430, %get3A_431] {strides = array<i32>} : memref<16x768xf32, #tpu.memory_space<vmem>>, vector<1x16xf32>,
      %get3A_433 = vector.shape_cast %get3A_432 : vector<1x16xf32> to vector<16xf32>
      %max3A_434 = arith.maximumf %max3A_428, %get3A_433 : vector<16xf32>
      %get3A_435 = arith.constant 13 : i32
      %get3A_436 = arith.index_cast %get3A_435 : i32 to index
      %get3A_437 = arith.index_cast %mul3A_395 : i32 to index
      %get3A_438 = tpu.vector_load %arg13[%get3A_436, %get3A_437] {strides = array<i32>} : memref<16x768xf32, #tpu.memory_space<vmem>>, vector<1x16xf32>,
      %get3A_439 = vector.shape_cast %get3A_438 : vector<1x16xf32> to vector<16xf32>
      %max3A_440 = arith.maximumf %max3A_434, %get3A_439 : vector<16xf32>
      %get3A_441 = arith.constant 14 : i32
      %get3A_442 = arith.index_cast %get3A_441 : i32 to index
      %get3A_443 = arith.index_cast %mul3A_395 : i32 to index
      %get3A_444 = tpu.vector_load %arg13[%get3A_442, %get3A_443] {strides = array<i32>} : memref<16x768xf32, #tpu.memory_space<vmem>>, vector<1x16xf32>,
      %get3A_445 = vector.shape_cast %get3A_444 : vector<1x16xf32> to vector<16xf32>
      %max3A_446 = arith.maximumf %max3A_440, %get3A_445 : vector<16xf32>
      %get3A_447 = arith.constant 15 : i32
      %get3A_448 = arith.index_cast %get3A_447 : i32 to index
      %get3A_449 = arith.index_cast %mul3A_395 : i32 to index
      %get3A_450 = tpu.vector_load %arg13[%get3A_448, %get3A_449] {strides = array<i32>} : memref<16x768xf32, #tpu.memory_space<vmem>>, vector<1x16xf32>,
      %get3A_451 = vector.shape_cast %get3A_450 : vector<1x16xf32> to vector<16xf32>
      %max3A_452 = arith.maximumf %max3A_446, %get3A_451 : vector<16xf32>
      %swap3A = arith.constant 7 : i32
      %swap3A_453 = arith.index_cast %swap3A : i32 to index
      %swap3A_454 = arith.index_cast %mul3A_395 : i32 to index
      %swap3A_455 = tpu.vector_load %arg15[%swap3A_453, %swap3A_454] {strides = array<i32>} : memref<32x768xf32, #tpu.memory_space<vmem>>, vector<1x16xf32>,
      %swap3A_456 = vector.shape_cast %swap3A_455 : vector<1x16xf32> to vector<16xf32>
      %swap3A_457 = vector.shape_cast %max3A_452 : vector<16xf32> to vector<1x16xf32>
      tpu.vector_store %arg15[%swap3A_453, %swap3A_454], %swap3A_457 {strides = array<i32>} : memref<32x768xf32, #tpu.memory_space<vmem>>, vector<1x16xf32>,
      %scan3A_458 = arith.constant 0 : i32
      scf.yield %scan3A_458 : i32
    }
    %scan3A_137 = arith.constant 48 : i32
    %dma_start3A_138 = arith.constant 4 : i32
    %dma_start3A_139 = arith.constant 0 : i32
    %dma_start3A_140 = tpu.memref_slice %arg7[%dma_start3A_138, %dma_start3A_139] : memref<7x24xi32, #tpu.memory_space<vmem>> -> memref<1x24xi32, #tpu.memory_space<vmem>>
    %dma_start3A_141 = tpu.memref_squeeze %dma_start3A_140 : memref<1x24xi32, #tpu.memory_space<vmem>> -> memref<24xi32, #tpu.memory_space<vmem>>
    %dma_start3A_142 = arith.constant 0 : i32
    %dma_start3A_143 = arith.constant 0 : i32
    %dma_start3A_144 = tpu.memref_slice %arg2[%dma_start3A_142, %dma_start3A_143] : memref<16384x768xf32, #tpu.memory_space<hbm>> -> memref<16384x768xf32, #tpu.memory_space<hbm>>
    tpu.enqueue_indirect_dma source(%dma_start3A_144 : memref<16384x768xf32, #tpu.memory_space<hbm>>) target(%arg10 : memref<24x768xf32, #tpu.memory_space<vmem>>) offsets(%dma_start3A_141 : memref<24xi32, #tpu.memory_space<vmem>>) semaphore(%arg17 : memref<!tpu.dma_semaphore, #tpu.memory_space<semaphore_mem>>)
    %dma_start3A_145 = arith.constant 4 : i32
    %dma_start3A_146 = arith.constant 0 : i32
    %dma_start3A_147 = tpu.memref_slice %arg8[%dma_start3A_145, %dma_start3A_146] : memref<7x16xi32, #tpu.memory_space<vmem>> -> memref<1x16xi32, #tpu.memory_space<vmem>>
    %dma_start3A_148 = tpu.memref_squeeze %dma_start3A_147 : memref<1x16xi32, #tpu.memory_space<vmem>> -> memref<16xi32, #tpu.memory_space<vmem>>
    %dma_start3A_149 = arith.constant 0 : i32
    %dma_start3A_150 = arith.constant 0 : i32
    %dma_start3A_151 = tpu.memref_slice %arg3[%dma_start3A_149, %dma_start3A_150] : memref<20544x768xf32, #tpu.memory_space<hbm>> -> memref<20544x768xf32, #tpu.memory_space<hbm>>
    tpu.enqueue_indirect_dma source(%dma_start3A_151 : memref<20544x768xf32, #tpu.memory_space<hbm>>) target(%arg13 : memref<16x768xf32, #tpu.memory_space<vmem>>) offsets(%dma_start3A_148 : memref<16xi32, #tpu.memory_space<vmem>>) semaphore(%arg20 : memref<!tpu.dma_semaphore, #tpu.memory_space<semaphore_mem>>)
    %dma_wait3A_152 = arith.constant 2 : i32
    %dma_wait3A_153 = arith.constant 0 : i32
    %dma_wait3A_154 = tpu.memref_slice %arg7[%dma_wait3A_152, %dma_wait3A_153] : memref<7x24xi32, #tpu.memory_space<vmem>> -> memref<1x24xi32, #tpu.memory_space<vmem>>
    %dma_wait3A_155 = tpu.memref_squeeze %dma_wait3A_154 : memref<1x24xi32, #tpu.memory_space<vmem>> -> memref<24xi32, #tpu.memory_space<vmem>>
    %dma_wait3A_156 = arith.constant 0 : i32
    %dma_wait3A_157 = arith.constant 0 : i32
    %dma_wait3A_158 = tpu.memref_slice %arg2[%dma_wait3A_156, %dma_wait3A_157] : memref<16384x768xf32, #tpu.memory_space<hbm>> -> memref<16384x768xf32, #tpu.memory_space<hbm>>
    tpu.wait_indirect_dma semaphore(%arg18 : memref<!tpu.dma_semaphore, #tpu.memory_space<semaphore_mem>>) src(%dma_wait3A_158 : memref<16384x768xf32, #tpu.memory_space<hbm>>) dst(%arg11 : memref<24x768xf32, #tpu.memory_space<vmem>>)
    %dma_wait3A_159 = arith.constant 2 : i32
    %dma_wait3A_160 = arith.constant 0 : i32
    %dma_wait3A_161 = tpu.memref_slice %arg8[%dma_wait3A_159, %dma_wait3A_160] : memref<7x16xi32, #tpu.memory_space<vmem>> -> memref<1x16xi32, #tpu.memory_space<vmem>>
    %dma_wait3A_162 = tpu.memref_squeeze %dma_wait3A_161 : memref<1x16xi32, #tpu.memory_space<vmem>> -> memref<16xi32, #tpu.memory_space<vmem>>
    %dma_wait3A_163 = arith.constant 0 : i32
    %dma_wait3A_164 = arith.constant 0 : i32
    %dma_wait3A_165 = tpu.memref_slice %arg3[%dma_wait3A_163, %dma_wait3A_164] : memref<20544x768xf32, #tpu.memory_space<hbm>> -> memref<20544x768xf32, #tpu.memory_space<hbm>>
    tpu.wait_indirect_dma semaphore(%arg21 : memref<!tpu.dma_semaphore, #tpu.memory_space<semaphore_mem>>) src(%dma_wait3A_165 : memref<20544x768xf32, #tpu.memory_space<hbm>>) dst(%arg14 : memref<16x768xf32, #tpu.memory_space<vmem>>)
    %scan3A_166 = arith.constant 0 : i32
    %scan3A_167 = arith.constant 0 : i32
    %scan3A_168 = arith.constant 48 : i32
    %scan3A_169 = arith.addi %scan3A_167, %scan3A_168 : i32
    %scan3A_170 = arith.constant 1 : i32
    %scan3A_171 = scf.for %scan3A_392 = %scan3A_167 to %scan3A_169 step %scan3A_170 iter_args(%scan3A_393 = %scan3A_166) -> (i32)  : i32 {
      %mul3A_394 = arith.constant 16 : i32
      %mul3A_395 = arith.muli %scan3A_392, %mul3A_394 : i32
      %get3A = arith.constant 0 : i32
      %get3A_396 = arith.index_cast %get3A : i32 to index
      %get3A_397 = arith.index_cast %mul3A_395 : i32 to index
      %get3A_398 = tpu.vector_load %arg11[%get3A_396, %get3A_397] {strides = array<i32>} : memref<24x768xf32, #tpu.memory_space<vmem>>, vector<1x16xf32>,
      %get3A_399 = vector.shape_cast %get3A_398 : vector<1x16xf32> to vector<16xf32>
      %get3A_400 = arith.constant 1 : i32
      %get3A_401 = arith.index_cast %get3A_400 : i32 to index
      %get3A_402 = arith.index_cast %mul3A_395 : i32 to index
      %get3A_403 = tpu.vector_load %arg11[%get3A_401, %get3A_402] {strides = array<i32>} : memref<24x768xf32, #tpu.memory_space<vmem>>, vector<1x16xf32>,
      %get3A_404 = vector.shape_cast %get3A_403 : vector<1x16xf32> to vector<16xf32>
      %max3A = arith.maximumf %get3A_399, %get3A_404 : vector<16xf32>
      %get3A_405 = arith.constant 2 : i32
      %get3A_406 = arith.index_cast %get3A_405 : i32 to index
      %get3A_407 = arith.index_cast %mul3A_395 : i32 to index
      %get3A_408 = tpu.vector_load %arg11[%get3A_406, %get3A_407] {strides = array<i32>} : memref<24x768xf32, #tpu.memory_space<vmem>>, vector<1x16xf32>,
      %get3A_409 = vector.shape_cast %get3A_408 : vector<1x16xf32> to vector<16xf32>
      %max3A_410 = arith.maximumf %max3A, %get3A_409 : vector<16xf32>
      %get3A_411 = arith.constant 3 : i32
      %get3A_412 = arith.index_cast %get3A_411 : i32 to index
      %get3A_413 = arith.index_cast %mul3A_395 : i32 to index
      %get3A_414 = tpu.vector_load %arg11[%get3A_412, %get3A_413] {strides = array<i32>} : memref<24x768xf32, #tpu.memory_space<vmem>>, vector<1x16xf32>,
      %get3A_415 = vector.shape_cast %get3A_414 : vector<1x16xf32> to vector<16xf32>
      %max3A_416 = arith.maximumf %max3A_410, %get3A_415 : vector<16xf32>
      %get3A_417 = arith.constant 4 : i32
      %get3A_418 = arith.index_cast %get3A_417 : i32 to index
      %get3A_419 = arith.index_cast %mul3A_395 : i32 to index
      %get3A_420 = tpu.vector_load %arg11[%get3A_418, %get3A_419] {strides = array<i32>} : memref<24x768xf32, #tpu.memory_space<vmem>>, vector<1x16xf32>,
      %get3A_421 = vector.shape_cast %get3A_420 : vector<1x16xf32> to vector<16xf32>
      %max3A_422 = arith.maximumf %max3A_416, %get3A_421 : vector<16xf32>
      %get3A_423 = arith.constant 5 : i32
      %get3A_424 = arith.index_cast %get3A_423 : i32 to index
      %get3A_425 = arith.index_cast %mul3A_395 : i32 to index
      %get3A_426 = tpu.vector_load %arg11[%get3A_424, %get3A_425] {strides = array<i32>} : memref<24x768xf32, #tpu.memory_space<vmem>>, vector<1x16xf32>,
      %get3A_427 = vector.shape_cast %get3A_426 : vector<1x16xf32> to vector<16xf32>
      %max3A_428 = arith.maximumf %max3A_422, %get3A_427 : vector<16xf32>
      %get3A_429 = arith.constant 0 : i32
      %get3A_430 = arith.index_cast %get3A_429 : i32 to index
      %get3A_431 = arith.index_cast %mul3A_395 : i32 to index
      %get3A_432 = tpu.vector_load %arg14[%get3A_430, %get3A_431] {strides = array<i32>} : memref<16x768xf32, #tpu.memory_space<vmem>>, vector<1x16xf32>,
      %get3A_433 = vector.shape_cast %get3A_432 : vector<1x16xf32> to vector<16xf32>
      %max3A_434 = arith.maximumf %max3A_428, %get3A_433 : vector<16xf32>
      %get3A_435 = arith.constant 1 : i32
      %get3A_436 = arith.index_cast %get3A_435 : i32 to index
      %get3A_437 = arith.index_cast %mul3A_395 : i32 to index
      %get3A_438 = tpu.vector_load %arg14[%get3A_436, %get3A_437] {strides = array<i32>} : memref<16x768xf32, #tpu.memory_space<vmem>>, vector<1x16xf32>,
      %get3A_439 = vector.shape_cast %get3A_438 : vector<1x16xf32> to vector<16xf32>
      %max3A_440 = arith.maximumf %max3A_434, %get3A_439 : vector<16xf32>
      %get3A_441 = arith.constant 2 : i32
      %get3A_442 = arith.index_cast %get3A_441 : i32 to index
      %get3A_443 = arith.index_cast %mul3A_395 : i32 to index
      %get3A_444 = tpu.vector_load %arg14[%get3A_442, %get3A_443] {strides = array<i32>} : memref<16x768xf32, #tpu.memory_space<vmem>>, vector<1x16xf32>,
      %get3A_445 = vector.shape_cast %get3A_444 : vector<1x16xf32> to vector<16xf32>
      %max3A_446 = arith.maximumf %max3A_440, %get3A_445 : vector<16xf32>
      %get3A_447 = arith.constant 3 : i32
      %get3A_448 = arith.index_cast %get3A_447 : i32 to index
      %get3A_449 = arith.index_cast %mul3A_395 : i32 to index
      %get3A_450 = tpu.vector_load %arg14[%get3A_448, %get3A_449] {strides = array<i32>} : memref<16x768xf32, #tpu.memory_space<vmem>>, vector<1x16xf32>,
      %get3A_451 = vector.shape_cast %get3A_450 : vector<1x16xf32> to vector<16xf32>
      %max3A_452 = arith.maximumf %max3A_446, %get3A_451 : vector<16xf32>
      %swap3A = arith.constant 8 : i32
      %swap3A_453 = arith.index_cast %swap3A : i32 to index
      %swap3A_454 = arith.index_cast %mul3A_395 : i32 to index
      %swap3A_455 = tpu.vector_load %arg15[%swap3A_453, %swap3A_454] {strides = array<i32>} : memref<32x768xf32, #tpu.memory_space<vmem>>, vector<1x16xf32>,
      %swap3A_456 = vector.shape_cast %swap3A_455 : vector<1x16xf32> to vector<16xf32>
      %swap3A_457 = vector.shape_cast %max3A_452 : vector<16xf32> to vector<1x16xf32>
      tpu.vector_store %arg15[%swap3A_453, %swap3A_454], %swap3A_457 {strides = array<i32>} : memref<32x768xf32, #tpu.memory_space<vmem>>, vector<1x16xf32>,
      %scan3A_458 = arith.constant 0 : i32
      scf.yield %scan3A_458 : i32
    }
    %scan3A_172 = arith.constant 48 : i32
    %scan3A_173 = arith.constant 0 : i32
    %scan3A_174 = arith.constant 0 : i32
    %scan3A_175 = arith.constant 48 : i32
    %scan3A_176 = arith.addi %scan3A_174, %scan3A_175 : i32
    %scan3A_177 = arith.constant 1 : i32
    %scan3A_178 = scf.for %scan3A_392 = %scan3A_174 to %scan3A_176 step %scan3A_177 iter_args(%scan3A_393 = %scan3A_173) -> (i32)  : i32 {
      %mul3A_394 = arith.constant 16 : i32
      %mul3A_395 = arith.muli %scan3A_392, %mul3A_394 : i32
      %get3A = arith.constant 6 : i32
      %get3A_396 = arith.index_cast %get3A : i32 to index
      %get3A_397 = arith.index_cast %mul3A_395 : i32 to index
      %get3A_398 = tpu.vector_load %arg11[%get3A_396, %get3A_397] {strides = array<i32>} : memref<24x768xf32, #tpu.memory_space<vmem>>, vector<1x16xf32>,
      %get3A_399 = vector.shape_cast %get3A_398 : vector<1x16xf32> to vector<16xf32>
      %get3A_400 = arith.constant 7 : i32
      %get3A_401 = arith.index_cast %get3A_400 : i32 to index
      %get3A_402 = arith.index_cast %mul3A_395 : i32 to index
      %get3A_403 = tpu.vector_load %arg11[%get3A_401, %get3A_402] {strides = array<i32>} : memref<24x768xf32, #tpu.memory_space<vmem>>, vector<1x16xf32>,
      %get3A_404 = vector.shape_cast %get3A_403 : vector<1x16xf32> to vector<16xf32>
      %max3A = arith.maximumf %get3A_399, %get3A_404 : vector<16xf32>
      %get3A_405 = arith.constant 8 : i32
      %get3A_406 = arith.index_cast %get3A_405 : i32 to index
      %get3A_407 = arith.index_cast %mul3A_395 : i32 to index
      %get3A_408 = tpu.vector_load %arg11[%get3A_406, %get3A_407] {strides = array<i32>} : memref<24x768xf32, #tpu.memory_space<vmem>>, vector<1x16xf32>,
      %get3A_409 = vector.shape_cast %get3A_408 : vector<1x16xf32> to vector<16xf32>
      %max3A_410 = arith.maximumf %max3A, %get3A_409 : vector<16xf32>
      %get3A_411 = arith.constant 9 : i32
      %get3A_412 = arith.index_cast %get3A_411 : i32 to index
      %get3A_413 = arith.index_cast %mul3A_395 : i32 to index
      %get3A_414 = tpu.vector_load %arg11[%get3A_412, %get3A_413] {strides = array<i32>} : memref<24x768xf32, #tpu.memory_space<vmem>>, vector<1x16xf32>,
      %get3A_415 = vector.shape_cast %get3A_414 : vector<1x16xf32> to vector<16xf32>
      %max3A_416 = arith.maximumf %max3A_410, %get3A_415 : vector<16xf32>
      %get3A_417 = arith.constant 10 : i32
      %get3A_418 = arith.index_cast %get3A_417 : i32 to index
      %get3A_419 = arith.index_cast %mul3A_395 : i32 to index
      %get3A_420 = tpu.vector_load %arg11[%get3A_418, %get3A_419] {strides = array<i32>} : memref<24x768xf32, #tpu.memory_space<vmem>>, vector<1x16xf32>,
      %get3A_421 = vector.shape_cast %get3A_420 : vector<1x16xf32> to vector<16xf32>
      %max3A_422 = arith.maximumf %max3A_416, %get3A_421 : vector<16xf32>
      %get3A_423 = arith.constant 11 : i32
      %get3A_424 = arith.index_cast %get3A_423 : i32 to index
      %get3A_425 = arith.index_cast %mul3A_395 : i32 to index
      %get3A_426 = tpu.vector_load %arg11[%get3A_424, %get3A_425] {strides = array<i32>} : memref<24x768xf32, #tpu.memory_space<vmem>>, vector<1x16xf32>,
      %get3A_427 = vector.shape_cast %get3A_426 : vector<1x16xf32> to vector<16xf32>
      %max3A_428 = arith.maximumf %max3A_422, %get3A_427 : vector<16xf32>
      %get3A_429 = arith.constant 4 : i32
      %get3A_430 = arith.index_cast %get3A_429 : i32 to index
      %get3A_431 = arith.index_cast %mul3A_395 : i32 to index
      %get3A_432 = tpu.vector_load %arg14[%get3A_430, %get3A_431] {strides = array<i32>} : memref<16x768xf32, #tpu.memory_space<vmem>>, vector<1x16xf32>,
      %get3A_433 = vector.shape_cast %get3A_432 : vector<1x16xf32> to vector<16xf32>
      %max3A_434 = arith.maximumf %max3A_428, %get3A_433 : vector<16xf32>
      %get3A_435 = arith.constant 5 : i32
      %get3A_436 = arith.index_cast %get3A_435 : i32 to index
      %get3A_437 = arith.index_cast %mul3A_395 : i32 to index
      %get3A_438 = tpu.vector_load %arg14[%get3A_436, %get3A_437] {strides = array<i32>} : memref<16x768xf32, #tpu.memory_space<vmem>>, vector<1x16xf32>,
      %get3A_439 = vector.shape_cast %get3A_438 : vector<1x16xf32> to vector<16xf32>
      %max3A_440 = arith.maximumf %max3A_434, %get3A_439 : vector<16xf32>
      %get3A_441 = arith.constant 6 : i32
      %get3A_442 = arith.index_cast %get3A_441 : i32 to index
      %get3A_443 = arith.index_cast %mul3A_395 : i32 to index
      %get3A_444 = tpu.vector_load %arg14[%get3A_442, %get3A_443] {strides = array<i32>} : memref<16x768xf32, #tpu.memory_space<vmem>>, vector<1x16xf32>,
      %get3A_445 = vector.shape_cast %get3A_444 : vector<1x16xf32> to vector<16xf32>
      %max3A_446 = arith.maximumf %max3A_440, %get3A_445 : vector<16xf32>
      %get3A_447 = arith.constant 7 : i32
      %get3A_448 = arith.index_cast %get3A_447 : i32 to index
      %get3A_449 = arith.index_cast %mul3A_395 : i32 to index
      %get3A_450 = tpu.vector_load %arg14[%get3A_448, %get3A_449] {strides = array<i32>} : memref<16x768xf32, #tpu.memory_space<vmem>>, vector<1x16xf32>,
      %get3A_451 = vector.shape_cast %get3A_450 : vector<1x16xf32> to vector<16xf32>
      %max3A_452 = arith.maximumf %max3A_446, %get3A_451 : vector<16xf32>
      %swap3A = arith.constant 9 : i32
      %swap3A_453 = arith.index_cast %swap3A : i32 to index
      %swap3A_454 = arith.index_cast %mul3A_395 : i32 to index
      %swap3A_455 = tpu.vector_load %arg15[%swap3A_453, %swap3A_454] {strides = array<i32>} : memref<32x768xf32, #tpu.memory_space<vmem>>, vector<1x16xf32>,
      %swap3A_456 = vector.shape_cast %swap3A_455 : vector<1x16xf32> to vector<16xf32>
      %swap3A_457 = vector.shape_cast %max3A_452 : vector<16xf32> to vector<1x16xf32>
      tpu.vector_store %arg15[%swap3A_453, %swap3A_454], %swap3A_457 {strides = array<i32>} : memref<32x768xf32, #tpu.memory_space<vmem>>, vector<1x16xf32>,
      %scan3A_458 = arith.constant 0 : i32
      scf.yield %scan3A_458 : i32
    }
    %scan3A_179 = arith.constant 48 : i32
    %scan3A_180 = arith.constant 0 : i32
    %scan3A_181 = arith.constant 0 : i32
    %scan3A_182 = arith.constant 48 : i32
    %scan3A_183 = arith.addi %scan3A_181, %scan3A_182 : i32
    %scan3A_184 = arith.constant 1 : i32
    %scan3A_185 = scf.for %scan3A_392 = %scan3A_181 to %scan3A_183 step %scan3A_184 iter_args(%scan3A_393 = %scan3A_180) -> (i32)  : i32 {
      %mul3A_394 = arith.constant 16 : i32
      %mul3A_395 = arith.muli %scan3A_392, %mul3A_394 : i32
      %get3A = arith.constant 12 : i32
      %get3A_396 = arith.index_cast %get3A : i32 to index
      %get3A_397 = arith.index_cast %mul3A_395 : i32 to index
      %get3A_398 = tpu.vector_load %arg11[%get3A_396, %get3A_397] {strides = array<i32>} : memref<24x768xf32, #tpu.memory_space<vmem>>, vector<1x16xf32>,
      %get3A_399 = vector.shape_cast %get3A_398 : vector<1x16xf32> to vector<16xf32>
      %get3A_400 = arith.constant 13 : i32
      %get3A_401 = arith.index_cast %get3A_400 : i32 to index
      %get3A_402 = arith.index_cast %mul3A_395 : i32 to index
      %get3A_403 = tpu.vector_load %arg11[%get3A_401, %get3A_402] {strides = array<i32>} : memref<24x768xf32, #tpu.memory_space<vmem>>, vector<1x16xf32>,
      %get3A_404 = vector.shape_cast %get3A_403 : vector<1x16xf32> to vector<16xf32>
      %max3A = arith.maximumf %get3A_399, %get3A_404 : vector<16xf32>
      %get3A_405 = arith.constant 14 : i32
      %get3A_406 = arith.index_cast %get3A_405 : i32 to index
      %get3A_407 = arith.index_cast %mul3A_395 : i32 to index
      %get3A_408 = tpu.vector_load %arg11[%get3A_406, %get3A_407] {strides = array<i32>} : memref<24x768xf32, #tpu.memory_space<vmem>>, vector<1x16xf32>,
      %get3A_409 = vector.shape_cast %get3A_408 : vector<1x16xf32> to vector<16xf32>
      %max3A_410 = arith.maximumf %max3A, %get3A_409 : vector<16xf32>
      %get3A_411 = arith.constant 15 : i32
      %get3A_412 = arith.index_cast %get3A_411 : i32 to index
      %get3A_413 = arith.index_cast %mul3A_395 : i32 to index
      %get3A_414 = tpu.vector_load %arg11[%get3A_412, %get3A_413] {strides = array<i32>} : memref<24x768xf32, #tpu.memory_space<vmem>>, vector<1x16xf32>,
      %get3A_415 = vector.shape_cast %get3A_414 : vector<1x16xf32> to vector<16xf32>
      %max3A_416 = arith.maximumf %max3A_410, %get3A_415 : vector<16xf32>
      %get3A_417 = arith.constant 16 : i32
      %get3A_418 = arith.index_cast %get3A_417 : i32 to index
      %get3A_419 = arith.index_cast %mul3A_395 : i32 to index
      %get3A_420 = tpu.vector_load %arg11[%get3A_418, %get3A_419] {strides = array<i32>} : memref<24x768xf32, #tpu.memory_space<vmem>>, vector<1x16xf32>,
      %get3A_421 = vector.shape_cast %get3A_420 : vector<1x16xf32> to vector<16xf32>
      %max3A_422 = arith.maximumf %max3A_416, %get3A_421 : vector<16xf32>
      %get3A_423 = arith.constant 17 : i32
      %get3A_424 = arith.index_cast %get3A_423 : i32 to index
      %get3A_425 = arith.index_cast %mul3A_395 : i32 to index
      %get3A_426 = tpu.vector_load %arg11[%get3A_424, %get3A_425] {strides = array<i32>} : memref<24x768xf32, #tpu.memory_space<vmem>>, vector<1x16xf32>,
      %get3A_427 = vector.shape_cast %get3A_426 : vector<1x16xf32> to vector<16xf32>
      %max3A_428 = arith.maximumf %max3A_422, %get3A_427 : vector<16xf32>
      %get3A_429 = arith.constant 8 : i32
      %get3A_430 = arith.index_cast %get3A_429 : i32 to index
      %get3A_431 = arith.index_cast %mul3A_395 : i32 to index
      %get3A_432 = tpu.vector_load %arg14[%get3A_430, %get3A_431] {strides = array<i32>} : memref<16x768xf32, #tpu.memory_space<vmem>>, vector<1x16xf32>,
      %get3A_433 = vector.shape_cast %get3A_432 : vector<1x16xf32> to vector<16xf32>
      %max3A_434 = arith.maximumf %max3A_428, %get3A_433 : vector<16xf32>
      %get3A_435 = arith.constant 9 : i32
      %get3A_436 = arith.index_cast %get3A_435 : i32 to index
      %get3A_437 = arith.index_cast %mul3A_395 : i32 to index
      %get3A_438 = tpu.vector_load %arg14[%get3A_436, %get3A_437] {strides = array<i32>} : memref<16x768xf32, #tpu.memory_space<vmem>>, vector<1x16xf32>,
      %get3A_439 = vector.shape_cast %get3A_438 : vector<1x16xf32> to vector<16xf32>
      %max3A_440 = arith.maximumf %max3A_434, %get3A_439 : vector<16xf32>
      %get3A_441 = arith.constant 10 : i32
      %get3A_442 = arith.index_cast %get3A_441 : i32 to index
      %get3A_443 = arith.index_cast %mul3A_395 : i32 to index
      %get3A_444 = tpu.vector_load %arg14[%get3A_442, %get3A_443] {strides = array<i32>} : memref<16x768xf32, #tpu.memory_space<vmem>>, vector<1x16xf32>,
      %get3A_445 = vector.shape_cast %get3A_444 : vector<1x16xf32> to vector<16xf32>
      %max3A_446 = arith.maximumf %max3A_440, %get3A_445 : vector<16xf32>
      %get3A_447 = arith.constant 11 : i32
      %get3A_448 = arith.index_cast %get3A_447 : i32 to index
      %get3A_449 = arith.index_cast %mul3A_395 : i32 to index
      %get3A_450 = tpu.vector_load %arg14[%get3A_448, %get3A_449] {strides = array<i32>} : memref<16x768xf32, #tpu.memory_space<vmem>>, vector<1x16xf32>,
      %get3A_451 = vector.shape_cast %get3A_450 : vector<1x16xf32> to vector<16xf32>
      %max3A_452 = arith.maximumf %max3A_446, %get3A_451 : vector<16xf32>
      %swap3A = arith.constant 10 : i32
      %swap3A_453 = arith.index_cast %swap3A : i32 to index
      %swap3A_454 = arith.index_cast %mul3A_395 : i32 to index
      %swap3A_455 = tpu.vector_load %arg15[%swap3A_453, %swap3A_454] {strides = array<i32>} : memref<32x768xf32, #tpu.memory_space<vmem>>, vector<1x16xf32>,
      %swap3A_456 = vector.shape_cast %swap3A_455 : vector<1x16xf32> to vector<16xf32>
      %swap3A_457 = vector.shape_cast %max3A_452 : vector<16xf32> to vector<1x16xf32>
      tpu.vector_store %arg15[%swap3A_453, %swap3A_454], %swap3A_457 {strides = array<i32>} : memref<32x768xf32, #tpu.memory_space<vmem>>, vector<1x16xf32>,
      %scan3A_458 = arith.constant 0 : i32
      scf.yield %scan3A_458 : i32
    }
    %scan3A_186 = arith.constant 48 : i32
    %scan3A_187 = arith.constant 0 : i32
    %scan3A_188 = arith.constant 0 : i32
    %scan3A_189 = arith.constant 48 : i32
    %scan3A_190 = arith.addi %scan3A_188, %scan3A_189 : i32
    %scan3A_191 = arith.constant 1 : i32
    %scan3A_192 = scf.for %scan3A_392 = %scan3A_188 to %scan3A_190 step %scan3A_191 iter_args(%scan3A_393 = %scan3A_187) -> (i32)  : i32 {
      %mul3A_394 = arith.constant 16 : i32
      %mul3A_395 = arith.muli %scan3A_392, %mul3A_394 : i32
      %get3A = arith.constant 18 : i32
      %get3A_396 = arith.index_cast %get3A : i32 to index
      %get3A_397 = arith.index_cast %mul3A_395 : i32 to index
      %get3A_398 = tpu.vector_load %arg11[%get3A_396, %get3A_397] {strides = array<i32>} : memref<24x768xf32, #tpu.memory_space<vmem>>, vector<1x16xf32>,
      %get3A_399 = vector.shape_cast %get3A_398 : vector<1x16xf32> to vector<16xf32>
      %get3A_400 = arith.constant 19 : i32
      %get3A_401 = arith.index_cast %get3A_400 : i32 to index
      %get3A_402 = arith.index_cast %mul3A_395 : i32 to index
      %get3A_403 = tpu.vector_load %arg11[%get3A_401, %get3A_402] {strides = array<i32>} : memref<24x768xf32, #tpu.memory_space<vmem>>, vector<1x16xf32>,
      %get3A_404 = vector.shape_cast %get3A_403 : vector<1x16xf32> to vector<16xf32>
      %max3A = arith.maximumf %get3A_399, %get3A_404 : vector<16xf32>
      %get3A_405 = arith.constant 20 : i32
      %get3A_406 = arith.index_cast %get3A_405 : i32 to index
      %get3A_407 = arith.index_cast %mul3A_395 : i32 to index
      %get3A_408 = tpu.vector_load %arg11[%get3A_406, %get3A_407] {strides = array<i32>} : memref<24x768xf32, #tpu.memory_space<vmem>>, vector<1x16xf32>,
      %get3A_409 = vector.shape_cast %get3A_408 : vector<1x16xf32> to vector<16xf32>
      %max3A_410 = arith.maximumf %max3A, %get3A_409 : vector<16xf32>
      %get3A_411 = arith.constant 21 : i32
      %get3A_412 = arith.index_cast %get3A_411 : i32 to index
      %get3A_413 = arith.index_cast %mul3A_395 : i32 to index
      %get3A_414 = tpu.vector_load %arg11[%get3A_412, %get3A_413] {strides = array<i32>} : memref<24x768xf32, #tpu.memory_space<vmem>>, vector<1x16xf32>,
      %get3A_415 = vector.shape_cast %get3A_414 : vector<1x16xf32> to vector<16xf32>
      %max3A_416 = arith.maximumf %max3A_410, %get3A_415 : vector<16xf32>
      %get3A_417 = arith.constant 22 : i32
      %get3A_418 = arith.index_cast %get3A_417 : i32 to index
      %get3A_419 = arith.index_cast %mul3A_395 : i32 to index
      %get3A_420 = tpu.vector_load %arg11[%get3A_418, %get3A_419] {strides = array<i32>} : memref<24x768xf32, #tpu.memory_space<vmem>>, vector<1x16xf32>,
      %get3A_421 = vector.shape_cast %get3A_420 : vector<1x16xf32> to vector<16xf32>
      %max3A_422 = arith.maximumf %max3A_416, %get3A_421 : vector<16xf32>
      %get3A_423 = arith.constant 23 : i32
      %get3A_424 = arith.index_cast %get3A_423 : i32 to index
      %get3A_425 = arith.index_cast %mul3A_395 : i32 to index
      %get3A_426 = tpu.vector_load %arg11[%get3A_424, %get3A_425] {strides = array<i32>} : memref<24x768xf32, #tpu.memory_space<vmem>>, vector<1x16xf32>,
      %get3A_427 = vector.shape_cast %get3A_426 : vector<1x16xf32> to vector<16xf32>
      %max3A_428 = arith.maximumf %max3A_422, %get3A_427 : vector<16xf32>
      %get3A_429 = arith.constant 12 : i32
      %get3A_430 = arith.index_cast %get3A_429 : i32 to index
      %get3A_431 = arith.index_cast %mul3A_395 : i32 to index
      %get3A_432 = tpu.vector_load %arg14[%get3A_430, %get3A_431] {strides = array<i32>} : memref<16x768xf32, #tpu.memory_space<vmem>>, vector<1x16xf32>,
      %get3A_433 = vector.shape_cast %get3A_432 : vector<1x16xf32> to vector<16xf32>
      %max3A_434 = arith.maximumf %max3A_428, %get3A_433 : vector<16xf32>
      %get3A_435 = arith.constant 13 : i32
      %get3A_436 = arith.index_cast %get3A_435 : i32 to index
      %get3A_437 = arith.index_cast %mul3A_395 : i32 to index
      %get3A_438 = tpu.vector_load %arg14[%get3A_436, %get3A_437] {strides = array<i32>} : memref<16x768xf32, #tpu.memory_space<vmem>>, vector<1x16xf32>,
      %get3A_439 = vector.shape_cast %get3A_438 : vector<1x16xf32> to vector<16xf32>
      %max3A_440 = arith.maximumf %max3A_434, %get3A_439 : vector<16xf32>
      %get3A_441 = arith.constant 14 : i32
      %get3A_442 = arith.index_cast %get3A_441 : i32 to index
      %get3A_443 = arith.index_cast %mul3A_395 : i32 to index
      %get3A_444 = tpu.vector_load %arg14[%get3A_442, %get3A_443] {strides = array<i32>} : memref<16x768xf32, #tpu.memory_space<vmem>>, vector<1x16xf32>,
      %get3A_445 = vector.shape_cast %get3A_444 : vector<1x16xf32> to vector<16xf32>
      %max3A_446 = arith.maximumf %max3A_440, %get3A_445 : vector<16xf32>
      %get3A_447 = arith.constant 15 : i32
      %get3A_448 = arith.index_cast %get3A_447 : i32 to index
      %get3A_449 = arith.index_cast %mul3A_395 : i32 to index
      %get3A_450 = tpu.vector_load %arg14[%get3A_448, %get3A_449] {strides = array<i32>} : memref<16x768xf32, #tpu.memory_space<vmem>>, vector<1x16xf32>,
      %get3A_451 = vector.shape_cast %get3A_450 : vector<1x16xf32> to vector<16xf32>
      %max3A_452 = arith.maximumf %max3A_446, %get3A_451 : vector<16xf32>
      %swap3A = arith.constant 11 : i32
      %swap3A_453 = arith.index_cast %swap3A : i32 to index
      %swap3A_454 = arith.index_cast %mul3A_395 : i32 to index
      %swap3A_455 = tpu.vector_load %arg15[%swap3A_453, %swap3A_454] {strides = array<i32>} : memref<32x768xf32, #tpu.memory_space<vmem>>, vector<1x16xf32>,
      %swap3A_456 = vector.shape_cast %swap3A_455 : vector<1x16xf32> to vector<16xf32>
      %swap3A_457 = vector.shape_cast %max3A_452 : vector<16xf32> to vector<1x16xf32>
      tpu.vector_store %arg15[%swap3A_453, %swap3A_454], %swap3A_457 {strides = array<i32>} : memref<32x768xf32, #tpu.memory_space<vmem>>, vector<1x16xf32>,
      %scan3A_458 = arith.constant 0 : i32
      scf.yield %scan3A_458 : i32
    }
    %scan3A_193 = arith.constant 48 : i32
    %dma_start3A_194 = arith.constant 5 : i32
    %dma_start3A_195 = arith.constant 0 : i32
    %dma_start3A_196 = tpu.memref_slice %arg7[%dma_start3A_194, %dma_start3A_195] : memref<7x24xi32, #tpu.memory_space<vmem>> -> memref<1x24xi32, #tpu.memory_space<vmem>>
    %dma_start3A_197 = tpu.memref_squeeze %dma_start3A_196 : memref<1x24xi32, #tpu.memory_space<vmem>> -> memref<24xi32, #tpu.memory_space<vmem>>
    %dma_start3A_198 = arith.constant 0 : i32
    %dma_start3A_199 = arith.constant 0 : i32
    %dma_start3A_200 = tpu.memref_slice %arg2[%dma_start3A_198, %dma_start3A_199] : memref<16384x768xf32, #tpu.memory_space<hbm>> -> memref<16384x768xf32, #tpu.memory_space<hbm>>
    tpu.enqueue_indirect_dma source(%dma_start3A_200 : memref<16384x768xf32, #tpu.memory_space<hbm>>) target(%arg11 : memref<24x768xf32, #tpu.memory_space<vmem>>) offsets(%dma_start3A_197 : memref<24xi32, #tpu.memory_space<vmem>>) semaphore(%arg18 : memref<!tpu.dma_semaphore, #tpu.memory_space<semaphore_mem>>)
    %dma_start3A_201 = arith.constant 5 : i32
    %dma_start3A_202 = arith.constant 0 : i32
    %dma_start3A_203 = tpu.memref_slice %arg8[%dma_start3A_201, %dma_start3A_202] : memref<7x16xi32, #tpu.memory_space<vmem>> -> memref<1x16xi32, #tpu.memory_space<vmem>>
    %dma_start3A_204 = tpu.memref_squeeze %dma_start3A_203 : memref<1x16xi32, #tpu.memory_space<vmem>> -> memref<16xi32, #tpu.memory_space<vmem>>
    %dma_start3A_205 = arith.constant 0 : i32
    %dma_start3A_206 = arith.constant 0 : i32
    %dma_start3A_207 = tpu.memref_slice %arg3[%dma_start3A_205, %dma_start3A_206] : memref<20544x768xf32, #tpu.memory_space<hbm>> -> memref<20544x768xf32, #tpu.memory_space<hbm>>
    tpu.enqueue_indirect_dma source(%dma_start3A_207 : memref<20544x768xf32, #tpu.memory_space<hbm>>) target(%arg14 : memref<16x768xf32, #tpu.memory_space<vmem>>) offsets(%dma_start3A_204 : memref<16xi32, #tpu.memory_space<vmem>>) semaphore(%arg21 : memref<!tpu.dma_semaphore, #tpu.memory_space<semaphore_mem>>)
    %dma_wait3A_208 = arith.constant 3 : i32
    %dma_wait3A_209 = arith.constant 0 : i32
    %dma_wait3A_210 = tpu.memref_slice %arg7[%dma_wait3A_208, %dma_wait3A_209] : memref<7x24xi32, #tpu.memory_space<vmem>> -> memref<1x24xi32, #tpu.memory_space<vmem>>
    %dma_wait3A_211 = tpu.memref_squeeze %dma_wait3A_210 : memref<1x24xi32, #tpu.memory_space<vmem>> -> memref<24xi32, #tpu.memory_space<vmem>>
    %dma_wait3A_212 = arith.constant 0 : i32
    %dma_wait3A_213 = arith.constant 0 : i32
    %dma_wait3A_214 = tpu.memref_slice %arg2[%dma_wait3A_212, %dma_wait3A_213] : memref<16384x768xf32, #tpu.memory_space<hbm>> -> memref<16384x768xf32, #tpu.memory_space<hbm>>
    tpu.wait_indirect_dma semaphore(%arg16 : memref<!tpu.dma_semaphore, #tpu.memory_space<semaphore_mem>>) src(%dma_wait3A_214 : memref<16384x768xf32, #tpu.memory_space<hbm>>) dst(%arg9 : memref<24x768xf32, #tpu.memory_space<vmem>>)
    %dma_wait3A_215 = arith.constant 3 : i32
    %dma_wait3A_216 = arith.constant 0 : i32
    %dma_wait3A_217 = tpu.memref_slice %arg8[%dma_wait3A_215, %dma_wait3A_216] : memref<7x16xi32, #tpu.memory_space<vmem>> -> memref<1x16xi32, #tpu.memory_space<vmem>>
    %dma_wait3A_218 = tpu.memref_squeeze %dma_wait3A_217 : memref<1x16xi32, #tpu.memory_space<vmem>> -> memref<16xi32, #tpu.memory_space<vmem>>
    %dma_wait3A_219 = arith.constant 0 : i32
    %dma_wait3A_220 = arith.constant 0 : i32
    %dma_wait3A_221 = tpu.memref_slice %arg3[%dma_wait3A_219, %dma_wait3A_220] : memref<20544x768xf32, #tpu.memory_space<hbm>> -> memref<20544x768xf32, #tpu.memory_space<hbm>>
    tpu.wait_indirect_dma semaphore(%arg19 : memref<!tpu.dma_semaphore, #tpu.memory_space<semaphore_mem>>) src(%dma_wait3A_221 : memref<20544x768xf32, #tpu.memory_space<hbm>>) dst(%arg12 : memref<16x768xf32, #tpu.memory_space<vmem>>)
    %scan3A_222 = arith.constant 0 : i32
    %scan3A_223 = arith.constant 0 : i32
    %scan3A_224 = arith.constant 48 : i32
    %scan3A_225 = arith.addi %scan3A_223, %scan3A_224 : i32
    %scan3A_226 = arith.constant 1 : i32
    %scan3A_227 = scf.for %scan3A_392 = %scan3A_223 to %scan3A_225 step %scan3A_226 iter_args(%scan3A_393 = %scan3A_222) -> (i32)  : i32 {
      %mul3A_394 = arith.constant 16 : i32
      %mul3A_395 = arith.muli %scan3A_392, %mul3A_394 : i32
      %get3A = arith.constant 0 : i32
      %get3A_396 = arith.index_cast %get3A : i32 to index
      %get3A_397 = arith.index_cast %mul3A_395 : i32 to index
      %get3A_398 = tpu.vector_load %arg9[%get3A_396, %get3A_397] {strides = array<i32>} : memref<24x768xf32, #tpu.memory_space<vmem>>, vector<1x16xf32>,
      %get3A_399 = vector.shape_cast %get3A_398 : vector<1x16xf32> to vector<16xf32>
      %get3A_400 = arith.constant 1 : i32
      %get3A_401 = arith.index_cast %get3A_400 : i32 to index
      %get3A_402 = arith.index_cast %mul3A_395 : i32 to index
      %get3A_403 = tpu.vector_load %arg9[%get3A_401, %get3A_402] {strides = array<i32>} : memref<24x768xf32, #tpu.memory_space<vmem>>, vector<1x16xf32>,
      %get3A_404 = vector.shape_cast %get3A_403 : vector<1x16xf32> to vector<16xf32>
      %max3A = arith.maximumf %get3A_399, %get3A_404 : vector<16xf32>
      %get3A_405 = arith.constant 2 : i32
      %get3A_406 = arith.index_cast %get3A_405 : i32 to index
      %get3A_407 = arith.index_cast %mul3A_395 : i32 to index
      %get3A_408 = tpu.vector_load %arg9[%get3A_406, %get3A_407] {strides = array<i32>} : memref<24x768xf32, #tpu.memory_space<vmem>>, vector<1x16xf32>,
      %get3A_409 = vector.shape_cast %get3A_408 : vector<1x16xf32> to vector<16xf32>
      %max3A_410 = arith.maximumf %max3A, %get3A_409 : vector<16xf32>
      %get3A_411 = arith.constant 3 : i32
      %get3A_412 = arith.index_cast %get3A_411 : i32 to index
      %get3A_413 = arith.index_cast %mul3A_395 : i32 to index
      %get3A_414 = tpu.vector_load %arg9[%get3A_412, %get3A_413] {strides = array<i32>} : memref<24x768xf32, #tpu.memory_space<vmem>>, vector<1x16xf32>,
      %get3A_415 = vector.shape_cast %get3A_414 : vector<1x16xf32> to vector<16xf32>
      %max3A_416 = arith.maximumf %max3A_410, %get3A_415 : vector<16xf32>
      %get3A_417 = arith.constant 4 : i32
      %get3A_418 = arith.index_cast %get3A_417 : i32 to index
      %get3A_419 = arith.index_cast %mul3A_395 : i32 to index
      %get3A_420 = tpu.vector_load %arg9[%get3A_418, %get3A_419] {strides = array<i32>} : memref<24x768xf32, #tpu.memory_space<vmem>>, vector<1x16xf32>,
      %get3A_421 = vector.shape_cast %get3A_420 : vector<1x16xf32> to vector<16xf32>
      %max3A_422 = arith.maximumf %max3A_416, %get3A_421 : vector<16xf32>
      %get3A_423 = arith.constant 5 : i32
      %get3A_424 = arith.index_cast %get3A_423 : i32 to index
      %get3A_425 = arith.index_cast %mul3A_395 : i32 to index
      %get3A_426 = tpu.vector_load %arg9[%get3A_424, %get3A_425] {strides = array<i32>} : memref<24x768xf32, #tpu.memory_space<vmem>>, vector<1x16xf32>,
      %get3A_427 = vector.shape_cast %get3A_426 : vector<1x16xf32> to vector<16xf32>
      %max3A_428 = arith.maximumf %max3A_422, %get3A_427 : vector<16xf32>
      %get3A_429 = arith.constant 0 : i32
      %get3A_430 = arith.index_cast %get3A_429 : i32 to index
      %get3A_431 = arith.index_cast %mul3A_395 : i32 to index
      %get3A_432 = tpu.vector_load %arg12[%get3A_430, %get3A_431] {strides = array<i32>} : memref<16x768xf32, #tpu.memory_space<vmem>>, vector<1x16xf32>,
      %get3A_433 = vector.shape_cast %get3A_432 : vector<1x16xf32> to vector<16xf32>
      %max3A_434 = arith.maximumf %max3A_428, %get3A_433 : vector<16xf32>
      %get3A_435 = arith.constant 1 : i32
      %get3A_436 = arith.index_cast %get3A_435 : i32 to index
      %get3A_437 = arith.index_cast %mul3A_395 : i32 to index
      %get3A_438 = tpu.vector_load %arg12[%get3A_436, %get3A_437] {strides = array<i32>} : memref<16x768xf32, #tpu.memory_space<vmem>>, vector<1x16xf32>,
      %get3A_439 = vector.shape_cast %get3A_438 : vector<1x16xf32> to vector<16xf32>
      %max3A_440 = arith.maximumf %max3A_434, %get3A_439 : vector<16xf32>
      %get3A_441 = arith.constant 2 : i32
      %get3A_442 = arith.index_cast %get3A_441 : i32 to index
      %get3A_443 = arith.index_cast %mul3A_395 : i32 to index
      %get3A_444 = tpu.vector_load %arg12[%get3A_442, %get3A_443] {strides = array<i32>} : memref<16x768xf32, #tpu.memory_space<vmem>>, vector<1x16xf32>,
      %get3A_445 = vector.shape_cast %get3A_444 : vector<1x16xf32> to vector<16xf32>
      %max3A_446 = arith.maximumf %max3A_440, %get3A_445 : vector<16xf32>
      %get3A_447 = arith.constant 3 : i32
      %get3A_448 = arith.index_cast %get3A_447 : i32 to index
      %get3A_449 = arith.index_cast %mul3A_395 : i32 to index
      %get3A_450 = tpu.vector_load %arg12[%get3A_448, %get3A_449] {strides = array<i32>} : memref<16x768xf32, #tpu.memory_space<vmem>>, vector<1x16xf32>,
      %get3A_451 = vector.shape_cast %get3A_450 : vector<1x16xf32> to vector<16xf32>
      %max3A_452 = arith.maximumf %max3A_446, %get3A_451 : vector<16xf32>
      %swap3A = arith.constant 12 : i32
      %swap3A_453 = arith.index_cast %swap3A : i32 to index
      %swap3A_454 = arith.index_cast %mul3A_395 : i32 to index
      %swap3A_455 = tpu.vector_load %arg15[%swap3A_453, %swap3A_454] {strides = array<i32>} : memref<32x768xf32, #tpu.memory_space<vmem>>, vector<1x16xf32>,
      %swap3A_456 = vector.shape_cast %swap3A_455 : vector<1x16xf32> to vector<16xf32>
      %swap3A_457 = vector.shape_cast %max3A_452 : vector<16xf32> to vector<1x16xf32>
      tpu.vector_store %arg15[%swap3A_453, %swap3A_454], %swap3A_457 {strides = array<i32>} : memref<32x768xf32, #tpu.memory_space<vmem>>, vector<1x16xf32>,
      %scan3A_458 = arith.constant 0 : i32
      scf.yield %scan3A_458 : i32
    }
    %scan3A_228 = arith.constant 48 : i32
    %scan3A_229 = arith.constant 0 : i32
    %scan3A_230 = arith.constant 0 : i32
    %scan3A_231 = arith.constant 48 : i32
    %scan3A_232 = arith.addi %scan3A_230, %scan3A_231 : i32
    %scan3A_233 = arith.constant 1 : i32
    %scan3A_234 = scf.for %scan3A_392 = %scan3A_230 to %scan3A_232 step %scan3A_233 iter_args(%scan3A_393 = %scan3A_229) -> (i32)  : i32 {
      %mul3A_394 = arith.constant 16 : i32
      %mul3A_395 = arith.muli %scan3A_392, %mul3A_394 : i32
      %get3A = arith.constant 6 : i32
      %get3A_396 = arith.index_cast %get3A : i32 to index
      %get3A_397 = arith.index_cast %mul3A_395 : i32 to index
      %get3A_398 = tpu.vector_load %arg9[%get3A_396, %get3A_397] {strides = array<i32>} : memref<24x768xf32, #tpu.memory_space<vmem>>, vector<1x16xf32>,
      %get3A_399 = vector.shape_cast %get3A_398 : vector<1x16xf32> to vector<16xf32>
      %get3A_400 = arith.constant 7 : i32
      %get3A_401 = arith.index_cast %get3A_400 : i32 to index
      %get3A_402 = arith.index_cast %mul3A_395 : i32 to index
      %get3A_403 = tpu.vector_load %arg9[%get3A_401, %get3A_402] {strides = array<i32>} : memref<24x768xf32, #tpu.memory_space<vmem>>, vector<1x16xf32>,
      %get3A_404 = vector.shape_cast %get3A_403 : vector<1x16xf32> to vector<16xf32>
      %max3A = arith.maximumf %get3A_399, %get3A_404 : vector<16xf32>
      %get3A_405 = arith.constant 8 : i32
      %get3A_406 = arith.index_cast %get3A_405 : i32 to index
      %get3A_407 = arith.index_cast %mul3A_395 : i32 to index
      %get3A_408 = tpu.vector_load %arg9[%get3A_406, %get3A_407] {strides = array<i32>} : memref<24x768xf32, #tpu.memory_space<vmem>>, vector<1x16xf32>,
      %get3A_409 = vector.shape_cast %get3A_408 : vector<1x16xf32> to vector<16xf32>
      %max3A_410 = arith.maximumf %max3A, %get3A_409 : vector<16xf32>
      %get3A_411 = arith.constant 9 : i32
      %get3A_412 = arith.index_cast %get3A_411 : i32 to index
      %get3A_413 = arith.index_cast %mul3A_395 : i32 to index
      %get3A_414 = tpu.vector_load %arg9[%get3A_412, %get3A_413] {strides = array<i32>} : memref<24x768xf32, #tpu.memory_space<vmem>>, vector<1x16xf32>,
      %get3A_415 = vector.shape_cast %get3A_414 : vector<1x16xf32> to vector<16xf32>
      %max3A_416 = arith.maximumf %max3A_410, %get3A_415 : vector<16xf32>
      %get3A_417 = arith.constant 10 : i32
      %get3A_418 = arith.index_cast %get3A_417 : i32 to index
      %get3A_419 = arith.index_cast %mul3A_395 : i32 to index
      %get3A_420 = tpu.vector_load %arg9[%get3A_418, %get3A_419] {strides = array<i32>} : memref<24x768xf32, #tpu.memory_space<vmem>>, vector<1x16xf32>,
      %get3A_421 = vector.shape_cast %get3A_420 : vector<1x16xf32> to vector<16xf32>
      %max3A_422 = arith.maximumf %max3A_416, %get3A_421 : vector<16xf32>
      %get3A_423 = arith.constant 11 : i32
      %get3A_424 = arith.index_cast %get3A_423 : i32 to index
      %get3A_425 = arith.index_cast %mul3A_395 : i32 to index
      %get3A_426 = tpu.vector_load %arg9[%get3A_424, %get3A_425] {strides = array<i32>} : memref<24x768xf32, #tpu.memory_space<vmem>>, vector<1x16xf32>,
      %get3A_427 = vector.shape_cast %get3A_426 : vector<1x16xf32> to vector<16xf32>
      %max3A_428 = arith.maximumf %max3A_422, %get3A_427 : vector<16xf32>
      %get3A_429 = arith.constant 4 : i32
      %get3A_430 = arith.index_cast %get3A_429 : i32 to index
      %get3A_431 = arith.index_cast %mul3A_395 : i32 to index
      %get3A_432 = tpu.vector_load %arg12[%get3A_430, %get3A_431] {strides = array<i32>} : memref<16x768xf32, #tpu.memory_space<vmem>>, vector<1x16xf32>,
      %get3A_433 = vector.shape_cast %get3A_432 : vector<1x16xf32> to vector<16xf32>
      %max3A_434 = arith.maximumf %max3A_428, %get3A_433 : vector<16xf32>
      %get3A_435 = arith.constant 5 : i32
      %get3A_436 = arith.index_cast %get3A_435 : i32 to index
      %get3A_437 = arith.index_cast %mul3A_395 : i32 to index
      %get3A_438 = tpu.vector_load %arg12[%get3A_436, %get3A_437] {strides = array<i32>} : memref<16x768xf32, #tpu.memory_space<vmem>>, vector<1x16xf32>,
      %get3A_439 = vector.shape_cast %get3A_438 : vector<1x16xf32> to vector<16xf32>
      %max3A_440 = arith.maximumf %max3A_434, %get3A_439 : vector<16xf32>
      %get3A_441 = arith.constant 6 : i32
      %get3A_442 = arith.index_cast %get3A_441 : i32 to index
      %get3A_443 = arith.index_cast %mul3A_395 : i32 to index
      %get3A_444 = tpu.vector_load %arg12[%get3A_442, %get3A_443] {strides = array<i32>} : memref<16x768xf32, #tpu.memory_space<vmem>>, vector<1x16xf32>,
      %get3A_445 = vector.shape_cast %get3A_444 : vector<1x16xf32> to vector<16xf32>
      %max3A_446 = arith.maximumf %max3A_440, %get3A_445 : vector<16xf32>
      %get3A_447 = arith.constant 7 : i32
      %get3A_448 = arith.index_cast %get3A_447 : i32 to index
      %get3A_449 = arith.index_cast %mul3A_395 : i32 to index
      %get3A_450 = tpu.vector_load %arg12[%get3A_448, %get3A_449] {strides = array<i32>} : memref<16x768xf32, #tpu.memory_space<vmem>>, vector<1x16xf32>,
      %get3A_451 = vector.shape_cast %get3A_450 : vector<1x16xf32> to vector<16xf32>
      %max3A_452 = arith.maximumf %max3A_446, %get3A_451 : vector<16xf32>
      %swap3A = arith.constant 13 : i32
      %swap3A_453 = arith.index_cast %swap3A : i32 to index
      %swap3A_454 = arith.index_cast %mul3A_395 : i32 to index
      %swap3A_455 = tpu.vector_load %arg15[%swap3A_453, %swap3A_454] {strides = array<i32>} : memref<32x768xf32, #tpu.memory_space<vmem>>, vector<1x16xf32>,
      %swap3A_456 = vector.shape_cast %swap3A_455 : vector<1x16xf32> to vector<16xf32>
      %swap3A_457 = vector.shape_cast %max3A_452 : vector<16xf32> to vector<1x16xf32>
      tpu.vector_store %arg15[%swap3A_453, %swap3A_454], %swap3A_457 {strides = array<i32>} : memref<32x768xf32, #tpu.memory_space<vmem>>, vector<1x16xf32>,
      %scan3A_458 = arith.constant 0 : i32
      scf.yield %scan3A_458 : i32
    }
    %scan3A_235 = arith.constant 48 : i32
    %scan3A_236 = arith.constant 0 : i32
    %scan3A_237 = arith.constant 0 : i32
    %scan3A_238 = arith.constant 48 : i32
    %scan3A_239 = arith.addi %scan3A_237, %scan3A_238 : i32
    %scan3A_240 = arith.constant 1 : i32
    %scan3A_241 = scf.for %scan3A_392 = %scan3A_237 to %scan3A_239 step %scan3A_240 iter_args(%scan3A_393 = %scan3A_236) -> (i32)  : i32 {
      %mul3A_394 = arith.constant 16 : i32
      %mul3A_395 = arith.muli %scan3A_392, %mul3A_394 : i32
      %get3A = arith.constant 12 : i32
      %get3A_396 = arith.index_cast %get3A : i32 to index
      %get3A_397 = arith.index_cast %mul3A_395 : i32 to index
      %get3A_398 = tpu.vector_load %arg9[%get3A_396, %get3A_397] {strides = array<i32>} : memref<24x768xf32, #tpu.memory_space<vmem>>, vector<1x16xf32>,
      %get3A_399 = vector.shape_cast %get3A_398 : vector<1x16xf32> to vector<16xf32>
      %get3A_400 = arith.constant 13 : i32
      %get3A_401 = arith.index_cast %get3A_400 : i32 to index
      %get3A_402 = arith.index_cast %mul3A_395 : i32 to index
      %get3A_403 = tpu.vector_load %arg9[%get3A_401, %get3A_402] {strides = array<i32>} : memref<24x768xf32, #tpu.memory_space<vmem>>, vector<1x16xf32>,
      %get3A_404 = vector.shape_cast %get3A_403 : vector<1x16xf32> to vector<16xf32>
      %max3A = arith.maximumf %get3A_399, %get3A_404 : vector<16xf32>
      %get3A_405 = arith.constant 14 : i32
      %get3A_406 = arith.index_cast %get3A_405 : i32 to index
      %get3A_407 = arith.index_cast %mul3A_395 : i32 to index
      %get3A_408 = tpu.vector_load %arg9[%get3A_406, %get3A_407] {strides = array<i32>} : memref<24x768xf32, #tpu.memory_space<vmem>>, vector<1x16xf32>,
      %get3A_409 = vector.shape_cast %get3A_408 : vector<1x16xf32> to vector<16xf32>
      %max3A_410 = arith.maximumf %max3A, %get3A_409 : vector<16xf32>
      %get3A_411 = arith.constant 15 : i32
      %get3A_412 = arith.index_cast %get3A_411 : i32 to index
      %get3A_413 = arith.index_cast %mul3A_395 : i32 to index
      %get3A_414 = tpu.vector_load %arg9[%get3A_412, %get3A_413] {strides = array<i32>} : memref<24x768xf32, #tpu.memory_space<vmem>>, vector<1x16xf32>,
      %get3A_415 = vector.shape_cast %get3A_414 : vector<1x16xf32> to vector<16xf32>
      %max3A_416 = arith.maximumf %max3A_410, %get3A_415 : vector<16xf32>
      %get3A_417 = arith.constant 16 : i32
      %get3A_418 = arith.index_cast %get3A_417 : i32 to index
      %get3A_419 = arith.index_cast %mul3A_395 : i32 to index
      %get3A_420 = tpu.vector_load %arg9[%get3A_418, %get3A_419] {strides = array<i32>} : memref<24x768xf32, #tpu.memory_space<vmem>>, vector<1x16xf32>,
      %get3A_421 = vector.shape_cast %get3A_420 : vector<1x16xf32> to vector<16xf32>
      %max3A_422 = arith.maximumf %max3A_416, %get3A_421 : vector<16xf32>
      %get3A_423 = arith.constant 17 : i32
      %get3A_424 = arith.index_cast %get3A_423 : i32 to index
      %get3A_425 = arith.index_cast %mul3A_395 : i32 to index
      %get3A_426 = tpu.vector_load %arg9[%get3A_424, %get3A_425] {strides = array<i32>} : memref<24x768xf32, #tpu.memory_space<vmem>>, vector<1x16xf32>,
      %get3A_427 = vector.shape_cast %get3A_426 : vector<1x16xf32> to vector<16xf32>
      %max3A_428 = arith.maximumf %max3A_422, %get3A_427 : vector<16xf32>
      %get3A_429 = arith.constant 8 : i32
      %get3A_430 = arith.index_cast %get3A_429 : i32 to index
      %get3A_431 = arith.index_cast %mul3A_395 : i32 to index
      %get3A_432 = tpu.vector_load %arg12[%get3A_430, %get3A_431] {strides = array<i32>} : memref<16x768xf32, #tpu.memory_space<vmem>>, vector<1x16xf32>,
      %get3A_433 = vector.shape_cast %get3A_432 : vector<1x16xf32> to vector<16xf32>
      %max3A_434 = arith.maximumf %max3A_428, %get3A_433 : vector<16xf32>
      %get3A_435 = arith.constant 9 : i32
      %get3A_436 = arith.index_cast %get3A_435 : i32 to index
      %get3A_437 = arith.index_cast %mul3A_395 : i32 to index
      %get3A_438 = tpu.vector_load %arg12[%get3A_436, %get3A_437] {strides = array<i32>} : memref<16x768xf32, #tpu.memory_space<vmem>>, vector<1x16xf32>,
      %get3A_439 = vector.shape_cast %get3A_438 : vector<1x16xf32> to vector<16xf32>
      %max3A_440 = arith.maximumf %max3A_434, %get3A_439 : vector<16xf32>
      %get3A_441 = arith.constant 10 : i32
      %get3A_442 = arith.index_cast %get3A_441 : i32 to index
      %get3A_443 = arith.index_cast %mul3A_395 : i32 to index
      %get3A_444 = tpu.vector_load %arg12[%get3A_442, %get3A_443] {strides = array<i32>} : memref<16x768xf32, #tpu.memory_space<vmem>>, vector<1x16xf32>,
      %get3A_445 = vector.shape_cast %get3A_444 : vector<1x16xf32> to vector<16xf32>
      %max3A_446 = arith.maximumf %max3A_440, %get3A_445 : vector<16xf32>
      %get3A_447 = arith.constant 11 : i32
      %get3A_448 = arith.index_cast %get3A_447 : i32 to index
      %get3A_449 = arith.index_cast %mul3A_395 : i32 to index
      %get3A_450 = tpu.vector_load %arg12[%get3A_448, %get3A_449] {strides = array<i32>} : memref<16x768xf32, #tpu.memory_space<vmem>>, vector<1x16xf32>,
      %get3A_451 = vector.shape_cast %get3A_450 : vector<1x16xf32> to vector<16xf32>
      %max3A_452 = arith.maximumf %max3A_446, %get3A_451 : vector<16xf32>
      %swap3A = arith.constant 14 : i32
      %swap3A_453 = arith.index_cast %swap3A : i32 to index
      %swap3A_454 = arith.index_cast %mul3A_395 : i32 to index
      %swap3A_455 = tpu.vector_load %arg15[%swap3A_453, %swap3A_454] {strides = array<i32>} : memref<32x768xf32, #tpu.memory_space<vmem>>, vector<1x16xf32>,
      %swap3A_456 = vector.shape_cast %swap3A_455 : vector<1x16xf32> to vector<16xf32>
      %swap3A_457 = vector.shape_cast %max3A_452 : vector<16xf32> to vector<1x16xf32>
      tpu.vector_store %arg15[%swap3A_453, %swap3A_454], %swap3A_457 {strides = array<i32>} : memref<32x768xf32, #tpu.memory_space<vmem>>, vector<1x16xf32>,
      %scan3A_458 = arith.constant 0 : i32
      scf.yield %scan3A_458 : i32
    }
    %scan3A_242 = arith.constant 48 : i32
    %scan3A_243 = arith.constant 0 : i32
    %scan3A_244 = arith.constant 0 : i32
    %scan3A_245 = arith.constant 48 : i32
    %scan3A_246 = arith.addi %scan3A_244, %scan3A_245 : i32
    %scan3A_247 = arith.constant 1 : i32
    %scan3A_248 = scf.for %scan3A_392 = %scan3A_244 to %scan3A_246 step %scan3A_247 iter_args(%scan3A_393 = %scan3A_243) -> (i32)  : i32 {
      %mul3A_394 = arith.constant 16 : i32
      %mul3A_395 = arith.muli %scan3A_392, %mul3A_394 : i32
      %get3A = arith.constant 18 : i32
      %get3A_396 = arith.index_cast %get3A : i32 to index
      %get3A_397 = arith.index_cast %mul3A_395 : i32 to index
      %get3A_398 = tpu.vector_load %arg9[%get3A_396, %get3A_397] {strides = array<i32>} : memref<24x768xf32, #tpu.memory_space<vmem>>, vector<1x16xf32>,
      %get3A_399 = vector.shape_cast %get3A_398 : vector<1x16xf32> to vector<16xf32>
      %get3A_400 = arith.constant 19 : i32
      %get3A_401 = arith.index_cast %get3A_400 : i32 to index
      %get3A_402 = arith.index_cast %mul3A_395 : i32 to index
      %get3A_403 = tpu.vector_load %arg9[%get3A_401, %get3A_402] {strides = array<i32>} : memref<24x768xf32, #tpu.memory_space<vmem>>, vector<1x16xf32>,
      %get3A_404 = vector.shape_cast %get3A_403 : vector<1x16xf32> to vector<16xf32>
      %max3A = arith.maximumf %get3A_399, %get3A_404 : vector<16xf32>
      %get3A_405 = arith.constant 20 : i32
      %get3A_406 = arith.index_cast %get3A_405 : i32 to index
      %get3A_407 = arith.index_cast %mul3A_395 : i32 to index
      %get3A_408 = tpu.vector_load %arg9[%get3A_406, %get3A_407] {strides = array<i32>} : memref<24x768xf32, #tpu.memory_space<vmem>>, vector<1x16xf32>,
      %get3A_409 = vector.shape_cast %get3A_408 : vector<1x16xf32> to vector<16xf32>
      %max3A_410 = arith.maximumf %max3A, %get3A_409 : vector<16xf32>
      %get3A_411 = arith.constant 21 : i32
      %get3A_412 = arith.index_cast %get3A_411 : i32 to index
      %get3A_413 = arith.index_cast %mul3A_395 : i32 to index
      %get3A_414 = tpu.vector_load %arg9[%get3A_412, %get3A_413] {strides = array<i32>} : memref<24x768xf32, #tpu.memory_space<vmem>>, vector<1x16xf32>,
      %get3A_415 = vector.shape_cast %get3A_414 : vector<1x16xf32> to vector<16xf32>
      %max3A_416 = arith.maximumf %max3A_410, %get3A_415 : vector<16xf32>
      %get3A_417 = arith.constant 22 : i32
      %get3A_418 = arith.index_cast %get3A_417 : i32 to index
      %get3A_419 = arith.index_cast %mul3A_395 : i32 to index
      %get3A_420 = tpu.vector_load %arg9[%get3A_418, %get3A_419] {strides = array<i32>} : memref<24x768xf32, #tpu.memory_space<vmem>>, vector<1x16xf32>,
      %get3A_421 = vector.shape_cast %get3A_420 : vector<1x16xf32> to vector<16xf32>
      %max3A_422 = arith.maximumf %max3A_416, %get3A_421 : vector<16xf32>
      %get3A_423 = arith.constant 23 : i32
      %get3A_424 = arith.index_cast %get3A_423 : i32 to index
      %get3A_425 = arith.index_cast %mul3A_395 : i32 to index
      %get3A_426 = tpu.vector_load %arg9[%get3A_424, %get3A_425] {strides = array<i32>} : memref<24x768xf32, #tpu.memory_space<vmem>>, vector<1x16xf32>,
      %get3A_427 = vector.shape_cast %get3A_426 : vector<1x16xf32> to vector<16xf32>
      %max3A_428 = arith.maximumf %max3A_422, %get3A_427 : vector<16xf32>
      %get3A_429 = arith.constant 12 : i32
      %get3A_430 = arith.index_cast %get3A_429 : i32 to index
      %get3A_431 = arith.index_cast %mul3A_395 : i32 to index
      %get3A_432 = tpu.vector_load %arg12[%get3A_430, %get3A_431] {strides = array<i32>} : memref<16x768xf32, #tpu.memory_space<vmem>>, vector<1x16xf32>,
      %get3A_433 = vector.shape_cast %get3A_432 : vector<1x16xf32> to vector<16xf32>
      %max3A_434 = arith.maximumf %max3A_428, %get3A_433 : vector<16xf32>
      %get3A_435 = arith.constant 13 : i32
      %get3A_436 = arith.index_cast %get3A_435 : i32 to index
      %get3A_437 = arith.index_cast %mul3A_395 : i32 to index
      %get3A_438 = tpu.vector_load %arg12[%get3A_436, %get3A_437] {strides = array<i32>} : memref<16x768xf32, #tpu.memory_space<vmem>>, vector<1x16xf32>,
      %get3A_439 = vector.shape_cast %get3A_438 : vector<1x16xf32> to vector<16xf32>
      %max3A_440 = arith.maximumf %max3A_434, %get3A_439 : vector<16xf32>
      %get3A_441 = arith.constant 14 : i32
      %get3A_442 = arith.index_cast %get3A_441 : i32 to index
      %get3A_443 = arith.index_cast %mul3A_395 : i32 to index
      %get3A_444 = tpu.vector_load %arg12[%get3A_442, %get3A_443] {strides = array<i32>} : memref<16x768xf32, #tpu.memory_space<vmem>>, vector<1x16xf32>,
      %get3A_445 = vector.shape_cast %get3A_444 : vector<1x16xf32> to vector<16xf32>
      %max3A_446 = arith.maximumf %max3A_440, %get3A_445 : vector<16xf32>
      %get3A_447 = arith.constant 15 : i32
      %get3A_448 = arith.index_cast %get3A_447 : i32 to index
      %get3A_449 = arith.index_cast %mul3A_395 : i32 to index
      %get3A_450 = tpu.vector_load %arg12[%get3A_448, %get3A_449] {strides = array<i32>} : memref<16x768xf32, #tpu.memory_space<vmem>>, vector<1x16xf32>,
      %get3A_451 = vector.shape_cast %get3A_450 : vector<1x16xf32> to vector<16xf32>
      %max3A_452 = arith.maximumf %max3A_446, %get3A_451 : vector<16xf32>
      %swap3A = arith.constant 15 : i32
      %swap3A_453 = arith.index_cast %swap3A : i32 to index
      %swap3A_454 = arith.index_cast %mul3A_395 : i32 to index
      %swap3A_455 = tpu.vector_load %arg15[%swap3A_453, %swap3A_454] {strides = array<i32>} : memref<32x768xf32, #tpu.memory_space<vmem>>, vector<1x16xf32>,
      %swap3A_456 = vector.shape_cast %swap3A_455 : vector<1x16xf32> to vector<16xf32>
      %swap3A_457 = vector.shape_cast %max3A_452 : vector<16xf32> to vector<1x16xf32>
      tpu.vector_store %arg15[%swap3A_453, %swap3A_454], %swap3A_457 {strides = array<i32>} : memref<32x768xf32, #tpu.memory_space<vmem>>, vector<1x16xf32>,
      %scan3A_458 = arith.constant 0 : i32
      scf.yield %scan3A_458 : i32
    }
    %scan3A_249 = arith.constant 48 : i32
    %dma_start3A_250 = arith.constant 6 : i32
    %dma_start3A_251 = arith.constant 0 : i32
    %dma_start3A_252 = tpu.memref_slice %arg7[%dma_start3A_250, %dma_start3A_251] : memref<7x24xi32, #tpu.memory_space<vmem>> -> memref<1x24xi32, #tpu.memory_space<vmem>>
    %dma_start3A_253 = tpu.memref_squeeze %dma_start3A_252 : memref<1x24xi32, #tpu.memory_space<vmem>> -> memref<24xi32, #tpu.memory_space<vmem>>
    %dma_start3A_254 = arith.constant 0 : i32
    %dma_start3A_255 = arith.constant 0 : i32
    %dma_start3A_256 = tpu.memref_slice %arg2[%dma_start3A_254, %dma_start3A_255] : memref<16384x768xf32, #tpu.memory_space<hbm>> -> memref<16384x768xf32, #tpu.memory_space<hbm>>
    tpu.enqueue_indirect_dma source(%dma_start3A_256 : memref<16384x768xf32, #tpu.memory_space<hbm>>) target(%arg9 : memref<24x768xf32, #tpu.memory_space<vmem>>) offsets(%dma_start3A_253 : memref<24xi32, #tpu.memory_space<vmem>>) semaphore(%arg16 : memref<!tpu.dma_semaphore, #tpu.memory_space<semaphore_mem>>)
    %dma_start3A_257 = arith.constant 6 : i32
    %dma_start3A_258 = arith.constant 0 : i32
    %dma_start3A_259 = tpu.memref_slice %arg8[%dma_start3A_257, %dma_start3A_258] : memref<7x16xi32, #tpu.memory_space<vmem>> -> memref<1x16xi32, #tpu.memory_space<vmem>>
    %dma_start3A_260 = tpu.memref_squeeze %dma_start3A_259 : memref<1x16xi32, #tpu.memory_space<vmem>> -> memref<16xi32, #tpu.memory_space<vmem>>
    %dma_start3A_261 = arith.constant 0 : i32
    %dma_start3A_262 = arith.constant 0 : i32
    %dma_start3A_263 = tpu.memref_slice %arg3[%dma_start3A_261, %dma_start3A_262] : memref<20544x768xf32, #tpu.memory_space<hbm>> -> memref<20544x768xf32, #tpu.memory_space<hbm>>
    tpu.enqueue_indirect_dma source(%dma_start3A_263 : memref<20544x768xf32, #tpu.memory_space<hbm>>) target(%arg12 : memref<16x768xf32, #tpu.memory_space<vmem>>) offsets(%dma_start3A_260 : memref<16xi32, #tpu.memory_space<vmem>>) semaphore(%arg19 : memref<!tpu.dma_semaphore, #tpu.memory_space<semaphore_mem>>)
    %dma_wait3A_264 = arith.constant 4 : i32
    %dma_wait3A_265 = arith.constant 0 : i32
    %dma_wait3A_266 = tpu.memref_slice %arg7[%dma_wait3A_264, %dma_wait3A_265] : memref<7x24xi32, #tpu.memory_space<vmem>> -> memref<1x24xi32, #tpu.memory_space<vmem>>
    %dma_wait3A_267 = tpu.memref_squeeze %dma_wait3A_266 : memref<1x24xi32, #tpu.memory_space<vmem>> -> memref<24xi32, #tpu.memory_space<vmem>>
    %dma_wait3A_268 = arith.constant 0 : i32
    %dma_wait3A_269 = arith.constant 0 : i32
    %dma_wait3A_270 = tpu.memref_slice %arg2[%dma_wait3A_268, %dma_wait3A_269] : memref<16384x768xf32, #tpu.memory_space<hbm>> -> memref<16384x768xf32, #tpu.memory_space<hbm>>
    tpu.wait_indirect_dma semaphore(%arg17 : memref<!tpu.dma_semaphore, #tpu.memory_space<semaphore_mem>>) src(%dma_wait3A_270 : memref<16384x768xf32, #tpu.memory_space<hbm>>) dst(%arg10 : memref<24x768xf32, #tpu.memory_space<vmem>>)
    %dma_wait3A_271 = arith.constant 4 : i32
    %dma_wait3A_272 = arith.constant 0 : i32
    %dma_wait3A_273 = tpu.memref_slice %arg8[%dma_wait3A_271, %dma_wait3A_272] : memref<7x16xi32, #tpu.memory_space<vmem>> -> memref<1x16xi32, #tpu.memory_space<vmem>>
    %dma_wait3A_274 = tpu.memref_squeeze %dma_wait3A_273 : memref<1x16xi32, #tpu.memory_space<vmem>> -> memref<16xi32, #tpu.memory_space<vmem>>
    %dma_wait3A_275 = arith.constant 0 : i32
    %dma_wait3A_276 = arith.constant 0 : i32
    %dma_wait3A_277 = tpu.memref_slice %arg3[%dma_wait3A_275, %dma_wait3A_276] : memref<20544x768xf32, #tpu.memory_space<hbm>> -> memref<20544x768xf32, #tpu.memory_space<hbm>>
    tpu.wait_indirect_dma semaphore(%arg20 : memref<!tpu.dma_semaphore, #tpu.memory_space<semaphore_mem>>) src(%dma_wait3A_277 : memref<20544x768xf32, #tpu.memory_space<hbm>>) dst(%arg13 : memref<16x768xf32, #tpu.memory_space<vmem>>)
    %scan3A_278 = arith.constant 0 : i32
    %scan3A_279 = arith.constant 0 : i32
    %scan3A_280 = arith.constant 48 : i32
    %scan3A_281 = arith.addi %scan3A_279, %scan3A_280 : i32
    %scan3A_282 = arith.constant 1 : i32
    %scan3A_283 = scf.for %scan3A_392 = %scan3A_279 to %scan3A_281 step %scan3A_282 iter_args(%scan3A_393 = %scan3A_278) -> (i32)  : i32 {
      %mul3A_394 = arith.constant 16 : i32
      %mul3A_395 = arith.muli %scan3A_392, %mul3A_394 : i32
      %get3A = arith.constant 0 : i32
      %get3A_396 = arith.index_cast %get3A : i32 to index
      %get3A_397 = arith.index_cast %mul3A_395 : i32 to index
      %get3A_398 = tpu.vector_load %arg10[%get3A_396, %get3A_397] {strides = array<i32>} : memref<24x768xf32, #tpu.memory_space<vmem>>, vector<1x16xf32>,
      %get3A_399 = vector.shape_cast %get3A_398 : vector<1x16xf32> to vector<16xf32>
      %get3A_400 = arith.constant 1 : i32
      %get3A_401 = arith.index_cast %get3A_400 : i32 to index
      %get3A_402 = arith.index_cast %mul3A_395 : i32 to index
      %get3A_403 = tpu.vector_load %arg10[%get3A_401, %get3A_402] {strides = array<i32>} : memref<24x768xf32, #tpu.memory_space<vmem>>, vector<1x16xf32>,
      %get3A_404 = vector.shape_cast %get3A_403 : vector<1x16xf32> to vector<16xf32>
      %max3A = arith.maximumf %get3A_399, %get3A_404 : vector<16xf32>
      %get3A_405 = arith.constant 2 : i32
      %get3A_406 = arith.index_cast %get3A_405 : i32 to index
      %get3A_407 = arith.index_cast %mul3A_395 : i32 to index
      %get3A_408 = tpu.vector_load %arg10[%get3A_406, %get3A_407] {strides = array<i32>} : memref<24x768xf32, #tpu.memory_space<vmem>>, vector<1x16xf32>,
      %get3A_409 = vector.shape_cast %get3A_408 : vector<1x16xf32> to vector<16xf32>
      %max3A_410 = arith.maximumf %max3A, %get3A_409 : vector<16xf32>
      %get3A_411 = arith.constant 3 : i32
      %get3A_412 = arith.index_cast %get3A_411 : i32 to index
      %get3A_413 = arith.index_cast %mul3A_395 : i32 to index
      %get3A_414 = tpu.vector_load %arg10[%get3A_412, %get3A_413] {strides = array<i32>} : memref<24x768xf32, #tpu.memory_space<vmem>>, vector<1x16xf32>,
      %get3A_415 = vector.shape_cast %get3A_414 : vector<1x16xf32> to vector<16xf32>
      %max3A_416 = arith.maximumf %max3A_410, %get3A_415 : vector<16xf32>
      %get3A_417 = arith.constant 4 : i32
      %get3A_418 = arith.index_cast %get3A_417 : i32 to index
      %get3A_419 = arith.index_cast %mul3A_395 : i32 to index
      %get3A_420 = tpu.vector_load %arg10[%get3A_418, %get3A_419] {strides = array<i32>} : memref<24x768xf32, #tpu.memory_space<vmem>>, vector<1x16xf32>,
      %get3A_421 = vector.shape_cast %get3A_420 : vector<1x16xf32> to vector<16xf32>
      %max3A_422 = arith.maximumf %max3A_416, %get3A_421 : vector<16xf32>
      %get3A_423 = arith.constant 5 : i32
      %get3A_424 = arith.index_cast %get3A_423 : i32 to index
      %get3A_425 = arith.index_cast %mul3A_395 : i32 to index
      %get3A_426 = tpu.vector_load %arg10[%get3A_424, %get3A_425] {strides = array<i32>} : memref<24x768xf32, #tpu.memory_space<vmem>>, vector<1x16xf32>,
      %get3A_427 = vector.shape_cast %get3A_426 : vector<1x16xf32> to vector<16xf32>
      %max3A_428 = arith.maximumf %max3A_422, %get3A_427 : vector<16xf32>
      %get3A_429 = arith.constant 0 : i32
      %get3A_430 = arith.index_cast %get3A_429 : i32 to index
      %get3A_431 = arith.index_cast %mul3A_395 : i32 to index
      %get3A_432 = tpu.vector_load %arg13[%get3A_430, %get3A_431] {strides = array<i32>} : memref<16x768xf32, #tpu.memory_space<vmem>>, vector<1x16xf32>,
      %get3A_433 = vector.shape_cast %get3A_432 : vector<1x16xf32> to vector<16xf32>
      %max3A_434 = arith.maximumf %max3A_428, %get3A_433 : vector<16xf32>
      %get3A_435 = arith.constant 1 : i32
      %get3A_436 = arith.index_cast %get3A_435 : i32 to index
      %get3A_437 = arith.index_cast %mul3A_395 : i32 to index
      %get3A_438 = tpu.vector_load %arg13[%get3A_436, %get3A_437] {strides = array<i32>} : memref<16x768xf32, #tpu.memory_space<vmem>>, vector<1x16xf32>,
      %get3A_439 = vector.shape_cast %get3A_438 : vector<1x16xf32> to vector<16xf32>
      %max3A_440 = arith.maximumf %max3A_434, %get3A_439 : vector<16xf32>
      %get3A_441 = arith.constant 2 : i32
      %get3A_442 = arith.index_cast %get3A_441 : i32 to index
      %get3A_443 = arith.index_cast %mul3A_395 : i32 to index
      %get3A_444 = tpu.vector_load %arg13[%get3A_442, %get3A_443] {strides = array<i32>} : memref<16x768xf32, #tpu.memory_space<vmem>>, vector<1x16xf32>,
      %get3A_445 = vector.shape_cast %get3A_444 : vector<1x16xf32> to vector<16xf32>
      %max3A_446 = arith.maximumf %max3A_440, %get3A_445 : vector<16xf32>
      %get3A_447 = arith.constant 3 : i32
      %get3A_448 = arith.index_cast %get3A_447 : i32 to index
      %get3A_449 = arith.index_cast %mul3A_395 : i32 to index
      %get3A_450 = tpu.vector_load %arg13[%get3A_448, %get3A_449] {strides = array<i32>} : memref<16x768xf32, #tpu.memory_space<vmem>>, vector<1x16xf32>,
      %get3A_451 = vector.shape_cast %get3A_450 : vector<1x16xf32> to vector<16xf32>
      %max3A_452 = arith.maximumf %max3A_446, %get3A_451 : vector<16xf32>
      %swap3A = arith.constant 16 : i32
      %swap3A_453 = arith.index_cast %swap3A : i32 to index
      %swap3A_454 = arith.index_cast %mul3A_395 : i32 to index
      %swap3A_455 = tpu.vector_load %arg15[%swap3A_453, %swap3A_454] {strides = array<i32>} : memref<32x768xf32, #tpu.memory_space<vmem>>, vector<1x16xf32>,
      %swap3A_456 = vector.shape_cast %swap3A_455 : vector<1x16xf32> to vector<16xf32>
      %swap3A_457 = vector.shape_cast %max3A_452 : vector<16xf32> to vector<1x16xf32>
      tpu.vector_store %arg15[%swap3A_453, %swap3A_454], %swap3A_457 {strides = array<i32>} : memref<32x768xf32, #tpu.memory_space<vmem>>, vector<1x16xf32>,
      %scan3A_458 = arith.constant 0 : i32
      scf.yield %scan3A_458 : i32
    }
    %scan3A_284 = arith.constant 48 : i32
    %scan3A_285 = arith.constant 0 : i32
    %scan3A_286 = arith.constant 0 : i32
    %scan3A_287 = arith.constant 48 : i32
    %scan3A_288 = arith.addi %scan3A_286, %scan3A_287 : i32
    %scan3A_289 = arith.constant 1 : i32
    %scan3A_290 = scf.for %scan3A_392 = %scan3A_286 to %scan3A_288 step %scan3A_289 iter_args(%scan3A_393 = %scan3A_285) -> (i32)  : i32 {
      %mul3A_394 = arith.constant 16 : i32
      %mul3A_395 = arith.muli %scan3A_392, %mul3A_394 : i32
      %get3A = arith.constant 6 : i32
      %get3A_396 = arith.index_cast %get3A : i32 to index
      %get3A_397 = arith.index_cast %mul3A_395 : i32 to index
      %get3A_398 = tpu.vector_load %arg10[%get3A_396, %get3A_397] {strides = array<i32>} : memref<24x768xf32, #tpu.memory_space<vmem>>, vector<1x16xf32>,
      %get3A_399 = vector.shape_cast %get3A_398 : vector<1x16xf32> to vector<16xf32>
      %get3A_400 = arith.constant 7 : i32
      %get3A_401 = arith.index_cast %get3A_400 : i32 to index
      %get3A_402 = arith.index_cast %mul3A_395 : i32 to index
      %get3A_403 = tpu.vector_load %arg10[%get3A_401, %get3A_402] {strides = array<i32>} : memref<24x768xf32, #tpu.memory_space<vmem>>, vector<1x16xf32>,
      %get3A_404 = vector.shape_cast %get3A_403 : vector<1x16xf32> to vector<16xf32>
      %max3A = arith.maximumf %get3A_399, %get3A_404 : vector<16xf32>
      %get3A_405 = arith.constant 8 : i32
      %get3A_406 = arith.index_cast %get3A_405 : i32 to index
      %get3A_407 = arith.index_cast %mul3A_395 : i32 to index
      %get3A_408 = tpu.vector_load %arg10[%get3A_406, %get3A_407] {strides = array<i32>} : memref<24x768xf32, #tpu.memory_space<vmem>>, vector<1x16xf32>,
      %get3A_409 = vector.shape_cast %get3A_408 : vector<1x16xf32> to vector<16xf32>
      %max3A_410 = arith.maximumf %max3A, %get3A_409 : vector<16xf32>
      %get3A_411 = arith.constant 9 : i32
      %get3A_412 = arith.index_cast %get3A_411 : i32 to index
      %get3A_413 = arith.index_cast %mul3A_395 : i32 to index
      %get3A_414 = tpu.vector_load %arg10[%get3A_412, %get3A_413] {strides = array<i32>} : memref<24x768xf32, #tpu.memory_space<vmem>>, vector<1x16xf32>,
      %get3A_415 = vector.shape_cast %get3A_414 : vector<1x16xf32> to vector<16xf32>
      %max3A_416 = arith.maximumf %max3A_410, %get3A_415 : vector<16xf32>
      %get3A_417 = arith.constant 10 : i32
      %get3A_418 = arith.index_cast %get3A_417 : i32 to index
      %get3A_419 = arith.index_cast %mul3A_395 : i32 to index
      %get3A_420 = tpu.vector_load %arg10[%get3A_418, %get3A_419] {strides = array<i32>} : memref<24x768xf32, #tpu.memory_space<vmem>>, vector<1x16xf32>,
      %get3A_421 = vector.shape_cast %get3A_420 : vector<1x16xf32> to vector<16xf32>
      %max3A_422 = arith.maximumf %max3A_416, %get3A_421 : vector<16xf32>
      %get3A_423 = arith.constant 11 : i32
      %get3A_424 = arith.index_cast %get3A_423 : i32 to index
      %get3A_425 = arith.index_cast %mul3A_395 : i32 to index
      %get3A_426 = tpu.vector_load %arg10[%get3A_424, %get3A_425] {strides = array<i32>} : memref<24x768xf32, #tpu.memory_space<vmem>>, vector<1x16xf32>,
      %get3A_427 = vector.shape_cast %get3A_426 : vector<1x16xf32> to vector<16xf32>
      %max3A_428 = arith.maximumf %max3A_422, %get3A_427 : vector<16xf32>
      %get3A_429 = arith.constant 4 : i32
      %get3A_430 = arith.index_cast %get3A_429 : i32 to index
      %get3A_431 = arith.index_cast %mul3A_395 : i32 to index
      %get3A_432 = tpu.vector_load %arg13[%get3A_430, %get3A_431] {strides = array<i32>} : memref<16x768xf32, #tpu.memory_space<vmem>>, vector<1x16xf32>,
      %get3A_433 = vector.shape_cast %get3A_432 : vector<1x16xf32> to vector<16xf32>
      %max3A_434 = arith.maximumf %max3A_428, %get3A_433 : vector<16xf32>
      %get3A_435 = arith.constant 5 : i32
      %get3A_436 = arith.index_cast %get3A_435 : i32 to index
      %get3A_437 = arith.index_cast %mul3A_395 : i32 to index
      %get3A_438 = tpu.vector_load %arg13[%get3A_436, %get3A_437] {strides = array<i32>} : memref<16x768xf32, #tpu.memory_space<vmem>>, vector<1x16xf32>,
      %get3A_439 = vector.shape_cast %get3A_438 : vector<1x16xf32> to vector<16xf32>
      %max3A_440 = arith.maximumf %max3A_434, %get3A_439 : vector<16xf32>
      %get3A_441 = arith.constant 6 : i32
      %get3A_442 = arith.index_cast %get3A_441 : i32 to index
      %get3A_443 = arith.index_cast %mul3A_395 : i32 to index
      %get3A_444 = tpu.vector_load %arg13[%get3A_442, %get3A_443] {strides = array<i32>} : memref<16x768xf32, #tpu.memory_space<vmem>>, vector<1x16xf32>,
      %get3A_445 = vector.shape_cast %get3A_444 : vector<1x16xf32> to vector<16xf32>
      %max3A_446 = arith.maximumf %max3A_440, %get3A_445 : vector<16xf32>
      %get3A_447 = arith.constant 7 : i32
      %get3A_448 = arith.index_cast %get3A_447 : i32 to index
      %get3A_449 = arith.index_cast %mul3A_395 : i32 to index
      %get3A_450 = tpu.vector_load %arg13[%get3A_448, %get3A_449] {strides = array<i32>} : memref<16x768xf32, #tpu.memory_space<vmem>>, vector<1x16xf32>,
      %get3A_451 = vector.shape_cast %get3A_450 : vector<1x16xf32> to vector<16xf32>
      %max3A_452 = arith.maximumf %max3A_446, %get3A_451 : vector<16xf32>
      %swap3A = arith.constant 17 : i32
      %swap3A_453 = arith.index_cast %swap3A : i32 to index
      %swap3A_454 = arith.index_cast %mul3A_395 : i32 to index
      %swap3A_455 = tpu.vector_load %arg15[%swap3A_453, %swap3A_454] {strides = array<i32>} : memref<32x768xf32, #tpu.memory_space<vmem>>, vector<1x16xf32>,
      %swap3A_456 = vector.shape_cast %swap3A_455 : vector<1x16xf32> to vector<16xf32>
      %swap3A_457 = vector.shape_cast %max3A_452 : vector<16xf32> to vector<1x16xf32>
      tpu.vector_store %arg15[%swap3A_453, %swap3A_454], %swap3A_457 {strides = array<i32>} : memref<32x768xf32, #tpu.memory_space<vmem>>, vector<1x16xf32>,
      %scan3A_458 = arith.constant 0 : i32
      scf.yield %scan3A_458 : i32
    }
    %scan3A_291 = arith.constant 48 : i32
    %scan3A_292 = arith.constant 0 : i32
    %scan3A_293 = arith.constant 0 : i32
    %scan3A_294 = arith.constant 48 : i32
    %scan3A_295 = arith.addi %scan3A_293, %scan3A_294 : i32
    %scan3A_296 = arith.constant 1 : i32
    %scan3A_297 = scf.for %scan3A_392 = %scan3A_293 to %scan3A_295 step %scan3A_296 iter_args(%scan3A_393 = %scan3A_292) -> (i32)  : i32 {
      %mul3A_394 = arith.constant 16 : i32
      %mul3A_395 = arith.muli %scan3A_392, %mul3A_394 : i32
      %get3A = arith.constant 12 : i32
      %get3A_396 = arith.index_cast %get3A : i32 to index
      %get3A_397 = arith.index_cast %mul3A_395 : i32 to index
      %get3A_398 = tpu.vector_load %arg10[%get3A_396, %get3A_397] {strides = array<i32>} : memref<24x768xf32, #tpu.memory_space<vmem>>, vector<1x16xf32>,
      %get3A_399 = vector.shape_cast %get3A_398 : vector<1x16xf32> to vector<16xf32>
      %get3A_400 = arith.constant 13 : i32
      %get3A_401 = arith.index_cast %get3A_400 : i32 to index
      %get3A_402 = arith.index_cast %mul3A_395 : i32 to index
      %get3A_403 = tpu.vector_load %arg10[%get3A_401, %get3A_402] {strides = array<i32>} : memref<24x768xf32, #tpu.memory_space<vmem>>, vector<1x16xf32>,
      %get3A_404 = vector.shape_cast %get3A_403 : vector<1x16xf32> to vector<16xf32>
      %max3A = arith.maximumf %get3A_399, %get3A_404 : vector<16xf32>
      %get3A_405 = arith.constant 14 : i32
      %get3A_406 = arith.index_cast %get3A_405 : i32 to index
      %get3A_407 = arith.index_cast %mul3A_395 : i32 to index
      %get3A_408 = tpu.vector_load %arg10[%get3A_406, %get3A_407] {strides = array<i32>} : memref<24x768xf32, #tpu.memory_space<vmem>>, vector<1x16xf32>,
      %get3A_409 = vector.shape_cast %get3A_408 : vector<1x16xf32> to vector<16xf32>
      %max3A_410 = arith.maximumf %max3A, %get3A_409 : vector<16xf32>
      %get3A_411 = arith.constant 15 : i32
      %get3A_412 = arith.index_cast %get3A_411 : i32 to index
      %get3A_413 = arith.index_cast %mul3A_395 : i32 to index
      %get3A_414 = tpu.vector_load %arg10[%get3A_412, %get3A_413] {strides = array<i32>} : memref<24x768xf32, #tpu.memory_space<vmem>>, vector<1x16xf32>,
      %get3A_415 = vector.shape_cast %get3A_414 : vector<1x16xf32> to vector<16xf32>
      %max3A_416 = arith.maximumf %max3A_410, %get3A_415 : vector<16xf32>
      %get3A_417 = arith.constant 16 : i32
      %get3A_418 = arith.index_cast %get3A_417 : i32 to index
      %get3A_419 = arith.index_cast %mul3A_395 : i32 to index
      %get3A_420 = tpu.vector_load %arg10[%get3A_418, %get3A_419] {strides = array<i32>} : memref<24x768xf32, #tpu.memory_space<vmem>>, vector<1x16xf32>,
      %get3A_421 = vector.shape_cast %get3A_420 : vector<1x16xf32> to vector<16xf32>
      %max3A_422 = arith.maximumf %max3A_416, %get3A_421 : vector<16xf32>
      %get3A_423 = arith.constant 17 : i32
      %get3A_424 = arith.index_cast %get3A_423 : i32 to index
      %get3A_425 = arith.index_cast %mul3A_395 : i32 to index
      %get3A_426 = tpu.vector_load %arg10[%get3A_424, %get3A_425] {strides = array<i32>} : memref<24x768xf32, #tpu.memory_space<vmem>>, vector<1x16xf32>,
      %get3A_427 = vector.shape_cast %get3A_426 : vector<1x16xf32> to vector<16xf32>
      %max3A_428 = arith.maximumf %max3A_422, %get3A_427 : vector<16xf32>
      %get3A_429 = arith.constant 8 : i32
      %get3A_430 = arith.index_cast %get3A_429 : i32 to index
      %get3A_431 = arith.index_cast %mul3A_395 : i32 to index
      %get3A_432 = tpu.vector_load %arg13[%get3A_430, %get3A_431] {strides = array<i32>} : memref<16x768xf32, #tpu.memory_space<vmem>>, vector<1x16xf32>,
      %get3A_433 = vector.shape_cast %get3A_432 : vector<1x16xf32> to vector<16xf32>
      %max3A_434 = arith.maximumf %max3A_428, %get3A_433 : vector<16xf32>
      %get3A_435 = arith.constant 9 : i32
      %get3A_436 = arith.index_cast %get3A_435 : i32 to index
      %get3A_437 = arith.index_cast %mul3A_395 : i32 to index
      %get3A_438 = tpu.vector_load %arg13[%get3A_436, %get3A_437] {strides = array<i32>} : memref<16x768xf32, #tpu.memory_space<vmem>>, vector<1x16xf32>,
      %get3A_439 = vector.shape_cast %get3A_438 : vector<1x16xf32> to vector<16xf32>
      %max3A_440 = arith.maximumf %max3A_434, %get3A_439 : vector<16xf32>
      %get3A_441 = arith.constant 10 : i32
      %get3A_442 = arith.index_cast %get3A_441 : i32 to index
      %get3A_443 = arith.index_cast %mul3A_395 : i32 to index
      %get3A_444 = tpu.vector_load %arg13[%get3A_442, %get3A_443] {strides = array<i32>} : memref<16x768xf32, #tpu.memory_space<vmem>>, vector<1x16xf32>,
      %get3A_445 = vector.shape_cast %get3A_444 : vector<1x16xf32> to vector<16xf32>
      %max3A_446 = arith.maximumf %max3A_440, %get3A_445 : vector<16xf32>
      %get3A_447 = arith.constant 11 : i32
      %get3A_448 = arith.index_cast %get3A_447 : i32 to index
      %get3A_449 = arith.index_cast %mul3A_395 : i32 to index
      %get3A_450 = tpu.vector_load %arg13[%get3A_448, %get3A_449] {strides = array<i32>} : memref<16x768xf32, #tpu.memory_space<vmem>>, vector<1x16xf32>,
      %get3A_451 = vector.shape_cast %get3A_450 : vector<1x16xf32> to vector<16xf32>
      %max3A_452 = arith.maximumf %max3A_446, %get3A_451 : vector<16xf32>
      %swap3A = arith.constant 18 : i32
      %swap3A_453 = arith.index_cast %swap3A : i32 to index
      %swap3A_454 = arith.index_cast %mul3A_395 : i32 to index
      %swap3A_455 = tpu.vector_load %arg15[%swap3A_453, %swap3A_454] {strides = array<i32>} : memref<32x768xf32, #tpu.memory_space<vmem>>, vector<1x16xf32>,
      %swap3A_456 = vector.shape_cast %swap3A_455 : vector<1x16xf32> to vector<16xf32>
      %swap3A_457 = vector.shape_cast %max3A_452 : vector<16xf32> to vector<1x16xf32>
      tpu.vector_store %arg15[%swap3A_453, %swap3A_454], %swap3A_457 {strides = array<i32>} : memref<32x768xf32, #tpu.memory_space<vmem>>, vector<1x16xf32>,
      %scan3A_458 = arith.constant 0 : i32
      scf.yield %scan3A_458 : i32
    }
    %scan3A_298 = arith.constant 48 : i32
    %scan3A_299 = arith.constant 0 : i32
    %scan3A_300 = arith.constant 0 : i32
    %scan3A_301 = arith.constant 48 : i32
    %scan3A_302 = arith.addi %scan3A_300, %scan3A_301 : i32
    %scan3A_303 = arith.constant 1 : i32
    %scan3A_304 = scf.for %scan3A_392 = %scan3A_300 to %scan3A_302 step %scan3A_303 iter_args(%scan3A_393 = %scan3A_299) -> (i32)  : i32 {
      %mul3A_394 = arith.constant 16 : i32
      %mul3A_395 = arith.muli %scan3A_392, %mul3A_394 : i32
      %get3A = arith.constant 18 : i32
      %get3A_396 = arith.index_cast %get3A : i32 to index
      %get3A_397 = arith.index_cast %mul3A_395 : i32 to index
      %get3A_398 = tpu.vector_load %arg10[%get3A_396, %get3A_397] {strides = array<i32>} : memref<24x768xf32, #tpu.memory_space<vmem>>, vector<1x16xf32>,
      %get3A_399 = vector.shape_cast %get3A_398 : vector<1x16xf32> to vector<16xf32>
      %get3A_400 = arith.constant 19 : i32
      %get3A_401 = arith.index_cast %get3A_400 : i32 to index
      %get3A_402 = arith.index_cast %mul3A_395 : i32 to index
      %get3A_403 = tpu.vector_load %arg10[%get3A_401, %get3A_402] {strides = array<i32>} : memref<24x768xf32, #tpu.memory_space<vmem>>, vector<1x16xf32>,
      %get3A_404 = vector.shape_cast %get3A_403 : vector<1x16xf32> to vector<16xf32>
      %max3A = arith.maximumf %get3A_399, %get3A_404 : vector<16xf32>
      %get3A_405 = arith.constant 20 : i32
      %get3A_406 = arith.index_cast %get3A_405 : i32 to index
      %get3A_407 = arith.index_cast %mul3A_395 : i32 to index
      %get3A_408 = tpu.vector_load %arg10[%get3A_406, %get3A_407] {strides = array<i32>} : memref<24x768xf32, #tpu.memory_space<vmem>>, vector<1x16xf32>,
      %get3A_409 = vector.shape_cast %get3A_408 : vector<1x16xf32> to vector<16xf32>
      %max3A_410 = arith.maximumf %max3A, %get3A_409 : vector<16xf32>
      %get3A_411 = arith.constant 21 : i32
      %get3A_412 = arith.index_cast %get3A_411 : i32 to index
      %get3A_413 = arith.index_cast %mul3A_395 : i32 to index
      %get3A_414 = tpu.vector_load %arg10[%get3A_412, %get3A_413] {strides = array<i32>} : memref<24x768xf32, #tpu.memory_space<vmem>>, vector<1x16xf32>,
      %get3A_415 = vector.shape_cast %get3A_414 : vector<1x16xf32> to vector<16xf32>
      %max3A_416 = arith.maximumf %max3A_410, %get3A_415 : vector<16xf32>
      %get3A_417 = arith.constant 22 : i32
      %get3A_418 = arith.index_cast %get3A_417 : i32 to index
      %get3A_419 = arith.index_cast %mul3A_395 : i32 to index
      %get3A_420 = tpu.vector_load %arg10[%get3A_418, %get3A_419] {strides = array<i32>} : memref<24x768xf32, #tpu.memory_space<vmem>>, vector<1x16xf32>,
      %get3A_421 = vector.shape_cast %get3A_420 : vector<1x16xf32> to vector<16xf32>
      %max3A_422 = arith.maximumf %max3A_416, %get3A_421 : vector<16xf32>
      %get3A_423 = arith.constant 23 : i32
      %get3A_424 = arith.index_cast %get3A_423 : i32 to index
      %get3A_425 = arith.index_cast %mul3A_395 : i32 to index
      %get3A_426 = tpu.vector_load %arg10[%get3A_424, %get3A_425] {strides = array<i32>} : memref<24x768xf32, #tpu.memory_space<vmem>>, vector<1x16xf32>,
      %get3A_427 = vector.shape_cast %get3A_426 : vector<1x16xf32> to vector<16xf32>
      %max3A_428 = arith.maximumf %max3A_422, %get3A_427 : vector<16xf32>
      %get3A_429 = arith.constant 12 : i32
      %get3A_430 = arith.index_cast %get3A_429 : i32 to index
      %get3A_431 = arith.index_cast %mul3A_395 : i32 to index
      %get3A_432 = tpu.vector_load %arg13[%get3A_430, %get3A_431] {strides = array<i32>} : memref<16x768xf32, #tpu.memory_space<vmem>>, vector<1x16xf32>,
      %get3A_433 = vector.shape_cast %get3A_432 : vector<1x16xf32> to vector<16xf32>
      %max3A_434 = arith.maximumf %max3A_428, %get3A_433 : vector<16xf32>
      %get3A_435 = arith.constant 13 : i32
      %get3A_436 = arith.index_cast %get3A_435 : i32 to index
      %get3A_437 = arith.index_cast %mul3A_395 : i32 to index
      %get3A_438 = tpu.vector_load %arg13[%get3A_436, %get3A_437] {strides = array<i32>} : memref<16x768xf32, #tpu.memory_space<vmem>>, vector<1x16xf32>,
      %get3A_439 = vector.shape_cast %get3A_438 : vector<1x16xf32> to vector<16xf32>
      %max3A_440 = arith.maximumf %max3A_434, %get3A_439 : vector<16xf32>
      %get3A_441 = arith.constant 14 : i32
      %get3A_442 = arith.index_cast %get3A_441 : i32 to index
      %get3A_443 = arith.index_cast %mul3A_395 : i32 to index
      %get3A_444 = tpu.vector_load %arg13[%get3A_442, %get3A_443] {strides = array<i32>} : memref<16x768xf32, #tpu.memory_space<vmem>>, vector<1x16xf32>,
      %get3A_445 = vector.shape_cast %get3A_444 : vector<1x16xf32> to vector<16xf32>
      %max3A_446 = arith.maximumf %max3A_440, %get3A_445 : vector<16xf32>
      %get3A_447 = arith.constant 15 : i32
      %get3A_448 = arith.index_cast %get3A_447 : i32 to index
      %get3A_449 = arith.index_cast %mul3A_395 : i32 to index
      %get3A_450 = tpu.vector_load %arg13[%get3A_448, %get3A_449] {strides = array<i32>} : memref<16x768xf32, #tpu.memory_space<vmem>>, vector<1x16xf32>,
      %get3A_451 = vector.shape_cast %get3A_450 : vector<1x16xf32> to vector<16xf32>
      %max3A_452 = arith.maximumf %max3A_446, %get3A_451 : vector<16xf32>
      %swap3A = arith.constant 19 : i32
      %swap3A_453 = arith.index_cast %swap3A : i32 to index
      %swap3A_454 = arith.index_cast %mul3A_395 : i32 to index
      %swap3A_455 = tpu.vector_load %arg15[%swap3A_453, %swap3A_454] {strides = array<i32>} : memref<32x768xf32, #tpu.memory_space<vmem>>, vector<1x16xf32>,
      %swap3A_456 = vector.shape_cast %swap3A_455 : vector<1x16xf32> to vector<16xf32>
      %swap3A_457 = vector.shape_cast %max3A_452 : vector<16xf32> to vector<1x16xf32>
      tpu.vector_store %arg15[%swap3A_453, %swap3A_454], %swap3A_457 {strides = array<i32>} : memref<32x768xf32, #tpu.memory_space<vmem>>, vector<1x16xf32>,
      %scan3A_458 = arith.constant 0 : i32
      scf.yield %scan3A_458 : i32
    }
    %scan3A_305 = arith.constant 48 : i32
    %dma_wait3A_306 = arith.constant 5 : i32
    %dma_wait3A_307 = arith.constant 0 : i32
    %dma_wait3A_308 = tpu.memref_slice %arg7[%dma_wait3A_306, %dma_wait3A_307] : memref<7x24xi32, #tpu.memory_space<vmem>> -> memref<1x24xi32, #tpu.memory_space<vmem>>
    %dma_wait3A_309 = tpu.memref_squeeze %dma_wait3A_308 : memref<1x24xi32, #tpu.memory_space<vmem>> -> memref<24xi32, #tpu.memory_space<vmem>>
    %dma_wait3A_310 = arith.constant 0 : i32
    %dma_wait3A_311 = arith.constant 0 : i32
    %dma_wait3A_312 = tpu.memref_slice %arg2[%dma_wait3A_310, %dma_wait3A_311] : memref<16384x768xf32, #tpu.memory_space<hbm>> -> memref<16384x768xf32, #tpu.memory_space<hbm>>
    tpu.wait_indirect_dma semaphore(%arg18 : memref<!tpu.dma_semaphore, #tpu.memory_space<semaphore_mem>>) src(%dma_wait3A_312 : memref<16384x768xf32, #tpu.memory_space<hbm>>) dst(%arg11 : memref<24x768xf32, #tpu.memory_space<vmem>>)
    %dma_wait3A_313 = arith.constant 5 : i32
    %dma_wait3A_314 = arith.constant 0 : i32
    %dma_wait3A_315 = tpu.memref_slice %arg8[%dma_wait3A_313, %dma_wait3A_314] : memref<7x16xi32, #tpu.memory_space<vmem>> -> memref<1x16xi32, #tpu.memory_space<vmem>>
    %dma_wait3A_316 = tpu.memref_squeeze %dma_wait3A_315 : memref<1x16xi32, #tpu.memory_space<vmem>> -> memref<16xi32, #tpu.memory_space<vmem>>
    %dma_wait3A_317 = arith.constant 0 : i32
    %dma_wait3A_318 = arith.constant 0 : i32
    %dma_wait3A_319 = tpu.memref_slice %arg3[%dma_wait3A_317, %dma_wait3A_318] : memref<20544x768xf32, #tpu.memory_space<hbm>> -> memref<20544x768xf32, #tpu.memory_space<hbm>>
    tpu.wait_indirect_dma semaphore(%arg21 : memref<!tpu.dma_semaphore, #tpu.memory_space<semaphore_mem>>) src(%dma_wait3A_319 : memref<20544x768xf32, #tpu.memory_space<hbm>>) dst(%arg14 : memref<16x768xf32, #tpu.memory_space<vmem>>)
    %scan3A_320 = arith.constant 0 : i32
    %scan3A_321 = arith.constant 0 : i32
    %scan3A_322 = arith.constant 48 : i32
    %scan3A_323 = arith.addi %scan3A_321, %scan3A_322 : i32
    %scan3A_324 = arith.constant 1 : i32
    %scan3A_325 = scf.for %scan3A_392 = %scan3A_321 to %scan3A_323 step %scan3A_324 iter_args(%scan3A_393 = %scan3A_320) -> (i32)  : i32 {
      %mul3A_394 = arith.constant 16 : i32
      %mul3A_395 = arith.muli %scan3A_392, %mul3A_394 : i32
      %get3A = arith.constant 0 : i32
      %get3A_396 = arith.index_cast %get3A : i32 to index
      %get3A_397 = arith.index_cast %mul3A_395 : i32 to index
      %get3A_398 = tpu.vector_load %arg11[%get3A_396, %get3A_397] {strides = array<i32>} : memref<24x768xf32, #tpu.memory_space<vmem>>, vector<1x16xf32>,
      %get3A_399 = vector.shape_cast %get3A_398 : vector<1x16xf32> to vector<16xf32>
      %get3A_400 = arith.constant 1 : i32
      %get3A_401 = arith.index_cast %get3A_400 : i32 to index
      %get3A_402 = arith.index_cast %mul3A_395 : i32 to index
      %get3A_403 = tpu.vector_load %arg11[%get3A_401, %get3A_402] {strides = array<i32>} : memref<24x768xf32, #tpu.memory_space<vmem>>, vector<1x16xf32>,
      %get3A_404 = vector.shape_cast %get3A_403 : vector<1x16xf32> to vector<16xf32>
      %max3A = arith.maximumf %get3A_399, %get3A_404 : vector<16xf32>
      %get3A_405 = arith.constant 2 : i32
      %get3A_406 = arith.index_cast %get3A_405 : i32 to index
      %get3A_407 = arith.index_cast %mul3A_395 : i32 to index
      %get3A_408 = tpu.vector_load %arg11[%get3A_406, %get3A_407] {strides = array<i32>} : memref<24x768xf32, #tpu.memory_space<vmem>>, vector<1x16xf32>,
      %get3A_409 = vector.shape_cast %get3A_408 : vector<1x16xf32> to vector<16xf32>
      %max3A_410 = arith.maximumf %max3A, %get3A_409 : vector<16xf32>
      %get3A_411 = arith.constant 3 : i32
      %get3A_412 = arith.index_cast %get3A_411 : i32 to index
      %get3A_413 = arith.index_cast %mul3A_395 : i32 to index
      %get3A_414 = tpu.vector_load %arg11[%get3A_412, %get3A_413] {strides = array<i32>} : memref<24x768xf32, #tpu.memory_space<vmem>>, vector<1x16xf32>,
      %get3A_415 = vector.shape_cast %get3A_414 : vector<1x16xf32> to vector<16xf32>
      %max3A_416 = arith.maximumf %max3A_410, %get3A_415 : vector<16xf32>
      %get3A_417 = arith.constant 4 : i32
      %get3A_418 = arith.index_cast %get3A_417 : i32 to index
      %get3A_419 = arith.index_cast %mul3A_395 : i32 to index
      %get3A_420 = tpu.vector_load %arg11[%get3A_418, %get3A_419] {strides = array<i32>} : memref<24x768xf32, #tpu.memory_space<vmem>>, vector<1x16xf32>,
      %get3A_421 = vector.shape_cast %get3A_420 : vector<1x16xf32> to vector<16xf32>
      %max3A_422 = arith.maximumf %max3A_416, %get3A_421 : vector<16xf32>
      %get3A_423 = arith.constant 5 : i32
      %get3A_424 = arith.index_cast %get3A_423 : i32 to index
      %get3A_425 = arith.index_cast %mul3A_395 : i32 to index
      %get3A_426 = tpu.vector_load %arg11[%get3A_424, %get3A_425] {strides = array<i32>} : memref<24x768xf32, #tpu.memory_space<vmem>>, vector<1x16xf32>,
      %get3A_427 = vector.shape_cast %get3A_426 : vector<1x16xf32> to vector<16xf32>
      %max3A_428 = arith.maximumf %max3A_422, %get3A_427 : vector<16xf32>
      %get3A_429 = arith.constant 0 : i32
      %get3A_430 = arith.index_cast %get3A_429 : i32 to index
      %get3A_431 = arith.index_cast %mul3A_395 : i32 to index
      %get3A_432 = tpu.vector_load %arg14[%get3A_430, %get3A_431] {strides = array<i32>} : memref<16x768xf32, #tpu.memory_space<vmem>>, vector<1x16xf32>,
      %get3A_433 = vector.shape_cast %get3A_432 : vector<1x16xf32> to vector<16xf32>
      %max3A_434 = arith.maximumf %max3A_428, %get3A_433 : vector<16xf32>
      %get3A_435 = arith.constant 1 : i32
      %get3A_436 = arith.index_cast %get3A_435 : i32 to index
      %get3A_437 = arith.index_cast %mul3A_395 : i32 to index
      %get3A_438 = tpu.vector_load %arg14[%get3A_436, %get3A_437] {strides = array<i32>} : memref<16x768xf32, #tpu.memory_space<vmem>>, vector<1x16xf32>,
      %get3A_439 = vector.shape_cast %get3A_438 : vector<1x16xf32> to vector<16xf32>
      %max3A_440 = arith.maximumf %max3A_434, %get3A_439 : vector<16xf32>
      %get3A_441 = arith.constant 2 : i32
      %get3A_442 = arith.index_cast %get3A_441 : i32 to index
      %get3A_443 = arith.index_cast %mul3A_395 : i32 to index
      %get3A_444 = tpu.vector_load %arg14[%get3A_442, %get3A_443] {strides = array<i32>} : memref<16x768xf32, #tpu.memory_space<vmem>>, vector<1x16xf32>,
      %get3A_445 = vector.shape_cast %get3A_444 : vector<1x16xf32> to vector<16xf32>
      %max3A_446 = arith.maximumf %max3A_440, %get3A_445 : vector<16xf32>
      %get3A_447 = arith.constant 3 : i32
      %get3A_448 = arith.index_cast %get3A_447 : i32 to index
      %get3A_449 = arith.index_cast %mul3A_395 : i32 to index
      %get3A_450 = tpu.vector_load %arg14[%get3A_448, %get3A_449] {strides = array<i32>} : memref<16x768xf32, #tpu.memory_space<vmem>>, vector<1x16xf32>,
      %get3A_451 = vector.shape_cast %get3A_450 : vector<1x16xf32> to vector<16xf32>
      %max3A_452 = arith.maximumf %max3A_446, %get3A_451 : vector<16xf32>
      %swap3A = arith.constant 20 : i32
      %swap3A_453 = arith.index_cast %swap3A : i32 to index
      %swap3A_454 = arith.index_cast %mul3A_395 : i32 to index
      %swap3A_455 = tpu.vector_load %arg15[%swap3A_453, %swap3A_454] {strides = array<i32>} : memref<32x768xf32, #tpu.memory_space<vmem>>, vector<1x16xf32>,
      %swap3A_456 = vector.shape_cast %swap3A_455 : vector<1x16xf32> to vector<16xf32>
      %swap3A_457 = vector.shape_cast %max3A_452 : vector<16xf32> to vector<1x16xf32>
      tpu.vector_store %arg15[%swap3A_453, %swap3A_454], %swap3A_457 {strides = array<i32>} : memref<32x768xf32, #tpu.memory_space<vmem>>, vector<1x16xf32>,
      %scan3A_458 = arith.constant 0 : i32
      scf.yield %scan3A_458 : i32
    }
    %scan3A_326 = arith.constant 48 : i32
    %scan3A_327 = arith.constant 0 : i32
    %scan3A_328 = arith.constant 0 : i32
    %scan3A_329 = arith.constant 48 : i32
    %scan3A_330 = arith.addi %scan3A_328, %scan3A_329 : i32
    %scan3A_331 = arith.constant 1 : i32
    %scan3A_332 = scf.for %scan3A_392 = %scan3A_328 to %scan3A_330 step %scan3A_331 iter_args(%scan3A_393 = %scan3A_327) -> (i32)  : i32 {
      %mul3A_394 = arith.constant 16 : i32
      %mul3A_395 = arith.muli %scan3A_392, %mul3A_394 : i32
      %get3A = arith.constant 6 : i32
      %get3A_396 = arith.index_cast %get3A : i32 to index
      %get3A_397 = arith.index_cast %mul3A_395 : i32 to index
      %get3A_398 = tpu.vector_load %arg11[%get3A_396, %get3A_397] {strides = array<i32>} : memref<24x768xf32, #tpu.memory_space<vmem>>, vector<1x16xf32>,
      %get3A_399 = vector.shape_cast %get3A_398 : vector<1x16xf32> to vector<16xf32>
      %get3A_400 = arith.constant 7 : i32
      %get3A_401 = arith.index_cast %get3A_400 : i32 to index
      %get3A_402 = arith.index_cast %mul3A_395 : i32 to index
      %get3A_403 = tpu.vector_load %arg11[%get3A_401, %get3A_402] {strides = array<i32>} : memref<24x768xf32, #tpu.memory_space<vmem>>, vector<1x16xf32>,
      %get3A_404 = vector.shape_cast %get3A_403 : vector<1x16xf32> to vector<16xf32>
      %max3A = arith.maximumf %get3A_399, %get3A_404 : vector<16xf32>
      %get3A_405 = arith.constant 8 : i32
      %get3A_406 = arith.index_cast %get3A_405 : i32 to index
      %get3A_407 = arith.index_cast %mul3A_395 : i32 to index
      %get3A_408 = tpu.vector_load %arg11[%get3A_406, %get3A_407] {strides = array<i32>} : memref<24x768xf32, #tpu.memory_space<vmem>>, vector<1x16xf32>,
      %get3A_409 = vector.shape_cast %get3A_408 : vector<1x16xf32> to vector<16xf32>
      %max3A_410 = arith.maximumf %max3A, %get3A_409 : vector<16xf32>
      %get3A_411 = arith.constant 9 : i32
      %get3A_412 = arith.index_cast %get3A_411 : i32 to index
      %get3A_413 = arith.index_cast %mul3A_395 : i32 to index
      %get3A_414 = tpu.vector_load %arg11[%get3A_412, %get3A_413] {strides = array<i32>} : memref<24x768xf32, #tpu.memory_space<vmem>>, vector<1x16xf32>,
      %get3A_415 = vector.shape_cast %get3A_414 : vector<1x16xf32> to vector<16xf32>
      %max3A_416 = arith.maximumf %max3A_410, %get3A_415 : vector<16xf32>
      %get3A_417 = arith.constant 10 : i32
      %get3A_418 = arith.index_cast %get3A_417 : i32 to index
      %get3A_419 = arith.index_cast %mul3A_395 : i32 to index
      %get3A_420 = tpu.vector_load %arg11[%get3A_418, %get3A_419] {strides = array<i32>} : memref<24x768xf32, #tpu.memory_space<vmem>>, vector<1x16xf32>,
      %get3A_421 = vector.shape_cast %get3A_420 : vector<1x16xf32> to vector<16xf32>
      %max3A_422 = arith.maximumf %max3A_416, %get3A_421 : vector<16xf32>
      %get3A_423 = arith.constant 11 : i32
      %get3A_424 = arith.index_cast %get3A_423 : i32 to index
      %get3A_425 = arith.index_cast %mul3A_395 : i32 to index
      %get3A_426 = tpu.vector_load %arg11[%get3A_424, %get3A_425] {strides = array<i32>} : memref<24x768xf32, #tpu.memory_space<vmem>>, vector<1x16xf32>,
      %get3A_427 = vector.shape_cast %get3A_426 : vector<1x16xf32> to vector<16xf32>
      %max3A_428 = arith.maximumf %max3A_422, %get3A_427 : vector<16xf32>
      %get3A_429 = arith.constant 4 : i32
      %get3A_430 = arith.index_cast %get3A_429 : i32 to index
      %get3A_431 = arith.index_cast %mul3A_395 : i32 to index
      %get3A_432 = tpu.vector_load %arg14[%get3A_430, %get3A_431] {strides = array<i32>} : memref<16x768xf32, #tpu.memory_space<vmem>>, vector<1x16xf32>,
      %get3A_433 = vector.shape_cast %get3A_432 : vector<1x16xf32> to vector<16xf32>
      %max3A_434 = arith.maximumf %max3A_428, %get3A_433 : vector<16xf32>
      %get3A_435 = arith.constant 5 : i32
      %get3A_436 = arith.index_cast %get3A_435 : i32 to index
      %get3A_437 = arith.index_cast %mul3A_395 : i32 to index
      %get3A_438 = tpu.vector_load %arg14[%get3A_436, %get3A_437] {strides = array<i32>} : memref<16x768xf32, #tpu.memory_space<vmem>>, vector<1x16xf32>,
      %get3A_439 = vector.shape_cast %get3A_438 : vector<1x16xf32> to vector<16xf32>
      %max3A_440 = arith.maximumf %max3A_434, %get3A_439 : vector<16xf32>
      %get3A_441 = arith.constant 6 : i32
      %get3A_442 = arith.index_cast %get3A_441 : i32 to index
      %get3A_443 = arith.index_cast %mul3A_395 : i32 to index
      %get3A_444 = tpu.vector_load %arg14[%get3A_442, %get3A_443] {strides = array<i32>} : memref<16x768xf32, #tpu.memory_space<vmem>>, vector<1x16xf32>,
      %get3A_445 = vector.shape_cast %get3A_444 : vector<1x16xf32> to vector<16xf32>
      %max3A_446 = arith.maximumf %max3A_440, %get3A_445 : vector<16xf32>
      %get3A_447 = arith.constant 7 : i32
      %get3A_448 = arith.index_cast %get3A_447 : i32 to index
      %get3A_449 = arith.index_cast %mul3A_395 : i32 to index
      %get3A_450 = tpu.vector_load %arg14[%get3A_448, %get3A_449] {strides = array<i32>} : memref<16x768xf32, #tpu.memory_space<vmem>>, vector<1x16xf32>,
      %get3A_451 = vector.shape_cast %get3A_450 : vector<1x16xf32> to vector<16xf32>
      %max3A_452 = arith.maximumf %max3A_446, %get3A_451 : vector<16xf32>
      %swap3A = arith.constant 21 : i32
      %swap3A_453 = arith.index_cast %swap3A : i32 to index
      %swap3A_454 = arith.index_cast %mul3A_395 : i32 to index
      %swap3A_455 = tpu.vector_load %arg15[%swap3A_453, %swap3A_454] {strides = array<i32>} : memref<32x768xf32, #tpu.memory_space<vmem>>, vector<1x16xf32>,
      %swap3A_456 = vector.shape_cast %swap3A_455 : vector<1x16xf32> to vector<16xf32>
      %swap3A_457 = vector.shape_cast %max3A_452 : vector<16xf32> to vector<1x16xf32>
      tpu.vector_store %arg15[%swap3A_453, %swap3A_454], %swap3A_457 {strides = array<i32>} : memref<32x768xf32, #tpu.memory_space<vmem>>, vector<1x16xf32>,
      %scan3A_458 = arith.constant 0 : i32
      scf.yield %scan3A_458 : i32
    }
    %scan3A_333 = arith.constant 48 : i32
    %scan3A_334 = arith.constant 0 : i32
    %scan3A_335 = arith.constant 0 : i32
    %scan3A_336 = arith.constant 48 : i32
    %scan3A_337 = arith.addi %scan3A_335, %scan3A_336 : i32
    %scan3A_338 = arith.constant 1 : i32
    %scan3A_339 = scf.for %scan3A_392 = %scan3A_335 to %scan3A_337 step %scan3A_338 iter_args(%scan3A_393 = %scan3A_334) -> (i32)  : i32 {
      %mul3A_394 = arith.constant 16 : i32
      %mul3A_395 = arith.muli %scan3A_392, %mul3A_394 : i32
      %get3A = arith.constant 12 : i32
      %get3A_396 = arith.index_cast %get3A : i32 to index
      %get3A_397 = arith.index_cast %mul3A_395 : i32 to index
      %get3A_398 = tpu.vector_load %arg11[%get3A_396, %get3A_397] {strides = array<i32>} : memref<24x768xf32, #tpu.memory_space<vmem>>, vector<1x16xf32>,
      %get3A_399 = vector.shape_cast %get3A_398 : vector<1x16xf32> to vector<16xf32>
      %get3A_400 = arith.constant 13 : i32
      %get3A_401 = arith.index_cast %get3A_400 : i32 to index
      %get3A_402 = arith.index_cast %mul3A_395 : i32 to index
      %get3A_403 = tpu.vector_load %arg11[%get3A_401, %get3A_402] {strides = array<i32>} : memref<24x768xf32, #tpu.memory_space<vmem>>, vector<1x16xf32>,
      %get3A_404 = vector.shape_cast %get3A_403 : vector<1x16xf32> to vector<16xf32>
      %max3A = arith.maximumf %get3A_399, %get3A_404 : vector<16xf32>
      %get3A_405 = arith.constant 14 : i32
      %get3A_406 = arith.index_cast %get3A_405 : i32 to index
      %get3A_407 = arith.index_cast %mul3A_395 : i32 to index
      %get3A_408 = tpu.vector_load %arg11[%get3A_406, %get3A_407] {strides = array<i32>} : memref<24x768xf32, #tpu.memory_space<vmem>>, vector<1x16xf32>,
      %get3A_409 = vector.shape_cast %get3A_408 : vector<1x16xf32> to vector<16xf32>
      %max3A_410 = arith.maximumf %max3A, %get3A_409 : vector<16xf32>
      %get3A_411 = arith.constant 15 : i32
      %get3A_412 = arith.index_cast %get3A_411 : i32 to index
      %get3A_413 = arith.index_cast %mul3A_395 : i32 to index
      %get3A_414 = tpu.vector_load %arg11[%get3A_412, %get3A_413] {strides = array<i32>} : memref<24x768xf32, #tpu.memory_space<vmem>>, vector<1x16xf32>,
      %get3A_415 = vector.shape_cast %get3A_414 : vector<1x16xf32> to vector<16xf32>
      %max3A_416 = arith.maximumf %max3A_410, %get3A_415 : vector<16xf32>
      %get3A_417 = arith.constant 16 : i32
      %get3A_418 = arith.index_cast %get3A_417 : i32 to index
      %get3A_419 = arith.index_cast %mul3A_395 : i32 to index
      %get3A_420 = tpu.vector_load %arg11[%get3A_418, %get3A_419] {strides = array<i32>} : memref<24x768xf32, #tpu.memory_space<vmem>>, vector<1x16xf32>,
      %get3A_421 = vector.shape_cast %get3A_420 : vector<1x16xf32> to vector<16xf32>
      %max3A_422 = arith.maximumf %max3A_416, %get3A_421 : vector<16xf32>
      %get3A_423 = arith.constant 17 : i32
      %get3A_424 = arith.index_cast %get3A_423 : i32 to index
      %get3A_425 = arith.index_cast %mul3A_395 : i32 to index
      %get3A_426 = tpu.vector_load %arg11[%get3A_424, %get3A_425] {strides = array<i32>} : memref<24x768xf32, #tpu.memory_space<vmem>>, vector<1x16xf32>,
      %get3A_427 = vector.shape_cast %get3A_426 : vector<1x16xf32> to vector<16xf32>
      %max3A_428 = arith.maximumf %max3A_422, %get3A_427 : vector<16xf32>
      %get3A_429 = arith.constant 8 : i32
      %get3A_430 = arith.index_cast %get3A_429 : i32 to index
      %get3A_431 = arith.index_cast %mul3A_395 : i32 to index
      %get3A_432 = tpu.vector_load %arg14[%get3A_430, %get3A_431] {strides = array<i32>} : memref<16x768xf32, #tpu.memory_space<vmem>>, vector<1x16xf32>,
      %get3A_433 = vector.shape_cast %get3A_432 : vector<1x16xf32> to vector<16xf32>
      %max3A_434 = arith.maximumf %max3A_428, %get3A_433 : vector<16xf32>
      %get3A_435 = arith.constant 9 : i32
      %get3A_436 = arith.index_cast %get3A_435 : i32 to index
      %get3A_437 = arith.index_cast %mul3A_395 : i32 to index
      %get3A_438 = tpu.vector_load %arg14[%get3A_436, %get3A_437] {strides = array<i32>} : memref<16x768xf32, #tpu.memory_space<vmem>>, vector<1x16xf32>,
      %get3A_439 = vector.shape_cast %get3A_438 : vector<1x16xf32> to vector<16xf32>
      %max3A_440 = arith.maximumf %max3A_434, %get3A_439 : vector<16xf32>
      %get3A_441 = arith.constant 10 : i32
      %get3A_442 = arith.index_cast %get3A_441 : i32 to index
      %get3A_443 = arith.index_cast %mul3A_395 : i32 to index
      %get3A_444 = tpu.vector_load %arg14[%get3A_442, %get3A_443] {strides = array<i32>} : memref<16x768xf32, #tpu.memory_space<vmem>>, vector<1x16xf32>,
      %get3A_445 = vector.shape_cast %get3A_444 : vector<1x16xf32> to vector<16xf32>
      %max3A_446 = arith.maximumf %max3A_440, %get3A_445 : vector<16xf32>
      %get3A_447 = arith.constant 11 : i32
      %get3A_448 = arith.index_cast %get3A_447 : i32 to index
      %get3A_449 = arith.index_cast %mul3A_395 : i32 to index
      %get3A_450 = tpu.vector_load %arg14[%get3A_448, %get3A_449] {strides = array<i32>} : memref<16x768xf32, #tpu.memory_space<vmem>>, vector<1x16xf32>,
      %get3A_451 = vector.shape_cast %get3A_450 : vector<1x16xf32> to vector<16xf32>
      %max3A_452 = arith.maximumf %max3A_446, %get3A_451 : vector<16xf32>
      %swap3A = arith.constant 22 : i32
      %swap3A_453 = arith.index_cast %swap3A : i32 to index
      %swap3A_454 = arith.index_cast %mul3A_395 : i32 to index
      %swap3A_455 = tpu.vector_load %arg15[%swap3A_453, %swap3A_454] {strides = array<i32>} : memref<32x768xf32, #tpu.memory_space<vmem>>, vector<1x16xf32>,
      %swap3A_456 = vector.shape_cast %swap3A_455 : vector<1x16xf32> to vector<16xf32>
      %swap3A_457 = vector.shape_cast %max3A_452 : vector<16xf32> to vector<1x16xf32>
      tpu.vector_store %arg15[%swap3A_453, %swap3A_454], %swap3A_457 {strides = array<i32>} : memref<32x768xf32, #tpu.memory_space<vmem>>, vector<1x16xf32>,
      %scan3A_458 = arith.constant 0 : i32
      scf.yield %scan3A_458 : i32
    }
    %scan3A_340 = arith.constant 48 : i32
    %scan3A_341 = arith.constant 0 : i32
    %scan3A_342 = arith.constant 0 : i32
    %scan3A_343 = arith.constant 48 : i32
    %scan3A_344 = arith.addi %scan3A_342, %scan3A_343 : i32
    %scan3A_345 = arith.constant 1 : i32
    %scan3A_346 = scf.for %scan3A_392 = %scan3A_342 to %scan3A_344 step %scan3A_345 iter_args(%scan3A_393 = %scan3A_341) -> (i32)  : i32 {
      %mul3A_394 = arith.constant 16 : i32
      %mul3A_395 = arith.muli %scan3A_392, %mul3A_394 : i32
      %get3A = arith.constant 18 : i32
      %get3A_396 = arith.index_cast %get3A : i32 to index
      %get3A_397 = arith.index_cast %mul3A_395 : i32 to index
      %get3A_398 = tpu.vector_load %arg11[%get3A_396, %get3A_397] {strides = array<i32>} : memref<24x768xf32, #tpu.memory_space<vmem>>, vector<1x16xf32>,
      %get3A_399 = vector.shape_cast %get3A_398 : vector<1x16xf32> to vector<16xf32>
      %get3A_400 = arith.constant 19 : i32
      %get3A_401 = arith.index_cast %get3A_400 : i32 to index
      %get3A_402 = arith.index_cast %mul3A_395 : i32 to index
      %get3A_403 = tpu.vector_load %arg11[%get3A_401, %get3A_402] {strides = array<i32>} : memref<24x768xf32, #tpu.memory_space<vmem>>, vector<1x16xf32>,
      %get3A_404 = vector.shape_cast %get3A_403 : vector<1x16xf32> to vector<16xf32>
      %max3A = arith.maximumf %get3A_399, %get3A_404 : vector<16xf32>
      %get3A_405 = arith.constant 20 : i32
      %get3A_406 = arith.index_cast %get3A_405 : i32 to index
      %get3A_407 = arith.index_cast %mul3A_395 : i32 to index
      %get3A_408 = tpu.vector_load %arg11[%get3A_406, %get3A_407] {strides = array<i32>} : memref<24x768xf32, #tpu.memory_space<vmem>>, vector<1x16xf32>,
      %get3A_409 = vector.shape_cast %get3A_408 : vector<1x16xf32> to vector<16xf32>
      %max3A_410 = arith.maximumf %max3A, %get3A_409 : vector<16xf32>
      %get3A_411 = arith.constant 21 : i32
      %get3A_412 = arith.index_cast %get3A_411 : i32 to index
      %get3A_413 = arith.index_cast %mul3A_395 : i32 to index
      %get3A_414 = tpu.vector_load %arg11[%get3A_412, %get3A_413] {strides = array<i32>} : memref<24x768xf32, #tpu.memory_space<vmem>>, vector<1x16xf32>,
      %get3A_415 = vector.shape_cast %get3A_414 : vector<1x16xf32> to vector<16xf32>
      %max3A_416 = arith.maximumf %max3A_410, %get3A_415 : vector<16xf32>
      %get3A_417 = arith.constant 22 : i32
      %get3A_418 = arith.index_cast %get3A_417 : i32 to index
      %get3A_419 = arith.index_cast %mul3A_395 : i32 to index
      %get3A_420 = tpu.vector_load %arg11[%get3A_418, %get3A_419] {strides = array<i32>} : memref<24x768xf32, #tpu.memory_space<vmem>>, vector<1x16xf32>,
      %get3A_421 = vector.shape_cast %get3A_420 : vector<1x16xf32> to vector<16xf32>
      %max3A_422 = arith.maximumf %max3A_416, %get3A_421 : vector<16xf32>
      %get3A_423 = arith.constant 23 : i32
      %get3A_424 = arith.index_cast %get3A_423 : i32 to index
      %get3A_425 = arith.index_cast %mul3A_395 : i32 to index
      %get3A_426 = tpu.vector_load %arg11[%get3A_424, %get3A_425] {strides = array<i32>} : memref<24x768xf32, #tpu.memory_space<vmem>>, vector<1x16xf32>,
      %get3A_427 = vector.shape_cast %get3A_426 : vector<1x16xf32> to vector<16xf32>
      %max3A_428 = arith.maximumf %max3A_422, %get3A_427 : vector<16xf32>
      %get3A_429 = arith.constant 12 : i32
      %get3A_430 = arith.index_cast %get3A_429 : i32 to index
      %get3A_431 = arith.index_cast %mul3A_395 : i32 to index
      %get3A_432 = tpu.vector_load %arg14[%get3A_430, %get3A_431] {strides = array<i32>} : memref<16x768xf32, #tpu.memory_space<vmem>>, vector<1x16xf32>,
      %get3A_433 = vector.shape_cast %get3A_432 : vector<1x16xf32> to vector<16xf32>
      %max3A_434 = arith.maximumf %max3A_428, %get3A_433 : vector<16xf32>
      %get3A_435 = arith.constant 13 : i32
      %get3A_436 = arith.index_cast %get3A_435 : i32 to index
      %get3A_437 = arith.index_cast %mul3A_395 : i32 to index
      %get3A_438 = tpu.vector_load %arg14[%get3A_436, %get3A_437] {strides = array<i32>} : memref<16x768xf32, #tpu.memory_space<vmem>>, vector<1x16xf32>,
      %get3A_439 = vector.shape_cast %get3A_438 : vector<1x16xf32> to vector<16xf32>
      %max3A_440 = arith.maximumf %max3A_434, %get3A_439 : vector<16xf32>
      %get3A_441 = arith.constant 14 : i32
      %get3A_442 = arith.index_cast %get3A_441 : i32 to index
      %get3A_443 = arith.index_cast %mul3A_395 : i32 to index
      %get3A_444 = tpu.vector_load %arg14[%get3A_442, %get3A_443] {strides = array<i32>} : memref<16x768xf32, #tpu.memory_space<vmem>>, vector<1x16xf32>,
      %get3A_445 = vector.shape_cast %get3A_444 : vector<1x16xf32> to vector<16xf32>
      %max3A_446 = arith.maximumf %max3A_440, %get3A_445 : vector<16xf32>
      %get3A_447 = arith.constant 15 : i32
      %get3A_448 = arith.index_cast %get3A_447 : i32 to index
      %get3A_449 = arith.index_cast %mul3A_395 : i32 to index
      %get3A_450 = tpu.vector_load %arg14[%get3A_448, %get3A_449] {strides = array<i32>} : memref<16x768xf32, #tpu.memory_space<vmem>>, vector<1x16xf32>,
      %get3A_451 = vector.shape_cast %get3A_450 : vector<1x16xf32> to vector<16xf32>
      %max3A_452 = arith.maximumf %max3A_446, %get3A_451 : vector<16xf32>
      %swap3A = arith.constant 23 : i32
      %swap3A_453 = arith.index_cast %swap3A : i32 to index
      %swap3A_454 = arith.index_cast %mul3A_395 : i32 to index
      %swap3A_455 = tpu.vector_load %arg15[%swap3A_453, %swap3A_454] {strides = array<i32>} : memref<32x768xf32, #tpu.memory_space<vmem>>, vector<1x16xf32>,
      %swap3A_456 = vector.shape_cast %swap3A_455 : vector<1x16xf32> to vector<16xf32>
      %swap3A_457 = vector.shape_cast %max3A_452 : vector<16xf32> to vector<1x16xf32>
      tpu.vector_store %arg15[%swap3A_453, %swap3A_454], %swap3A_457 {strides = array<i32>} : memref<32x768xf32, #tpu.memory_space<vmem>>, vector<1x16xf32>,
      %scan3A_458 = arith.constant 0 : i32
      scf.yield %scan3A_458 : i32
    }
    %scan3A_347 = arith.constant 48 : i32
    %dma_wait3A_348 = arith.constant 6 : i32
    %dma_wait3A_349 = arith.constant 0 : i32
    %dma_wait3A_350 = tpu.memref_slice %arg7[%dma_wait3A_348, %dma_wait3A_349] : memref<7x24xi32, #tpu.memory_space<vmem>> -> memref<1x24xi32, #tpu.memory_space<vmem>>
    %dma_wait3A_351 = tpu.memref_squeeze %dma_wait3A_350 : memref<1x24xi32, #tpu.memory_space<vmem>> -> memref<24xi32, #tpu.memory_space<vmem>>
    %dma_wait3A_352 = arith.constant 0 : i32
    %dma_wait3A_353 = arith.constant 0 : i32
    %dma_wait3A_354 = tpu.memref_slice %arg2[%dma_wait3A_352, %dma_wait3A_353] : memref<16384x768xf32, #tpu.memory_space<hbm>> -> memref<16384x768xf32, #tpu.memory_space<hbm>>
    tpu.wait_indirect_dma semaphore(%arg16 : memref<!tpu.dma_semaphore, #tpu.memory_space<semaphore_mem>>) src(%dma_wait3A_354 : memref<16384x768xf32, #tpu.memory_space<hbm>>) dst(%arg9 : memref<24x768xf32, #tpu.memory_space<vmem>>)
    %dma_wait3A_355 = arith.constant 6 : i32
    %dma_wait3A_356 = arith.constant 0 : i32
    %dma_wait3A_357 = tpu.memref_slice %arg8[%dma_wait3A_355, %dma_wait3A_356] : memref<7x16xi32, #tpu.memory_space<vmem>> -> memref<1x16xi32, #tpu.memory_space<vmem>>
    %dma_wait3A_358 = tpu.memref_squeeze %dma_wait3A_357 : memref<1x16xi32, #tpu.memory_space<vmem>> -> memref<16xi32, #tpu.memory_space<vmem>>
    %dma_wait3A_359 = arith.constant 0 : i32
    %dma_wait3A_360 = arith.constant 0 : i32
    %dma_wait3A_361 = tpu.memref_slice %arg3[%dma_wait3A_359, %dma_wait3A_360] : memref<20544x768xf32, #tpu.memory_space<hbm>> -> memref<20544x768xf32, #tpu.memory_space<hbm>>
    tpu.wait_indirect_dma semaphore(%arg19 : memref<!tpu.dma_semaphore, #tpu.memory_space<semaphore_mem>>) src(%dma_wait3A_361 : memref<20544x768xf32, #tpu.memory_space<hbm>>) dst(%arg12 : memref<16x768xf32, #tpu.memory_space<vmem>>)
    %scan3A_362 = arith.constant 0 : i32
    %scan3A_363 = arith.constant 0 : i32
    %scan3A_364 = arith.constant 48 : i32
    %scan3A_365 = arith.addi %scan3A_363, %scan3A_364 : i32
    %scan3A_366 = arith.constant 1 : i32
    %scan3A_367 = scf.for %scan3A_392 = %scan3A_363 to %scan3A_365 step %scan3A_366 iter_args(%scan3A_393 = %scan3A_362) -> (i32)  : i32 {
      %mul3A_394 = arith.constant 16 : i32
      %mul3A_395 = arith.muli %scan3A_392, %mul3A_394 : i32
      %get3A = arith.constant 0 : i32
      %get3A_396 = arith.index_cast %get3A : i32 to index
      %get3A_397 = arith.index_cast %mul3A_395 : i32 to index
      %get3A_398 = tpu.vector_load %arg9[%get3A_396, %get3A_397] {strides = array<i32>} : memref<24x768xf32, #tpu.memory_space<vmem>>, vector<1x16xf32>,
      %get3A_399 = vector.shape_cast %get3A_398 : vector<1x16xf32> to vector<16xf32>
      %get3A_400 = arith.constant 1 : i32
      %get3A_401 = arith.index_cast %get3A_400 : i32 to index
      %get3A_402 = arith.index_cast %mul3A_395 : i32 to index
      %get3A_403 = tpu.vector_load %arg9[%get3A_401, %get3A_402] {strides = array<i32>} : memref<24x768xf32, #tpu.memory_space<vmem>>, vector<1x16xf32>,
      %get3A_404 = vector.shape_cast %get3A_403 : vector<1x16xf32> to vector<16xf32>
      %max3A = arith.maximumf %get3A_399, %get3A_404 : vector<16xf32>
      %get3A_405 = arith.constant 2 : i32
      %get3A_406 = arith.index_cast %get3A_405 : i32 to index
      %get3A_407 = arith.index_cast %mul3A_395 : i32 to index
      %get3A_408 = tpu.vector_load %arg9[%get3A_406, %get3A_407] {strides = array<i32>} : memref<24x768xf32, #tpu.memory_space<vmem>>, vector<1x16xf32>,
      %get3A_409 = vector.shape_cast %get3A_408 : vector<1x16xf32> to vector<16xf32>
      %max3A_410 = arith.maximumf %max3A, %get3A_409 : vector<16xf32>
      %get3A_411 = arith.constant 3 : i32
      %get3A_412 = arith.index_cast %get3A_411 : i32 to index
      %get3A_413 = arith.index_cast %mul3A_395 : i32 to index
      %get3A_414 = tpu.vector_load %arg9[%get3A_412, %get3A_413] {strides = array<i32>} : memref<24x768xf32, #tpu.memory_space<vmem>>, vector<1x16xf32>,
      %get3A_415 = vector.shape_cast %get3A_414 : vector<1x16xf32> to vector<16xf32>
      %max3A_416 = arith.maximumf %max3A_410, %get3A_415 : vector<16xf32>
      %get3A_417 = arith.constant 4 : i32
      %get3A_418 = arith.index_cast %get3A_417 : i32 to index
      %get3A_419 = arith.index_cast %mul3A_395 : i32 to index
      %get3A_420 = tpu.vector_load %arg9[%get3A_418, %get3A_419] {strides = array<i32>} : memref<24x768xf32, #tpu.memory_space<vmem>>, vector<1x16xf32>,
      %get3A_421 = vector.shape_cast %get3A_420 : vector<1x16xf32> to vector<16xf32>
      %max3A_422 = arith.maximumf %max3A_416, %get3A_421 : vector<16xf32>
      %get3A_423 = arith.constant 5 : i32
      %get3A_424 = arith.index_cast %get3A_423 : i32 to index
      %get3A_425 = arith.index_cast %mul3A_395 : i32 to index
      %get3A_426 = tpu.vector_load %arg9[%get3A_424, %get3A_425] {strides = array<i32>} : memref<24x768xf32, #tpu.memory_space<vmem>>, vector<1x16xf32>,
      %get3A_427 = vector.shape_cast %get3A_426 : vector<1x16xf32> to vector<16xf32>
      %max3A_428 = arith.maximumf %max3A_422, %get3A_427 : vector<16xf32>
      %get3A_429 = arith.constant 0 : i32
      %get3A_430 = arith.index_cast %get3A_429 : i32 to index
      %get3A_431 = arith.index_cast %mul3A_395 : i32 to index
      %get3A_432 = tpu.vector_load %arg12[%get3A_430, %get3A_431] {strides = array<i32>} : memref<16x768xf32, #tpu.memory_space<vmem>>, vector<1x16xf32>,
      %get3A_433 = vector.shape_cast %get3A_432 : vector<1x16xf32> to vector<16xf32>
      %max3A_434 = arith.maximumf %max3A_428, %get3A_433 : vector<16xf32>
      %get3A_435 = arith.constant 1 : i32
      %get3A_436 = arith.index_cast %get3A_435 : i32 to index
      %get3A_437 = arith.index_cast %mul3A_395 : i32 to index
      %get3A_438 = tpu.vector_load %arg12[%get3A_436, %get3A_437] {strides = array<i32>} : memref<16x768xf32, #tpu.memory_space<vmem>>, vector<1x16xf32>,
      %get3A_439 = vector.shape_cast %get3A_438 : vector<1x16xf32> to vector<16xf32>
      %max3A_440 = arith.maximumf %max3A_434, %get3A_439 : vector<16xf32>
      %get3A_441 = arith.constant 2 : i32
      %get3A_442 = arith.index_cast %get3A_441 : i32 to index
      %get3A_443 = arith.index_cast %mul3A_395 : i32 to index
      %get3A_444 = tpu.vector_load %arg12[%get3A_442, %get3A_443] {strides = array<i32>} : memref<16x768xf32, #tpu.memory_space<vmem>>, vector<1x16xf32>,
      %get3A_445 = vector.shape_cast %get3A_444 : vector<1x16xf32> to vector<16xf32>
      %max3A_446 = arith.maximumf %max3A_440, %get3A_445 : vector<16xf32>
      %get3A_447 = arith.constant 3 : i32
      %get3A_448 = arith.index_cast %get3A_447 : i32 to index
      %get3A_449 = arith.index_cast %mul3A_395 : i32 to index
      %get3A_450 = tpu.vector_load %arg12[%get3A_448, %get3A_449] {strides = array<i32>} : memref<16x768xf32, #tpu.memory_space<vmem>>, vector<1x16xf32>,
      %get3A_451 = vector.shape_cast %get3A_450 : vector<1x16xf32> to vector<16xf32>
      %max3A_452 = arith.maximumf %max3A_446, %get3A_451 : vector<16xf32>
      %swap3A = arith.constant 24 : i32
      %swap3A_453 = arith.index_cast %swap3A : i32 to index
      %swap3A_454 = arith.index_cast %mul3A_395 : i32 to index
      %swap3A_455 = tpu.vector_load %arg15[%swap3A_453, %swap3A_454] {strides = array<i32>} : memref<32x768xf32, #tpu.memory_space<vmem>>, vector<1x16xf32>,
      %swap3A_456 = vector.shape_cast %swap3A_455 : vector<1x16xf32> to vector<16xf32>
      %swap3A_457 = vector.shape_cast %max3A_452 : vector<16xf32> to vector<1x16xf32>
      tpu.vector_store %arg15[%swap3A_453, %swap3A_454], %swap3A_457 {strides = array<i32>} : memref<32x768xf32, #tpu.memory_space<vmem>>, vector<1x16xf32>,
      %scan3A_458 = arith.constant 0 : i32
      scf.yield %scan3A_458 : i32
    }
    %scan3A_368 = arith.constant 48 : i32
    %scan3A_369 = arith.constant 0 : i32
    %scan3A_370 = arith.constant 0 : i32
    %scan3A_371 = arith.constant 48 : i32
    %scan3A_372 = arith.addi %scan3A_370, %scan3A_371 : i32
    %scan3A_373 = arith.constant 1 : i32
    %scan3A_374 = scf.for %scan3A_392 = %scan3A_370 to %scan3A_372 step %scan3A_373 iter_args(%scan3A_393 = %scan3A_369) -> (i32)  : i32 {
      %mul3A_394 = arith.constant 16 : i32
      %mul3A_395 = arith.muli %scan3A_392, %mul3A_394 : i32
      %get3A = arith.constant 6 : i32
      %get3A_396 = arith.index_cast %get3A : i32 to index
      %get3A_397 = arith.index_cast %mul3A_395 : i32 to index
      %get3A_398 = tpu.vector_load %arg9[%get3A_396, %get3A_397] {strides = array<i32>} : memref<24x768xf32, #tpu.memory_space<vmem>>, vector<1x16xf32>,
      %get3A_399 = vector.shape_cast %get3A_398 : vector<1x16xf32> to vector<16xf32>
      %get3A_400 = arith.constant 7 : i32
      %get3A_401 = arith.index_cast %get3A_400 : i32 to index
      %get3A_402 = arith.index_cast %mul3A_395 : i32 to index
      %get3A_403 = tpu.vector_load %arg9[%get3A_401, %get3A_402] {strides = array<i32>} : memref<24x768xf32, #tpu.memory_space<vmem>>, vector<1x16xf32>,
      %get3A_404 = vector.shape_cast %get3A_403 : vector<1x16xf32> to vector<16xf32>
      %max3A = arith.maximumf %get3A_399, %get3A_404 : vector<16xf32>
      %get3A_405 = arith.constant 8 : i32
      %get3A_406 = arith.index_cast %get3A_405 : i32 to index
      %get3A_407 = arith.index_cast %mul3A_395 : i32 to index
      %get3A_408 = tpu.vector_load %arg9[%get3A_406, %get3A_407] {strides = array<i32>} : memref<24x768xf32, #tpu.memory_space<vmem>>, vector<1x16xf32>,
      %get3A_409 = vector.shape_cast %get3A_408 : vector<1x16xf32> to vector<16xf32>
      %max3A_410 = arith.maximumf %max3A, %get3A_409 : vector<16xf32>
      %get3A_411 = arith.constant 9 : i32
      %get3A_412 = arith.index_cast %get3A_411 : i32 to index
      %get3A_413 = arith.index_cast %mul3A_395 : i32 to index
      %get3A_414 = tpu.vector_load %arg9[%get3A_412, %get3A_413] {strides = array<i32>} : memref<24x768xf32, #tpu.memory_space<vmem>>, vector<1x16xf32>,
      %get3A_415 = vector.shape_cast %get3A_414 : vector<1x16xf32> to vector<16xf32>
      %max3A_416 = arith.maximumf %max3A_410, %get3A_415 : vector<16xf32>
      %get3A_417 = arith.constant 10 : i32
      %get3A_418 = arith.index_cast %get3A_417 : i32 to index
      %get3A_419 = arith.index_cast %mul3A_395 : i32 to index
      %get3A_420 = tpu.vector_load %arg9[%get3A_418, %get3A_419] {strides = array<i32>} : memref<24x768xf32, #tpu.memory_space<vmem>>, vector<1x16xf32>,
      %get3A_421 = vector.shape_cast %get3A_420 : vector<1x16xf32> to vector<16xf32>
      %max3A_422 = arith.maximumf %max3A_416, %get3A_421 : vector<16xf32>
      %get3A_423 = arith.constant 11 : i32
      %get3A_424 = arith.index_cast %get3A_423 : i32 to index
      %get3A_425 = arith.index_cast %mul3A_395 : i32 to index
      %get3A_426 = tpu.vector_load %arg9[%get3A_424, %get3A_425] {strides = array<i32>} : memref<24x768xf32, #tpu.memory_space<vmem>>, vector<1x16xf32>,
      %get3A_427 = vector.shape_cast %get3A_426 : vector<1x16xf32> to vector<16xf32>
      %max3A_428 = arith.maximumf %max3A_422, %get3A_427 : vector<16xf32>
      %get3A_429 = arith.constant 4 : i32
      %get3A_430 = arith.index_cast %get3A_429 : i32 to index
      %get3A_431 = arith.index_cast %mul3A_395 : i32 to index
      %get3A_432 = tpu.vector_load %arg12[%get3A_430, %get3A_431] {strides = array<i32>} : memref<16x768xf32, #tpu.memory_space<vmem>>, vector<1x16xf32>,
      %get3A_433 = vector.shape_cast %get3A_432 : vector<1x16xf32> to vector<16xf32>
      %max3A_434 = arith.maximumf %max3A_428, %get3A_433 : vector<16xf32>
      %get3A_435 = arith.constant 5 : i32
      %get3A_436 = arith.index_cast %get3A_435 : i32 to index
      %get3A_437 = arith.index_cast %mul3A_395 : i32 to index
      %get3A_438 = tpu.vector_load %arg12[%get3A_436, %get3A_437] {strides = array<i32>} : memref<16x768xf32, #tpu.memory_space<vmem>>, vector<1x16xf32>,
      %get3A_439 = vector.shape_cast %get3A_438 : vector<1x16xf32> to vector<16xf32>
      %max3A_440 = arith.maximumf %max3A_434, %get3A_439 : vector<16xf32>
      %get3A_441 = arith.constant 6 : i32
      %get3A_442 = arith.index_cast %get3A_441 : i32 to index
      %get3A_443 = arith.index_cast %mul3A_395 : i32 to index
      %get3A_444 = tpu.vector_load %arg12[%get3A_442, %get3A_443] {strides = array<i32>} : memref<16x768xf32, #tpu.memory_space<vmem>>, vector<1x16xf32>,
      %get3A_445 = vector.shape_cast %get3A_444 : vector<1x16xf32> to vector<16xf32>
      %max3A_446 = arith.maximumf %max3A_440, %get3A_445 : vector<16xf32>
      %get3A_447 = arith.constant 7 : i32
      %get3A_448 = arith.index_cast %get3A_447 : i32 to index
      %get3A_449 = arith.index_cast %mul3A_395 : i32 to index
      %get3A_450 = tpu.vector_load %arg12[%get3A_448, %get3A_449] {strides = array<i32>} : memref<16x768xf32, #tpu.memory_space<vmem>>, vector<1x16xf32>,
      %get3A_451 = vector.shape_cast %get3A_450 : vector<1x16xf32> to vector<16xf32>
      %max3A_452 = arith.maximumf %max3A_446, %get3A_451 : vector<16xf32>
      %swap3A = arith.constant 25 : i32
      %swap3A_453 = arith.index_cast %swap3A : i32 to index
      %swap3A_454 = arith.index_cast %mul3A_395 : i32 to index
      %swap3A_455 = tpu.vector_load %arg15[%swap3A_453, %swap3A_454] {strides = array<i32>} : memref<32x768xf32, #tpu.memory_space<vmem>>, vector<1x16xf32>,
      %swap3A_456 = vector.shape_cast %swap3A_455 : vector<1x16xf32> to vector<16xf32>
      %swap3A_457 = vector.shape_cast %max3A_452 : vector<16xf32> to vector<1x16xf32>
      tpu.vector_store %arg15[%swap3A_453, %swap3A_454], %swap3A_457 {strides = array<i32>} : memref<32x768xf32, #tpu.memory_space<vmem>>, vector<1x16xf32>,
      %scan3A_458 = arith.constant 0 : i32
      scf.yield %scan3A_458 : i32
    }
    %scan3A_375 = arith.constant 48 : i32
    %scan3A_376 = arith.constant 0 : i32
    %scan3A_377 = arith.constant 0 : i32
    %scan3A_378 = arith.constant 48 : i32
    %scan3A_379 = arith.addi %scan3A_377, %scan3A_378 : i32
    %scan3A_380 = arith.constant 1 : i32
    %scan3A_381 = scf.for %scan3A_392 = %scan3A_377 to %scan3A_379 step %scan3A_380 iter_args(%scan3A_393 = %scan3A_376) -> (i32)  : i32 {
      %mul3A_394 = arith.constant 16 : i32
      %mul3A_395 = arith.muli %scan3A_392, %mul3A_394 : i32
      %get3A = arith.constant 12 : i32
      %get3A_396 = arith.index_cast %get3A : i32 to index
      %get3A_397 = arith.index_cast %mul3A_395 : i32 to index
      %get3A_398 = tpu.vector_load %arg9[%get3A_396, %get3A_397] {strides = array<i32>} : memref<24x768xf32, #tpu.memory_space<vmem>>, vector<1x16xf32>,
      %get3A_399 = vector.shape_cast %get3A_398 : vector<1x16xf32> to vector<16xf32>
      %get3A_400 = arith.constant 13 : i32
      %get3A_401 = arith.index_cast %get3A_400 : i32 to index
      %get3A_402 = arith.index_cast %mul3A_395 : i32 to index
      %get3A_403 = tpu.vector_load %arg9[%get3A_401, %get3A_402] {strides = array<i32>} : memref<24x768xf32, #tpu.memory_space<vmem>>, vector<1x16xf32>,
      %get3A_404 = vector.shape_cast %get3A_403 : vector<1x16xf32> to vector<16xf32>
      %max3A = arith.maximumf %get3A_399, %get3A_404 : vector<16xf32>
      %get3A_405 = arith.constant 14 : i32
      %get3A_406 = arith.index_cast %get3A_405 : i32 to index
      %get3A_407 = arith.index_cast %mul3A_395 : i32 to index
      %get3A_408 = tpu.vector_load %arg9[%get3A_406, %get3A_407] {strides = array<i32>} : memref<24x768xf32, #tpu.memory_space<vmem>>, vector<1x16xf32>,
      %get3A_409 = vector.shape_cast %get3A_408 : vector<1x16xf32> to vector<16xf32>
      %max3A_410 = arith.maximumf %max3A, %get3A_409 : vector<16xf32>
      %get3A_411 = arith.constant 15 : i32
      %get3A_412 = arith.index_cast %get3A_411 : i32 to index
      %get3A_413 = arith.index_cast %mul3A_395 : i32 to index
      %get3A_414 = tpu.vector_load %arg9[%get3A_412, %get3A_413] {strides = array<i32>} : memref<24x768xf32, #tpu.memory_space<vmem>>, vector<1x16xf32>,
      %get3A_415 = vector.shape_cast %get3A_414 : vector<1x16xf32> to vector<16xf32>
      %max3A_416 = arith.maximumf %max3A_410, %get3A_415 : vector<16xf32>
      %get3A_417 = arith.constant 16 : i32
      %get3A_418 = arith.index_cast %get3A_417 : i32 to index
      %get3A_419 = arith.index_cast %mul3A_395 : i32 to index
      %get3A_420 = tpu.vector_load %arg9[%get3A_418, %get3A_419] {strides = array<i32>} : memref<24x768xf32, #tpu.memory_space<vmem>>, vector<1x16xf32>,
      %get3A_421 = vector.shape_cast %get3A_420 : vector<1x16xf32> to vector<16xf32>
      %max3A_422 = arith.maximumf %max3A_416, %get3A_421 : vector<16xf32>
      %get3A_423 = arith.constant 17 : i32
      %get3A_424 = arith.index_cast %get3A_423 : i32 to index
      %get3A_425 = arith.index_cast %mul3A_395 : i32 to index
      %get3A_426 = tpu.vector_load %arg9[%get3A_424, %get3A_425] {strides = array<i32>} : memref<24x768xf32, #tpu.memory_space<vmem>>, vector<1x16xf32>,
      %get3A_427 = vector.shape_cast %get3A_426 : vector<1x16xf32> to vector<16xf32>
      %max3A_428 = arith.maximumf %max3A_422, %get3A_427 : vector<16xf32>
      %get3A_429 = arith.constant 8 : i32
      %get3A_430 = arith.index_cast %get3A_429 : i32 to index
      %get3A_431 = arith.index_cast %mul3A_395 : i32 to index
      %get3A_432 = tpu.vector_load %arg12[%get3A_430, %get3A_431] {strides = array<i32>} : memref<16x768xf32, #tpu.memory_space<vmem>>, vector<1x16xf32>,
      %get3A_433 = vector.shape_cast %get3A_432 : vector<1x16xf32> to vector<16xf32>
      %max3A_434 = arith.maximumf %max3A_428, %get3A_433 : vector<16xf32>
      %get3A_435 = arith.constant 9 : i32
      %get3A_436 = arith.index_cast %get3A_435 : i32 to index
      %get3A_437 = arith.index_cast %mul3A_395 : i32 to index
      %get3A_438 = tpu.vector_load %arg12[%get3A_436, %get3A_437] {strides = array<i32>} : memref<16x768xf32, #tpu.memory_space<vmem>>, vector<1x16xf32>,
      %get3A_439 = vector.shape_cast %get3A_438 : vector<1x16xf32> to vector<16xf32>
      %max3A_440 = arith.maximumf %max3A_434, %get3A_439 : vector<16xf32>
      %get3A_441 = arith.constant 10 : i32
      %get3A_442 = arith.index_cast %get3A_441 : i32 to index
      %get3A_443 = arith.index_cast %mul3A_395 : i32 to index
      %get3A_444 = tpu.vector_load %arg12[%get3A_442, %get3A_443] {strides = array<i32>} : memref<16x768xf32, #tpu.memory_space<vmem>>, vector<1x16xf32>,
      %get3A_445 = vector.shape_cast %get3A_444 : vector<1x16xf32> to vector<16xf32>
      %max3A_446 = arith.maximumf %max3A_440, %get3A_445 : vector<16xf32>
      %get3A_447 = arith.constant 11 : i32
      %get3A_448 = arith.index_cast %get3A_447 : i32 to index
      %get3A_449 = arith.index_cast %mul3A_395 : i32 to index
      %get3A_450 = tpu.vector_load %arg12[%get3A_448, %get3A_449] {strides = array<i32>} : memref<16x768xf32, #tpu.memory_space<vmem>>, vector<1x16xf32>,
      %get3A_451 = vector.shape_cast %get3A_450 : vector<1x16xf32> to vector<16xf32>
      %max3A_452 = arith.maximumf %max3A_446, %get3A_451 : vector<16xf32>
      %swap3A = arith.constant 26 : i32
      %swap3A_453 = arith.index_cast %swap3A : i32 to index
      %swap3A_454 = arith.index_cast %mul3A_395 : i32 to index
      %swap3A_455 = tpu.vector_load %arg15[%swap3A_453, %swap3A_454] {strides = array<i32>} : memref<32x768xf32, #tpu.memory_space<vmem>>, vector<1x16xf32>,
      %swap3A_456 = vector.shape_cast %swap3A_455 : vector<1x16xf32> to vector<16xf32>
      %swap3A_457 = vector.shape_cast %max3A_452 : vector<16xf32> to vector<1x16xf32>
      tpu.vector_store %arg15[%swap3A_453, %swap3A_454], %swap3A_457 {strides = array<i32>} : memref<32x768xf32, #tpu.memory_space<vmem>>, vector<1x16xf32>,
      %scan3A_458 = arith.constant 0 : i32
      scf.yield %scan3A_458 : i32
    }
    %scan3A_382 = arith.constant 48 : i32
    %scan3A_383 = arith.constant 0 : i32
    %scan3A_384 = arith.constant 0 : i32
    %scan3A_385 = arith.constant 48 : i32
    %scan3A_386 = arith.addi %scan3A_384, %scan3A_385 : i32
    %scan3A_387 = arith.constant 1 : i32
    %scan3A_388 = scf.for %scan3A_392 = %scan3A_384 to %scan3A_386 step %scan3A_387 iter_args(%scan3A_393 = %scan3A_383) -> (i32)  : i32 {
      %mul3A_394 = arith.constant 16 : i32
      %mul3A_395 = arith.muli %scan3A_392, %mul3A_394 : i32
      %get3A = arith.constant 18 : i32
      %get3A_396 = arith.index_cast %get3A : i32 to index
      %get3A_397 = arith.index_cast %mul3A_395 : i32 to index
      %get3A_398 = tpu.vector_load %arg9[%get3A_396, %get3A_397] {strides = array<i32>} : memref<24x768xf32, #tpu.memory_space<vmem>>, vector<1x16xf32>,
      %get3A_399 = vector.shape_cast %get3A_398 : vector<1x16xf32> to vector<16xf32>
      %get3A_400 = arith.constant 19 : i32
      %get3A_401 = arith.index_cast %get3A_400 : i32 to index
      %get3A_402 = arith.index_cast %mul3A_395 : i32 to index
      %get3A_403 = tpu.vector_load %arg9[%get3A_401, %get3A_402] {strides = array<i32>} : memref<24x768xf32, #tpu.memory_space<vmem>>, vector<1x16xf32>,
      %get3A_404 = vector.shape_cast %get3A_403 : vector<1x16xf32> to vector<16xf32>
      %max3A = arith.maximumf %get3A_399, %get3A_404 : vector<16xf32>
      %get3A_405 = arith.constant 20 : i32
      %get3A_406 = arith.index_cast %get3A_405 : i32 to index
      %get3A_407 = arith.index_cast %mul3A_395 : i32 to index
      %get3A_408 = tpu.vector_load %arg9[%get3A_406, %get3A_407] {strides = array<i32>} : memref<24x768xf32, #tpu.memory_space<vmem>>, vector<1x16xf32>,
      %get3A_409 = vector.shape_cast %get3A_408 : vector<1x16xf32> to vector<16xf32>
      %max3A_410 = arith.maximumf %max3A, %get3A_409 : vector<16xf32>
      %get3A_411 = arith.constant 21 : i32
      %get3A_412 = arith.index_cast %get3A_411 : i32 to index
      %get3A_413 = arith.index_cast %mul3A_395 : i32 to index
      %get3A_414 = tpu.vector_load %arg9[%get3A_412, %get3A_413] {strides = array<i32>} : memref<24x768xf32, #tpu.memory_space<vmem>>, vector<1x16xf32>,
      %get3A_415 = vector.shape_cast %get3A_414 : vector<1x16xf32> to vector<16xf32>
      %max3A_416 = arith.maximumf %max3A_410, %get3A_415 : vector<16xf32>
      %get3A_417 = arith.constant 22 : i32
      %get3A_418 = arith.index_cast %get3A_417 : i32 to index
      %get3A_419 = arith.index_cast %mul3A_395 : i32 to index
      %get3A_420 = tpu.vector_load %arg9[%get3A_418, %get3A_419] {strides = array<i32>} : memref<24x768xf32, #tpu.memory_space<vmem>>, vector<1x16xf32>,
      %get3A_421 = vector.shape_cast %get3A_420 : vector<1x16xf32> to vector<16xf32>
      %max3A_422 = arith.maximumf %max3A_416, %get3A_421 : vector<16xf32>
      %get3A_423 = arith.constant 23 : i32
      %get3A_424 = arith.index_cast %get3A_423 : i32 to index
      %get3A_425 = arith.index_cast %mul3A_395 : i32 to index
      %get3A_426 = tpu.vector_load %arg9[%get3A_424, %get3A_425] {strides = array<i32>} : memref<24x768xf32, #tpu.memory_space<vmem>>, vector<1x16xf32>,
      %get3A_427 = vector.shape_cast %get3A_426 : vector<1x16xf32> to vector<16xf32>
      %max3A_428 = arith.maximumf %max3A_422, %get3A_427 : vector<16xf32>
      %get3A_429 = arith.constant 12 : i32
      %get3A_430 = arith.index_cast %get3A_429 : i32 to index
      %get3A_431 = arith.index_cast %mul3A_395 : i32 to index
      %get3A_432 = tpu.vector_load %arg12[%get3A_430, %get3A_431] {strides = array<i32>} : memref<16x768xf32, #tpu.memory_space<vmem>>, vector<1x16xf32>,
      %get3A_433 = vector.shape_cast %get3A_432 : vector<1x16xf32> to vector<16xf32>
      %max3A_434 = arith.maximumf %max3A_428, %get3A_433 : vector<16xf32>
      %get3A_435 = arith.constant 13 : i32
      %get3A_436 = arith.index_cast %get3A_435 : i32 to index
      %get3A_437 = arith.index_cast %mul3A_395 : i32 to index
      %get3A_438 = tpu.vector_load %arg12[%get3A_436, %get3A_437] {strides = array<i32>} : memref<16x768xf32, #tpu.memory_space<vmem>>, vector<1x16xf32>,
      %get3A_439 = vector.shape_cast %get3A_438 : vector<1x16xf32> to vector<16xf32>
      %max3A_440 = arith.maximumf %max3A_434, %get3A_439 : vector<16xf32>
      %get3A_441 = arith.constant 14 : i32
      %get3A_442 = arith.index_cast %get3A_441 : i32 to index
      %get3A_443 = arith.index_cast %mul3A_395 : i32 to index
      %get3A_444 = tpu.vector_load %arg12[%get3A_442, %get3A_443] {strides = array<i32>} : memref<16x768xf32, #tpu.memory_space<vmem>>, vector<1x16xf32>,
      %get3A_445 = vector.shape_cast %get3A_444 : vector<1x16xf32> to vector<16xf32>
      %max3A_446 = arith.maximumf %max3A_440, %get3A_445 : vector<16xf32>
      %get3A_447 = arith.constant 15 : i32
      %get3A_448 = arith.index_cast %get3A_447 : i32 to index
      %get3A_449 = arith.index_cast %mul3A_395 : i32 to index
      %get3A_450 = tpu.vector_load %arg12[%get3A_448, %get3A_449] {strides = array<i32>} : memref<16x768xf32, #tpu.memory_space<vmem>>, vector<1x16xf32>,
      %get3A_451 = vector.shape_cast %get3A_450 : vector<1x16xf32> to vector<16xf32>
      %max3A_452 = arith.maximumf %max3A_446, %get3A_451 : vector<16xf32>
      %swap3A = arith.constant 27 : i32
      %swap3A_453 = arith.index_cast %swap3A : i32 to index
      %swap3A_454 = arith.index_cast %mul3A_395 : i32 to index
      %swap3A_455 = tpu.vector_load %arg15[%swap3A_453, %swap3A_454] {strides = array<i32>} : memref<32x768xf32, #tpu.memory_space<vmem>>, vector<1x16xf32>,
      %swap3A_456 = vector.shape_cast %swap3A_455 : vector<1x16xf32> to vector<16xf32>
      %swap3A_457 = vector.shape_cast %max3A_452 : vector<16xf32> to vector<1x16xf32>
      tpu.vector_store %arg15[%swap3A_453, %swap3A_454], %swap3A_457 {strides = array<i32>} : memref<32x768xf32, #tpu.memory_space<vmem>>, vector<1x16xf32>,
      %scan3A_458 = arith.constant 0 : i32
      scf.yield %scan3A_458 : i32
    }
    %scan3A_389 = arith.constant 48 : i32
    %mul3A_390 = arith.constant 32 : i32
    %mul3A_391 = arith.muli %add3A, %mul3A_390 : i32
    "tpu.region"() ({
      %run_scoped3A = tpu.sem_alloc : memref<!tpu.dma_semaphore, #tpu.memory_space<semaphore_mem>>
      %dma_start3A_392 = arith.constant 0 : i32
      %dma_start3A_393 = tpu.memref_slice %arg6[%mul3A_391, %dma_start3A_392] : memref<1024x768xf32, #tpu.memory_space<hbm>> -> memref<32x768xf32, #tpu.memory_space<hbm>>
      %dma_start3A_394 = arith.constant 0 : i32
      %dma_start3A_395 = tpu.memref_slice %arg6[%mul3A_391, %dma_start3A_394] : memref<1024x768xf32, #tpu.memory_space<hbm>> -> memref<32x768xf32, #tpu.memory_space<hbm>>
      tpu.enqueue_dma source(%arg15 : memref<32x768xf32, #tpu.memory_space<vmem>>) target(%dma_start3A_395 : memref<32x768xf32, #tpu.memory_space<hbm>>) target_semaphore(%run_scoped3A : memref<!tpu.dma_semaphore, #tpu.memory_space<semaphore_mem>>)
      %dma_wait3A_396 = arith.constant 0 : i32
      %dma_wait3A_397 = tpu.memref_slice %arg6[%mul3A_391, %dma_wait3A_396] : memref<1024x768xf32, #tpu.memory_space<hbm>> -> memref<32x768xf32, #tpu.memory_space<hbm>>
      %dma_wait3A_398 = arith.constant 0 : i32
      %dma_wait3A_399 = tpu.memref_slice %arg6[%mul3A_391, %dma_wait3A_398] : memref<1024x768xf32, #tpu.memory_space<hbm>> -> memref<32x768xf32, #tpu.memory_space<hbm>>
      tpu.wait_dma2 semaphore(%run_scoped3A : memref<!tpu.dma_semaphore, #tpu.memory_space<semaphore_mem>>) src(%arg15 : memref<32x768xf32, #tpu.memory_space<vmem>>) dst(%dma_wait3A_399 : memref<32x768xf32, #tpu.memory_space<hbm>>)
      tpu.yield
    }) : () -> ()
    return
  }
}

module attributes {stable_mosaic.version = 14 : i64} {
  func.func @_build_body(%arg0: i32, %arg1: memref<1x2048x768xf32, #tpu.memory_space<vmem>>, %arg2: memref<1x2568x768xf32, #tpu.memory_space<vmem>>) attributes {dimension_semantics = [#tpu.dimension_semantics<arbitrary>], iteration_bounds = array<i64: 8>, scalar_prefetch = 0 : i64, scratch_operands = 0 : i64, tpu.core_type = #tpu.core_type<tc>, window_params = [{transform_indices = @transform_0, window_bounds = array<i64: 1, 2048, 768>}, {transform_indices = @transform_1, window_bounds = array<i64: 1, 2568, 768>}]} {
    %get3A = arith.constant 0 : index
    %get3A_0 = arith.constant 0 : index
    %get3A_1 = arith.constant 0 : index
    %get3A_2 = vector.load %arg1[%get3A, %get3A_0, %get3A_1] : memref<1x2048x768xf32, #tpu.memory_space<vmem>>, vector<1x2048x768xf32>
    %get3A_3 = vector.shape_cast %get3A_2 : vector<1x2048x768xf32> to vector<2048x768xf32>
    %reshape3A = vector.shape_cast %get3A_3 : vector<2048x768xf32> to vector<512x4x768xf32>
    %slice3A = vector.extract_strided_slice %reshape3A {offsets = [0, 0, 0], sizes = [512, 1, 768], strides = [1, 1, 1]} : vector<512x4x768xf32> to vector<512x1x768xf32>
    %squeeze3A = vector.shape_cast %slice3A : vector<512x1x768xf32> to vector<512x768xf32>
    %slice3A_4 = vector.extract_strided_slice %reshape3A {offsets = [0, 1, 0], sizes = [512, 1, 768], strides = [1, 1, 1]} : vector<512x4x768xf32> to vector<512x1x768xf32>
    %squeeze3A_5 = vector.shape_cast %slice3A_4 : vector<512x1x768xf32> to vector<512x768xf32>
    %max3A = arith.maximumf %squeeze3A, %squeeze3A_5 : vector<512x768xf32>
    %slice3A_6 = vector.extract_strided_slice %reshape3A {offsets = [0, 2, 0], sizes = [512, 1, 768], strides = [1, 1, 1]} : vector<512x4x768xf32> to vector<512x1x768xf32>
    %squeeze3A_7 = vector.shape_cast %slice3A_6 : vector<512x1x768xf32> to vector<512x768xf32>
    %slice3A_8 = vector.extract_strided_slice %reshape3A {offsets = [0, 3, 0], sizes = [512, 1, 768], strides = [1, 1, 1]} : vector<512x4x768xf32> to vector<512x1x768xf32>
    %squeeze3A_9 = vector.shape_cast %slice3A_8 : vector<512x1x768xf32> to vector<512x768xf32>
    %max3A_10 = arith.maximumf %squeeze3A_7, %squeeze3A_9 : vector<512x768xf32>
    %max3A_11 = arith.maximumf %max3A, %max3A_10 : vector<512x768xf32>
    %swap3A = arith.constant 0 : index
    %swap3A_12 = arith.constant 0 : index
    %swap3A_13 = arith.constant 0 : index
    %swap3A_14 = vector.load %arg2[%swap3A, %swap3A_12, %swap3A_13] : memref<1x2568x768xf32, #tpu.memory_space<vmem>>, vector<1x512x768xf32>
    %swap3A_15 = vector.shape_cast %swap3A_14 : vector<1x512x768xf32> to vector<512x768xf32>
    %swap3A_16 = vector.shape_cast %max3A_11 : vector<512x768xf32> to vector<1x512x768xf32>
    tpu.vector_store %arg2[%swap3A, %swap3A_12, %swap3A_13], %swap3A_16 {strides = array<i32>} : memref<1x2568x768xf32, #tpu.memory_space<vmem>>, vector<1x512x768xf32>,
    %get3A_17 = arith.constant 0 : index
    %get3A_18 = arith.constant 0 : index
    %get3A_19 = arith.constant 0 : index
    %get3A_20 = vector.load %arg2[%get3A_17, %get3A_18, %get3A_19] : memref<1x2568x768xf32, #tpu.memory_space<vmem>>, vector<1x509x768xf32>
    %get3A_21 = vector.shape_cast %get3A_20 : vector<1x509x768xf32> to vector<509x768xf32>
    %get3A_22 = arith.constant 0 : index
    %get3A_23 = arith.constant 1 : index
    %get3A_24 = arith.constant 0 : index
    %get3A_25 = vector.load %arg2[%get3A_22, %get3A_23, %get3A_24] : memref<1x2568x768xf32, #tpu.memory_space<vmem>>, vector<1x509x768xf32>
    %get3A_26 = vector.shape_cast %get3A_25 : vector<1x509x768xf32> to vector<509x768xf32>
    %get3A_27 = arith.constant 0 : index
    %get3A_28 = arith.constant 2 : index
    %get3A_29 = arith.constant 0 : index
    %get3A_30 = vector.load %arg2[%get3A_27, %get3A_28, %get3A_29] : memref<1x2568x768xf32, #tpu.memory_space<vmem>>, vector<1x509x768xf32>
    %get3A_31 = vector.shape_cast %get3A_30 : vector<1x509x768xf32> to vector<509x768xf32>
    %get3A_32 = arith.constant 0 : index
    %get3A_33 = arith.constant 3 : index
    %get3A_34 = arith.constant 0 : index
    %get3A_35 = vector.load %arg2[%get3A_32, %get3A_33, %get3A_34] : memref<1x2568x768xf32, #tpu.memory_space<vmem>>, vector<1x509x768xf32>
    %get3A_36 = vector.shape_cast %get3A_35 : vector<1x509x768xf32> to vector<509x768xf32>
    %max3A_37 = arith.maximumf %get3A_21, %get3A_26 : vector<509x768xf32>
    %max3A_38 = arith.maximumf %get3A_31, %get3A_36 : vector<509x768xf32>
    %max3A_39 = arith.maximumf %max3A_37, %max3A_38 : vector<509x768xf32>
    %swap3A_40 = arith.constant 0 : index
    %swap3A_41 = arith.constant 512 : index
    %swap3A_42 = arith.constant 0 : index
    %swap3A_43 = vector.load %arg2[%swap3A_40, %swap3A_41, %swap3A_42] : memref<1x2568x768xf32, #tpu.memory_space<vmem>>, vector<1x509x768xf32>
    %swap3A_44 = vector.shape_cast %swap3A_43 : vector<1x509x768xf32> to vector<509x768xf32>
    %swap3A_45 = vector.shape_cast %max3A_39 : vector<509x768xf32> to vector<1x509x768xf32>
    tpu.vector_store %arg2[%swap3A_40, %swap3A_41, %swap3A_42], %swap3A_45 {strides = array<i32>} : memref<1x2568x768xf32, #tpu.memory_space<vmem>>, vector<1x509x768xf32>,
    %get3A_46 = arith.constant 0 : index
    %get3A_47 = arith.constant 512 : index
    %get3A_48 = arith.constant 0 : index
    %get3A_49 = vector.load %arg2[%get3A_46, %get3A_47, %get3A_48] : memref<1x2568x768xf32, #tpu.memory_space<vmem>>, vector<1x500x768xf32>
    %get3A_50 = vector.shape_cast %get3A_49 : vector<1x500x768xf32> to vector<500x768xf32>
    %get3A_51 = arith.constant 0 : index
    %get3A_52 = arith.constant 516 : index
    %get3A_53 = arith.constant 0 : index
    %get3A_54 = vector.load %arg2[%get3A_51, %get3A_52, %get3A_53] : memref<1x2568x768xf32, #tpu.memory_space<vmem>>, vector<1x500x768xf32>
    %get3A_55 = vector.shape_cast %get3A_54 : vector<1x500x768xf32> to vector<500x768xf32>
    %get3A_56 = arith.constant 0 : index
    %get3A_57 = arith.constant 520 : index
    %get3A_58 = arith.constant 0 : index
    %get3A_59 = vector.load %arg2[%get3A_56, %get3A_57, %get3A_58] : memref<1x2568x768xf32, #tpu.memory_space<vmem>>, vector<1x500x768xf32>
    %get3A_60 = vector.shape_cast %get3A_59 : vector<1x500x768xf32> to vector<500x768xf32>
    %get3A_61 = arith.constant 0 : index
    %get3A_62 = arith.constant 524 : index
    %get3A_63 = arith.constant 0 : index
    %get3A_64 = vector.load %arg2[%get3A_61, %get3A_62, %get3A_63] : memref<1x2568x768xf32, #tpu.memory_space<vmem>>, vector<1x500x768xf32>
    %get3A_65 = vector.shape_cast %get3A_64 : vector<1x500x768xf32> to vector<500x768xf32>
    %max3A_66 = arith.maximumf %get3A_50, %get3A_55 : vector<500x768xf32>
    %max3A_67 = arith.maximumf %get3A_60, %get3A_65 : vector<500x768xf32>
    %max3A_68 = arith.maximumf %max3A_66, %max3A_67 : vector<500x768xf32>
    %swap3A_69 = arith.constant 0 : index
    %swap3A_70 = arith.constant 1024 : index
    %swap3A_71 = arith.constant 0 : index
    %swap3A_72 = vector.load %arg2[%swap3A_69, %swap3A_70, %swap3A_71] : memref<1x2568x768xf32, #tpu.memory_space<vmem>>, vector<1x500x768xf32>
    %swap3A_73 = vector.shape_cast %swap3A_72 : vector<1x500x768xf32> to vector<500x768xf32>
    %swap3A_74 = vector.shape_cast %max3A_68 : vector<500x768xf32> to vector<1x500x768xf32>
    tpu.vector_store %arg2[%swap3A_69, %swap3A_70, %swap3A_71], %swap3A_74 {strides = array<i32>} : memref<1x2568x768xf32, #tpu.memory_space<vmem>>, vector<1x500x768xf32>,
    %get3A_75 = arith.constant 0 : index
    %get3A_76 = arith.constant 1024 : index
    %get3A_77 = arith.constant 0 : index
    %get3A_78 = vector.load %arg2[%get3A_75, %get3A_76, %get3A_77] : memref<1x2568x768xf32, #tpu.memory_space<vmem>>, vector<1x464x768xf32>
    %get3A_79 = vector.shape_cast %get3A_78 : vector<1x464x768xf32> to vector<464x768xf32>
    %get3A_80 = arith.constant 0 : index
    %get3A_81 = arith.constant 1040 : index
    %get3A_82 = arith.constant 0 : index
    %get3A_83 = vector.load %arg2[%get3A_80, %get3A_81, %get3A_82] : memref<1x2568x768xf32, #tpu.memory_space<vmem>>, vector<1x464x768xf32>
    %get3A_84 = vector.shape_cast %get3A_83 : vector<1x464x768xf32> to vector<464x768xf32>
    %get3A_85 = arith.constant 0 : index
    %get3A_86 = arith.constant 1056 : index
    %get3A_87 = arith.constant 0 : index
    %get3A_88 = vector.load %arg2[%get3A_85, %get3A_86, %get3A_87] : memref<1x2568x768xf32, #tpu.memory_space<vmem>>, vector<1x464x768xf32>
    %get3A_89 = vector.shape_cast %get3A_88 : vector<1x464x768xf32> to vector<464x768xf32>
    %get3A_90 = arith.constant 0 : index
    %get3A_91 = arith.constant 1072 : index
    %get3A_92 = arith.constant 0 : index
    %get3A_93 = vector.load %arg2[%get3A_90, %get3A_91, %get3A_92] : memref<1x2568x768xf32, #tpu.memory_space<vmem>>, vector<1x464x768xf32>
    %get3A_94 = vector.shape_cast %get3A_93 : vector<1x464x768xf32> to vector<464x768xf32>
    %max3A_95 = arith.maximumf %get3A_79, %get3A_84 : vector<464x768xf32>
    %max3A_96 = arith.maximumf %get3A_89, %get3A_94 : vector<464x768xf32>
    %max3A_97 = arith.maximumf %max3A_95, %max3A_96 : vector<464x768xf32>
    %swap3A_98 = arith.constant 0 : index
    %swap3A_99 = arith.constant 1536 : index
    %swap3A_100 = arith.constant 0 : index
    %swap3A_101 = vector.load %arg2[%swap3A_98, %swap3A_99, %swap3A_100] : memref<1x2568x768xf32, #tpu.memory_space<vmem>>, vector<1x464x768xf32>
    %swap3A_102 = vector.shape_cast %swap3A_101 : vector<1x464x768xf32> to vector<464x768xf32>
    %swap3A_103 = vector.shape_cast %max3A_97 : vector<464x768xf32> to vector<1x464x768xf32>
    tpu.vector_store %arg2[%swap3A_98, %swap3A_99, %swap3A_100], %swap3A_103 {strides = array<i32>} : memref<1x2568x768xf32, #tpu.memory_space<vmem>>, vector<1x464x768xf32>,
    %get3A_104 = arith.constant 0 : index
    %get3A_105 = arith.constant 1536 : index
    %get3A_106 = arith.constant 0 : index
    %get3A_107 = vector.load %arg2[%get3A_104, %get3A_105, %get3A_106] : memref<1x2568x768xf32, #tpu.memory_space<vmem>>, vector<1x320x768xf32>
    %get3A_108 = vector.shape_cast %get3A_107 : vector<1x320x768xf32> to vector<320x768xf32>
    %get3A_109 = arith.constant 0 : index
    %get3A_110 = arith.constant 1600 : index
    %get3A_111 = arith.constant 0 : index
    %get3A_112 = vector.load %arg2[%get3A_109, %get3A_110, %get3A_111] : memref<1x2568x768xf32, #tpu.memory_space<vmem>>, vector<1x320x768xf32>
    %get3A_113 = vector.shape_cast %get3A_112 : vector<1x320x768xf32> to vector<320x768xf32>
    %get3A_114 = arith.constant 0 : index
    %get3A_115 = arith.constant 1664 : index
    %get3A_116 = arith.constant 0 : index
    %get3A_117 = vector.load %arg2[%get3A_114, %get3A_115, %get3A_116] : memref<1x2568x768xf32, #tpu.memory_space<vmem>>, vector<1x320x768xf32>
    %get3A_118 = vector.shape_cast %get3A_117 : vector<1x320x768xf32> to vector<320x768xf32>
    %get3A_119 = arith.constant 0 : index
    %get3A_120 = arith.constant 1728 : index
    %get3A_121 = arith.constant 0 : index
    %get3A_122 = vector.load %arg2[%get3A_119, %get3A_120, %get3A_121] : memref<1x2568x768xf32, #tpu.memory_space<vmem>>, vector<1x320x768xf32>
    %get3A_123 = vector.shape_cast %get3A_122 : vector<1x320x768xf32> to vector<320x768xf32>
    %max3A_124 = arith.maximumf %get3A_108, %get3A_113 : vector<320x768xf32>
    %max3A_125 = arith.maximumf %get3A_118, %get3A_123 : vector<320x768xf32>
    %max3A_126 = arith.maximumf %max3A_124, %max3A_125 : vector<320x768xf32>
    %swap3A_127 = arith.constant 0 : index
    %swap3A_128 = arith.constant 2048 : index
    %swap3A_129 = arith.constant 0 : index
    %swap3A_130 = vector.load %arg2[%swap3A_127, %swap3A_128, %swap3A_129] : memref<1x2568x768xf32, #tpu.memory_space<vmem>>, vector<1x320x768xf32>
    %swap3A_131 = vector.shape_cast %swap3A_130 : vector<1x320x768xf32> to vector<320x768xf32>
    %swap3A_132 = vector.shape_cast %max3A_126 : vector<320x768xf32> to vector<1x320x768xf32>
    tpu.vector_store %arg2[%swap3A_127, %swap3A_128, %swap3A_129], %swap3A_132 {strides = array<i32>} : memref<1x2568x768xf32, #tpu.memory_space<vmem>>, vector<1x320x768xf32>,
    %broadcast_in_dim3A = arith.constant 0xFF800000 : f32
    %broadcast_in_dim3A_133 = vector.broadcast %broadcast_in_dim3A : f32 to vector<8x768xf32>
    %swap3A_134 = arith.constant 0 : index
    %swap3A_135 = arith.constant 2560 : index
    %swap3A_136 = arith.constant 0 : index
    %swap3A_137 = vector.load %arg2[%swap3A_134, %swap3A_135, %swap3A_136] : memref<1x2568x768xf32, #tpu.memory_space<vmem>>, vector<1x8x768xf32>
    %swap3A_138 = vector.shape_cast %swap3A_137 : vector<1x8x768xf32> to vector<8x768xf32>
    %swap3A_139 = vector.shape_cast %broadcast_in_dim3A_133 : vector<8x768xf32> to vector<1x8x768xf32>
    tpu.vector_store %arg2[%swap3A_134, %swap3A_135, %swap3A_136], %swap3A_139 {strides = array<i32>} : memref<1x2568x768xf32, #tpu.memory_space<vmem>>, vector<1x8x768xf32>,
    return
  }
  func.func @transform_0(%arg0: i32) -> (i32, i32, i32) {
    %c0_i32 = arith.constant 0 : i32
    %c0_i32_0 = arith.constant 0 : i32
    %c0_i32_1 = arith.constant 0 : i32
    return %arg0, %c0_i32, %c0_i32_0 : i32, i32, i32
  }
  func.func @transform_1(%arg0: i32) -> (i32, i32, i32) {
    %c0_i32 = arith.constant 0 : i32
    %c0_i32_0 = arith.constant 0 : i32
    %c0_i32_1 = arith.constant 0 : i32
    return %arg0, %c0_i32, %c0_i32_0 : i32, i32, i32
  }
}

</mosaic_0001>

<sc_bundles>
// kernel: kernel.4.cloned.1.call-start
scs
__scs_entry_jumppad:
0x0: {  	(pc) =	sbr.rel $0x88, $3  }
0x1: {  	(tag) =	ssettag $0x0;
	lr =	simm.s32 $0x1  }
0x2: {  	[smem:$0x3F9F] =	sst lr;
	_ =	strace $0xD0000000  }
0x3: {  	_ = 	snop  }
0x4: {  	_ = 	snop  }
0x5: {  	_ = 	snop  }
0x6: {  	_ = 	snop  }
0x7: {  	_ = 	snop  }
__scs_overlays_trampoline_lowered:
0x8: {  	[smem:$0x3FAE] =	sst s0  }
0x9: {  	[smem:$0x3FAF] =	sst s1  }
0xa: {  	[smem:$0x3FB0] =	sst s2  }
0xb: {  	[smem:$0x3FB1] =	sst s3  }
0xc: {  	[smem:$0x3FB2] =	sst s4  }
0xd: {  	[smem:$0x3FB3] =	sst s5  }
0xe: {  	[smem:$0x3FB4] =	sst s6  }
0xf: {  	[smem:$0x3FB5] =	sst s7  }
0x10: {  	[smem:$0x3FB6] =	sst s8  }
0x11: {  	[smem:$0x3FB7] =	sst s9;
	s0 =	simm.s32 @!p0 $0x0  }
0x12: {  	s1 =	sld [smem:$0x3F9D];
	s0 =	simm.s32 @p0 $0x1  }
0x13: {  	[smem:$0x3FB8] =	sst s0;
	s0 =	simm.s32 @!p1 $0x0  }
0x14: {  	s2 =	sld [smem:$0x3F9C];
	s0 =	simm.s32 @p1 $0x1  }
0x15: {  	[smem:$0x3FB9] =	sst s0;
	s0 =	simm.s32 @!p2 $0x0  }
0x16: {  	s3 =	sld [smem:$0x3FDB];
	s0 =	simm.s32 @p2 $0x1  }
0x17: {  	s4 =	simm.s32 $0x1BF5;
	[smem:$0x3FBB] =	sst s0  }
0x18: {  	s0 =	sld [smem:$0x3F9E];
	_ =	swait.ge [sflag:s4], $0x0  }
0x19: {  	s7 =	sld [smem:$0x3F9F]  }
0x1a: {  	s8 =	sadd.s32 $0xFFFFE003, lr  }
0x1b: {  	s9 =	sadd.s32 $0xFFFFFEF7, lr;
	s5 =	simm.s32 $0xFFFFFFFF;
	p2 =	slt.u32 s8, $0xFFFFF086  }
0x1c: {  	p1 =	slt.u32 s9, $0xF7A;
	s5 =	simm.s32 @!p2 $0x0  }
0x1d: {  	s5 =	simm.s32 @p1 $0x1;
	p0 =	seq.s32 s7, s2  }
0x1e: {  	s7 =	smul.u32 @!p0 $0xF7A, s2;
	p2 =	seq.s32 @!p0 s5, $0x0  }
0x1f: {  	s9 =	smul.u32 $0xF7A, s1;
	s8 =	simm.s32 @!p0 $0x1BF5;
	p2 =	por !p2, p0  }
0x20: {  	[sflag:s8] =	ssyncset.s32 @!p0 $0xFFFFF086;
	s6 =	sadd.s32 @!p0 s3, s7;
	s7 =	simm.s32 @!p0 $0x108  }
0x21: {  	s3 =	sadd.s32 s3, s9;
	s6 =	sadd.s32 @!p0 $0x88, s6;
	s7 =	simm.s32 @p2 $0x1082  }
0x22: {  	[simem:s7], [sflag:s8] =	dma.local @!p0 [hbm:s6], $0xF7A  }
0x23: {  	s9 =	sor.u32 $0xD0000000, s2;
	s6 =	simm.s32 $0x108;
	_ =	swait.ge @!p0 [sflag:s8], $0x0  }
0x24: {  	s3 =	sadd.s32 $0x88, s3;
	s6 =	simm.s32 @!p1 $0x1082;
	[sflag:s4] =	ssyncset.s32 $0xFFFFF086  }
0x25: {  	[simem:s6], [sflag:s4] =	dma.local [hbm:s3], $0xF7A  }
0x26: {  	[smem:$0x3F9F] =	sst s1;
	(tag) =	ssettag s2;
	_ =	strace s9  }
0x27: {  	s1 =	sld [smem:$0x3FAF]  }
0x28: {  	s2 =	sld [smem:$0x3FB0]  }
0x29: {  	s4 =	sld [smem:$0x3FB2]  }
0x2a: {  	p0 =	seq.s32 s5, $0x0;
	s5 =	sld [smem:$0x3FB3]  }
0x2b: {  	s6 =	sld [smem:$0x3FB4]  }
0x2c: {  	s7 =	sld [smem:$0x3FB5]  }
0x2d: {  	s3 =	simm.s32 $0x108;
	s8 =	sld [smem:$0x3FB6]  }
0x2e: {  	s3 =	simm.s32 @!p0 $0x1082;
	s9 =	sld [smem:$0x3FB7]  }
0x2f: {  	lr =	sadd.s32 s0, s3;
	s0 =	sld [smem:$0x3FAE]  }
0x30: {  	s3 =	sld [smem:$0x3FB1]  }
0x31: {  	[smem:$0x3FBA] =	sst s10  }
0x32: {  	s10 =	sld [smem:$0x3FB8];
	_ =	sdelay $0x3  }
0x33: {  	p0 =	seq.s32 s10, $0x1;
	s10 =	sld [smem:$0x3FBA];
	_ =	sdelay $0x3  }
0x34: {  	[smem:$0x3FBA] =	sst s10  }
0x35: {  	s10 =	sld [smem:$0x3FB9];
	_ =	sdelay $0x3  }
0x36: {  	p1 =	seq.s32 s10, $0x1;
	s10 =	sld [smem:$0x3FBA];
	_ =	sdelay $0x3  }
0x37: {  	[smem:$0x3FBA] =	sst s10  }
0x38: {  	s10 =	sld [smem:$0x3FBB]  }
0x39: {  	_ = 	snop;
	(pc) =	sbr.ind lr, $3  }
0x3a: {  	_ = 	snop  }
0x3b: {  	_ = 	snop  }
0x3c: {  	p2 =	seq.s32 s10, $0x1;
	s10 =	sld [smem:$0x3FBA]  }
0x3d: {  	_ =	shalt  }
0x3e: {  	_ =	shalt  }
0x3f: {  	_ =	shalt  }
0x40: {  	_ =	shalt  }
0x41: {  	_ =	shalt  }
0x42: {  	_ =	shalt  }
0x43: {  	_ =	shalt  }
0x44: {  	_ =	shalt  }
0x45: {  	_ =	shalt  }
0x46: {  	_ =	shalt  }
0x47: {  	_ =	shalt  }
0x48: {  	_ =	shalt  }
0x49: {  	_ =	shalt  }
0x4a: {  	_ =	shalt  }
0x4b: {  	_ =	shalt  }
0x4c: {  	_ =	shalt  }
0x4d: {  	_ =	shalt  }
0x4e: {  	_ =	shalt  }
0x4f: {  	_ =	shalt  }
0x50: {  	_ =	shalt  }
0x51: {  	_ =	shalt  }
0x52: {  	_ =	shalt  }
0x53: {  	_ =	shalt  }
0x54: {  	_ =	shalt  }
0x55: {  	_ =	shalt  }
0x56: {  	_ =	shalt  }
0x57: {  	_ =	shalt  }
0x58: {  	_ =	shalt  }
0x59: {  	_ =	shalt  }
0x5a: {  	_ =	shalt  }
0x5b: {  	_ =	shalt  }
0x5c: {  	_ =	shalt  }
0x5d: {  	_ =	shalt  }
0x5e: {  	_ =	shalt  }
0x5f: {  	_ =	shalt  }
0x60: {  	_ =	shalt  }
0x61: {  	_ =	shalt  }
0x62: {  	_ =	shalt  }
0x63: {  	_ =	shalt  }
0x64: {  	_ =	shalt  }
0x65: {  	_ =	shalt  }
0x66: {  	_ =	shalt  }
0x67: {  	_ =	shalt  }
0x68: {  	_ =	shalt  }
0x69: {  	_ =	shalt  }
0x6a: {  	_ =	shalt  }
0x6b: {  	_ =	shalt  }
0x6c: {  	_ =	shalt  }
0x6d: {  	_ =	shalt  }
0x6e: {  	_ =	shalt  }
0x6f: {  	_ =	shalt  }
0x70: {  	_ =	shalt  }
0x71: {  	_ =	shalt  }
0x72: {  	_ =	shalt  }
0x73: {  	_ =	shalt  }
0x74: {  	_ =	shalt  }
0x75: {  	_ =	shalt  }
0x76: {  	_ =	shalt  }
0x77: {  	_ =	shalt  }
0x78: {  	_ =	shalt  }
0x79: {  	_ =	shalt  }
0x7a: {  	_ =	shalt  }
0x7b: {  	_ =	shalt  }
0x7c: {  	_ =	shalt  }
0x7d: {  	_ =	shalt  }
0x7e: {  	_ =	shalt  }
0x7f: {  	_ =	shalt  }
0x80: {  	_ =	shalt  }
0x81: {  	_ =	shalt  }
0x82: {  	_ =	shalt  }
0x83: {  	_ =	shalt  }
0x84: {  	_ =	shalt  }
0x85: {  	_ =	shalt  }
0x86: {  	_ =	shalt  }
0x87: {  	_ =	shalt  }
.Lfunc_end0:
.L_simem_size_0:
called_computation_lowered:
.L_overlay_start_0:
0x88: {  	s2 =	sld [smem:$0x3FD9]  }
0x89: {  	s3 =	sld [smem:$0x3FFE];
	_ =	sdelay $0x1  }
0x8a: {  	s1 =	srdreg.scid  }
0x8b: {  	s0 =	sand.u32 $0x1, s1  }
0x8c: {  	s17 =	sshll.u32 s0, $0xA;
	s2 =	sadd.s32 s3, s2  }
0x8d: {  	s2 =	sadd.s32 s2, s17  }
0x8e: {  	[smem:$0x3FC6] =	sst s2  }
0x8f: {  	_ = 	snop  }
0x90: {  	s2 =	sld [smem:$0x3FC9]  }
0x91: {  	s18 =	sld [smem:$0x3FD0];
	(tm) =	ssettm $0x1  }
0x92: {  	s4 =	sld [smem:$0x3FFB];
	_ =	sdelay $0x3  }
0x93: {  	_ =	strace s4  }
0x94: {  	s4 =	sld [smem:$0x3FFC];
	_ =	sdelay $0x3  }
0x95: {  	_ =	strace s4  }
0x96: {  	s4 =	sld [smem:$0x3FFD];
	_ =	sdelay $0x3  }
0x97: {  	_ =	strace s4  }
0x98: {  	_ =	strace $0x8FFFFFFF  }
0x99: {  	s19 =	sld [smem:$0x3FDB];
	_ =	sdelay $0x1  }
0x9a: {  	s5 =	simm.s32 $_scs_section_size  }
0x9b: {  	s6 =	simm.s32 $_size__tile_overlayer_lowered;
	s7 =	simm.s32 $_tile_overlayer_lowered  }
0x9c: {  	s22 =	simm.s32 $0x1BFF;
	s21 =	sshll.u32 s7, $0x1;
	s4 =	sadd.s32 s5, s19  }
0x9d: {  	s8 =	simm.s32 $0x0;
	s20 =	sshll.u32 s6, $0x1;
	s6 =	sadd.s32 s21, s4  }
0x9e: {  	[timem:s8], [sflag:s22] =	dma.local [hbm:s6], s20  }
0x9f: {  	_ =	swait.ge [sflag:s22], s20  }
0xa0: {  	s5 =	ssub.s32 $0x0, s20;
	[sflag:s22] =	ssyncset.done $0x0  }
0xa1: {  	[sflag:s22] =	ssyncadd.s32 s5;
	_ =	sdelay $0x1  }
0xa2: {  	s23 =	simm.s32 $0x1B8B  }
0xa3: {  	_ =	swait.ge [sflag:s23], $0x1  }
0xa4: {  	[sflag:s23] =	ssyncset.done $0x0  }
0xa5: {  	s25 =	simm.s32 $0x1B8E;
	s24 =	sld [smem:$0x3FFE];
	[sflag:s23] =	ssyncadd.s32 $0xFFFFFFFF  }
0xa6: {  	s26 =	simm.s32 $execute0_lowered;
	[smem:$0x3FD2] =	sst s25  }
0xa7: {  	s6 =	sshll.u32 s26, $0x1;
	_ =	strace $0x80000046;
	[dreg:$0x1] =	wrdreg $0xFFFFFFFF  }
0xa8: {  	s28 =	simm.s32 $_size_execute0_lowered;
	s4 =	sadd.s32 s4, s6;
	[dreg:$0x0] =	wrdreg $0x0  }
0xa9: {  	s6 =	sshll.u32 s28, $0x1;
	[dreg:$0x2] =	wrdreg s4  }
0xaa: {  	[dreg:$0x3] =	wrdreg s6  }
0xab: {  	[dreg:$0x4] =	wrdreg $0xC0  }
0xac: {  	_ =	task [dreg:s8], $0x5FFFF  }
0xad: {  	[dreg:$0x1] =	wrdreg $0xFFFFFFFF  }
0xae: {  	[dreg:$0x0] =	wrdreg $0x60  }
0xaf: {  	[dreg:$0x2] =	wrdreg s2  }
0xb0: {  	[dreg:$0x3] =	wrdreg s24  }
0xb1: {  	[dreg:$0x4] =	wrdreg s18  }
0xb2: {  	[dreg:$0x5] =	wrdreg $0x9  }
0xb3: {  	_ =	task.clear_ibuf [dreg:s8], $0x6FFFF;
	_ =	strace $0x90000046  }
0xb4: {  	s29 =	simm.s32 $0x9;
	_ =	strace $0x80000048  }
0xb5: {  	_ =	swait.ge [sflag:s29], $0x1  }
0xb6: {  	[sflag:s29] =	ssyncadd.s32 $0xFFFFFFFF  }
0xb7: {  	_ =	strace $0x90000048  }
0xb8: {  	_ =	sfence  }
0xb9: {  	s30 =	sld [smem:$0x0];
	_ =	sdelay $0x2  }
0xba: {  	s31 =	sshll.u32 s1, $0xD;
	s1 =	sshrl.u32 s1, $0x2  }
0xbb: {  	s3 =	sand.u32 $0x4000, s31;
	s1 =	sadd.s32 s1, s30  }
0xbc: {  	s0 =	sor.u32 s3, s0;
	s1 =	sshll.u32 s1, $0x11  }
0xbd: {  	s0 =	sor.u32 s1, s0  }
0xbe: {  	s0 =	sadd.s32 $0x8F2B, s0  }
0xbf: {  	[sflag:s0] =	ssyncadd.remote.s32 $0x1  }
0xc0: {  	_ =	sfence.sel $0xFFFF  }
0xc1: {  	[dreg:$0x0] =	wrdreg $0xFFFFFFFF;
	(pc) =	sbr.abs _section_cstart, $3  }
0xc2: {  	[dreg:$0x1] =	wrdreg $0xFFFFFFFF  }
0xc3: {  	_ =	task.clear_ibuf [dreg:s8], $0x2FFFF;
	_ =	strace $0x9FFFFFFF  }
0xc4: {  	(tm) =	ssettm $0x7FFFFFFF  }
0xc5: {  	_ =	shalt  }
tec
execute0_lowered:
.L_overlay_start_1:
0x0: {  	(tag) =	ssettag $0x1  }
0x1: {  	s1 =	rddreg [dreg:$0x0]  }
0x2: {  	s0 =	rddreg [dreg:$0x1];
	s2 =	srdreg.scid  }
0x3: {  	s3 =	stileid.u32;
	s5 =	rddreg [dreg:$0x2];
	s13 =	simm.s32 $0x7  }
0x4: {  	s28 =	simm.s32 $0xF800;
	s29 =	simm.s32 $0x10000;
	s30 =	simm.s32 $0x10800  }
0x5: {  	s23 =	simm.s32 $0x5000;
	s31 =	simm.s32 $0x1;
	s12 =	simm.s32 $0x6  }
0x6: {  	s2 =	sand.u32 $0x1, s2;
	s4 =	sshll.u32 s3, $0x1;
	s3 =	simm.s32 $0x0  }
0x7: {  	s9 =	sadd.s32 $0x1100, s0;
	s10 =	sadd.s32 $0x1200, s0;
	s6 =	sor.u32 s2, s4  }
0x8: {  	[smem:$0x7FF] =	sst s3;
	s2 =	ssub.s32 $0x2, s2;
	s4 =	sadd.s32 $0x1000, s0  }
0x9: {  	s7 =	smul.u32 $0xC00, s6;
	s8 =	sshrl.u32 s2, $0x1;
	s6 =	sshll.u32 s6, $0x7  }
0xa: {  	_ =	strace $0x80000047;
	s2 =	ssub.s32 s2, s8;
	s5 =	sadd.s32 s5, s6  }
0xb: {  	s24 =	sadd.s32 s0, s6;
	s8 =	sadd.s32 $0x200, s1;
	[dreg:$0x4] =	wrdreg s5  }
0xc: {  	s6 =	simm.s32 $0x3;
	s11 =	sadd.s32 s7, s0;
	[dreg:$0x5] =	wrdreg s24  }
0xd: {  	s7 =	sadd.s32 $0x100, s1;
	s26 =	smax.u32 s2, $0x1;
	s24 =	simm.s32 $0xE000  }
0xe: {  	v2 =	vlaneseq.u32;
	s5 =	simm.s32 $0x4;
	s2 =	simm.s32 $0x2;
	s0 =	simm.s32 $0x0  }
0xf: {  	vm0 =	vmmov $0xffff;
	v1 =	vshrl.u32 v2, $0x3;
	s25 =	sadd.s32 $0x1E2800, s11;
	[dreg:$0x7] =	wrdreg s26;
	s26 =	simm.s32 $0xF000  }
0x10: {  	v0 =	vand.u32 $0x7, v2;
	v2 =	vor.u32 $0x8, v2;
	v1 =	vmul.u32 $0x8, v1;
	s11 =	simm.s32 $0x5;
	[dreg:$0x6] =	wrdreg s25;
	s25 =	simm.s32 $0xE800  }
.LBB2_1:
0x11: {  	s14 =	rddreg [dreg:$0x4]  }
0x12: {  	[tilespmem:s3], [sflag:$0x7] =	stream.linear.gather [hbm4b:s14+s3], $0x380, $0x38;
	[tilespmem:$0x1D000] =	vst v63  }
0x13: {  	_ =	swait.ge [sflag:s13], $0x380  }
0x14: {  	[sflag:s13] =	ssyncset.done $0x0  }
0x15: {  	s15 =	simm.s32 $0x400;
	s22 =	rddreg [dreg:$0x5];
	[sflag:s13] =	ssyncadd.s32 $0xFFFFFC80  }
0x16: {  	[tilespmem:s15], [sflag:$0x7] =	stream.linear.gather [hbm4b:s22+s3], $0x380, $0x38;
	[tilespmem:$0x1D000] =	vst v63  }
0x17: {  	_ =	swait.ge [sflag:s13], $0x380  }
0x18: {  	[sflag:s13] =	ssyncset.done $0x0  }
0x19: {  	[sflag:s13] =	ssyncadd.s32 $0xFFFFFC80  }
0x1a: {  	v3 =	vld [tilespmem:$0x0];
	_ =	sdelay $0x4  }
0x1b: {  	v4 =	vshrl.u32 v3, $0x3  }
0x1c: {  	v4 =	vmul.u32 $0x30, v4  }
0x1d: {  	v3 =	vand.u32 $0x7, v3  }
0x1e: {  	v3 =	vor.u32 v3, v4  }
0x1f: {  	v4 =	vperm.xlane v3, v0;
	_ =	sdelay $0x1  }
0x20: {  	v4 =	vadd.s32 v1, v4;
	_ =	sdelay $0x3  }
0x21: {  	s15 =	simm.s32 $0x800;
	v3 =	vperm.xlane v3, v2  }
0x22: {  	[tilespmem:s15], [sflag:$0x1] =	stream.indirect_vreg.gather [hbm4b:s1+s3], $0x80, v4, vm0, $0xb8;
	[tilespmem:$0x1D000] =	vst v63  }
0x23: {  	s16 =	simm.s32 $0x1000;
	v3 =	vadd.s32 v1, v3  }
0x24: {  	[tilespmem:s16], [sflag:$0x1] =	stream.indirect_vreg.gather [hbm4b:s7+s3], $0x80, v4, vm0, $0xb8;
	[tilespmem:$0x1D000] =	vst v63  }
0x25: {  	s17 =	simm.s32 $0x1800  }
0x26: {  	[tilespmem:s17], [sflag:$0x1] =	stream.indirect_vreg.gather [hbm4b:s8+s3], $0x80, v4, vm0, $0xb8;
	[tilespmem:$0x1D000] =	vst v63  }
0x27: {  	s18 =	simm.s32 $0x2000  }
0x28: {  	[tilespmem:s18], [sflag:$0x1] =	stream.indirect_vreg.gather [hbm4b:s1+s3], $0x80, v3, vm0, $0xb8;
	[tilespmem:$0x1D000] =	vst v63  }
0x29: {  	s19 =	simm.s32 $0x2800  }
0x2a: {  	[tilespmem:s19], [sflag:$0x1] =	stream.indirect_vreg.gather [hbm4b:s7+s3], $0x80, v3, vm0, $0xb8;
	[tilespmem:$0x1D000] =	vst v63  }
0x2b: {  	s20 =	simm.s32 $0x3000  }
0x2c: {  	[tilespmem:s20], [sflag:$0x1] =	stream.indirect_vreg.gather [hbm4b:s8+s3], $0x80, v3, vm0, $0xb8;
	[tilespmem:$0x1D000] =	vst v63  }
0x2d: {  	v3 =	vld.msk [tilespmem:$0x10], $0xff;
	_ =	sdelay $0x4  }
0x2e: {  	v4 =	vshrl.u32 v3, $0x3  }
0x2f: {  	v4 =	vmul.u32 $0x30, v4  }
0x30: {  	v3 =	vand.u32 $0x7, v3  }
0x31: {  	v3 =	vor.u32 v3, v4  }
0x32: {  	v3 =	vperm.xlane v3, v0;
	_ =	sdelay $0x1  }
0x33: {  	v3 =	vadd.s32 v1, v3;
	_ =	sdelay $0x3  }
0x34: {  	s21 =	simm.s32 $0x3800  }
0x35: {  	[tilespmem:s21], [sflag:$0x1] =	stream.indirect_vreg.gather [hbm4b:s1+s3], $0x80, v3, vm0, $0xb8;
	[tilespmem:$0x1D000] =	vst v63  }
0x36: {  	s22 =	simm.s32 $0x4000  }
0x37: {  	[tilespmem:s22], [sflag:$0x1] =	stream.indirect_vreg.gather [hbm4b:s7+s3], $0x80, v3, vm0, $0xb8;
	[tilespmem:$0x1D000] =	vst v63  }
0x38: {  	s15 =	simm.s32 $0x4800  }
0x39: {  	[tilespmem:s15], [sflag:$0x1] =	stream.indirect_vreg.gather [hbm4b:s8+s3], $0x80, v3, vm0, $0xb8;
	[tilespmem:$0x1D000] =	vst v63  }
0x3a: {  	v3 =	vld [tilespmem:$0x400];
	_ =	sdelay $0x4  }
0x3b: {  	v4 =	vshrl.u32 v3, $0x3  }
0x3c: {  	v4 =	vmul.u32 $0x30, v4  }
0x3d: {  	v3 =	vand.u32 $0x7, v3  }
0x3e: {  	v3 =	vor.u32 v3, v4  }
0x3f: {  	v4 =	vperm.xlane v3, v0;
	_ =	sdelay $0x1  }
0x40: {  	v4 =	vadd.s32 v1, v4;
	_ =	sdelay $0x3  }
0x41: {  	v3 =	vperm.xlane v3, v2  }
0x42: {  	[tilespmem:s24], [sflag:$0x4] =	stream.indirect_vreg.gather [hbm4b:s4+s3], $0x80, v4, vm0, $0xb8;
	[tilespmem:$0x1D000] =	vst v63  }
0x43: {  	v3 =	vadd.s32 v1, v3  }
0x44: {  	[tilespmem:s25], [sflag:$0x4] =	stream.indirect_vreg.gather [hbm4b:s9+s3], $0x80, v4, vm0, $0xb8;
	[tilespmem:$0x1D000] =	vst v63  }
0x45: {  	_ = 	snop  }
0x46: {  	[tilespmem:s26], [sflag:$0x4] =	stream.indirect_vreg.gather [hbm4b:s10+s3], $0x80, v4, vm0, $0xb8;
	[tilespmem:$0x1D000] =	vst v63  }
0x47: {  	_ = 	snop  }
0x48: {  	[tilespmem:s28], [sflag:$0x4] =	stream.indirect_vreg.gather [hbm4b:s4+s3], $0x80, v3, vm0, $0xb8;
	[tilespmem:$0x1D000] =	vst v63  }
0x49: {  	_ = 	snop  }
0x4a: {  	[tilespmem:s29], [sflag:$0x4] =	stream.indirect_vreg.gather [hbm4b:s9+s3], $0x80, v3, vm0, $0xb8;
	[tilespmem:$0x1D000] =	vst v63  }
0x4b: {  	_ = 	snop  }
0x4c: {  	[tilespmem:s30], [sflag:$0x4] =	stream.indirect_vreg.gather [hbm4b:s10+s3], $0x80, v3, vm0, $0xb8;
	[tilespmem:$0x1D000] =	vst v63  }
0x4d: {  	v3 =	vld [tilespmem:$0x80];
	_ =	sdelay $0x4  }
0x4e: {  	v4 =	vshrl.u32 v3, $0x3  }
0x4f: {  	v4 =	vmul.u32 $0x30, v4  }
0x50: {  	v3 =	vand.u32 $0x7, v3  }
0x51: {  	v3 =	vor.u32 v3, v4  }
0x52: {  	v4 =	vperm.xlane v3, v0;
	_ =	sdelay $0x1  }
0x53: {  	v4 =	vadd.s32 v1, v4;
	_ =	sdelay $0x3  }
0x54: {  	v3 =	vperm.xlane v3, v2  }
0x55: {  	[tilespmem:s23], [sflag:$0x2] =	stream.indirect_vreg.gather [hbm4b:s1+s3], $0x80, v4, vm0, $0xb8;
	[tilespmem:$0x1D000] =	vst v63  }
0x56: {  	s16 =	simm.s32 $0x5800;
	v3 =	vadd.s32 v1, v3  }
0x57: {  	[tilespmem:s16], [sflag:$0x2] =	stream.indirect_vreg.gather [hbm4b:s7+s3], $0x80, v4, vm0, $0xb8;
	[tilespmem:$0x1D000] =	vst v63  }
0x58: {  	s17 =	simm.s32 $0x6000  }
0x59: {  	[tilespmem:s17], [sflag:$0x2] =	stream.indirect_vreg.gather [hbm4b:s8+s3], $0x80, v4, vm0, $0xb8;
	[tilespmem:$0x1D000] =	vst v63  }
0x5a: {  	s18 =	simm.s32 $0x6800  }
0x5b: {  	[tilespmem:s18], [sflag:$0x2] =	stream.indirect_vreg.gather [hbm4b:s1+s3], $0x80, v3, vm0, $0xb8;
	[tilespmem:$0x1D000] =	vst v63  }
0x5c: {  	s19 =	simm.s32 $0x7000  }
0x5d: {  	[tilespmem:s19], [sflag:$0x2] =	stream.indirect_vreg.gather [hbm4b:s7+s3], $0x80, v3, vm0, $0xb8;
	[tilespmem:$0x1D000] =	vst v63  }
0x5e: {  	s20 =	simm.s32 $0x7800  }
0x5f: {  	[tilespmem:s20], [sflag:$0x2] =	stream.indirect_vreg.gather [hbm4b:s8+s3], $0x80, v3, vm0, $0xb8;
	[tilespmem:$0x1D000] =	vst v63  }
0x60: {  	v3 =	vld.msk [tilespmem:$0x90], $0xff;
	_ =	sdelay $0x4  }
0x61: {  	v4 =	vshrl.u32 v3, $0x3  }
0x62: {  	v4 =	vmul.u32 $0x30, v4  }
0x63: {  	v3 =	vand.u32 $0x7, v3  }
0x64: {  	v3 =	vor.u32 v3, v4  }
0x65: {  	v3 =	vperm.xlane v3, v0;
	_ =	sdelay $0x1  }
0x66: {  	v3 =	vadd.s32 v1, v3;
	_ =	sdelay $0x3  }
0x67: {  	s21 =	simm.s32 $0x8000  }
0x68: {  	[tilespmem:s21], [sflag:$0x2] =	stream.indirect_vreg.gather [hbm4b:s1+s3], $0x80, v3, vm0, $0xb8;
	[tilespmem:$0x1D000] =	vst v63  }
0x69: {  	s22 =	simm.s32 $0x8800  }
0x6a: {  	[tilespmem:s22], [sflag:$0x2] =	stream.indirect_vreg.gather [hbm4b:s7+s3], $0x80, v3, vm0, $0xb8;
	[tilespmem:$0x1D000] =	vst v63  }
0x6b: {  	s15 =	simm.s32 $0x9000  }
0x6c: {  	[tilespmem:s15], [sflag:$0x2] =	stream.indirect_vreg.gather [hbm4b:s8+s3], $0x80, v3, vm0, $0xb8;
	[tilespmem:$0x1D000] =	vst v63  }
0x6d: {  	v3 =	vld [tilespmem:$0x480];
	_ =	sdelay $0x4  }
0x6e: {  	v4 =	vshrl.u32 v3, $0x3  }
0x6f: {  	v4 =	vmul.u32 $0x30, v4  }
0x70: {  	v3 =	vand.u32 $0x7, v3  }
0x71: {  	v3 =	vor.u32 v3, v4  }
0x72: {  	v4 =	vperm.xlane v3, v0;
	_ =	sdelay $0x1  }
0x73: {  	v4 =	vadd.s32 v1, v4;
	_ =	sdelay $0x3  }
0x74: {  	s16 =	simm.s32 $0x11000;
	v3 =	vperm.xlane v3, v2  }
0x75: {  	[tilespmem:s16], [sflag:$0x5] =	stream.indirect_vreg.gather [hbm4b:s4+s3], $0x80, v4, vm0, $0xb8;
	[tilespmem:$0x1D000] =	vst v63  }
0x76: {  	s17 =	simm.s32 $0x11800;
	v3 =	vadd.s32 v1, v3  }
0x77: {  	[tilespmem:s17], [sflag:$0x5] =	stream.indirect_vreg.gather [hbm4b:s9+s3], $0x80, v4, vm0, $0xb8;
	[tilespmem:$0x1D000] =	vst v63  }
0x78: {  	s18 =	simm.s32 $0x12000  }
0x79: {  	[tilespmem:s18], [sflag:$0x5] =	stream.indirect_vreg.gather [hbm4b:s10+s3], $0x80, v4, vm0, $0xb8;
	[tilespmem:$0x1D000] =	vst v63  }
0x7a: {  	s19 =	simm.s32 $0x12800  }
0x7b: {  	[tilespmem:s19], [sflag:$0x5] =	stream.indirect_vreg.gather [hbm4b:s4+s3], $0x80, v3, vm0, $0xb8;
	[tilespmem:$0x1D000] =	vst v63  }
0x7c: {  	s20 =	simm.s32 $0x13000  }
0x7d: {  	[tilespmem:s20], [sflag:$0x5] =	stream.indirect_vreg.gather [hbm4b:s9+s3], $0x80, v3, vm0, $0xb8;
	[tilespmem:$0x1D000] =	vst v63  }
0x7e: {  	s21 =	simm.s32 $0x13800  }
0x7f: {  	[tilespmem:s21], [sflag:$0x5] =	stream.indirect_vreg.gather [hbm4b:s10+s3], $0x80, v3, vm0, $0xb8;
	[tilespmem:$0x1D000] =	vst v63  }
0x80: {  	v3 =	vld [tilespmem:$0x100];
	_ =	sdelay $0x4  }
0x81: {  	v4 =	vshrl.u32 v3, $0x3  }
0x82: {  	v4 =	vmul.u32 $0x30, v4  }
0x83: {  	v3 =	vand.u32 $0x7, v3  }
0x84: {  	v3 =	vor.u32 v3, v4  }
0x85: {  	v4 =	vperm.xlane v3, v0;
	_ =	sdelay $0x1  }
0x86: {  	v4 =	vadd.s32 v1, v4;
	_ =	sdelay $0x3  }
0x87: {  	s22 =	simm.s32 $0x9800;
	v3 =	vperm.xlane v3, v2  }
0x88: {  	[tilespmem:s22], [sflag:$0x3] =	stream.indirect_vreg.gather [hbm4b:s1+s3], $0x80, v4, vm0, $0xb8;
	[tilespmem:$0x1D000] =	vst v63  }
0x89: {  	s15 =	simm.s32 $0xA000;
	v3 =	vadd.s32 v1, v3  }
0x8a: {  	[tilespmem:s15], [sflag:$0x3] =	stream.indirect_vreg.gather [hbm4b:s7+s3], $0x80, v4, vm0, $0xb8;
	[tilespmem:$0x1D000] =	vst v63  }
0x8b: {  	s16 =	simm.s32 $0xA800  }
0x8c: {  	[tilespmem:s16], [sflag:$0x3] =	stream.indirect_vreg.gather [hbm4b:s8+s3], $0x80, v4, vm0, $0xb8;
	[tilespmem:$0x1D000] =	vst v63  }
0x8d: {  	s17 =	simm.s32 $0xB000  }
0x8e: {  	[tilespmem:s17], [sflag:$0x3] =	stream.indirect_vreg.gather [hbm4b:s1+s3], $0x80, v3, vm0, $0xb8;
	[tilespmem:$0x1D000] =	vst v63  }
0x8f: {  	s18 =	simm.s32 $0xB800  }
0x90: {  	[tilespmem:s18], [sflag:$0x3] =	stream.indirect_vreg.gather [hbm4b:s7+s3], $0x80, v3, vm0, $0xb8;
	[tilespmem:$0x1D000] =	vst v63  }
0x91: {  	s19 =	simm.s32 $0xC000  }
0x92: {  	[tilespmem:s19], [sflag:$0x3] =	stream.indirect_vreg.gather [hbm4b:s8+s3], $0x80, v3, vm0, $0xb8;
	[tilespmem:$0x1D000] =	vst v63  }
0x93: {  	v3 =	vld.msk [tilespmem:$0x110], $0xff;
	_ =	sdelay $0x4  }
0x94: {  	v4 =	vshrl.u32 v3, $0x3  }
0x95: {  	v4 =	vmul.u32 $0x30, v4  }
0x96: {  	v3 =	vand.u32 $0x7, v3  }
0x97: {  	v3 =	vor.u32 v3, v4  }
0x98: {  	v3 =	vperm.xlane v3, v0;
	_ =	sdelay $0x1  }
0x99: {  	v3 =	vadd.s32 v1, v3;
	_ =	sdelay $0x3  }
0x9a: {  	s20 =	simm.s32 $0xC800  }
0x9b: {  	[tilespmem:s20], [sflag:$0x3] =	stream.indirect_vreg.gather [hbm4b:s1+s3], $0x80, v3, vm0, $0xb8;
	[tilespmem:$0x1D000] =	vst v63  }
0x9c: {  	s21 =	simm.s32 $0xD000  }
0x9d: {  	[tilespmem:s21], [sflag:$0x3] =	stream.indirect_vreg.gather [hbm4b:s7+s3], $0x80, v3, vm0, $0xb8;
	[tilespmem:$0x1D000] =	vst v63  }
0x9e: {  	s22 =	simm.s32 $0xD800  }
0x9f: {  	[tilespmem:s22], [sflag:$0x3] =	stream.indirect_vreg.gather [hbm4b:s8+s3], $0x80, v3, vm0, $0xb8;
	[tilespmem:$0x1D000] =	vst v63  }
0xa0: {  	v3 =	vld [tilespmem:$0x500];
	_ =	sdelay $0x4  }
0xa1: {  	v4 =	vshrl.u32 v3, $0x3  }
0xa2: {  	v4 =	vmul.u32 $0x30, v4  }
0xa3: {  	v3 =	vand.u32 $0x7, v3  }
0xa4: {  	v3 =	vor.u32 v3, v4  }
0xa5: {  	v4 =	vperm.xlane v3, v0;
	_ =	sdelay $0x1  }
0xa6: {  	v4 =	vadd.s32 v1, v4;
	_ =	sdelay $0x3  }
0xa7: {  	s15 =	simm.s32 $0x14000;
	v3 =	vperm.xlane v3, v2  }
0xa8: {  	[tilespmem:s15], [sflag:$0x6] =	stream.indirect_vreg.gather [hbm4b:s4+s3], $0x80, v4, vm0, $0xb8;
	[tilespmem:$0x1D000] =	vst v63  }
0xa9: {  	s16 =	simm.s32 $0x14800;
	v3 =	vadd.s32 v1, v3  }
0xaa: {  	[tilespmem:s16], [sflag:$0x6] =	stream.indirect_vreg.gather [hbm4b:s9+s3], $0x80, v4, vm0, $0xb8;
	[tilespmem:$0x1D000] =	vst v63  }
0xab: {  	s17 =	simm.s32 $0x15000  }
0xac: {  	[tilespmem:s17], [sflag:$0x6] =	stream.indirect_vreg.gather [hbm4b:s10+s3], $0x80, v4, vm0, $0xb8;
	[tilespmem:$0x1D000] =	vst v63  }
0xad: {  	s18 =	simm.s32 $0x15800  }
0xae: {  	[tilespmem:s18], [sflag:$0x6] =	stream.indirect_vreg.gather [hbm4b:s4+s3], $0x80, v3, vm0, $0xb8;
	[tilespmem:$0x1D000] =	vst v63  }
0xaf: {  	s19 =	simm.s32 $0x16000  }
0xb0: {  	[tilespmem:s19], [sflag:$0x6] =	stream.indirect_vreg.gather [hbm4b:s9+s3], $0x80, v3, vm0, $0xb8;
	[tilespmem:$0x1D000] =	vst v63  }
0xb1: {  	s20 =	simm.s32 $0x16800  }
0xb2: {  	[tilespmem:s20], [sflag:$0x6] =	stream.indirect_vreg.gather [hbm4b:s10+s3], $0x80, v3, vm0, $0xb8;
	[tilespmem:$0x1D000] =	vst v63  }
0xb3: {  	_ =	swait.ge [sflag:s31], $0x4800  }
0xb4: {  	[sflag:s31] =	ssyncset.done $0x0  }
0xb5: {  	[sflag:s31] =	ssyncadd.s32 $0xFFFFB800  }
0xb6: {  	_ =	swait.ge [sflag:s5], $0x3000  }
0xb7: {  	s21 =	sand.u32 $0x70, s3;
	s22 =	sand.u32 $0x1C00, s3;
	[sflag:s5] =	ssyncset.done $0x0  }
0xb8: {  	s14 =	sor.u32 s21, s22;
	[sflag:s5] =	ssyncadd.s32 $0xFFFFD000  }
0xb9: {  	v4 =	vld [tilespmem:s14+$0x800]  }
0xba: {  	v5 =	vld [tilespmem:s14+$0x880]  }
0xbb: {  	v6 =	vld [tilespmem:s14+$0x900]  }
0xbc: {  	v7 =	vld [tilespmem:s14+$0x980]  }
0xbd: {  	v8 =	vld [tilespmem:s14+$0xA00]  }
0xbe: {  	v3 =	vld [tilespmem:s14+$0xA80]  }
0xbf: {  	v5 =	vmax.f32 v4, v5;
	v4 =	vld [tilespmem:s14+$0xE000]  }
0xc0: {  	s15 =	simm.s32 $0x80;
	s16 =	simm.s32 $0x10;
	v6 =	vmax.f32 v5, v6;
	v5 =	vld [tilespmem:s14+$0xE080]  }
0xc1: {  	s16 =	sand.u32 $0x70, s16;
	s17 =	sand.u32 $0x1C00, s15;
	v7 =	vmax.f32 v6, v7;
	v6 =	vld [tilespmem:s14+$0xE100]  }
0xc2: {  	s16 =	sor.u32 s16, s17;
	s17 =	simm.s32 $0x20;
	v8 =	vmax.f32 v7, v8;
	v7 =	vld [tilespmem:s14+$0xE180]  }
.LBB2_2:
0xc3: {  	p0 =	sne.s32 s17, $0x2F0;
	v9 =	vld [tilespmem:s16+$0x800];
	v3 =	vmax.f32 v8, v3  }
0xc4: {  	v8 =	vld [tilespmem:s16+$0x880];
	v3 =	vmax.f32 v3, v4  }
0xc5: {  	v10 =	vld [tilespmem:s16+$0x900];
	v3 =	vmax.f32 v3, v5  }
0xc6: {  	v11 =	vld [tilespmem:s16+$0x980];
	v3 =	vmax.f32 v3, v6  }
0xc7: {  	v12 =	vld [tilespmem:s16+$0xA00];
	v4 =	vmax.f32 v3, v7  }
.Ltmp0:
0xc8: {  	v3 =	vld [tilespmem:s16+$0xA80];
	[tilespmem:s14+$0x17000] =	vst v4;
	s14 =	smov.u32 s16;
	(pc) =	sbr.rel @p0 .LBB2_2-.Ltmp0, $4  }
0xc9: {  	v5 =	vmax.f32 v9, v8;
	v4 =	vld [tilespmem:s14+$0xE000]  }
0xca: {  	s15 =	sadd.s32 $0x80, s15;
	v6 =	vmax.f32 v5, v10;
	v5 =	vld [tilespmem:s14+$0xE080]  }
0xcb: {  	s18 =	sand.u32 $0x1C00, s15;
	s16 =	sand.u32 $0x70, s17;
	v7 =	vmax.f32 v6, v11;
	v6 =	vld [tilespmem:s14+$0xE100]  }
0xcc: {  	s17 =	sadd.s32 $0x10, s17;
	s16 =	sor.u32 s16, s18;
	v8 =	vmax.f32 v7, v12;
	v7 =	vld [tilespmem:s14+$0xE180]  }
0xcd: {  	v9 =	vld [tilespmem:s16+$0x800];
	v3 =	vmax.f32 v8, v3  }
0xce: {  	v54 =	vld [tilespmem:s16+$0x880];
	v3 =	vmax.f32 v3, v4  }
0xcf: {  	v4 =	vld [tilespmem:s16+$0x900];
	v3 =	vmax.f32 v3, v5  }
0xd0: {  	v5 =	vld [tilespmem:s16+$0x980];
	v3 =	vmax.f32 v3, v6  }
0xd1: {  	v55 =	vld [tilespmem:s16+$0xA00];
	v3 =	vmax.f32 v3, v7  }
0xd2: {  	v56 =	vld [tilespmem:s16+$0xA80];
	[tilespmem:s14+$0x17000] =	vst v3  }
0xd3: {  	v3 =	vmax.f32 v9, v54;
	v57 =	vld [tilespmem:s16+$0xE000]  }
0xd4: {  	v3 =	vmax.f32 v3, v4;
	v4 =	vld [tilespmem:s16+$0xE080]  }
0xd5: {  	v3 =	vmax.f32 v3, v5;
	v5 =	vld [tilespmem:s16+$0xE100]  }
0xd6: {  	v58 =	vld [tilespmem:s16+$0xE180];
	v3 =	vmax.f32 v3, v55  }
0xd7: {  	v3 =	vmax.f32 v3, v56  }
0xd8: {  	v3 =	vmax.f32 v3, v57  }
0xd9: {  	v3 =	vmax.f32 v3, v4  }
0xda: {  	s18 =	simm.s32 $0x0;
	v3 =	vmax.f32 v3, v5  }
0xdb: {  	s15 =	sand.u32 $0x1C00, s18;
	s14 =	sand.u32 $0x70, s18;
	v3 =	vmax.f32 v3, v58  }
0xdc: {  	s22 =	sor.u32 s18, s18;
	s17 =	sor.u32 s15, s14;
	[tilespmem:s16+$0x17000] =	vst v3  }
0xdd: {  	s16 =	sor.u32 $0x380, s22;
	v3 =	vld [tilespmem:s17+$0xB00]  }
0xde: {  	v4 =	vld [tilespmem:s16+$0x800]  }
0xdf: {  	v5 =	vld [tilespmem:s17+$0x2000]  }
0xe0: {  	v59 =	vld [tilespmem:s17+$0x2080]  }
0xe1: {  	v60 =	vld [tilespmem:s17+$0x2100]  }
0xe2: {  	v61 =	vld [tilespmem:s17+$0x2180]  }
0xe3: {  	v3 =	vmax.f32 v3, v4;
	v4 =	vld [tilespmem:s17+$0xE200]  }
0xe4: {  	v3 =	vmax.f32 v3, v5;
	v5 =	vld [tilespmem:s17+$0xE280]  }
0xe5: {  	v62 =	vld [tilespmem:s17+$0xE300];
	v3 =	vmax.f32 v3, v59  }
0xe6: {  	v63 =	vld [tilespmem:s16+$0xE000];
	v3 =	vmax.f32 v3, v60  }
0xe7: {  	v3 =	vmax.f32 v3, v61  }
0xe8: {  	v3 =	vmax.f32 v3, v4  }
0xe9: {  	s19 =	simm.s32 $0x10;
	s18 =	simm.s32 $0x80;
	v3 =	vmax.f32 v3, v5  }
0xea: {  	s20 =	sand.u32 $0x1C00, s18;
	s16 =	sand.u32 $0x70, s19;
	v3 =	vmax.f32 v3, v62  }
0xeb: {  	s21 =	sor.u32 s18, s19;
	s19 =	simm.s32 $0x20;
	s20 =	sor.u32 s20, s16;
	v3 =	vmax.f32 v3, v63  }
.LBB2_4:
0xec: {  	p0 =	sne.s32 s19, $0x2F0;
	v4 =	vld [tilespmem:s20+$0xB00];
	s21 =	sor.u32 $0x380, s21;
	[tilespmem:s17+$0x17080] =	vst v3;
	s17 =	smov.u32 s20  }
0xed: {  	v3 =	vld [tilespmem:s21+$0x800]  }
0xee: {  	v5 =	vld [tilespmem:s17+$0x2000]  }
0xef: {  	v6 =	vld [tilespmem:s17+$0x2080]  }
0xf0: {  	v7 =	vld [tilespmem:s17+$0x2100]  }
0xf1: {  	v8 =	vld [tilespmem:s17+$0x2180]  }
0xf2: {  	v3 =	vmax.f32 v4, v3;
	v4 =	vld [tilespmem:s17+$0xE200]  }
0xf3: {  	v3 =	vmax.f32 v3, v5;
	v5 =	vld [tilespmem:s17+$0xE280]  }
0xf4: {  	v3 =	vmax.f32 v3, v6;
	v6 =	vld [tilespmem:s17+$0xE300]  }
0xf5: {  	v3 =	vmax.f32 v3, v7;
	v7 =	vld [tilespmem:s21+$0xE000]  }
.Ltmp1:
0xf6: {  	v3 =	vmax.f32 v3, v8;
	(pc) =	sbr.rel @p0 .LBB2_4-.Ltmp1, $4  }
0xf7: {  	v3 =	vmax.f32 v3, v4  }
0xf8: {  	s18 =	sadd.s32 $0x80, s18;
	v3 =	vmax.f32 v3, v5  }
0xf9: {  	s20 =	sand.u32 $0x70, s19;
	s21 =	sand.u32 $0x1C00, s18;
	v3 =	vmax.f32 v3, v6  }
0xfa: {  	s20 =	sor.u32 s21, s20;
	s21 =	sor.u32 s18, s19;
	s19 =	sadd.s32 $0x10, s19;
	v3 =	vmax.f32 v3, v7  }
0xfb: {  	v4 =	vld [tilespmem:s20+$0xB00];
	s18 =	sor.u32 $0x380, s21;
	[tilespmem:s17+$0x17080] =	vst v3  }
0xfc: {  	v3 =	vld [tilespmem:s18+$0x800]  }
0xfd: {  	v5 =	vld [tilespmem:s20+$0x2000]  }
0xfe: {  	v6 =	vld [tilespmem:s20+$0x2080]  }
0xff: {  	v7 =	vld [tilespmem:s20+$0x2100]  }
0x100: {  	v8 =	vld [tilespmem:s20+$0x2180]  }
0x101: {  	v3 =	vmax.f32 v4, v3;
	v4 =	vld [tilespmem:s20+$0xE200]  }
0x102: {  	v3 =	vmax.f32 v3, v5;
	v5 =	vld [tilespmem:s20+$0xE280]  }
0x103: {  	v3 =	vmax.f32 v3, v6;
	v6 =	vld [tilespmem:s20+$0xE300]  }
0x104: {  	v3 =	vmax.f32 v3, v7;
	v7 =	vld [tilespmem:s18+$0xE000]  }
0x105: {  	v3 =	vmax.f32 v3, v8  }
0x106: {  	v3 =	vmax.f32 v3, v4  }
0x107: {  	v3 =	vmax.f32 v3, v5  }
0x108: {  	v3 =	vmax.f32 v3, v6  }
0x109: {  	v3 =	vmax.f32 v3, v7  }
0x10a: {  	s14 =	sor.u32 s14, s15;
	[tilespmem:s20+$0x17080] =	vst v3  }
0x10b: {  	v4 =	vld [tilespmem:s14+$0x2200]  }
0x10c: {  	v5 =	vld [tilespmem:s14+$0x2280]  }
0x10d: {  	v6 =	vld [tilespmem:s14+$0x2300]  }
0x10e: {  	v7 =	vld [tilespmem:s14+$0x2380]  }
0x10f: {  	v8 =	vld [tilespmem:s14+$0x3800]  }
0x110: {  	v3 =	vld [tilespmem:s14+$0x3880]  }
0x111: {  	v5 =	vmax.f32 v4, v5;
	v4 =	vld [tilespmem:s14+$0xF800]  }
0x112: {  	s17 =	simm.s32 $0x80;
	v6 =	vmax.f32 v5, v6;
	v5 =	vld [tilespmem:s14+$0xF880]  }
0x113: {  	s22 =	sand.u32 $0x1C00, s17;
	v7 =	vmax.f32 v6, v7;
	v6 =	vld [tilespmem:s14+$0xF900]  }
0x114: {  	s15 =	sor.u32 s16, s22;
	s16 =	simm.s32 $0x20;
	v8 =	vmax.f32 v7, v8;
	v7 =	vld [tilespmem:s14+$0xF980]  }
.LBB2_6:
0x115: {  	p0 =	sne.s32 s16, $0x2F0;
	v9 =	vld [tilespmem:s15+$0x2200];
	v3 =	vmax.f32 v8, v3  }
0x116: {  	v8 =	vld [tilespmem:s15+$0x2280];
	v3 =	vmax.f32 v3, v4  }
0x117: {  	v10 =	vld [tilespmem:s15+$0x2300];
	v3 =	vmax.f32 v3, v5  }
0x118: {  	v11 =	vld [tilespmem:s15+$0x2380];
	v3 =	vmax.f32 v3, v6  }
0x119: {  	v12 =	vld [tilespmem:s15+$0x3800];
	v4 =	vmax.f32 v3, v7  }
.Ltmp2:
0x11a: {  	v3 =	vld [tilespmem:s15+$0x3880];
	[tilespmem:s14+$0x17100] =	vst v4;
	s14 =	smov.u32 s15;
	(pc) =	sbr.rel @p0 .LBB2_6-.Ltmp2, $4  }
0x11b: {  	v5 =	vmax.f32 v9, v8;
	v4 =	vld [tilespmem:s14+$0xF800]  }
0x11c: {  	s17 =	sadd.s32 $0x80, s17;
	v6 =	vmax.f32 v5, v10;
	v5 =	vld [tilespmem:s14+$0xF880]  }
0x11d: {  	s18 =	sand.u32 $0x1C00, s17;
	s15 =	sand.u32 $0x70, s16;
	v7 =	vmax.f32 v6, v11;
	v6 =	vld [tilespmem:s14+$0xF900]  }
0x11e: {  	s16 =	sadd.s32 $0x10, s16;
	s15 =	sor.u32 s15, s18;
	v8 =	vmax.f32 v7, v12;
	v7 =	vld [tilespmem:s14+$0xF980]  }
0x11f: {  	v9 =	vld [tilespmem:s15+$0x2200];
	v3 =	vmax.f32 v8, v3  }
0x120: {  	v8 =	vld [tilespmem:s15+$0x2280];
	v3 =	vmax.f32 v3, v4  }
0x121: {  	v4 =	vld [tilespmem:s15+$0x2300];
	v3 =	vmax.f32 v3, v5  }
0x122: {  	v5 =	vld [tilespmem:s15+$0x2380];
	v3 =	vmax.f32 v3, v6  }
0x123: {  	v6 =	vld [tilespmem:s15+$0x3800];
	v3 =	vmax.f32 v3, v7  }
0x124: {  	v7 =	vld [tilespmem:s15+$0x3880];
	[tilespmem:s14+$0x17100] =	vst v3  }
0x125: {  	v3 =	vmax.f32 v9, v8;
	v8 =	vld [tilespmem:s15+$0xF800]  }
0x126: {  	v3 =	vmax.f32 v3, v4;
	v4 =	vld [tilespmem:s15+$0xF880]  }
0x127: {  	v3 =	vmax.f32 v3, v5;
	v5 =	vld [tilespmem:s15+$0xF900]  }
0x128: {  	v3 =	vmax.f32 v3, v6;
	v6 =	vld [tilespmem:s15+$0xF980]  }
0x129: {  	v3 =	vmax.f32 v3, v7  }
0x12a: {  	v3 =	vmax.f32 v3, v8  }
0x12b: {  	v3 =	vmax.f32 v3, v4  }
0x12c: {  	s21 =	simm.s32 $0x0;
	v3 =	vmax.f32 v3, v5  }
0x12d: {  	s16 =	sand.u32 $0x70, s21;
	s14 =	sand.u32 $0x1C00, s21;
	v3 =	vmax.f32 v3, v6  }
0x12e: {  	s14 =	sor.u32 s16, s14;
	[tilespmem:s15+$0x17100] =	vst v3  }
0x12f: {  	v4 =	vld [tilespmem:s14+$0x3900]  }
0x130: {  	v5 =	vld [tilespmem:s14+$0x3980]  }
0x131: {  	v6 =	vld [tilespmem:s14+$0x3A00]  }
0x132: {  	v7 =	vld [tilespmem:s14+$0x3A80]  }
0x133: {  	v8 =	vld [tilespmem:s14+$0x3B00]  }
0x134: {  	v3 =	vld [tilespmem:s14+$0x3B80]  }
0x135: {  	v5 =	vmax.f32 v4, v5;
	v4 =	vld [tilespmem:s14+$0xFA00]  }
0x136: {  	s22 =	simm.s32 $0x10;
	s16 =	simm.s32 $0x80;
	v6 =	vmax.f32 v5, v6;
	v5 =	vld [tilespmem:s14+$0xFA80]  }
0x137: {  	s17 =	sand.u32 $0x1C00, s16;
	s15 =	sand.u32 $0x70, s22;
	v7 =	vmax.f32 v6, v7;
	v6 =	vld [tilespmem:s14+$0xFB00]  }
0x138: {  	s15 =	sor.u32 s15, s17;
	s17 =	simm.s32 $0x20;
	v8 =	vmax.f32 v7, v8;
	v7 =	vld [tilespmem:s14+$0xFB80]  }
.LBB2_8:
0x139: {  	p0 =	sne.s32 s17, $0x2F0;
	v9 =	vld [tilespmem:s15+$0x3900];
	v3 =	vmax.f32 v8, v3  }
0x13a: {  	v8 =	vld [tilespmem:s15+$0x3980];
	v3 =	vmax.f32 v3, v4  }
0x13b: {  	v10 =	vld [tilespmem:s15+$0x3A00];
	v3 =	vmax.f32 v3, v5  }
0x13c: {  	v11 =	vld [tilespmem:s15+$0x3A80];
	v3 =	vmax.f32 v3, v6  }
0x13d: {  	v12 =	vld [tilespmem:s15+$0x3B00];
	v4 =	vmax.f32 v3, v7  }
.Ltmp3:
0x13e: {  	v3 =	vld [tilespmem:s15+$0x3B80];
	[tilespmem:s14+$0x17180] =	vst v4;
	s14 =	smov.u32 s15;
	(pc) =	sbr.rel @p0 .LBB2_8-.Ltmp3, $4  }
0x13f: {  	v5 =	vmax.f32 v9, v8;
	v4 =	vld [tilespmem:s14+$0xFA00]  }
0x140: {  	s16 =	sadd.s32 $0x80, s16;
	v6 =	vmax.f32 v5, v10;
	v5 =	vld [tilespmem:s14+$0xFA80]  }
0x141: {  	s18 =	sand.u32 $0x1C00, s16;
	s15 =	sand.u32 $0x70, s17;
	v7 =	vmax.f32 v6, v11;
	v6 =	vld [tilespmem:s14+$0xFB00]  }
0x142: {  	s17 =	sadd.s32 $0x10, s17;
	s15 =	sor.u32 s15, s18;
	v8 =	vmax.f32 v7, v12;
	v7 =	vld [tilespmem:s14+$0xFB80]  }
0x143: {  	v9 =	vld [tilespmem:s15+$0x3900];
	v3 =	vmax.f32 v8, v3  }
0x144: {  	v8 =	vld [tilespmem:s15+$0x3980];
	v3 =	vmax.f32 v3, v4  }
0x145: {  	v4 =	vld [tilespmem:s15+$0x3A00];
	v3 =	vmax.f32 v3, v5  }
0x146: {  	v5 =	vld [tilespmem:s15+$0x3A80];
	v3 =	vmax.f32 v3, v6  }
0x147: {  	v6 =	vld [tilespmem:s15+$0x3B00];
	v3 =	vmax.f32 v3, v7  }
0x148: {  	v7 =	vld [tilespmem:s15+$0x3B80];
	[tilespmem:s14+$0x17180] =	vst v3  }
0x149: {  	v3 =	vmax.f32 v9, v8;
	v8 =	vld [tilespmem:s15+$0xFA00]  }
0x14a: {  	v3 =	vmax.f32 v3, v4;
	v4 =	vld [tilespmem:s15+$0xFA80]  }
0x14b: {  	v3 =	vmax.f32 v3, v5;
	v5 =	vld [tilespmem:s15+$0xFB00]  }
0x14c: {  	v3 =	vmax.f32 v3, v6;
	v6 =	vld [tilespmem:s15+$0xFB80]  }
0x14d: {  	v3 =	vmax.f32 v3, v7  }
0x14e: {  	v3 =	vmax.f32 v3, v8  }
0x14f: {  	v3 =	vmax.f32 v3, v4  }
0x150: {  	v3 =	vmax.f32 v3, v5  }
0x151: {  	v3 =	vmax.f32 v3, v6  }
0x152: {  	[tilespmem:s15+$0x17180] =	vst v3  }
0x153: {  	v3 =	vld [tilespmem:$0x180];
	_ =	sdelay $0x4  }
0x154: {  	v4 =	vshrl.u32 v3, $0x3  }
0x155: {  	v4 =	vmul.u32 $0x30, v4  }
0x156: {  	v3 =	vand.u32 $0x7, v3  }
0x157: {  	v3 =	vor.u32 v3, v4  }
0x158: {  	v4 =	vperm.xlane v3, v0;
	_ =	sdelay $0x1  }
0x159: {  	v4 =	vadd.s32 v1, v4;
	_ =	sdelay $0x3  }
0x15a: {  	s20 =	simm.s32 $0x800;
	s15 =	simm.s32 $0x0;
	v3 =	vperm.xlane v3, v2  }
0x15b: {  	[tilespmem:s20], [sflag:$0x1] =	stream.indirect_vreg.gather [hbm4b:s1+s15], $0x80, v4, vm0, $0xb8;
	[tilespmem:$0x1D000] =	vst v63  }
0x15c: {  	s21 =	simm.s32 $0x1000;
	v3 =	vadd.s32 v1, v3  }
0x15d: {  	[tilespmem:s21], [sflag:$0x1] =	stream.indirect_vreg.gather [hbm4b:s7+s15], $0x80, v4, vm0, $0xb8;
	[tilespmem:$0x1D000] =	vst v63  }
0x15e: {  	s22 =	simm.s32 $0x1800  }
0x15f: {  	[tilespmem:s22], [sflag:$0x1] =	stream.indirect_vreg.gather [hbm4b:s8+s15], $0x80, v4, vm0, $0xb8;
	[tilespmem:$0x1D000] =	vst v63  }
0x160: {  	s16 =	simm.s32 $0x2000  }
0x161: {  	[tilespmem:s16], [sflag:$0x1] =	stream.indirect_vreg.gather [hbm4b:s1+s15], $0x80, v3, vm0, $0xb8;
	[tilespmem:$0x1D000] =	vst v63  }
0x162: {  	s17 =	simm.s32 $0x2800  }
0x163: {  	[tilespmem:s17], [sflag:$0x1] =	stream.indirect_vreg.gather [hbm4b:s7+s15], $0x80, v3, vm0, $0xb8;
	[tilespmem:$0x1D000] =	vst v63  }
0x164: {  	s18 =	simm.s32 $0x3000  }
0x165: {  	[tilespmem:s18], [sflag:$0x1] =	stream.indirect_vreg.gather [hbm4b:s8+s15], $0x80, v3, vm0, $0xb8;
	[tilespmem:$0x1D000] =	vst v63  }
0x166: {  	v3 =	vld.msk [tilespmem:$0x190], $0xff;
	_ =	sdelay $0x4  }
0x167: {  	v4 =	vshrl.u32 v3, $0x3  }
0x168: {  	v4 =	vmul.u32 $0x30, v4  }
0x169: {  	v3 =	vand.u32 $0x7, v3  }
0x16a: {  	v3 =	vor.u32 v3, v4  }
0x16b: {  	v3 =	vperm.xlane v3, v0;
	_ =	sdelay $0x1  }
0x16c: {  	v3 =	vadd.s32 v1, v3;
	_ =	sdelay $0x3  }
0x16d: {  	s19 =	simm.s32 $0x3800  }
0x16e: {  	[tilespmem:s19], [sflag:$0x1] =	stream.indirect_vreg.gather [hbm4b:s1+s15], $0x80, v3, vm0, $0xb8;
	[tilespmem:$0x1D000] =	vst v63  }
0x16f: {  	s20 =	simm.s32 $0x4000  }
0x170: {  	[tilespmem:s20], [sflag:$0x1] =	stream.indirect_vreg.gather [hbm4b:s7+s15], $0x80, v3, vm0, $0xb8;
	[tilespmem:$0x1D000] =	vst v63  }
0x171: {  	s21 =	simm.s32 $0x4800  }
0x172: {  	[tilespmem:s21], [sflag:$0x1] =	stream.indirect_vreg.gather [hbm4b:s8+s15], $0x80, v3, vm0, $0xb8;
	[tilespmem:$0x1D000] =	vst v63  }
0x173: {  	v3 =	vld [tilespmem:$0x580];
	_ =	sdelay $0x4  }
0x174: {  	v4 =	vshrl.u32 v3, $0x3  }
0x175: {  	v4 =	vmul.u32 $0x30, v4  }
0x176: {  	v3 =	vand.u32 $0x7, v3  }
0x177: {  	v3 =	vor.u32 v3, v4  }
0x178: {  	v4 =	vperm.xlane v3, v0;
	_ =	sdelay $0x1  }
0x179: {  	v4 =	vadd.s32 v1, v4;
	_ =	sdelay $0x3  }
0x17a: {  	v3 =	vperm.xlane v3, v2  }
0x17b: {  	[tilespmem:s24], [sflag:$0x4] =	stream.indirect_vreg.gather [hbm4b:s4+s15], $0x80, v4, vm0, $0xb8;
	[tilespmem:$0x1D000] =	vst v63  }
0x17c: {  	v3 =	vadd.s32 v1, v3  }
0x17d: {  	[tilespmem:s25], [sflag:$0x4] =	stream.indirect_vreg.gather [hbm4b:s9+s15], $0x80, v4, vm0, $0xb8;
	[tilespmem:$0x1D000] =	vst v63  }
0x17e: {  	_ = 	snop  }
0x17f: {  	[tilespmem:s26], [sflag:$0x4] =	stream.indirect_vreg.gather [hbm4b:s10+s15], $0x80, v4, vm0, $0xb8;
	[tilespmem:$0x1D000] =	vst v63  }
0x180: {  	_ = 	snop  }
0x181: {  	[tilespmem:s28], [sflag:$0x4] =	stream.indirect_vreg.gather [hbm4b:s4+s15], $0x80, v3, vm0, $0xb8;
	[tilespmem:$0x1D000] =	vst v63  }
0x182: {  	_ = 	snop  }
0x183: {  	[tilespmem:s29], [sflag:$0x4] =	stream.indirect_vreg.gather [hbm4b:s9+s15], $0x80, v3, vm0, $0xb8;
	[tilespmem:$0x1D000] =	vst v63  }
0x184: {  	_ = 	snop  }
0x185: {  	[tilespmem:s30], [sflag:$0x4] =	stream.indirect_vreg.gather [hbm4b:s10+s15], $0x80, v3, vm0, $0xb8;
	[tilespmem:$0x1D000] =	vst v63  }
0x186: {  	_ =	swait.ge [sflag:s2], $0x4800  }
0x187: {  	[sflag:s2] =	ssyncset.done $0x0  }
0x188: {  	[sflag:s2] =	ssyncadd.s32 $0xFFFFB800  }
0x189: {  	_ =	swait.ge [sflag:s11], $0x3000  }
0x18a: {  	s22 =	sand.u32 $0x70, s15;
	s16 =	sand.u32 $0x1C00, s15;
	[sflag:s11] =	ssyncset.done $0x0  }
0x18b: {  	s14 =	sor.u32 s22, s16;
	[sflag:s11] =	ssyncadd.s32 $0xFFFFD000  }
0x18c: {  	v4 =	vld [tilespmem:s14+$0x5000]  }
0x18d: {  	v5 =	vld [tilespmem:s14+$0x5080]  }
0x18e: {  	v6 =	vld [tilespmem:s14+$0x5100]  }
0x18f: {  	v7 =	vld [tilespmem:s14+$0x5180]  }
0x190: {  	v8 =	vld [tilespmem:s14+$0x5200]  }
0x191: {  	v3 =	vld [tilespmem:s14+$0x5280]  }
0x192: {  	v5 =	vmax.f32 v4, v5;
	v4 =	vld [tilespmem:s14+$0x11000]  }
0x193: {  	s16 =	simm.s32 $0x10;
	s20 =	simm.s32 $0x80;
	v6 =	vmax.f32 v5, v6;
	v5 =	vld [tilespmem:s14+$0x11080]  }
0x194: {  	s17 =	sand.u32 $0x70, s16;
	s18 =	sand.u32 $0x1C00, s20;
	v7 =	vmax.f32 v6, v7;
	v6 =	vld [tilespmem:s14+$0x11100]  }
0x195: {  	s19 =	smov.u32 s14;
	s18 =	sor.u32 s17, s18;
	s21 =	simm.s32 $0x20;
	v8 =	vmax.f32 v7, v8;
	v7 =	vld [tilespmem:s14+$0x11180]  }
.LBB2_10:
0x196: {  	p0 =	sne.s32 s21, $0x2F0;
	v9 =	vld [tilespmem:s18+$0x5000];
	v3 =	vmax.f32 v8, v3  }
0x197: {  	v8 =	vld [tilespmem:s18+$0x5080];
	v3 =	vmax.f32 v3, v4  }
0x198: {  	v10 =	vld [tilespmem:s18+$0x5100];
	v3 =	vmax.f32 v3, v5  }
0x199: {  	v11 =	vld [tilespmem:s18+$0x5180];
	v3 =	vmax.f32 v3, v6  }
0x19a: {  	v12 =	vld [tilespmem:s18+$0x5200];
	v4 =	vmax.f32 v3, v7  }
.Ltmp4:
0x19b: {  	v3 =	vld [tilespmem:s18+$0x5280];
	[tilespmem:s19+$0x17200] =	vst v4;
	s19 =	smov.u32 s18;
	(pc) =	sbr.rel @p0 .LBB2_10-.Ltmp4, $4  }
0x19c: {  	v5 =	vmax.f32 v9, v8;
	v4 =	vld [tilespmem:s19+$0x11000]  }
0x19d: {  	s20 =	sadd.s32 $0x80, s20;
	v6 =	vmax.f32 v5, v10;
	v5 =	vld [tilespmem:s19+$0x11080]  }
0x19e: {  	s22 =	sand.u32 $0x1C00, s20;
	s18 =	sand.u32 $0x70, s21;
	v7 =	vmax.f32 v6, v11;
	v6 =	vld [tilespmem:s19+$0x11100]  }
0x19f: {  	s21 =	sadd.s32 $0x10, s21;
	s18 =	sor.u32 s18, s22;
	v8 =	vmax.f32 v7, v12;
	v7 =	vld [tilespmem:s19+$0x11180]  }
0x1a0: {  	v9 =	vld [tilespmem:s18+$0x5000];
	v3 =	vmax.f32 v8, v3  }
0x1a1: {  	v54 =	vld [tilespmem:s18+$0x5080];
	v3 =	vmax.f32 v3, v4  }
0x1a2: {  	v4 =	vld [tilespmem:s18+$0x5100];
	v3 =	vmax.f32 v3, v5  }
0x1a3: {  	v5 =	vld [tilespmem:s18+$0x5180];
	v3 =	vmax.f32 v3, v6  }
0x1a4: {  	v55 =	vld [tilespmem:s18+$0x5200];
	v3 =	vmax.f32 v3, v7  }
0x1a5: {  	v56 =	vld [tilespmem:s18+$0x5280];
	[tilespmem:s19+$0x17200] =	vst v3  }
0x1a6: {  	v3 =	vmax.f32 v9, v54;
	v57 =	vld [tilespmem:s18+$0x11000]  }
0x1a7: {  	v3 =	vmax.f32 v3, v4;
	v4 =	vld [tilespmem:s18+$0x11080]  }
0x1a8: {  	v3 =	vmax.f32 v3, v5;
	v5 =	vld [tilespmem:s18+$0x11100]  }
0x1a9: {  	v58 =	vld [tilespmem:s18+$0x11180];
	v3 =	vmax.f32 v3, v55  }
0x1aa: {  	v3 =	vmax.f32 v3, v56  }
0x1ab: {  	v3 =	vmax.f32 v3, v57  }
0x1ac: {  	v3 =	vmax.f32 v3, v4  }
0x1ad: {  	v3 =	vmax.f32 v3, v5  }
0x1ae: {  	v3 =	vmax.f32 v3, v58  }
0x1af: {  	s15 =	sor.u32 s15, s15;
	[tilespmem:s18+$0x17200] =	vst v3  }
0x1b0: {  	s15 =	sor.u32 $0x380, s15;
	v3 =	vld [tilespmem:s14+$0x5300]  }
0x1b1: {  	v4 =	vld [tilespmem:s15+$0x5000]  }
0x1b2: {  	v5 =	vld [tilespmem:s14+$0x6800]  }
0x1b3: {  	v59 =	vld [tilespmem:s14+$0x6880]  }
0x1b4: {  	v60 =	vld [tilespmem:s14+$0x6900]  }
0x1b5: {  	v61 =	vld [tilespmem:s14+$0x6980]  }
0x1b6: {  	v3 =	vmax.f32 v3, v4;
	v4 =	vld [tilespmem:s14+$0x11200]  }
0x1b7: {  	v3 =	vmax.f32 v3, v5;
	v5 =	vld [tilespmem:s14+$0x11280]  }
0x1b8: {  	v62 =	vld [tilespmem:s14+$0x11300];
	v3 =	vmax.f32 v3, v59  }
0x1b9: {  	v63 =	vld [tilespmem:s15+$0x11000];
	v3 =	vmax.f32 v3, v60  }
0x1ba: {  	v3 =	vmax.f32 v3, v61  }
0x1bb: {  	v3 =	vmax.f32 v3, v4  }
0x1bc: {  	s15 =	simm.s32 $0x80;
	v3 =	vmax.f32 v3, v5  }
0x1bd: {  	s22 =	sand.u32 $0x1C00, s15;
	v3 =	vmax.f32 v3, v62  }
0x1be: {  	s18 =	sor.u32 s15, s16;
	s16 =	simm.s32 $0x20;
	s17 =	sor.u32 s17, s22;
	v3 =	vmax.f32 v3, v63  }
.LBB2_12:
0x1bf: {  	p0 =	sne.s32 s16, $0x2F0;
	v4 =	vld [tilespmem:s17+$0x5300];
	s18 =	sor.u32 $0x380, s18;
	[tilespmem:s14+$0x17280] =	vst v3  }
0x1c0: {  	s14 =	smov.u32 s17;
	v3 =	vld [tilespmem:s18+$0x5000]  }
0x1c1: {  	v5 =	vld [tilespmem:s14+$0x6800]  }
0x1c2: {  	v6 =	vld [tilespmem:s14+$0x6880]  }
0x1c3: {  	v7 =	vld [tilespmem:s14+$0x6900]  }
0x1c4: {  	v8 =	vld [tilespmem:s14+$0x6980]  }
0x1c5: {  	v3 =	vmax.f32 v4, v3;
	v4 =	vld [tilespmem:s14+$0x11200]  }
0x1c6: {  	v3 =	vmax.f32 v3, v5;
	v5 =	vld [tilespmem:s14+$0x11280]  }
0x1c7: {  	v3 =	vmax.f32 v3, v6;
	v6 =	vld [tilespmem:s14+$0x11300]  }
0x1c8: {  	v3 =	vmax.f32 v3, v7;
	v7 =	vld [tilespmem:s18+$0x11000]  }
.Ltmp5:
0x1c9: {  	v3 =	vmax.f32 v3, v8;
	(pc) =	sbr.rel @p0 .LBB2_12-.Ltmp5, $4  }
0x1ca: {  	v3 =	vmax.f32 v3, v4  }
0x1cb: {  	s15 =	sadd.s32 $0x80, s15;
	v3 =	vmax.f32 v3, v5  }
0x1cc: {  	s17 =	sand.u32 $0x70, s16;
	s18 =	sand.u32 $0x1C00, s15;
	v3 =	vmax.f32 v3, v6  }
0x1cd: {  	s17 =	sor.u32 s17, s18;
	s18 =	sor.u32 s15, s16;
	s16 =	sadd.s32 $0x10, s16;
	v3 =	vmax.f32 v3, v7  }
0x1ce: {  	v4 =	vld [tilespmem:s17+$0x5300];
	s15 =	sor.u32 $0x380, s18;
	[tilespmem:s14+$0x17280] =	vst v3  }
0x1cf: {  	v3 =	vld [tilespmem:s15+$0x5000]  }
0x1d0: {  	v5 =	vld [tilespmem:s17+$0x6800]  }
0x1d1: {  	v6 =	vld [tilespmem:s17+$0x6880]  }
0x1d2: {  	v7 =	vld [tilespmem:s17+$0x6900]  }
0x1d3: {  	v8 =	vld [tilespmem:s17+$0x6980]  }
0x1d4: {  	v3 =	vmax.f32 v4, v3;
	v4 =	vld [tilespmem:s17+$0x11200]  }
0x1d5: {  	v3 =	vmax.f32 v3, v5;
	v5 =	vld [tilespmem:s17+$0x11280]  }
0x1d6: {  	v3 =	vmax.f32 v3, v6;
	v6 =	vld [tilespmem:s17+$0x11300]  }
0x1d7: {  	v3 =	vmax.f32 v3, v7;
	v7 =	vld [tilespmem:s15+$0x11000]  }
0x1d8: {  	v3 =	vmax.f32 v3, v8  }
0x1d9: {  	v3 =	vmax.f32 v3, v4  }
0x1da: {  	v3 =	vmax.f32 v3, v5  }
0x1db: {  	s14 =	simm.s32 $0x0;
	v3 =	vmax.f32 v3, v6  }
0x1dc: {  	s20 =	sand.u32 $0x70, s14;
	s16 =	sand.u32 $0x1C00, s14;
	v3 =	vmax.f32 v3, v7  }
0x1dd: {  	s15 =	sor.u32 s20, s16;
	[tilespmem:s17+$0x17280] =	vst v3  }
0x1de: {  	v4 =	vld [tilespmem:s15+$0x6A00]  }
0x1df: {  	v5 =	vld [tilespmem:s15+$0x6A80]  }
0x1e0: {  	v6 =	vld [tilespmem:s15+$0x6B00]  }
0x1e1: {  	v7 =	vld [tilespmem:s15+$0x6B80]  }
0x1e2: {  	v8 =	vld [tilespmem:s15+$0x8000]  }
0x1e3: {  	v3 =	vld [tilespmem:s15+$0x8080]  }
0x1e4: {  	v5 =	vmax.f32 v4, v5;
	v4 =	vld [tilespmem:s15+$0x12800]  }
0x1e5: {  	s19 =	simm.s32 $0x80;
	s16 =	simm.s32 $0x10;
	v6 =	vmax.f32 v5, v6;
	v5 =	vld [tilespmem:s15+$0x12880]  }
0x1e6: {  	s22 =	sand.u32 $0x1C00, s19;
	s21 =	sand.u32 $0x70, s16;
	v7 =	vmax.f32 v6, v7;
	v6 =	vld [tilespmem:s15+$0x12900]  }
0x1e7: {  	s20 =	simm.s32 $0x20;
	s18 =	smov.u32 s15;
	s17 =	sor.u32 s21, s22;
	v8 =	vmax.f32 v7, v8;
	v7 =	vld [tilespmem:s15+$0x12980]  }
.LBB2_14:
0x1e8: {  	p0 =	sne.s32 s20, $0x2F0;
	v9 =	vld [tilespmem:s17+$0x6A00];
	v3 =	vmax.f32 v8, v3  }
0x1e9: {  	v8 =	vld [tilespmem:s17+$0x6A80];
	v3 =	vmax.f32 v3, v4  }
0x1ea: {  	v10 =	vld [tilespmem:s17+$0x6B00];
	v3 =	vmax.f32 v3, v5  }
0x1eb: {  	v11 =	vld [tilespmem:s17+$0x6B80];
	v3 =	vmax.f32 v3, v6  }
0x1ec: {  	v12 =	vld [tilespmem:s17+$0x8000];
	v4 =	vmax.f32 v3, v7  }
.Ltmp6:
0x1ed: {  	v3 =	vld [tilespmem:s17+$0x8080];
	[tilespmem:s18+$0x17300] =	vst v4;
	s18 =	smov.u32 s17;
	(pc) =	sbr.rel @p0 .LBB2_14-.Ltmp6, $4  }
0x1ee: {  	v5 =	vmax.f32 v9, v8;
	v4 =	vld [tilespmem:s18+$0x12800]  }
0x1ef: {  	s19 =	sadd.s32 $0x80, s19;
	v6 =	vmax.f32 v5, v10;
	v5 =	vld [tilespmem:s18+$0x12880]  }
0x1f0: {  	s21 =	sand.u32 $0x1C00, s19;
	s17 =	sand.u32 $0x70, s20;
	v7 =	vmax.f32 v6, v11;
	v6 =	vld [tilespmem:s18+$0x12900]  }
0x1f1: {  	s20 =	sadd.s32 $0x10, s20;
	s17 =	sor.u32 s17, s21;
	v8 =	vmax.f32 v7, v12;
	v7 =	vld [tilespmem:s18+$0x12980]  }
0x1f2: {  	v9 =	vld [tilespmem:s17+$0x6A00];
	v3 =	vmax.f32 v8, v3  }
0x1f3: {  	v55 =	vld [tilespmem:s17+$0x6A80];
	v3 =	vmax.f32 v3, v4  }
0x1f4: {  	v56 =	vld [tilespmem:s17+$0x6B00];
	v3 =	vmax.f32 v3, v5  }
0x1f5: {  	v57 =	vld [tilespmem:s17+$0x6B80];
	v3 =	vmax.f32 v3, v6  }
0x1f6: {  	v58 =	vld [tilespmem:s17+$0x8000];
	v3 =	vmax.f32 v3, v7  }
0x1f7: {  	v59 =	vld [tilespmem:s17+$0x8080];
	[tilespmem:s18+$0x17300] =	vst v3  }
0x1f8: {  	v3 =	vmax.f32 v9, v55;
	v60 =	vld [tilespmem:s17+$0x12800]  }
0x1f9: {  	v3 =	vmax.f32 v3, v56;
	v61 =	vld [tilespmem:s17+$0x12880]  }
0x1fa: {  	v62 =	vld [tilespmem:s17+$0x12900];
	v3 =	vmax.f32 v3, v57  }
0x1fb: {  	v63 =	vld [tilespmem:s17+$0x12980];
	v3 =	vmax.f32 v3, v58  }
0x1fc: {  	v3 =	vmax.f32 v3, v59  }
0x1fd: {  	v3 =	vmax.f32 v3, v60  }
0x1fe: {  	v3 =	vmax.f32 v3, v61  }
0x1ff: {  	v3 =	vmax.f32 v3, v62  }
0x200: {  	v3 =	vmax.f32 v3, v63  }
0x201: {  	[tilespmem:s17+$0x17300] =	vst v3;
	s17 =	simm.s32 $0x0  }
.LBB2_16:
0x202: {  	p0 =	sne.s32 s16, $0x2F0;
	v3 =	vld [tilespmem:s15+$0x8180]  }
0x203: {  	v4 =	vld [tilespmem:s15+$0x8100]  }
0x204: {  	v5 =	vld [tilespmem:s15+$0x8200]  }
0x205: {  	v6 =	vld [tilespmem:s15+$0x8280]  }
0x206: {  	v7 =	vld [tilespmem:s15+$0x8300]  }
0x207: {  	v8 =	vld [tilespmem:s15+$0x8380]  }
0x208: {  	v3 =	vmax.f32 v4, v3;
	v4 =	vld [tilespmem:s15+$0x12A00]  }
0x209: {  	v3 =	vmax.f32 v3, v5;
	v5 =	vld [tilespmem:s15+$0x12A80]  }
0x20a: {  	v3 =	vmax.f32 v3, v6;
	v6 =	vld [tilespmem:s15+$0x12B00]  }
0x20b: {  	v3 =	vmax.f32 v3, v7;
	v7 =	vld [tilespmem:s15+$0x12B80]  }
0x20c: {  	v3 =	vmax.f32 v3, v8  }
.Ltmp7:
0x20d: {  	v3 =	vmax.f32 v3, v4;
	(pc) =	sbr.rel @p0 .LBB2_16-.Ltmp7, $4  }
0x20e: {  	v3 =	vmax.f32 v3, v5  }
0x20f: {  	s15 =	sor.u32 s17, s14;
	s17 =	sadd.s32 $0x80, s17;
	s14 =	smov.u32 s16;
	v3 =	vmax.f32 v3, v6  }
0x210: {  	s18 =	sand.u32 $0x70, s16;
	s19 =	sand.u32 $0x1C00, s17;
	s20 =	sor.u32 $0x380, s15;
	v3 =	vmax.f32 v3, v7  }
0x211: {  	s16 =	sadd.s32 $0x10, s16;
	s15 =	sor.u32 s18, s19;
	[tilespmem:s20+$0x17000] =	vst v3  }
0x212: {  	v3 =	vld [tilespmem:s15+$0x8180]  }
0x213: {  	v4 =	vld [tilespmem:s15+$0x8100]  }
0x214: {  	v5 =	vld [tilespmem:s15+$0x8200]  }
0x215: {  	v6 =	vld [tilespmem:s15+$0x8280]  }
0x216: {  	v7 =	vld [tilespmem:s15+$0x8300]  }
0x217: {  	v8 =	vld [tilespmem:s15+$0x8380]  }
0x218: {  	v3 =	vmax.f32 v4, v3;
	v4 =	vld [tilespmem:s15+$0x12A00]  }
0x219: {  	v3 =	vmax.f32 v3, v5;
	v5 =	vld [tilespmem:s15+$0x12A80]  }
0x21a: {  	v3 =	vmax.f32 v3, v6;
	v6 =	vld [tilespmem:s15+$0x12B00]  }
0x21b: {  	v3 =	vmax.f32 v3, v7;
	v7 =	vld [tilespmem:s15+$0x12B80]  }
0x21c: {  	v3 =	vmax.f32 v3, v8  }
0x21d: {  	v3 =	vmax.f32 v3, v4  }
0x21e: {  	v3 =	vmax.f32 v3, v5  }
0x21f: {  	s14 =	sor.u32 s17, s14;
	v3 =	vmax.f32 v3, v6  }
0x220: {  	s14 =	sor.u32 $0x380, s14;
	v3 =	vmax.f32 v3, v7  }
0x221: {  	[tilespmem:s14+$0x17000] =	vst v3  }
0x222: {  	v3 =	vld [tilespmem:$0x200];
	_ =	sdelay $0x4  }
0x223: {  	v4 =	vshrl.u32 v3, $0x3  }
0x224: {  	v4 =	vmul.u32 $0x30, v4  }
0x225: {  	v3 =	vand.u32 $0x7, v3  }
0x226: {  	v3 =	vor.u32 v3, v4  }
0x227: {  	v4 =	vperm.xlane v3, v0;
	_ =	sdelay $0x1  }
0x228: {  	v4 =	vadd.s32 v1, v4;
	_ =	sdelay $0x3  }
0x229: {  	s14 =	simm.s32 $0x0;
	v3 =	vperm.xlane v3, v2  }
0x22a: {  	[tilespmem:s23], [sflag:$0x2] =	stream.indirect_vreg.gather [hbm4b:s1+s14], $0x80, v4, vm0, $0xb8;
	[tilespmem:$0x1D000] =	vst v63  }
0x22b: {  	s18 =	simm.s32 $0x5800;
	v3 =	vadd.s32 v1, v3  }
0x22c: {  	[tilespmem:s18], [sflag:$0x2] =	stream.indirect_vreg.gather [hbm4b:s7+s14], $0x80, v4, vm0, $0xb8;
	[tilespmem:$0x1D000] =	vst v63  }
0x22d: {  	s19 =	simm.s32 $0x6000  }
0x22e: {  	[tilespmem:s19], [sflag:$0x2] =	stream.indirect_vreg.gather [hbm4b:s8+s14], $0x80, v4, vm0, $0xb8;
	[tilespmem:$0x1D000] =	vst v63  }
0x22f: {  	s20 =	simm.s32 $0x6800  }
0x230: {  	[tilespmem:s20], [sflag:$0x2] =	stream.indirect_vreg.gather [hbm4b:s1+s14], $0x80, v3, vm0, $0xb8;
	[tilespmem:$0x1D000] =	vst v63  }
0x231: {  	s21 =	simm.s32 $0x7000  }
0x232: {  	[tilespmem:s21], [sflag:$0x2] =	stream.indirect_vreg.gather [hbm4b:s7+s14], $0x80, v3, vm0, $0xb8;
	[tilespmem:$0x1D000] =	vst v63  }
0x233: {  	s22 =	simm.s32 $0x7800  }
0x234: {  	[tilespmem:s22], [sflag:$0x2] =	stream.indirect_vreg.gather [hbm4b:s8+s14], $0x80, v3, vm0, $0xb8;
	[tilespmem:$0x1D000] =	vst v63  }
0x235: {  	v3 =	vld.msk [tilespmem:$0x210], $0xff;
	_ =	sdelay $0x4  }
0x236: {  	v4 =	vshrl.u32 v3, $0x3  }
0x237: {  	v4 =	vmul.u32 $0x30, v4  }
0x238: {  	v3 =	vand.u32 $0x7, v3  }
0x239: {  	v3 =	vor.u32 v3, v4  }
0x23a: {  	v3 =	vperm.xlane v3, v0;
	_ =	sdelay $0x1  }
0x23b: {  	v3 =	vadd.s32 v1, v3;
	_ =	sdelay $0x3  }
0x23c: {  	s23 =	simm.s32 $0x8000  }
0x23d: {  	[tilespmem:s23], [sflag:$0x2] =	stream.indirect_vreg.gather [hbm4b:s1+s14], $0x80, v3, vm0, $0xb8;
	[tilespmem:$0x1D000] =	vst v63  }
0x23e: {  	s16 =	simm.s32 $0x8800  }
0x23f: {  	[tilespmem:s16], [sflag:$0x2] =	stream.indirect_vreg.gather [hbm4b:s7+s14], $0x80, v3, vm0, $0xb8;
	[tilespmem:$0x1D000] =	vst v63  }
0x240: {  	s17 =	simm.s32 $0x9000  }
0x241: {  	[tilespmem:s17], [sflag:$0x2] =	stream.indirect_vreg.gather [hbm4b:s8+s14], $0x80, v3, vm0, $0xb8;
	[tilespmem:$0x1D000] =	vst v63  }
0x242: {  	v3 =	vld [tilespmem:$0x600];
	_ =	sdelay $0x4  }
0x243: {  	v4 =	vshrl.u32 v3, $0x3  }
0x244: {  	v4 =	vmul.u32 $0x30, v4  }
0x245: {  	v3 =	vand.u32 $0x7, v3  }
0x246: {  	v3 =	vor.u32 v3, v4  }
0x247: {  	v4 =	vperm.xlane v3, v0;
	_ =	sdelay $0x1  }
0x248: {  	v4 =	vadd.s32 v1, v4;
	_ =	sdelay $0x3  }
0x249: {  	s18 =	simm.s32 $0x11000;
	v3 =	vperm.xlane v3, v2  }
0x24a: {  	[tilespmem:s18], [sflag:$0x5] =	stream.indirect_vreg.gather [hbm4b:s4+s14], $0x80, v4, vm0, $0xb8;
	[tilespmem:$0x1D000] =	vst v63  }
0x24b: {  	s19 =	simm.s32 $0x11800;
	v3 =	vadd.s32 v1, v3  }
0x24c: {  	[tilespmem:s19], [sflag:$0x5] =	stream.indirect_vreg.gather [hbm4b:s9+s14], $0x80, v4, vm0, $0xb8;
	[tilespmem:$0x1D000] =	vst v63  }
0x24d: {  	s20 =	simm.s32 $0x12000  }
0x24e: {  	[tilespmem:s20], [sflag:$0x5] =	stream.indirect_vreg.gather [hbm4b:s10+s14], $0x80, v4, vm0, $0xb8;
	[tilespmem:$0x1D000] =	vst v63  }
0x24f: {  	s21 =	simm.s32 $0x12800  }
0x250: {  	[tilespmem:s21], [sflag:$0x5] =	stream.indirect_vreg.gather [hbm4b:s4+s14], $0x80, v3, vm0, $0xb8;
	[tilespmem:$0x1D000] =	vst v63  }
0x251: {  	s22 =	simm.s32 $0x13000  }
0x252: {  	[tilespmem:s22], [sflag:$0x5] =	stream.indirect_vreg.gather [hbm4b:s9+s14], $0x80, v3, vm0, $0xb8;
	[tilespmem:$0x1D000] =	vst v63  }
0x253: {  	s23 =	simm.s32 $0x13800  }
0x254: {  	[tilespmem:s23], [sflag:$0x5] =	stream.indirect_vreg.gather [hbm4b:s10+s14], $0x80, v3, vm0, $0xb8;
	[tilespmem:$0x1D000] =	vst v63  }
0x255: {  	_ =	swait.ge [sflag:s6], $0x4800  }
0x256: {  	[sflag:s6] =	ssyncset.done $0x0  }
0x257: {  	[sflag:s6] =	ssyncadd.s32 $0xFFFFB800  }
0x258: {  	_ =	swait.ge [sflag:s12], $0x3000  }
0x259: {  	s17 =	sand.u32 $0x70, s14;
	s18 =	sand.u32 $0x1C00, s14;
	[sflag:s12] =	ssyncset.done $0x0  }
0x25a: {  	s19 =	sor.u32 s17, s18;
	[sflag:s12] =	ssyncadd.s32 $0xFFFFD000  }
0x25b: {  	v4 =	vld [tilespmem:s19+$0x9800]  }
0x25c: {  	v5 =	vld [tilespmem:s19+$0x9880]  }
0x25d: {  	v6 =	vld [tilespmem:s19+$0x9900]  }
0x25e: {  	v7 =	vld [tilespmem:s19+$0x9980]  }
0x25f: {  	v8 =	vld [tilespmem:s19+$0x9A00]  }
0x260: {  	v3 =	vld [tilespmem:s19+$0x9A80]  }
0x261: {  	v5 =	vmax.f32 v4, v5;
	v4 =	vld [tilespmem:s19+$0x14000]  }
0x262: {  	s15 =	simm.s32 $0x10;
	s21 =	simm.s32 $0x80;
	v6 =	vmax.f32 v5, v6;
	v5 =	vld [tilespmem:s19+$0x14080]  }
0x263: {  	s16 =	sand.u32 $0x70, s15;
	s20 =	sand.u32 $0x1C00, s21;
	v7 =	vmax.f32 v6, v7;
	v6 =	vld [tilespmem:s19+$0x14100]  }
0x264: {  	s20 =	sor.u32 s16, s20;
	s22 =	simm.s32 $0x20;
	v8 =	vmax.f32 v7, v8;
	v7 =	vld [tilespmem:s19+$0x14180]  }
.LBB2_18:
0x265: {  	p0 =	sne.s32 s22, $0x2F0;
	v9 =	vld [tilespmem:s20+$0x9800];
	v3 =	vmax.f32 v8, v3  }
0x266: {  	v8 =	vld [tilespmem:s20+$0x9880];
	v3 =	vmax.f32 v3, v4  }
0x267: {  	v10 =	vld [tilespmem:s20+$0x9900];
	v3 =	vmax.f32 v3, v5  }
0x268: {  	v11 =	vld [tilespmem:s20+$0x9980];
	v3 =	vmax.f32 v3, v6  }
0x269: {  	v12 =	vld [tilespmem:s20+$0x9A00];
	v4 =	vmax.f32 v3, v7  }
.Ltmp8:
0x26a: {  	v3 =	vld [tilespmem:s20+$0x9A80];
	[tilespmem:s19+$0x18800] =	vst v4;
	s19 =	smov.u32 s20;
	(pc) =	sbr.rel @p0 .LBB2_18-.Ltmp8, $4  }
0x26b: {  	v5 =	vmax.f32 v9, v8;
	v4 =	vld [tilespmem:s19+$0x14000]  }
0x26c: {  	s21 =	sadd.s32 $0x80, s21;
	v6 =	vmax.f32 v5, v10;
	v5 =	vld [tilespmem:s19+$0x14080]  }
0x26d: {  	s23 =	sand.u32 $0x1C00, s21;
	s20 =	sand.u32 $0x70, s22;
	v7 =	vmax.f32 v6, v11;
	v6 =	vld [tilespmem:s19+$0x14100]  }
0x26e: {  	s22 =	sadd.s32 $0x10, s22;
	s20 =	sor.u32 s20, s23;
	v8 =	vmax.f32 v7, v12;
	v7 =	vld [tilespmem:s19+$0x14180]  }
0x26f: {  	v9 =	vld [tilespmem:s20+$0x9800];
	v3 =	vmax.f32 v8, v3  }
0x270: {  	v54 =	vld [tilespmem:s20+$0x9880];
	v3 =	vmax.f32 v3, v4  }
0x271: {  	v4 =	vld [tilespmem:s20+$0x9900];
	v3 =	vmax.f32 v3, v5  }
0x272: {  	v5 =	vld [tilespmem:s20+$0x9980];
	v3 =	vmax.f32 v3, v6  }
0x273: {  	v55 =	vld [tilespmem:s20+$0x9A00];
	v3 =	vmax.f32 v3, v7  }
0x274: {  	v56 =	vld [tilespmem:s20+$0x9A80];
	[tilespmem:s19+$0x18800] =	vst v3  }
0x275: {  	v3 =	vmax.f32 v9, v54;
	v57 =	vld [tilespmem:s20+$0x14000]  }
0x276: {  	v3 =	vmax.f32 v3, v4;
	v4 =	vld [tilespmem:s20+$0x14080]  }
0x277: {  	v3 =	vmax.f32 v3, v5;
	v5 =	vld [tilespmem:s20+$0x14100]  }
0x278: {  	v58 =	vld [tilespmem:s20+$0x14180];
	v3 =	vmax.f32 v3, v55  }
0x279: {  	v3 =	vmax.f32 v3, v56  }
0x27a: {  	v3 =	vmax.f32 v3, v57  }
0x27b: {  	v3 =	vmax.f32 v3, v4  }
0x27c: {  	v3 =	vmax.f32 v3, v5  }
0x27d: {  	v3 =	vmax.f32 v3, v58  }
0x27e: {  	s17 =	sor.u32 s18, s17;
	s14 =	sor.u32 s14, s14;
	[tilespmem:s20+$0x18800] =	vst v3  }
0x27f: {  	s14 =	sor.u32 $0x380, s14;
	v3 =	vld [tilespmem:s17+$0x9B00]  }
0x280: {  	v4 =	vld [tilespmem:s14+$0x9800]  }
0x281: {  	v5 =	vld [tilespmem:s17+$0xB000]  }
0x282: {  	v59 =	vld [tilespmem:s17+$0xB080]  }
0x283: {  	v60 =	vld [tilespmem:s17+$0xB100]  }
0x284: {  	v61 =	vld [tilespmem:s17+$0xB180]  }
0x285: {  	v3 =	vmax.f32 v3, v4;
	v4 =	vld [tilespmem:s17+$0x14200]  }
0x286: {  	v3 =	vmax.f32 v3, v5;
	v5 =	vld [tilespmem:s17+$0x14280]  }
0x287: {  	v62 =	vld [tilespmem:s17+$0x14300];
	v3 =	vmax.f32 v3, v59  }
0x288: {  	v63 =	vld [tilespmem:s14+$0x14000];
	v3 =	vmax.f32 v3, v60  }
0x289: {  	v3 =	vmax.f32 v3, v61  }
0x28a: {  	v3 =	vmax.f32 v3, v4  }
0x28b: {  	s14 =	simm.s32 $0x80;
	v3 =	vmax.f32 v3, v5  }
0x28c: {  	s23 =	sand.u32 $0x1C00, s14;
	v3 =	vmax.f32 v3, v62  }
0x28d: {  	s18 =	sor.u32 s14, s15;
	s15 =	simm.s32 $0x20;
	s16 =	sor.u32 s23, s16;
	v3 =	vmax.f32 v3, v63  }
.LBB2_20:
0x28e: {  	p0 =	sne.s32 s15, $0x2F0;
	v4 =	vld [tilespmem:s16+$0x9B00];
	s18 =	sor.u32 $0x380, s18;
	[tilespmem:s17+$0x18880] =	vst v3  }
0x28f: {  	s17 =	smov.u32 s16;
	v3 =	vld [tilespmem:s18+$0x9800]  }
0x290: {  	v5 =	vld [tilespmem:s17+$0xB000]  }
0x291: {  	v6 =	vld [tilespmem:s17+$0xB080]  }
0x292: {  	v7 =	vld [tilespmem:s17+$0xB100]  }
0x293: {  	v8 =	vld [tilespmem:s17+$0xB180]  }
0x294: {  	v3 =	vmax.f32 v4, v3;
	v4 =	vld [tilespmem:s17+$0x14200]  }
0x295: {  	v3 =	vmax.f32 v3, v5;
	v5 =	vld [tilespmem:s17+$0x14280]  }
0x296: {  	v3 =	vmax.f32 v3, v6;
	v6 =	vld [tilespmem:s17+$0x14300]  }
0x297: {  	v3 =	vmax.f32 v3, v7;
	v7 =	vld [tilespmem:s18+$0x14000]  }
.Ltmp9:
0x298: {  	v3 =	vmax.f32 v3, v8;
	(pc) =	sbr.rel @p0 .LBB2_20-.Ltmp9, $4  }
0x299: {  	v3 =	vmax.f32 v3, v4  }
0x29a: {  	s14 =	sadd.s32 $0x80, s14;
	v3 =	vmax.f32 v3, v5  }
0x29b: {  	s16 =	sand.u32 $0x70, s15;
	s18 =	sand.u32 $0x1C00, s14;
	v3 =	vmax.f32 v3, v6  }
0x29c: {  	s16 =	sor.u32 s18, s16;
	s18 =	sor.u32 s14, s15;
	s15 =	sadd.s32 $0x10, s15;
	v3 =	vmax.f32 v3, v7  }
0x29d: {  	v4 =	vld [tilespmem:s16+$0x9B00];
	s14 =	sor.u32 $0x380, s18;
	[tilespmem:s17+$0x18880] =	vst v3  }
0x29e: {  	v3 =	vld [tilespmem:s14+$0x9800]  }
0x29f: {  	v5 =	vld [tilespmem:s16+$0xB000]  }
0x2a0: {  	v6 =	vld [tilespmem:s16+$0xB080]  }
0x2a1: {  	v7 =	vld [tilespmem:s16+$0xB100]  }
0x2a2: {  	v8 =	vld [tilespmem:s16+$0xB180]  }
0x2a3: {  	v3 =	vmax.f32 v4, v3;
	v4 =	vld [tilespmem:s16+$0x14200]  }
0x2a4: {  	v3 =	vmax.f32 v3, v5;
	v5 =	vld [tilespmem:s16+$0x14280]  }
0x2a5: {  	v3 =	vmax.f32 v3, v6;
	v6 =	vld [tilespmem:s16+$0x14300]  }
0x2a6: {  	v3 =	vmax.f32 v3, v7;
	v7 =	vld [tilespmem:s14+$0x14000]  }
0x2a7: {  	v3 =	vmax.f32 v3, v8  }
0x2a8: {  	v3 =	vmax.f32 v3, v4  }
0x2a9: {  	v3 =	vmax.f32 v3, v5  }
0x2aa: {  	s21 =	simm.s32 $0x0;
	v3 =	vmax.f32 v3, v6  }
0x2ab: {  	s15 =	sand.u32 $0x70, s21;
	s14 =	sand.u32 $0x1C00, s21;
	v3 =	vmax.f32 v3, v7  }
0x2ac: {  	s14 =	sor.u32 s15, s14;
	[tilespmem:s16+$0x18880] =	vst v3  }
0x2ad: {  	v4 =	vld [tilespmem:s14+$0xB200]  }
0x2ae: {  	v5 =	vld [tilespmem:s14+$0xB280]  }
0x2af: {  	v6 =	vld [tilespmem:s14+$0xB300]  }
0x2b0: {  	v7 =	vld [tilespmem:s14+$0xB380]  }
0x2b1: {  	v8 =	vld [tilespmem:s14+$0xC800]  }
0x2b2: {  	v3 =	vld [tilespmem:s14+$0xC880]  }
0x2b3: {  	v5 =	vmax.f32 v4, v5;
	v4 =	vld [tilespmem:s14+$0x15800]  }
0x2b4: {  	s22 =	simm.s32 $0x10;
	s18 =	simm.s32 $0x80;
	v6 =	vmax.f32 v5, v6;
	v5 =	vld [tilespmem:s14+$0x15880]  }
0x2b5: {  	s23 =	sand.u32 $0x1C00, s18;
	s15 =	sand.u32 $0x70, s22;
	v7 =	vmax.f32 v6, v7;
	v6 =	vld [tilespmem:s14+$0x15900]  }
0x2b6: {  	s19 =	simm.s32 $0x20;
	s17 =	smov.u32 s14;
	s16 =	sor.u32 s15, s23;
	v8 =	vmax.f32 v7, v8;
	v7 =	vld [tilespmem:s14+$0x15980]  }
.LBB2_22:
0x2b7: {  	p0 =	sne.s32 s19, $0x2F0;
	v9 =	vld [tilespmem:s16+$0xB200];
	v3 =	vmax.f32 v8, v3  }
0x2b8: {  	v8 =	vld [tilespmem:s16+$0xB280];
	v3 =	vmax.f32 v3, v4  }
0x2b9: {  	v10 =	vld [tilespmem:s16+$0xB300];
	v3 =	vmax.f32 v3, v5  }
0x2ba: {  	v11 =	vld [tilespmem:s16+$0xB380];
	v3 =	vmax.f32 v3, v6  }
0x2bb: {  	v12 =	vld [tilespmem:s16+$0xC800];
	v4 =	vmax.f32 v3, v7  }
.Ltmp10:
0x2bc: {  	v3 =	vld [tilespmem:s16+$0xC880];
	[tilespmem:s17+$0x18900] =	vst v4;
	s17 =	smov.u32 s16;
	(pc) =	sbr.rel @p0 .LBB2_22-.Ltmp10, $4  }
0x2bd: {  	v5 =	vmax.f32 v9, v8;
	v4 =	vld [tilespmem:s17+$0x15800]  }
0x2be: {  	s18 =	sadd.s32 $0x80, s18;
	v6 =	vmax.f32 v5, v10;
	v5 =	vld [tilespmem:s17+$0x15880]  }
0x2bf: {  	s20 =	sand.u32 $0x1C00, s18;
	s16 =	sand.u32 $0x70, s19;
	v7 =	vmax.f32 v6, v11;
	v6 =	vld [tilespmem:s17+$0x15900]  }
0x2c0: {  	s19 =	sadd.s32 $0x10, s19;
	s16 =	sor.u32 s16, s20;
	v8 =	vmax.f32 v7, v12;
	v7 =	vld [tilespmem:s17+$0x15980]  }
0x2c1: {  	v9 =	vld [tilespmem:s16+$0xB200];
	v3 =	vmax.f32 v8, v3  }
0x2c2: {  	v8 =	vld [tilespmem:s16+$0xB280];
	v3 =	vmax.f32 v3, v4  }
0x2c3: {  	v4 =	vld [tilespmem:s16+$0xB300];
	v3 =	vmax.f32 v3, v5  }
0x2c4: {  	v5 =	vld [tilespmem:s16+$0xB380];
	v3 =	vmax.f32 v3, v6  }
0x2c5: {  	v6 =	vld [tilespmem:s16+$0xC800];
	v3 =	vmax.f32 v3, v7  }
0x2c6: {  	v7 =	vld [tilespmem:s16+$0xC880];
	[tilespmem:s17+$0x18900] =	vst v3  }
0x2c7: {  	v3 =	vmax.f32 v9, v8;
	v8 =	vld [tilespmem:s16+$0x15800]  }
0x2c8: {  	v3 =	vmax.f32 v3, v4;
	v4 =	vld [tilespmem:s16+$0x15880]  }
0x2c9: {  	v3 =	vmax.f32 v3, v5;
	v5 =	vld [tilespmem:s16+$0x15900]  }
0x2ca: {  	v3 =	vmax.f32 v3, v6;
	v6 =	vld [tilespmem:s16+$0x15980]  }
0x2cb: {  	v3 =	vmax.f32 v3, v7  }
0x2cc: {  	v3 =	vmax.f32 v3, v8  }
0x2cd: {  	v3 =	vmax.f32 v3, v4  }
0x2ce: {  	v3 =	vmax.f32 v3, v5  }
0x2cf: {  	v3 =	vmax.f32 v3, v6  }
0x2d0: {  	[tilespmem:s16+$0x18900] =	vst v3  }
0x2d1: {  	v4 =	vld [tilespmem:s14+$0xC900]  }
0x2d2: {  	v5 =	vld [tilespmem:s14+$0xC980]  }
0x2d3: {  	v6 =	vld [tilespmem:s14+$0xCA00]  }
0x2d4: {  	v7 =	vld [tilespmem:s14+$0xCA80]  }
0x2d5: {  	v8 =	vld [tilespmem:s14+$0xCB00]  }
0x2d6: {  	v3 =	vld [tilespmem:s14+$0xCB80]  }
0x2d7: {  	v5 =	vmax.f32 v4, v5;
	v4 =	vld [tilespmem:s14+$0x15A00]  }
0x2d8: {  	s16 =	simm.s32 $0x80;
	v6 =	vmax.f32 v5, v6;
	v5 =	vld [tilespmem:s14+$0x15A80]  }
0x2d9: {  	s23 =	sand.u32 $0x1C00, s16;
	v7 =	vmax.f32 v6, v7;
	v6 =	vld [tilespmem:s14+$0x15B00]  }
0x2da: {  	s17 =	simm.s32 $0x20;
	s15 =	sor.u32 s15, s23;
	v8 =	vmax.f32 v7, v8;
	v7 =	vld [tilespmem:s14+$0x15B80]  }
.LBB2_24:
0x2db: {  	p0 =	sne.s32 s17, $0x2F0;
	v9 =	vld [tilespmem:s15+$0xC900];
	v3 =	vmax.f32 v8, v3  }
0x2dc: {  	v8 =	vld [tilespmem:s15+$0xC980];
	v3 =	vmax.f32 v3, v4  }
0x2dd: {  	v10 =	vld [tilespmem:s15+$0xCA00];
	v3 =	vmax.f32 v3, v5  }
0x2de: {  	v11 =	vld [tilespmem:s15+$0xCA80];
	v3 =	vmax.f32 v3, v6  }
0x2df: {  	v12 =	vld [tilespmem:s15+$0xCB00];
	v4 =	vmax.f32 v3, v7  }
.Ltmp11:
0x2e0: {  	v3 =	vld [tilespmem:s15+$0xCB80];
	[tilespmem:s14+$0x18980] =	vst v4;
	s14 =	smov.u32 s15;
	(pc) =	sbr.rel @p0 .LBB2_24-.Ltmp11, $4  }
0x2e1: {  	v5 =	vmax.f32 v9, v8;
	v4 =	vld [tilespmem:s14+$0x15A00]  }
0x2e2: {  	s16 =	sadd.s32 $0x80, s16;
	v6 =	vmax.f32 v5, v10;
	v5 =	vld [tilespmem:s14+$0x15A80]  }
0x2e3: {  	s18 =	sand.u32 $0x1C00, s16;
	s15 =	sand.u32 $0x70, s17;
	v7 =	vmax.f32 v6, v11;
	v6 =	vld [tilespmem:s14+$0x15B00]  }
0x2e4: {  	s17 =	sadd.s32 $0x10, s17;
	s15 =	sor.u32 s15, s18;
	v8 =	vmax.f32 v7, v12;
	v7 =	vld [tilespmem:s14+$0x15B80]  }
0x2e5: {  	v9 =	vld [tilespmem:s15+$0xC900];
	v3 =	vmax.f32 v8, v3  }
0x2e6: {  	v8 =	vld [tilespmem:s15+$0xC980];
	v3 =	vmax.f32 v3, v4  }
0x2e7: {  	v4 =	vld [tilespmem:s15+$0xCA00];
	v3 =	vmax.f32 v3, v5  }
0x2e8: {  	v5 =	vld [tilespmem:s15+$0xCA80];
	v3 =	vmax.f32 v3, v6  }
0x2e9: {  	v6 =	vld [tilespmem:s15+$0xCB00];
	v3 =	vmax.f32 v3, v7  }
0x2ea: {  	v7 =	vld [tilespmem:s15+$0xCB80];
	[tilespmem:s14+$0x18980] =	vst v3  }
0x2eb: {  	v3 =	vmax.f32 v9, v8;
	v8 =	vld [tilespmem:s15+$0x15A00]  }
0x2ec: {  	v3 =	vmax.f32 v3, v4;
	v4 =	vld [tilespmem:s15+$0x15A80]  }
0x2ed: {  	v3 =	vmax.f32 v3, v5;
	v5 =	vld [tilespmem:s15+$0x15B00]  }
0x2ee: {  	v3 =	vmax.f32 v3, v6;
	v6 =	vld [tilespmem:s15+$0x15B80]  }
0x2ef: {  	v3 =	vmax.f32 v3, v7  }
0x2f0: {  	v3 =	vmax.f32 v3, v8  }
0x2f1: {  	v3 =	vmax.f32 v3, v4  }
0x2f2: {  	v3 =	vmax.f32 v3, v5  }
0x2f3: {  	v3 =	vmax.f32 v3, v6  }
0x2f4: {  	[tilespmem:s15+$0x18980] =	vst v3  }
0x2f5: {  	v3 =	vld [tilespmem:$0x280];
	_ =	sdelay $0x4  }
0x2f6: {  	v4 =	vshrl.u32 v3, $0x3  }
0x2f7: {  	v4 =	vmul.u32 $0x30, v4  }
0x2f8: {  	v3 =	vand.u32 $0x7, v3  }
0x2f9: {  	v3 =	vor.u32 v3, v4  }
0x2fa: {  	v4 =	vperm.xlane v3, v0;
	_ =	sdelay $0x1  }
0x2fb: {  	v4 =	vadd.s32 v1, v4;
	_ =	sdelay $0x3  }
0x2fc: {  	s17 =	simm.s32 $0x9800;
	s14 =	simm.s32 $0x0;
	v3 =	vperm.xlane v3, v2  }
0x2fd: {  	[tilespmem:s17], [sflag:$0x3] =	stream.indirect_vreg.gather [hbm4b:s1+s14], $0x80, v4, vm0, $0xb8;
	[tilespmem:$0x1D000] =	vst v63  }
0x2fe: {  	s18 =	simm.s32 $0xA000;
	v3 =	vadd.s32 v1, v3  }
0x2ff: {  	[tilespmem:s18], [sflag:$0x3] =	stream.indirect_vreg.gather [hbm4b:s7+s14], $0x80, v4, vm0, $0xb8;
	[tilespmem:$0x1D000] =	vst v63  }
0x300: {  	s19 =	simm.s32 $0xA800  }
0x301: {  	[tilespmem:s19], [sflag:$0x3] =	stream.indirect_vreg.gather [hbm4b:s8+s14], $0x80, v4, vm0, $0xb8;
	[tilespmem:$0x1D000] =	vst v63  }
0x302: {  	s20 =	simm.s32 $0xB000  }
0x303: {  	[tilespmem:s20], [sflag:$0x3] =	stream.indirect_vreg.gather [hbm4b:s1+s14], $0x80, v3, vm0, $0xb8;
	[tilespmem:$0x1D000] =	vst v63  }
0x304: {  	s21 =	simm.s32 $0xB800  }
0x305: {  	[tilespmem:s21], [sflag:$0x3] =	stream.indirect_vreg.gather [hbm4b:s7+s14], $0x80, v3, vm0, $0xb8;
	[tilespmem:$0x1D000] =	vst v63  }
0x306: {  	s22 =	simm.s32 $0xC000  }
0x307: {  	[tilespmem:s22], [sflag:$0x3] =	stream.indirect_vreg.gather [hbm4b:s8+s14], $0x80, v3, vm0, $0xb8;
	[tilespmem:$0x1D000] =	vst v63  }
0x308: {  	v3 =	vld.msk [tilespmem:$0x290], $0xff;
	_ =	sdelay $0x4  }
0x309: {  	v4 =	vshrl.u32 v3, $0x3  }
0x30a: {  	v4 =	vmul.u32 $0x30, v4  }
0x30b: {  	v3 =	vand.u32 $0x7, v3  }
0x30c: {  	v3 =	vor.u32 v3, v4  }
0x30d: {  	v3 =	vperm.xlane v3, v0;
	_ =	sdelay $0x1  }
0x30e: {  	v3 =	vadd.s32 v1, v3;
	_ =	sdelay $0x3  }
0x30f: {  	s23 =	simm.s32 $0xC800  }
0x310: {  	[tilespmem:s23], [sflag:$0x3] =	stream.indirect_vreg.gather [hbm4b:s1+s14], $0x80, v3, vm0, $0xb8;
	[tilespmem:$0x1D000] =	vst v63  }
0x311: {  	s16 =	simm.s32 $0xD000  }
0x312: {  	[tilespmem:s16], [sflag:$0x3] =	stream.indirect_vreg.gather [hbm4b:s7+s14], $0x80, v3, vm0, $0xb8;
	[tilespmem:$0x1D000] =	vst v63  }
0x313: {  	s17 =	simm.s32 $0xD800  }
0x314: {  	[tilespmem:s17], [sflag:$0x3] =	stream.indirect_vreg.gather [hbm4b:s8+s14], $0x80, v3, vm0, $0xb8;
	[tilespmem:$0x1D000] =	vst v63  }
0x315: {  	v3 =	vld [tilespmem:$0x680];
	_ =	sdelay $0x4  }
0x316: {  	v4 =	vshrl.u32 v3, $0x3  }
0x317: {  	v4 =	vmul.u32 $0x30, v4  }
0x318: {  	v3 =	vand.u32 $0x7, v3  }
0x319: {  	v3 =	vor.u32 v3, v4  }
0x31a: {  	v4 =	vperm.xlane v3, v0;
	_ =	sdelay $0x1  }
0x31b: {  	v4 =	vadd.s32 v1, v4;
	_ =	sdelay $0x3  }
0x31c: {  	s18 =	simm.s32 $0x14000;
	v3 =	vperm.xlane v3, v2  }
0x31d: {  	[tilespmem:s18], [sflag:$0x6] =	stream.indirect_vreg.gather [hbm4b:s4+s14], $0x80, v4, vm0, $0xb8;
	[tilespmem:$0x1D000] =	vst v63  }
0x31e: {  	s19 =	simm.s32 $0x14800;
	v3 =	vadd.s32 v1, v3  }
0x31f: {  	[tilespmem:s19], [sflag:$0x6] =	stream.indirect_vreg.gather [hbm4b:s9+s14], $0x80, v4, vm0, $0xb8;
	[tilespmem:$0x1D000] =	vst v63  }
0x320: {  	s20 =	simm.s32 $0x15000  }
0x321: {  	[tilespmem:s20], [sflag:$0x6] =	stream.indirect_vreg.gather [hbm4b:s10+s14], $0x80, v4, vm0, $0xb8;
	[tilespmem:$0x1D000] =	vst v63  }
0x322: {  	s21 =	simm.s32 $0x15800  }
0x323: {  	[tilespmem:s21], [sflag:$0x6] =	stream.indirect_vreg.gather [hbm4b:s4+s14], $0x80, v3, vm0, $0xb8;
	[tilespmem:$0x1D000] =	vst v63  }
0x324: {  	s22 =	simm.s32 $0x16000  }
0x325: {  	[tilespmem:s22], [sflag:$0x6] =	stream.indirect_vreg.gather [hbm4b:s9+s14], $0x80, v3, vm0, $0xb8;
	[tilespmem:$0x1D000] =	vst v63  }
0x326: {  	s23 =	simm.s32 $0x16800  }
0x327: {  	[tilespmem:s23], [sflag:$0x6] =	stream.indirect_vreg.gather [hbm4b:s10+s14], $0x80, v3, vm0, $0xb8;
	[tilespmem:$0x1D000] =	vst v63  }
0x328: {  	_ =	swait.ge [sflag:s31], $0x4800  }
0x329: {  	[sflag:s31] =	ssyncset.done $0x0  }
0x32a: {  	[sflag:s31] =	ssyncadd.s32 $0xFFFFB800  }
0x32b: {  	_ =	swait.ge [sflag:s5], $0x3000  }
0x32c: {  	s17 =	sand.u32 $0x70, s14;
	s18 =	sand.u32 $0x1C00, s14;
	[sflag:s5] =	ssyncset.done $0x0  }
0x32d: {  	s19 =	sor.u32 s17, s18;
	[sflag:s5] =	ssyncadd.s32 $0xFFFFD000  }
0x32e: {  	v4 =	vld [tilespmem:s19+$0x800]  }
0x32f: {  	v5 =	vld [tilespmem:s19+$0x880]  }
0x330: {  	v6 =	vld [tilespmem:s19+$0x900]  }
0x331: {  	v7 =	vld [tilespmem:s19+$0x980]  }
0x332: {  	v8 =	vld [tilespmem:s19+$0xA00]  }
0x333: {  	v3 =	vld [tilespmem:s19+$0xA80]  }
0x334: {  	v5 =	vmax.f32 v4, v5;
	v4 =	vld [tilespmem:s19+$0xE000]  }
0x335: {  	s15 =	simm.s32 $0x10;
	s21 =	simm.s32 $0x80;
	v6 =	vmax.f32 v5, v6;
	v5 =	vld [tilespmem:s19+$0xE080]  }
0x336: {  	s16 =	sand.u32 $0x70, s15;
	s20 =	sand.u32 $0x1C00, s21;
	v7 =	vmax.f32 v6, v7;
	v6 =	vld [tilespmem:s19+$0xE100]  }
0x337: {  	s20 =	sor.u32 s16, s20;
	s22 =	simm.s32 $0x20;
	v8 =	vmax.f32 v7, v8;
	v7 =	vld [tilespmem:s19+$0xE180]  }
.LBB2_26:
0x338: {  	p0 =	sne.s32 s22, $0x2F0;
	v9 =	vld [tilespmem:s20+$0x800];
	v3 =	vmax.f32 v8, v3  }
0x339: {  	v8 =	vld [tilespmem:s20+$0x880];
	v3 =	vmax.f32 v3, v4  }
0x33a: {  	v10 =	vld [tilespmem:s20+$0x900];
	v3 =	vmax.f32 v3, v5  }
0x33b: {  	v11 =	vld [tilespmem:s20+$0x980];
	v3 =	vmax.f32 v3, v6  }
0x33c: {  	v12 =	vld [tilespmem:s20+$0xA00];
	v4 =	vmax.f32 v3, v7  }
.Ltmp12:
0x33d: {  	v3 =	vld [tilespmem:s20+$0xA80];
	[tilespmem:s19+$0x18A00] =	vst v4;
	s19 =	smov.u32 s20;
	(pc) =	sbr.rel @p0 .LBB2_26-.Ltmp12, $4  }
0x33e: {  	v5 =	vmax.f32 v9, v8;
	v4 =	vld [tilespmem:s19+$0xE000]  }
0x33f: {  	s21 =	sadd.s32 $0x80, s21;
	v6 =	vmax.f32 v5, v10;
	v5 =	vld [tilespmem:s19+$0xE080]  }
0x340: {  	s23 =	sand.u32 $0x1C00, s21;
	s20 =	sand.u32 $0x70, s22;
	v7 =	vmax.f32 v6, v11;
	v6 =	vld [tilespmem:s19+$0xE100]  }
0x341: {  	s22 =	sadd.s32 $0x10, s22;
	s20 =	sor.u32 s20, s23;
	v8 =	vmax.f32 v7, v12;
	v7 =	vld [tilespmem:s19+$0xE180]  }
0x342: {  	v9 =	vld [tilespmem:s20+$0x800];
	v3 =	vmax.f32 v8, v3  }
0x343: {  	v54 =	vld [tilespmem:s20+$0x880];
	v3 =	vmax.f32 v3, v4  }
0x344: {  	v4 =	vld [tilespmem:s20+$0x900];
	v3 =	vmax.f32 v3, v5  }
0x345: {  	v5 =	vld [tilespmem:s20+$0x980];
	v3 =	vmax.f32 v3, v6  }
0x346: {  	v55 =	vld [tilespmem:s20+$0xA00];
	v3 =	vmax.f32 v3, v7  }
0x347: {  	v56 =	vld [tilespmem:s20+$0xA80];
	[tilespmem:s19+$0x18A00] =	vst v3  }
0x348: {  	v3 =	vmax.f32 v9, v54;
	v57 =	vld [tilespmem:s20+$0xE000]  }
0x349: {  	v3 =	vmax.f32 v3, v4;
	v4 =	vld [tilespmem:s20+$0xE080]  }
0x34a: {  	v3 =	vmax.f32 v3, v5;
	v5 =	vld [tilespmem:s20+$0xE100]  }
0x34b: {  	v58 =	vld [tilespmem:s20+$0xE180];
	v3 =	vmax.f32 v3, v55  }
0x34c: {  	v3 =	vmax.f32 v3, v56  }
0x34d: {  	v3 =	vmax.f32 v3, v57  }
0x34e: {  	v3 =	vmax.f32 v3, v4  }
0x34f: {  	v3 =	vmax.f32 v3, v5  }
0x350: {  	v3 =	vmax.f32 v3, v58  }
0x351: {  	s17 =	sor.u32 s18, s17;
	s14 =	sor.u32 s14, s14;
	[tilespmem:s20+$0x18A00] =	vst v3  }
0x352: {  	s14 =	sor.u32 $0x380, s14;
	v3 =	vld [tilespmem:s17+$0xB00]  }
0x353: {  	v4 =	vld [tilespmem:s14+$0x800]  }
0x354: {  	v5 =	vld [tilespmem:s17+$0x2000]  }
0x355: {  	v59 =	vld [tilespmem:s17+$0x2080]  }
0x356: {  	v60 =	vld [tilespmem:s17+$0x2100]  }
0x357: {  	v61 =	vld [tilespmem:s17+$0x2180]  }
0x358: {  	v3 =	vmax.f32 v3, v4;
	v4 =	vld [tilespmem:s17+$0xE200]  }
0x359: {  	v3 =	vmax.f32 v3, v5;
	v5 =	vld [tilespmem:s17+$0xE280]  }
0x35a: {  	v62 =	vld [tilespmem:s17+$0xE300];
	v3 =	vmax.f32 v3, v59  }
0x35b: {  	v63 =	vld [tilespmem:s14+$0xE000];
	v3 =	vmax.f32 v3, v60  }
0x35c: {  	v3 =	vmax.f32 v3, v61  }
0x35d: {  	v3 =	vmax.f32 v3, v4  }
0x35e: {  	s14 =	simm.s32 $0x80;
	v3 =	vmax.f32 v3, v5  }
0x35f: {  	s23 =	sand.u32 $0x1C00, s14;
	v3 =	vmax.f32 v3, v62  }
0x360: {  	s18 =	sor.u32 s14, s15;
	s15 =	simm.s32 $0x20;
	s16 =	sor.u32 s23, s16;
	v3 =	vmax.f32 v3, v63  }
.LBB2_28:
0x361: {  	p0 =	sne.s32 s15, $0x2F0;
	v4 =	vld [tilespmem:s16+$0xB00];
	s18 =	sor.u32 $0x380, s18;
	[tilespmem:s17+$0x18A80] =	vst v3  }
0x362: {  	s17 =	smov.u32 s16;
	v3 =	vld [tilespmem:s18+$0x800]  }
0x363: {  	v5 =	vld [tilespmem:s17+$0x2000]  }
0x364: {  	v6 =	vld [tilespmem:s17+$0x2080]  }
0x365: {  	v7 =	vld [tilespmem:s17+$0x2100]  }
0x366: {  	v8 =	vld [tilespmem:s17+$0x2180]  }
0x367: {  	v3 =	vmax.f32 v4, v3;
	v4 =	vld [tilespmem:s17+$0xE200]  }
0x368: {  	v3 =	vmax.f32 v3, v5;
	v5 =	vld [tilespmem:s17+$0xE280]  }
0x369: {  	v3 =	vmax.f32 v3, v6;
	v6 =	vld [tilespmem:s17+$0xE300]  }
0x36a: {  	v3 =	vmax.f32 v3, v7;
	v7 =	vld [tilespmem:s18+$0xE000]  }
.Ltmp13:
0x36b: {  	v3 =	vmax.f32 v3, v8;
	(pc) =	sbr.rel @p0 .LBB2_28-.Ltmp13, $4  }
0x36c: {  	v3 =	vmax.f32 v3, v4  }
0x36d: {  	s14 =	sadd.s32 $0x80, s14;
	v3 =	vmax.f32 v3, v5  }
0x36e: {  	s16 =	sand.u32 $0x70, s15;
	s18 =	sand.u32 $0x1C00, s14;
	v3 =	vmax.f32 v3, v6  }
0x36f: {  	s16 =	sor.u32 s18, s16;
	s18 =	sor.u32 s14, s15;
	s15 =	sadd.s32 $0x10, s15;
	v3 =	vmax.f32 v3, v7  }
0x370: {  	v4 =	vld [tilespmem:s16+$0xB00];
	s14 =	sor.u32 $0x380, s18;
	[tilespmem:s17+$0x18A80] =	vst v3  }
0x371: {  	v3 =	vld [tilespmem:s14+$0x800]  }
0x372: {  	v5 =	vld [tilespmem:s16+$0x2000]  }
0x373: {  	v6 =	vld [tilespmem:s16+$0x2080]  }
0x374: {  	v7 =	vld [tilespmem:s16+$0x2100]  }
0x375: {  	v8 =	vld [tilespmem:s16+$0x2180]  }
0x376: {  	v3 =	vmax.f32 v4, v3;
	v4 =	vld [tilespmem:s16+$0xE200]  }
0x377: {  	v3 =	vmax.f32 v3, v5;
	v5 =	vld [tilespmem:s16+$0xE280]  }
0x378: {  	v3 =	vmax.f32 v3, v6;
	v6 =	vld [tilespmem:s16+$0xE300]  }
0x379: {  	v3 =	vmax.f32 v3, v7;
	v7 =	vld [tilespmem:s14+$0xE000]  }
0x37a: {  	v3 =	vmax.f32 v3, v8  }
0x37b: {  	v3 =	vmax.f32 v3, v4  }
0x37c: {  	v3 =	vmax.f32 v3, v5  }
0x37d: {  	s21 =	simm.s32 $0x0;
	v3 =	vmax.f32 v3, v6  }
0x37e: {  	s15 =	sand.u32 $0x70, s21;
	s14 =	sand.u32 $0x1C00, s21;
	v3 =	vmax.f32 v3, v7  }
0x37f: {  	s14 =	sor.u32 s15, s14;
	[tilespmem:s16+$0x18A80] =	vst v3  }
0x380: {  	v4 =	vld [tilespmem:s14+$0x2200]  }
0x381: {  	v5 =	vld [tilespmem:s14+$0x2280]  }
0x382: {  	v6 =	vld [tilespmem:s14+$0x2300]  }
0x383: {  	v7 =	vld [tilespmem:s14+$0x2380]  }
0x384: {  	v8 =	vld [tilespmem:s14+$0x3800]  }
0x385: {  	v3 =	vld [tilespmem:s14+$0x3880]  }
0x386: {  	v5 =	vmax.f32 v4, v5;
	v4 =	vld [tilespmem:s14+$0xF800]  }
0x387: {  	s22 =	simm.s32 $0x10;
	s18 =	simm.s32 $0x80;
	v6 =	vmax.f32 v5, v6;
	v5 =	vld [tilespmem:s14+$0xF880]  }
0x388: {  	s23 =	sand.u32 $0x1C00, s18;
	s15 =	sand.u32 $0x70, s22;
	v7 =	vmax.f32 v6, v7;
	v6 =	vld [tilespmem:s14+$0xF900]  }
0x389: {  	s19 =	simm.s32 $0x20;
	s17 =	smov.u32 s14;
	s16 =	sor.u32 s15, s23;
	v8 =	vmax.f32 v7, v8;
	v7 =	vld [tilespmem:s14+$0xF980]  }
.LBB2_30:
0x38a: {  	p0 =	sne.s32 s19, $0x2F0;
	v9 =	vld [tilespmem:s16+$0x2200];
	v3 =	vmax.f32 v8, v3  }
0x38b: {  	v8 =	vld [tilespmem:s16+$0x2280];
	v3 =	vmax.f32 v3, v4  }
0x38c: {  	v10 =	vld [tilespmem:s16+$0x2300];
	v3 =	vmax.f32 v3, v5  }
0x38d: {  	v11 =	vld [tilespmem:s16+$0x2380];
	v3 =	vmax.f32 v3, v6  }
0x38e: {  	v12 =	vld [tilespmem:s16+$0x3800];
	v4 =	vmax.f32 v3, v7  }
.Ltmp14:
0x38f: {  	v3 =	vld [tilespmem:s16+$0x3880];
	[tilespmem:s17+$0x18B00] =	vst v4;
	s17 =	smov.u32 s16;
	(pc) =	sbr.rel @p0 .LBB2_30-.Ltmp14, $4  }
0x390: {  	v5 =	vmax.f32 v9, v8;
	v4 =	vld [tilespmem:s17+$0xF800]  }
0x391: {  	s18 =	sadd.s32 $0x80, s18;
	v6 =	vmax.f32 v5, v10;
	v5 =	vld [tilespmem:s17+$0xF880]  }
0x392: {  	s20 =	sand.u32 $0x1C00, s18;
	s16 =	sand.u32 $0x70, s19;
	v7 =	vmax.f32 v6, v11;
	v6 =	vld [tilespmem:s17+$0xF900]  }
0x393: {  	s19 =	sadd.s32 $0x10, s19;
	s16 =	sor.u32 s16, s20;
	v8 =	vmax.f32 v7, v12;
	v7 =	vld [tilespmem:s17+$0xF980]  }
0x394: {  	v9 =	vld [tilespmem:s16+$0x2200];
	v3 =	vmax.f32 v8, v3  }
0x395: {  	v8 =	vld [tilespmem:s16+$0x2280];
	v3 =	vmax.f32 v3, v4  }
0x396: {  	v4 =	vld [tilespmem:s16+$0x2300];
	v3 =	vmax.f32 v3, v5  }
0x397: {  	v5 =	vld [tilespmem:s16+$0x2380];
	v3 =	vmax.f32 v3, v6  }
0x398: {  	v6 =	vld [tilespmem:s16+$0x3800];
	v3 =	vmax.f32 v3, v7  }
0x399: {  	v7 =	vld [tilespmem:s16+$0x3880];
	[tilespmem:s17+$0x18B00] =	vst v3  }
0x39a: {  	v3 =	vmax.f32 v9, v8;
	v8 =	vld [tilespmem:s16+$0xF800]  }
0x39b: {  	v3 =	vmax.f32 v3, v4;
	v4 =	vld [tilespmem:s16+$0xF880]  }
0x39c: {  	v3 =	vmax.f32 v3, v5;
	v5 =	vld [tilespmem:s16+$0xF900]  }
0x39d: {  	v3 =	vmax.f32 v3, v6;
	v6 =	vld [tilespmem:s16+$0xF980]  }
0x39e: {  	v3 =	vmax.f32 v3, v7  }
0x39f: {  	v3 =	vmax.f32 v3, v8  }
0x3a0: {  	v3 =	vmax.f32 v3, v4  }
0x3a1: {  	v3 =	vmax.f32 v3, v5  }
0x3a2: {  	v3 =	vmax.f32 v3, v6  }
0x3a3: {  	[tilespmem:s16+$0x18B00] =	vst v3  }
0x3a4: {  	v4 =	vld [tilespmem:s14+$0x3900]  }
0x3a5: {  	v5 =	vld [tilespmem:s14+$0x3980]  }
0x3a6: {  	v6 =	vld [tilespmem:s14+$0x3A00]  }
0x3a7: {  	v7 =	vld [tilespmem:s14+$0x3A80]  }
0x3a8: {  	v8 =	vld [tilespmem:s14+$0x3B00]  }
0x3a9: {  	v3 =	vld [tilespmem:s14+$0x3B80]  }
0x3aa: {  	v5 =	vmax.f32 v4, v5;
	v4 =	vld [tilespmem:s14+$0xFA00]  }
0x3ab: {  	s16 =	simm.s32 $0x80;
	v6 =	vmax.f32 v5, v6;
	v5 =	vld [tilespmem:s14+$0xFA80]  }
0x3ac: {  	s23 =	sand.u32 $0x1C00, s16;
	v7 =	vmax.f32 v6, v7;
	v6 =	vld [tilespmem:s14+$0xFB00]  }
0x3ad: {  	s17 =	simm.s32 $0x20;
	s15 =	sor.u32 s15, s23;
	v8 =	vmax.f32 v7, v8;
	v7 =	vld [tilespmem:s14+$0xFB80]  }
.LBB2_32:
0x3ae: {  	p0 =	sne.s32 s17, $0x2F0;
	v9 =	vld [tilespmem:s15+$0x3900];
	v3 =	vmax.f32 v8, v3  }
0x3af: {  	v8 =	vld [tilespmem:s15+$0x3980];
	v3 =	vmax.f32 v3, v4  }
0x3b0: {  	v10 =	vld [tilespmem:s15+$0x3A00];
	v3 =	vmax.f32 v3, v5  }
0x3b1: {  	v11 =	vld [tilespmem:s15+$0x3A80];
	v3 =	vmax.f32 v3, v6  }
0x3b2: {  	v12 =	vld [tilespmem:s15+$0x3B00];
	v4 =	vmax.f32 v3, v7  }
.Ltmp15:
0x3b3: {  	v3 =	vld [tilespmem:s15+$0x3B80];
	[tilespmem:s14+$0x18B80] =	vst v4;
	s14 =	smov.u32 s15;
	(pc) =	sbr.rel @p0 .LBB2_32-.Ltmp15, $4  }
0x3b4: {  	v5 =	vmax.f32 v9, v8;
	v4 =	vld [tilespmem:s14+$0xFA00]  }
0x3b5: {  	s16 =	sadd.s32 $0x80, s16;
	v6 =	vmax.f32 v5, v10;
	v5 =	vld [tilespmem:s14+$0xFA80]  }
0x3b6: {  	s18 =	sand.u32 $0x1C00, s16;
	s15 =	sand.u32 $0x70, s17;
	v7 =	vmax.f32 v6, v11;
	v6 =	vld [tilespmem:s14+$0xFB00]  }
0x3b7: {  	s17 =	sadd.s32 $0x10, s17;
	s15 =	sor.u32 s15, s18;
	v8 =	vmax.f32 v7, v12;
	v7 =	vld [tilespmem:s14+$0xFB80]  }
0x3b8: {  	v9 =	vld [tilespmem:s15+$0x3900];
	v3 =	vmax.f32 v8, v3  }
0x3b9: {  	v8 =	vld [tilespmem:s15+$0x3980];
	v3 =	vmax.f32 v3, v4  }
0x3ba: {  	v4 =	vld [tilespmem:s15+$0x3A00];
	v3 =	vmax.f32 v3, v5  }
0x3bb: {  	v5 =	vld [tilespmem:s15+$0x3A80];
	v3 =	vmax.f32 v3, v6  }
0x3bc: {  	v6 =	vld [tilespmem:s15+$0x3B00];
	v3 =	vmax.f32 v3, v7  }
0x3bd: {  	v7 =	vld [tilespmem:s15+$0x3B80];
	[tilespmem:s14+$0x18B80] =	vst v3  }
0x3be: {  	v3 =	vmax.f32 v9, v8;
	v8 =	vld [tilespmem:s15+$0xFA00]  }
0x3bf: {  	v3 =	vmax.f32 v3, v4;
	v4 =	vld [tilespmem:s15+$0xFA80]  }
0x3c0: {  	v3 =	vmax.f32 v3, v5;
	v5 =	vld [tilespmem:s15+$0xFB00]  }
0x3c1: {  	v3 =	vmax.f32 v3, v6;
	v6 =	vld [tilespmem:s15+$0xFB80]  }
0x3c2: {  	v3 =	vmax.f32 v3, v7  }
0x3c3: {  	v3 =	vmax.f32 v3, v8  }
0x3c4: {  	v3 =	vmax.f32 v3, v4  }
0x3c5: {  	v3 =	vmax.f32 v3, v5  }
0x3c6: {  	v3 =	vmax.f32 v3, v6  }
0x3c7: {  	[tilespmem:s15+$0x18B80] =	vst v3  }
0x3c8: {  	v3 =	vld [tilespmem:$0x300];
	_ =	sdelay $0x4  }
0x3c9: {  	v4 =	vshrl.u32 v3, $0x3  }
0x3ca: {  	v4 =	vmul.u32 $0x30, v4  }
0x3cb: {  	v3 =	vand.u32 $0x7, v3  }
0x3cc: {  	v3 =	vor.u32 v3, v4  }
0x3cd: {  	v4 =	vperm.xlane v3, v0;
	_ =	sdelay $0x1  }
0x3ce: {  	v4 =	vadd.s32 v1, v4;
	_ =	sdelay $0x3  }
0x3cf: {  	s23 =	simm.s32 $0x800;
	s14 =	simm.s32 $0x0;
	v3 =	vperm.xlane v3, v2  }
0x3d0: {  	[tilespmem:s23], [sflag:$0x1] =	stream.indirect_vreg.gather [hbm4b:s1+s14], $0x80, v4, vm0, $0xb8;
	[tilespmem:$0x1D000] =	vst v63  }
0x3d1: {  	s16 =	simm.s32 $0x1000;
	v3 =	vadd.s32 v1, v3  }
0x3d2: {  	[tilespmem:s16], [sflag:$0x1] =	stream.indirect_vreg.gather [hbm4b:s7+s14], $0x80, v4, vm0, $0xb8;
	[tilespmem:$0x1D000] =	vst v63  }
0x3d3: {  	s17 =	simm.s32 $0x1800  }
0x3d4: {  	[tilespmem:s17], [sflag:$0x1] =	stream.indirect_vreg.gather [hbm4b:s8+s14], $0x80, v4, vm0, $0xb8;
	[tilespmem:$0x1D000] =	vst v63  }
0x3d5: {  	s18 =	simm.s32 $0x2000  }
0x3d6: {  	[tilespmem:s18], [sflag:$0x1] =	stream.indirect_vreg.gather [hbm4b:s1+s14], $0x80, v3, vm0, $0xb8;
	[tilespmem:$0x1D000] =	vst v63  }
0x3d7: {  	s19 =	simm.s32 $0x2800  }
0x3d8: {  	[tilespmem:s19], [sflag:$0x1] =	stream.indirect_vreg.gather [hbm4b:s7+s14], $0x80, v3, vm0, $0xb8;
	[tilespmem:$0x1D000] =	vst v63  }
0x3d9: {  	s20 =	simm.s32 $0x3000  }
0x3da: {  	[tilespmem:s20], [sflag:$0x1] =	stream.indirect_vreg.gather [hbm4b:s8+s14], $0x80, v3, vm0, $0xb8;
	[tilespmem:$0x1D000] =	vst v63  }
0x3db: {  	v3 =	vld.msk [tilespmem:$0x310], $0xff;
	_ =	sdelay $0x4  }
0x3dc: {  	v4 =	vshrl.u32 v3, $0x3  }
0x3dd: {  	v4 =	vmul.u32 $0x30, v4  }
0x3de: {  	v3 =	vand.u32 $0x7, v3  }
0x3df: {  	v3 =	vor.u32 v3, v4  }
0x3e0: {  	v3 =	vperm.xlane v3, v0;
	_ =	sdelay $0x1  }
0x3e1: {  	v3 =	vadd.s32 v1, v3;
	_ =	sdelay $0x3  }
0x3e2: {  	s21 =	simm.s32 $0x3800  }
0x3e3: {  	[tilespmem:s21], [sflag:$0x1] =	stream.indirect_vreg.gather [hbm4b:s1+s14], $0x80, v3, vm0, $0xb8;
	[tilespmem:$0x1D000] =	vst v63  }
0x3e4: {  	s22 =	simm.s32 $0x4000  }
0x3e5: {  	[tilespmem:s22], [sflag:$0x1] =	stream.indirect_vreg.gather [hbm4b:s7+s14], $0x80, v3, vm0, $0xb8;
	[tilespmem:$0x1D000] =	vst v63  }
0x3e6: {  	s23 =	simm.s32 $0x4800  }
0x3e7: {  	[tilespmem:s23], [sflag:$0x1] =	stream.indirect_vreg.gather [hbm4b:s8+s14], $0x80, v3, vm0, $0xb8;
	[tilespmem:$0x1D000] =	vst v63  }
0x3e8: {  	v3 =	vld [tilespmem:$0x700];
	_ =	sdelay $0x4  }
0x3e9: {  	v4 =	vshrl.u32 v3, $0x3  }
0x3ea: {  	v4 =	vmul.u32 $0x30, v4  }
0x3eb: {  	v3 =	vand.u32 $0x7, v3  }
0x3ec: {  	v3 =	vor.u32 v3, v4  }
0x3ed: {  	v4 =	vperm.xlane v3, v0;
	_ =	sdelay $0x1  }
0x3ee: {  	v4 =	vadd.s32 v1, v4;
	_ =	sdelay $0x3  }
0x3ef: {  	v3 =	vperm.xlane v3, v2  }
0x3f0: {  	[tilespmem:s24], [sflag:$0x4] =	stream.indirect_vreg.gather [hbm4b:s4+s14], $0x80, v4, vm0, $0xb8;
	[tilespmem:$0x1D000] =	vst v63  }
0x3f1: {  	v3 =	vadd.s32 v1, v3  }
0x3f2: {  	[tilespmem:s25], [sflag:$0x4] =	stream.indirect_vreg.gather [hbm4b:s9+s14], $0x80, v4, vm0, $0xb8;
	[tilespmem:$0x1D000] =	vst v63  }
0x3f3: {  	_ = 	snop  }
0x3f4: {  	[tilespmem:s26], [sflag:$0x4] =	stream.indirect_vreg.gather [hbm4b:s10+s14], $0x80, v4, vm0, $0xb8;
	[tilespmem:$0x1D000] =	vst v63  }
0x3f5: {  	_ = 	snop  }
0x3f6: {  	[tilespmem:s28], [sflag:$0x4] =	stream.indirect_vreg.gather [hbm4b:s4+s14], $0x80, v3, vm0, $0xb8;
	[tilespmem:$0x1D000] =	vst v63  }
0x3f7: {  	_ = 	snop  }
0x3f8: {  	[tilespmem:s29], [sflag:$0x4] =	stream.indirect_vreg.gather [hbm4b:s9+s14], $0x80, v3, vm0, $0xb8;
	[tilespmem:$0x1D000] =	vst v63  }
0x3f9: {  	_ = 	snop  }
0x3fa: {  	[tilespmem:s30], [sflag:$0x4] =	stream.indirect_vreg.gather [hbm4b:s10+s14], $0x80, v3, vm0, $0xb8;
	[tilespmem:$0x1D000] =	vst v63  }
0x3fb: {  	_ =	swait.ge [sflag:s2], $0x4800  }
0x3fc: {  	[sflag:s2] =	ssyncset.done $0x0  }
0x3fd: {  	[sflag:s2] =	ssyncadd.s32 $0xFFFFB800  }
0x3fe: {  	_ =	swait.ge [sflag:s11], $0x3000  }
0x3ff: {  	s17 =	sand.u32 $0x70, s14;
	s18 =	sand.u32 $0x1C00, s14;
	[sflag:s11] =	ssyncset.done $0x0  }
0x400: {  	s19 =	sor.u32 s17, s18;
	[sflag:s11] =	ssyncadd.s32 $0xFFFFD000  }
0x401: {  	v4 =	vld [tilespmem:s19+$0x5000]  }
0x402: {  	v5 =	vld [tilespmem:s19+$0x5080]  }
0x403: {  	v6 =	vld [tilespmem:s19+$0x5100]  }
0x404: {  	v7 =	vld [tilespmem:s19+$0x5180]  }
0x405: {  	v8 =	vld [tilespmem:s19+$0x5200]  }
0x406: {  	v3 =	vld [tilespmem:s19+$0x5280]  }
0x407: {  	v5 =	vmax.f32 v4, v5;
	v4 =	vld [tilespmem:s19+$0x11000]  }
0x408: {  	s15 =	simm.s32 $0x10;
	s21 =	simm.s32 $0x80;
	v6 =	vmax.f32 v5, v6;
	v5 =	vld [tilespmem:s19+$0x11080]  }
0x409: {  	s16 =	sand.u32 $0x70, s15;
	s20 =	sand.u32 $0x1C00, s21;
	v7 =	vmax.f32 v6, v7;
	v6 =	vld [tilespmem:s19+$0x11100]  }
0x40a: {  	s20 =	sor.u32 s16, s20;
	s22 =	simm.s32 $0x20;
	v8 =	vmax.f32 v7, v8;
	v7 =	vld [tilespmem:s19+$0x11180]  }
.LBB2_34:
0x40b: {  	p0 =	sne.s32 s22, $0x2F0;
	v9 =	vld [tilespmem:s20+$0x5000];
	v3 =	vmax.f32 v8, v3  }
0x40c: {  	v8 =	vld [tilespmem:s20+$0x5080];
	v3 =	vmax.f32 v3, v4  }
0x40d: {  	v10 =	vld [tilespmem:s20+$0x5100];
	v3 =	vmax.f32 v3, v5  }
0x40e: {  	v11 =	vld [tilespmem:s20+$0x5180];
	v3 =	vmax.f32 v3, v6  }
0x40f: {  	v12 =	vld [tilespmem:s20+$0x5200];
	v4 =	vmax.f32 v3, v7  }
.Ltmp16:
0x410: {  	v3 =	vld [tilespmem:s20+$0x5280];
	[tilespmem:s19+$0x1A000] =	vst v4;
	s19 =	smov.u32 s20;
	(pc) =	sbr.rel @p0 .LBB2_34-.Ltmp16, $4  }
0x411: {  	v5 =	vmax.f32 v9, v8;
	v4 =	vld [tilespmem:s19+$0x11000]  }
0x412: {  	s21 =	sadd.s32 $0x80, s21;
	v6 =	vmax.f32 v5, v10;
	v5 =	vld [tilespmem:s19+$0x11080]  }
0x413: {  	s23 =	sand.u32 $0x1C00, s21;
	s20 =	sand.u32 $0x70, s22;
	v7 =	vmax.f32 v6, v11;
	v6 =	vld [tilespmem:s19+$0x11100]  }
0x414: {  	s22 =	sadd.s32 $0x10, s22;
	s20 =	sor.u32 s20, s23;
	v8 =	vmax.f32 v7, v12;
	v7 =	vld [tilespmem:s19+$0x11180]  }
0x415: {  	v9 =	vld [tilespmem:s20+$0x5000];
	v3 =	vmax.f32 v8, v3  }
0x416: {  	v54 =	vld [tilespmem:s20+$0x5080];
	v3 =	vmax.f32 v3, v4  }
0x417: {  	v4 =	vld [tilespmem:s20+$0x5100];
	v3 =	vmax.f32 v3, v5  }
0x418: {  	v5 =	vld [tilespmem:s20+$0x5180];
	v3 =	vmax.f32 v3, v6  }
0x419: {  	v55 =	vld [tilespmem:s20+$0x5200];
	v3 =	vmax.f32 v3, v7  }
0x41a: {  	v56 =	vld [tilespmem:s20+$0x5280];
	[tilespmem:s19+$0x1A000] =	vst v3  }
0x41b: {  	v3 =	vmax.f32 v9, v54;
	v57 =	vld [tilespmem:s20+$0x11000]  }
0x41c: {  	v3 =	vmax.f32 v3, v4;
	v4 =	vld [tilespmem:s20+$0x11080]  }
0x41d: {  	v3 =	vmax.f32 v3, v5;
	v5 =	vld [tilespmem:s20+$0x11100]  }
0x41e: {  	v58 =	vld [tilespmem:s20+$0x11180];
	v3 =	vmax.f32 v3, v55  }
0x41f: {  	v3 =	vmax.f32 v3, v56  }
0x420: {  	v3 =	vmax.f32 v3, v57  }
0x421: {  	v3 =	vmax.f32 v3, v4  }
0x422: {  	v3 =	vmax.f32 v3, v5  }
0x423: {  	v3 =	vmax.f32 v3, v58  }
0x424: {  	s17 =	sor.u32 s18, s17;
	s14 =	sor.u32 s14, s14;
	[tilespmem:s20+$0x1A000] =	vst v3  }
0x425: {  	s14 =	sor.u32 $0x380, s14;
	v3 =	vld [tilespmem:s17+$0x5300]  }
0x426: {  	v4 =	vld [tilespmem:s14+$0x5000]  }
0x427: {  	v5 =	vld [tilespmem:s17+$0x6800]  }
0x428: {  	v59 =	vld [tilespmem:s17+$0x6880]  }
0x429: {  	v60 =	vld [tilespmem:s17+$0x6900]  }
0x42a: {  	s18 =	sadd.s32 $0x11000, s17;
	v61 =	vld [tilespmem:s17+$0x6980]  }
0x42b: {  	v3 =	vmax.f32 v3, v4;
	v4 =	vld [tilespmem:s18+$0x200]  }
0x42c: {  	v3 =	vmax.f32 v3, v5;
	v5 =	vld [tilespmem:s18+$0x280]  }
0x42d: {  	v62 =	vld [tilespmem:s17+$0x11300];
	v3 =	vmax.f32 v3, v59  }
0x42e: {  	v63 =	vld [tilespmem:s14+$0x11000];
	v3 =	vmax.f32 v3, v60  }
0x42f: {  	v3 =	vmax.f32 v3, v61  }
0x430: {  	v3 =	vmax.f32 v3, v4  }
0x431: {  	s14 =	simm.s32 $0x80;
	v3 =	vmax.f32 v3, v5  }
0x432: {  	s23 =	sand.u32 $0x1C00, s14;
	v3 =	vmax.f32 v3, v62  }
0x433: {  	s16 =	sor.u32 s23, s16;
	s18 =	sor.u32 s14, s15;
	s15 =	simm.s32 $0x20;
	v3 =	vmax.f32 v3, v63  }
.LBB2_36:
0x434: {  	p0 =	sne.s32 s15, $0x2F0;
	v4 =	vld [tilespmem:s16+$0x5300];
	s18 =	sor.u32 $0x380, s18;
	[tilespmem:s17+$0x1A080] =	vst v3  }
0x435: {  	s17 =	smov.u32 s16;
	v3 =	vld [tilespmem:s18+$0x5000]  }
0x436: {  	v5 =	vld [tilespmem:s17+$0x6800]  }
0x437: {  	v6 =	vld [tilespmem:s17+$0x6880]  }
0x438: {  	v7 =	vld [tilespmem:s17+$0x6900]  }
0x439: {  	s16 =	sadd.s32 $0x11000, s17;
	v8 =	vld [tilespmem:s17+$0x6980]  }
0x43a: {  	v3 =	vmax.f32 v4, v3;
	v4 =	vld [tilespmem:s16+$0x200]  }
0x43b: {  	v3 =	vmax.f32 v3, v5;
	v5 =	vld [tilespmem:s16+$0x280]  }
0x43c: {  	v3 =	vmax.f32 v3, v6;
	v6 =	vld [tilespmem:s17+$0x11300]  }
0x43d: {  	v3 =	vmax.f32 v3, v7;
	v7 =	vld [tilespmem:s18+$0x11000]  }
.Ltmp17:
0x43e: {  	v3 =	vmax.f32 v3, v8;
	(pc) =	sbr.rel @p0 .LBB2_36-.Ltmp17, $4  }
0x43f: {  	v3 =	vmax.f32 v3, v4  }
0x440: {  	s14 =	sadd.s32 $0x80, s14;
	v3 =	vmax.f32 v3, v5  }
0x441: {  	s16 =	sand.u32 $0x70, s15;
	s18 =	sand.u32 $0x1C00, s14;
	v3 =	vmax.f32 v3, v6  }
0x442: {  	s16 =	sor.u32 s18, s16;
	s18 =	sor.u32 s14, s15;
	s15 =	sadd.s32 $0x10, s15;
	v3 =	vmax.f32 v3, v7  }
0x443: {  	v4 =	vld [tilespmem:s16+$0x5300];
	s14 =	sor.u32 $0x380, s18;
	[tilespmem:s17+$0x1A080] =	vst v3  }
0x444: {  	v3 =	vld [tilespmem:s14+$0x5000]  }
0x445: {  	v5 =	vld [tilespmem:s16+$0x6800]  }
0x446: {  	v6 =	vld [tilespmem:s16+$0x6880]  }
0x447: {  	v7 =	vld [tilespmem:s16+$0x6900]  }
0x448: {  	s15 =	sadd.s32 $0x11000, s16;
	v8 =	vld [tilespmem:s16+$0x6980]  }
0x449: {  	v3 =	vmax.f32 v4, v3;
	v4 =	vld [tilespmem:s15+$0x200]  }
0x44a: {  	v3 =	vmax.f32 v3, v5;
	v5 =	vld [tilespmem:s15+$0x280]  }
0x44b: {  	v3 =	vmax.f32 v3, v6;
	v6 =	vld [tilespmem:s16+$0x11300]  }
0x44c: {  	v3 =	vmax.f32 v3, v7;
	v7 =	vld [tilespmem:s14+$0x11000]  }
0x44d: {  	v3 =	vmax.f32 v3, v8  }
0x44e: {  	v3 =	vmax.f32 v3, v4  }
0x44f: {  	v3 =	vmax.f32 v3, v5  }
0x450: {  	s20 =	simm.s32 $0x0;
	v3 =	vmax.f32 v3, v6  }
0x451: {  	s21 =	sand.u32 $0x70, s20;
	s14 =	sand.u32 $0x1C00, s20;
	v3 =	vmax.f32 v3, v7  }
0x452: {  	s14 =	sor.u32 s21, s14;
	[tilespmem:s16+$0x1A080] =	vst v3  }
0x453: {  	v4 =	vld [tilespmem:s14+$0x6A00]  }
0x454: {  	v5 =	vld [tilespmem:s14+$0x6A80]  }
0x455: {  	v6 =	vld [tilespmem:s14+$0x6B00]  }
0x456: {  	v7 =	vld [tilespmem:s14+$0x6B80]  }
0x457: {  	v8 =	vld [tilespmem:s14+$0x8000]  }
0x458: {  	v3 =	vld [tilespmem:s14+$0x8080]  }
0x459: {  	v5 =	vmax.f32 v4, v5;
	v4 =	vld [tilespmem:s14+$0x12800]  }
0x45a: {  	s22 =	simm.s32 $0x10;
	s18 =	simm.s32 $0x80;
	v6 =	vmax.f32 v5, v6;
	v5 =	vld [tilespmem:s14+$0x12880]  }
0x45b: {  	s23 =	sand.u32 $0x1C00, s18;
	s15 =	sand.u32 $0x70, s22;
	v7 =	vmax.f32 v6, v7;
	v6 =	vld [tilespmem:s14+$0x12900]  }
0x45c: {  	s19 =	simm.s32 $0x20;
	s17 =	smov.u32 s14;
	s16 =	sor.u32 s15, s23;
	v8 =	vmax.f32 v7, v8;
	v7 =	vld [tilespmem:s14+$0x12980]  }
.LBB2_38:
0x45d: {  	p0 =	sne.s32 s19, $0x2F0;
	v9 =	vld [tilespmem:s16+$0x6A00];
	v3 =	vmax.f32 v8, v3  }
0x45e: {  	v8 =	vld [tilespmem:s16+$0x6A80];
	v3 =	vmax.f32 v3, v4  }
0x45f: {  	v10 =	vld [tilespmem:s16+$0x6B00];
	v3 =	vmax.f32 v3, v5  }
0x460: {  	v11 =	vld [tilespmem:s16+$0x6B80];
	v3 =	vmax.f32 v3, v6  }
0x461: {  	v12 =	vld [tilespmem:s16+$0x8000];
	v4 =	vmax.f32 v3, v7  }
.Ltmp18:
0x462: {  	v3 =	vld [tilespmem:s16+$0x8080];
	[tilespmem:s17+$0x1A100] =	vst v4;
	s17 =	smov.u32 s16;
	(pc) =	sbr.rel @p0 .LBB2_38-.Ltmp18, $4  }
0x463: {  	v5 =	vmax.f32 v9, v8;
	v4 =	vld [tilespmem:s17+$0x12800]  }
0x464: {  	s18 =	sadd.s32 $0x80, s18;
	v6 =	vmax.f32 v5, v10;
	v5 =	vld [tilespmem:s17+$0x12880]  }
0x465: {  	s20 =	sand.u32 $0x1C00, s18;
	s16 =	sand.u32 $0x70, s19;
	v7 =	vmax.f32 v6, v11;
	v6 =	vld [tilespmem:s17+$0x12900]  }
0x466: {  	s19 =	sadd.s32 $0x10, s19;
	s16 =	sor.u32 s16, s20;
	v8 =	vmax.f32 v7, v12;
	v7 =	vld [tilespmem:s17+$0x12980]  }
0x467: {  	v9 =	vld [tilespmem:s16+$0x6A00];
	v3 =	vmax.f32 v8, v3  }
0x468: {  	v8 =	vld [tilespmem:s16+$0x6A80];
	v3 =	vmax.f32 v3, v4  }
0x469: {  	v4 =	vld [tilespmem:s16+$0x6B00];
	v3 =	vmax.f32 v3, v5  }
0x46a: {  	v5 =	vld [tilespmem:s16+$0x6B80];
	v3 =	vmax.f32 v3, v6  }
0x46b: {  	v6 =	vld [tilespmem:s16+$0x8000];
	v3 =	vmax.f32 v3, v7  }
0x46c: {  	v7 =	vld [tilespmem:s16+$0x8080];
	[tilespmem:s17+$0x1A100] =	vst v3  }
0x46d: {  	v3 =	vmax.f32 v9, v8;
	v8 =	vld [tilespmem:s16+$0x12800]  }
0x46e: {  	v3 =	vmax.f32 v3, v4;
	v4 =	vld [tilespmem:s16+$0x12880]  }
0x46f: {  	v3 =	vmax.f32 v3, v5;
	v5 =	vld [tilespmem:s16+$0x12900]  }
0x470: {  	v3 =	vmax.f32 v3, v6;
	v6 =	vld [tilespmem:s16+$0x12980]  }
0x471: {  	v3 =	vmax.f32 v3, v7  }
0x472: {  	v3 =	vmax.f32 v3, v8  }
0x473: {  	v3 =	vmax.f32 v3, v4  }
0x474: {  	v3 =	vmax.f32 v3, v5  }
0x475: {  	v3 =	vmax.f32 v3, v6  }
0x476: {  	[tilespmem:s16+$0x1A100] =	vst v3  }
0x477: {  	v4 =	vld [tilespmem:s14+$0x8100]  }
0x478: {  	v5 =	vld [tilespmem:s14+$0x8180]  }
0x479: {  	v6 =	vld [tilespmem:s14+$0x8200]  }
0x47a: {  	v7 =	vld [tilespmem:s14+$0x8280]  }
0x47b: {  	v8 =	vld [tilespmem:s14+$0x8300]  }
0x47c: {  	v3 =	vld [tilespmem:s14+$0x8380]  }
0x47d: {  	v5 =	vmax.f32 v4, v5;
	v4 =	vld [tilespmem:s14+$0x12A00]  }
0x47e: {  	s16 =	simm.s32 $0x80;
	v6 =	vmax.f32 v5, v6;
	v5 =	vld [tilespmem:s14+$0x12A80]  }
0x47f: {  	s23 =	sand.u32 $0x1C00, s16;
	v7 =	vmax.f32 v6, v7;
	v6 =	vld [tilespmem:s14+$0x12B00]  }
0x480: {  	s17 =	simm.s32 $0x20;
	s15 =	sor.u32 s15, s23;
	v8 =	vmax.f32 v7, v8;
	v7 =	vld [tilespmem:s14+$0x12B80]  }
.LBB2_40:
0x481: {  	p0 =	sne.s32 s17, $0x2F0;
	v9 =	vld [tilespmem:s15+$0x8100];
	v3 =	vmax.f32 v8, v3  }
0x482: {  	v8 =	vld [tilespmem:s15+$0x8180];
	v3 =	vmax.f32 v3, v4  }
0x483: {  	v10 =	vld [tilespmem:s15+$0x8200];
	v3 =	vmax.f32 v3, v5  }
0x484: {  	v11 =	vld [tilespmem:s15+$0x8280];
	v3 =	vmax.f32 v3, v6  }
0x485: {  	v12 =	vld [tilespmem:s15+$0x8300];
	v4 =	vmax.f32 v3, v7  }
.Ltmp19:
0x486: {  	v3 =	vld [tilespmem:s15+$0x8380];
	[tilespmem:s14+$0x1A180] =	vst v4;
	s14 =	smov.u32 s15;
	(pc) =	sbr.rel @p0 .LBB2_40-.Ltmp19, $4  }
0x487: {  	v5 =	vmax.f32 v9, v8;
	v4 =	vld [tilespmem:s14+$0x12A00]  }
0x488: {  	s16 =	sadd.s32 $0x80, s16;
	v6 =	vmax.f32 v5, v10;
	v5 =	vld [tilespmem:s14+$0x12A80]  }
0x489: {  	s18 =	sand.u32 $0x1C00, s16;
	s15 =	sand.u32 $0x70, s17;
	v7 =	vmax.f32 v6, v11;
	v6 =	vld [tilespmem:s14+$0x12B00]  }
0x48a: {  	s17 =	sadd.s32 $0x10, s17;
	s15 =	sor.u32 s15, s18;
	v8 =	vmax.f32 v7, v12;
	v7 =	vld [tilespmem:s14+$0x12B80]  }
0x48b: {  	v9 =	vld [tilespmem:s15+$0x8100];
	v3 =	vmax.f32 v8, v3  }
0x48c: {  	v8 =	vld [tilespmem:s15+$0x8180];
	v3 =	vmax.f32 v3, v4  }
0x48d: {  	v4 =	vld [tilespmem:s15+$0x8200];
	v3 =	vmax.f32 v3, v5  }
0x48e: {  	v5 =	vld [tilespmem:s15+$0x8280];
	v3 =	vmax.f32 v3, v6  }
0x48f: {  	v6 =	vld [tilespmem:s15+$0x8300];
	v3 =	vmax.f32 v3, v7  }
0x490: {  	v7 =	vld [tilespmem:s15+$0x8380];
	[tilespmem:s14+$0x1A180] =	vst v3  }
0x491: {  	v3 =	vmax.f32 v9, v8;
	v8 =	vld [tilespmem:s15+$0x12A00]  }
0x492: {  	v3 =	vmax.f32 v3, v4;
	v4 =	vld [tilespmem:s15+$0x12A80]  }
0x493: {  	v3 =	vmax.f32 v3, v5;
	v5 =	vld [tilespmem:s15+$0x12B00]  }
0x494: {  	v3 =	vmax.f32 v3, v6;
	v6 =	vld [tilespmem:s15+$0x12B80]  }
0x495: {  	v3 =	vmax.f32 v3, v7  }
0x496: {  	v3 =	vmax.f32 v3, v8  }
0x497: {  	v3 =	vmax.f32 v3, v4  }
0x498: {  	v3 =	vmax.f32 v3, v5  }
0x499: {  	v3 =	vmax.f32 v3, v6  }
0x49a: {  	[tilespmem:s15+$0x1A180] =	vst v3  }
0x49b: {  	_ =	swait.ge [sflag:s6], $0x4800  }
0x49c: {  	[sflag:s6] =	ssyncset.done $0x0  }
0x49d: {  	[sflag:s6] =	ssyncadd.s32 $0xFFFFB800  }
0x49e: {  	s16 =	simm.s32 $0x0;
	_ =	swait.ge [sflag:s12], $0x3000  }
0x49f: {  	s17 =	sand.u32 $0x70, s16;
	s18 =	sand.u32 $0x1C00, s16;
	[sflag:s12] =	ssyncset.done $0x0  }
0x4a0: {  	s19 =	sor.u32 s17, s18;
	[sflag:s12] =	ssyncadd.s32 $0xFFFFD000  }
0x4a1: {  	v4 =	vld [tilespmem:s19+$0x9800]  }
0x4a2: {  	v5 =	vld [tilespmem:s19+$0x9880]  }
0x4a3: {  	v6 =	vld [tilespmem:s19+$0x9900]  }
0x4a4: {  	v7 =	vld [tilespmem:s19+$0x9980]  }
0x4a5: {  	v8 =	vld [tilespmem:s19+$0x9A00]  }
0x4a6: {  	v3 =	vld [tilespmem:s19+$0x9A80]  }
0x4a7: {  	v5 =	vmax.f32 v4, v5;
	v4 =	vld [tilespmem:s19+$0x14000]  }
0x4a8: {  	s21 =	simm.s32 $0x80;
	s14 =	simm.s32 $0x10;
	v6 =	vmax.f32 v5, v6;
	v5 =	vld [tilespmem:s19+$0x14080]  }
0x4a9: {  	s20 =	sand.u32 $0x1C00, s21;
	s15 =	sand.u32 $0x70, s14;
	v7 =	vmax.f32 v6, v7;
	v6 =	vld [tilespmem:s19+$0x14100]  }
0x4aa: {  	s22 =	simm.s32 $0x20;
	s20 =	sor.u32 s15, s20;
	v8 =	vmax.f32 v7, v8;
	v7 =	vld [tilespmem:s19+$0x14180]  }
.LBB2_42:
0x4ab: {  	p0 =	sne.s32 s22, $0x2F0;
	v9 =	vld [tilespmem:s20+$0x9800];
	v3 =	vmax.f32 v8, v3  }
0x4ac: {  	v8 =	vld [tilespmem:s20+$0x9880];
	v3 =	vmax.f32 v3, v4  }
0x4ad: {  	v10 =	vld [tilespmem:s20+$0x9900];
	v3 =	vmax.f32 v3, v5  }
0x4ae: {  	v11 =	vld [tilespmem:s20+$0x9980];
	v3 =	vmax.f32 v3, v6  }
0x4af: {  	v12 =	vld [tilespmem:s20+$0x9A00];
	v4 =	vmax.f32 v3, v7  }
.Ltmp20:
0x4b0: {  	v3 =	vld [tilespmem:s20+$0x9A80];
	[tilespmem:s19+$0x1A200] =	vst v4;
	s19 =	smov.u32 s20;
	(pc) =	sbr.rel @p0 .LBB2_42-.Ltmp20, $4  }
0x4b1: {  	v5 =	vmax.f32 v9, v8;
	v4 =	vld [tilespmem:s19+$0x14000]  }
0x4b2: {  	s21 =	sadd.s32 $0x80, s21;
	v6 =	vmax.f32 v5, v10;
	v5 =	vld [tilespmem:s19+$0x14080]  }
0x4b3: {  	s23 =	sand.u32 $0x1C00, s21;
	s20 =	sand.u32 $0x70, s22;
	v7 =	vmax.f32 v6, v11;
	v6 =	vld [tilespmem:s19+$0x14100]  }
0x4b4: {  	s22 =	sadd.s32 $0x10, s22;
	s20 =	sor.u32 s20, s23;
	v8 =	vmax.f32 v7, v12;
	v7 =	vld [tilespmem:s19+$0x14180]  }
0x4b5: {  	v9 =	vld [tilespmem:s20+$0x9800];
	v3 =	vmax.f32 v8, v3  }
0x4b6: {  	v54 =	vld [tilespmem:s20+$0x9880];
	v3 =	vmax.f32 v3, v4  }
0x4b7: {  	v4 =	vld [tilespmem:s20+$0x9900];
	v3 =	vmax.f32 v3, v5  }
0x4b8: {  	v5 =	vld [tilespmem:s20+$0x9980];
	v3 =	vmax.f32 v3, v6  }
0x4b9: {  	v55 =	vld [tilespmem:s20+$0x9A00];
	v3 =	vmax.f32 v3, v7  }
0x4ba: {  	v56 =	vld [tilespmem:s20+$0x9A80];
	[tilespmem:s19+$0x1A200] =	vst v3  }
0x4bb: {  	v3 =	vmax.f32 v9, v54;
	v57 =	vld [tilespmem:s20+$0x14000]  }
0x4bc: {  	v3 =	vmax.f32 v3, v4;
	v4 =	vld [tilespmem:s20+$0x14080]  }
0x4bd: {  	v3 =	vmax.f32 v3, v5;
	v5 =	vld [tilespmem:s20+$0x14100]  }
0x4be: {  	v58 =	vld [tilespmem:s20+$0x14180];
	v3 =	vmax.f32 v3, v55  }
0x4bf: {  	v3 =	vmax.f32 v3, v56  }
0x4c0: {  	v3 =	vmax.f32 v3, v57  }
0x4c1: {  	v3 =	vmax.f32 v3, v4  }
0x4c2: {  	v3 =	vmax.f32 v3, v5  }
0x4c3: {  	v3 =	vmax.f32 v3, v58  }
0x4c4: {  	s17 =	sor.u32 s18, s17;
	s16 =	sor.u32 s16, s16;
	[tilespmem:s20+$0x1A200] =	vst v3  }
0x4c5: {  	s16 =	sor.u32 $0x380, s16;
	v3 =	vld [tilespmem:s17+$0x9B00]  }
0x4c6: {  	v4 =	vld [tilespmem:s16+$0x9800]  }
0x4c7: {  	v5 =	vld [tilespmem:s17+$0xB000]  }
0x4c8: {  	v59 =	vld [tilespmem:s17+$0xB080]  }
0x4c9: {  	v60 =	vld [tilespmem:s17+$0xB100]  }
0x4ca: {  	v61 =	vld [tilespmem:s17+$0xB180]  }
0x4cb: {  	v3 =	vmax.f32 v3, v4;
	v4 =	vld [tilespmem:s17+$0x14200]  }
0x4cc: {  	v3 =	vmax.f32 v3, v5;
	v5 =	vld [tilespmem:s17+$0x14280]  }
0x4cd: {  	v62 =	vld [tilespmem:s17+$0x14300];
	v3 =	vmax.f32 v3, v59  }
0x4ce: {  	v63 =	vld [tilespmem:s16+$0x14000];
	v3 =	vmax.f32 v3, v60  }
0x4cf: {  	v3 =	vmax.f32 v3, v61  }
0x4d0: {  	v3 =	vmax.f32 v3, v4  }
0x4d1: {  	s16 =	simm.s32 $0x80;
	v3 =	vmax.f32 v3, v5  }
0x4d2: {  	s23 =	sand.u32 $0x1C00, s16;
	v3 =	vmax.f32 v3, v62  }
0x4d3: {  	s18 =	sor.u32 s16, s14;
	s14 =	simm.s32 $0x20;
	s15 =	sor.u32 s23, s15;
	v3 =	vmax.f32 v3, v63  }
.LBB2_44:
0x4d4: {  	p0 =	sne.s32 s14, $0x2F0;
	v4 =	vld [tilespmem:s15+$0x9B00];
	s18 =	sor.u32 $0x380, s18;
	[tilespmem:s17+$0x1A280] =	vst v3  }
0x4d5: {  	s17 =	smov.u32 s15;
	v3 =	vld [tilespmem:s18+$0x9800]  }
0x4d6: {  	v5 =	vld [tilespmem:s17+$0xB000]  }
0x4d7: {  	v6 =	vld [tilespmem:s17+$0xB080]  }
0x4d8: {  	v7 =	vld [tilespmem:s17+$0xB100]  }
0x4d9: {  	v8 =	vld [tilespmem:s17+$0xB180]  }
0x4da: {  	v3 =	vmax.f32 v4, v3;
	v4 =	vld [tilespmem:s17+$0x14200]  }
0x4db: {  	v3 =	vmax.f32 v3, v5;
	v5 =	vld [tilespmem:s17+$0x14280]  }
0x4dc: {  	v3 =	vmax.f32 v3, v6;
	v6 =	vld [tilespmem:s17+$0x14300]  }
0x4dd: {  	v3 =	vmax.f32 v3, v7;
	v7 =	vld [tilespmem:s18+$0x14000]  }
.Ltmp21:
0x4de: {  	v3 =	vmax.f32 v3, v8;
	(pc) =	sbr.rel @p0 .LBB2_44-.Ltmp21, $4  }
0x4df: {  	v3 =	vmax.f32 v3, v4  }
0x4e0: {  	s16 =	sadd.s32 $0x80, s16;
	v3 =	vmax.f32 v3, v5  }
0x4e1: {  	s15 =	sand.u32 $0x70, s14;
	s18 =	sand.u32 $0x1C00, s16;
	v3 =	vmax.f32 v3, v6  }
0x4e2: {  	s15 =	sor.u32 s18, s15;
	s18 =	sor.u32 s16, s14;
	s14 =	sadd.s32 $0x10, s14;
	v3 =	vmax.f32 v3, v7  }
0x4e3: {  	v4 =	vld [tilespmem:s15+$0x9B00];
	s14 =	sor.u32 $0x380, s18;
	[tilespmem:s17+$0x1A280] =	vst v3  }
0x4e4: {  	v3 =	vld [tilespmem:s14+$0x9800]  }
0x4e5: {  	v5 =	vld [tilespmem:s15+$0xB000]  }
0x4e6: {  	v6 =	vld [tilespmem:s15+$0xB080]  }
0x4e7: {  	v7 =	vld [tilespmem:s15+$0xB100]  }
0x4e8: {  	v8 =	vld [tilespmem:s15+$0xB180]  }
0x4e9: {  	v3 =	vmax.f32 v4, v3;
	v4 =	vld [tilespmem:s15+$0x14200]  }
0x4ea: {  	v3 =	vmax.f32 v3, v5;
	v5 =	vld [tilespmem:s15+$0x14280]  }
0x4eb: {  	v3 =	vmax.f32 v3, v6;
	v6 =	vld [tilespmem:s15+$0x14300]  }
0x4ec: {  	v3 =	vmax.f32 v3, v7;
	v7 =	vld [tilespmem:s14+$0x14000]  }
0x4ed: {  	v3 =	vmax.f32 v3, v8  }
0x4ee: {  	v3 =	vmax.f32 v3, v4  }
0x4ef: {  	v3 =	vmax.f32 v3, v5  }
0x4f0: {  	s21 =	simm.s32 $0x0;
	v3 =	vmax.f32 v3, v6  }
0x4f1: {  	s16 =	sand.u32 $0x70, s21;
	s14 =	sand.u32 $0x1C00, s21;
	v3 =	vmax.f32 v3, v7  }
0x4f2: {  	s14 =	sor.u32 s16, s14;
	[tilespmem:s15+$0x1A280] =	vst v3  }
0x4f3: {  	v4 =	vld [tilespmem:s14+$0xB200]  }
0x4f4: {  	v5 =	vld [tilespmem:s14+$0xB280]  }
0x4f5: {  	v6 =	vld [tilespmem:s14+$0xB300]  }
0x4f6: {  	v7 =	vld [tilespmem:s14+$0xB380]  }
0x4f7: {  	v8 =	vld [tilespmem:s14+$0xC800]  }
0x4f8: {  	v3 =	vld [tilespmem:s14+$0xC880]  }
0x4f9: {  	v5 =	vmax.f32 v4, v5;
	v4 =	vld [tilespmem:s14+$0x15800]  }
0x4fa: {  	s22 =	simm.s32 $0x10;
	s18 =	simm.s32 $0x80;
	v6 =	vmax.f32 v5, v6;
	v5 =	vld [tilespmem:s14+$0x15880]  }
0x4fb: {  	s23 =	sand.u32 $0x1C00, s18;
	s15 =	sand.u32 $0x70, s22;
	v7 =	vmax.f32 v6, v7;
	v6 =	vld [tilespmem:s14+$0x15900]  }
0x4fc: {  	s19 =	simm.s32 $0x20;
	s17 =	smov.u32 s14;
	s16 =	sor.u32 s15, s23;
	v8 =	vmax.f32 v7, v8;
	v7 =	vld [tilespmem:s14+$0x15980]  }
.LBB2_46:
0x4fd: {  	p0 =	sne.s32 s19, $0x2F0;
	v9 =	vld [tilespmem:s16+$0xB200];
	v3 =	vmax.f32 v8, v3  }
0x4fe: {  	v8 =	vld [tilespmem:s16+$0xB280];
	v3 =	vmax.f32 v3, v4  }
0x4ff: {  	v10 =	vld [tilespmem:s16+$0xB300];
	v3 =	vmax.f32 v3, v5  }
0x500: {  	v11 =	vld [tilespmem:s16+$0xB380];
	v3 =	vmax.f32 v3, v6  }
0x501: {  	v12 =	vld [tilespmem:s16+$0xC800];
	v4 =	vmax.f32 v3, v7  }
.Ltmp22:
0x502: {  	v3 =	vld [tilespmem:s16+$0xC880];
	[tilespmem:s17+$0x1A300] =	vst v4;
	s17 =	smov.u32 s16;
	(pc) =	sbr.rel @p0 .LBB2_46-.Ltmp22, $4  }
0x503: {  	v5 =	vmax.f32 v9, v8;
	v4 =	vld [tilespmem:s17+$0x15800]  }
0x504: {  	s18 =	sadd.s32 $0x80, s18;
	v6 =	vmax.f32 v5, v10;
	v5 =	vld [tilespmem:s17+$0x15880]  }
0x505: {  	s20 =	sand.u32 $0x1C00, s18;
	s16 =	sand.u32 $0x70, s19;
	v7 =	vmax.f32 v6, v11;
	v6 =	vld [tilespmem:s17+$0x15900]  }
0x506: {  	s19 =	sadd.s32 $0x10, s19;
	s16 =	sor.u32 s16, s20;
	v8 =	vmax.f32 v7, v12;
	v7 =	vld [tilespmem:s17+$0x15980]  }
0x507: {  	v9 =	vld [tilespmem:s16+$0xB200];
	v3 =	vmax.f32 v8, v3  }
0x508: {  	v8 =	vld [tilespmem:s16+$0xB280];
	v3 =	vmax.f32 v3, v4  }
0x509: {  	v4 =	vld [tilespmem:s16+$0xB300];
	v3 =	vmax.f32 v3, v5  }
0x50a: {  	v5 =	vld [tilespmem:s16+$0xB380];
	v3 =	vmax.f32 v3, v6  }
0x50b: {  	v6 =	vld [tilespmem:s16+$0xC800];
	v3 =	vmax.f32 v3, v7  }
0x50c: {  	v7 =	vld [tilespmem:s16+$0xC880];
	[tilespmem:s17+$0x1A300] =	vst v3  }
0x50d: {  	v3 =	vmax.f32 v9, v8;
	v8 =	vld [tilespmem:s16+$0x15800]  }
0x50e: {  	v3 =	vmax.f32 v3, v4;
	v4 =	vld [tilespmem:s16+$0x15880]  }
0x50f: {  	v3 =	vmax.f32 v3, v5;
	v5 =	vld [tilespmem:s16+$0x15900]  }
0x510: {  	v3 =	vmax.f32 v3, v6;
	v6 =	vld [tilespmem:s16+$0x15980]  }
0x511: {  	v3 =	vmax.f32 v3, v7  }
0x512: {  	v3 =	vmax.f32 v3, v8  }
0x513: {  	v3 =	vmax.f32 v3, v4  }
0x514: {  	v3 =	vmax.f32 v3, v5  }
0x515: {  	v3 =	vmax.f32 v3, v6  }
0x516: {  	[tilespmem:s16+$0x1A300] =	vst v3  }
0x517: {  	v4 =	vld [tilespmem:s14+$0xC900]  }
0x518: {  	v5 =	vld [tilespmem:s14+$0xC980]  }
0x519: {  	v6 =	vld [tilespmem:s14+$0xCA00]  }
0x51a: {  	v7 =	vld [tilespmem:s14+$0xCA80]  }
0x51b: {  	v8 =	vld [tilespmem:s14+$0xCB00]  }
0x51c: {  	v3 =	vld [tilespmem:s14+$0xCB80]  }
0x51d: {  	v5 =	vmax.f32 v4, v5;
	v4 =	vld [tilespmem:s14+$0x15A00]  }
0x51e: {  	s16 =	simm.s32 $0x80;
	v6 =	vmax.f32 v5, v6;
	v5 =	vld [tilespmem:s14+$0x15A80]  }
0x51f: {  	s23 =	sand.u32 $0x1C00, s16;
	v7 =	vmax.f32 v6, v7;
	v6 =	vld [tilespmem:s14+$0x15B00]  }
0x520: {  	s17 =	simm.s32 $0x20;
	s15 =	sor.u32 s15, s23;
	v8 =	vmax.f32 v7, v8;
	v7 =	vld [tilespmem:s14+$0x15B80]  }
.LBB2_48:
0x521: {  	p0 =	sne.s32 s17, $0x2F0;
	v9 =	vld [tilespmem:s15+$0xC900];
	v3 =	vmax.f32 v8, v3  }
0x522: {  	v8 =	vld [tilespmem:s15+$0xC980];
	v3 =	vmax.f32 v3, v4  }
0x523: {  	v10 =	vld [tilespmem:s15+$0xCA00];
	v3 =	vmax.f32 v3, v5  }
0x524: {  	v11 =	vld [tilespmem:s15+$0xCA80];
	v3 =	vmax.f32 v3, v6  }
0x525: {  	v12 =	vld [tilespmem:s15+$0xCB00];
	v4 =	vmax.f32 v3, v7  }
.Ltmp23:
0x526: {  	v3 =	vld [tilespmem:s15+$0xCB80];
	[tilespmem:s14+$0x1A380] =	vst v4;
	s14 =	smov.u32 s15;
	(pc) =	sbr.rel @p0 .LBB2_48-.Ltmp23, $4  }
0x527: {  	v5 =	vmax.f32 v9, v8;
	v4 =	vld [tilespmem:s14+$0x15A00]  }
0x528: {  	s16 =	sadd.s32 $0x80, s16;
	v6 =	vmax.f32 v5, v10;
	v5 =	vld [tilespmem:s14+$0x15A80]  }
0x529: {  	s18 =	sand.u32 $0x1C00, s16;
	s15 =	sand.u32 $0x70, s17;
	v7 =	vmax.f32 v6, v11;
	v6 =	vld [tilespmem:s14+$0x15B00]  }
0x52a: {  	s17 =	sadd.s32 $0x10, s17;
	s15 =	sor.u32 s15, s18;
	v8 =	vmax.f32 v7, v12;
	v7 =	vld [tilespmem:s14+$0x15B80]  }
0x52b: {  	v9 =	vld [tilespmem:s15+$0xC900];
	v3 =	vmax.f32 v8, v3  }
0x52c: {  	v8 =	vld [tilespmem:s15+$0xC980];
	v3 =	vmax.f32 v3, v4  }
0x52d: {  	v4 =	vld [tilespmem:s15+$0xCA00];
	v3 =	vmax.f32 v3, v5  }
0x52e: {  	v5 =	vld [tilespmem:s15+$0xCA80];
	v3 =	vmax.f32 v3, v6  }
0x52f: {  	v6 =	vld [tilespmem:s15+$0xCB00];
	v3 =	vmax.f32 v3, v7  }
0x530: {  	v7 =	vld [tilespmem:s15+$0xCB80];
	[tilespmem:s14+$0x1A380] =	vst v3  }
0x531: {  	v3 =	vmax.f32 v9, v8;
	v8 =	vld [tilespmem:s15+$0x15A00]  }
0x532: {  	v3 =	vmax.f32 v3, v4;
	v4 =	vld [tilespmem:s15+$0x15A80]  }
0x533: {  	v3 =	vmax.f32 v3, v5;
	v5 =	vld [tilespmem:s15+$0x15B00]  }
0x534: {  	v3 =	vmax.f32 v3, v6;
	v6 =	vld [tilespmem:s15+$0x15B80]  }
0x535: {  	v3 =	vmax.f32 v3, v7  }
0x536: {  	v3 =	vmax.f32 v3, v8  }
0x537: {  	v3 =	vmax.f32 v3, v4  }
0x538: {  	v3 =	vmax.f32 v3, v5  }
0x539: {  	v3 =	vmax.f32 v3, v6  }
0x53a: {  	[tilespmem:s15+$0x1A380] =	vst v3  }
0x53b: {  	_ =	swait.ge [sflag:s31], $0x4800  }
0x53c: {  	[sflag:s31] =	ssyncset.done $0x0  }
0x53d: {  	[sflag:s31] =	ssyncadd.s32 $0xFFFFB800  }
0x53e: {  	s16 =	simm.s32 $0x0;
	_ =	swait.ge [sflag:s5], $0x3000  }
0x53f: {  	s17 =	sand.u32 $0x70, s16;
	s18 =	sand.u32 $0x1C00, s16;
	[sflag:s5] =	ssyncset.done $0x0  }
0x540: {  	s19 =	sor.u32 s17, s18;
	[sflag:s5] =	ssyncadd.s32 $0xFFFFD000  }
0x541: {  	v4 =	vld [tilespmem:s19+$0x800]  }
0x542: {  	v5 =	vld [tilespmem:s19+$0x880]  }
0x543: {  	v6 =	vld [tilespmem:s19+$0x900]  }
0x544: {  	v7 =	vld [tilespmem:s19+$0x980]  }
0x545: {  	v8 =	vld [tilespmem:s19+$0xA00]  }
0x546: {  	v3 =	vld [tilespmem:s19+$0xA80]  }
0x547: {  	v5 =	vmax.f32 v4, v5;
	v4 =	vld [tilespmem:s19+$0xE000]  }
0x548: {  	s21 =	simm.s32 $0x80;
	s14 =	simm.s32 $0x10;
	v6 =	vmax.f32 v5, v6;
	v5 =	vld [tilespmem:s19+$0xE080]  }
0x549: {  	s20 =	sand.u32 $0x1C00, s21;
	s15 =	sand.u32 $0x70, s14;
	v7 =	vmax.f32 v6, v7;
	v6 =	vld [tilespmem:s19+$0xE100]  }
0x54a: {  	s22 =	simm.s32 $0x20;
	s20 =	sor.u32 s15, s20;
	v8 =	vmax.f32 v7, v8;
	v7 =	vld [tilespmem:s19+$0xE180]  }
.LBB2_50:
0x54b: {  	p0 =	sne.s32 s22, $0x2F0;
	v9 =	vld [tilespmem:s20+$0x800];
	v3 =	vmax.f32 v8, v3  }
0x54c: {  	v8 =	vld [tilespmem:s20+$0x880];
	v3 =	vmax.f32 v3, v4  }
0x54d: {  	v10 =	vld [tilespmem:s20+$0x900];
	v3 =	vmax.f32 v3, v5  }
0x54e: {  	v11 =	vld [tilespmem:s20+$0x980];
	v3 =	vmax.f32 v3, v6  }
0x54f: {  	v12 =	vld [tilespmem:s20+$0xA00];
	v4 =	vmax.f32 v3, v7  }
.Ltmp24:
0x550: {  	v3 =	vld [tilespmem:s20+$0xA80];
	[tilespmem:s19+$0x1B800] =	vst v4;
	s19 =	smov.u32 s20;
	(pc) =	sbr.rel @p0 .LBB2_50-.Ltmp24, $4  }
0x551: {  	v5 =	vmax.f32 v9, v8;
	v4 =	vld [tilespmem:s19+$0xE000]  }
0x552: {  	s21 =	sadd.s32 $0x80, s21;
	v6 =	vmax.f32 v5, v10;
	v5 =	vld [tilespmem:s19+$0xE080]  }
0x553: {  	s23 =	sand.u32 $0x1C00, s21;
	s20 =	sand.u32 $0x70, s22;
	v7 =	vmax.f32 v6, v11;
	v6 =	vld [tilespmem:s19+$0xE100]  }
0x554: {  	s22 =	sadd.s32 $0x10, s22;
	s20 =	sor.u32 s20, s23;
	v8 =	vmax.f32 v7, v12;
	v7 =	vld [tilespmem:s19+$0xE180]  }
0x555: {  	v9 =	vld [tilespmem:s20+$0x800];
	v3 =	vmax.f32 v8, v3  }
0x556: {  	v54 =	vld [tilespmem:s20+$0x880];
	v3 =	vmax.f32 v3, v4  }
0x557: {  	v4 =	vld [tilespmem:s20+$0x900];
	v3 =	vmax.f32 v3, v5  }
0x558: {  	v5 =	vld [tilespmem:s20+$0x980];
	v3 =	vmax.f32 v3, v6  }
0x559: {  	v55 =	vld [tilespmem:s20+$0xA00];
	v3 =	vmax.f32 v3, v7  }
0x55a: {  	v56 =	vld [tilespmem:s20+$0xA80];
	[tilespmem:s19+$0x1B800] =	vst v3  }
0x55b: {  	v3 =	vmax.f32 v9, v54;
	v57 =	vld [tilespmem:s20+$0xE000]  }
0x55c: {  	v3 =	vmax.f32 v3, v4;
	v4 =	vld [tilespmem:s20+$0xE080]  }
0x55d: {  	v3 =	vmax.f32 v3, v5;
	v5 =	vld [tilespmem:s20+$0xE100]  }
0x55e: {  	v58 =	vld [tilespmem:s20+$0xE180];
	v3 =	vmax.f32 v3, v55  }
0x55f: {  	v3 =	vmax.f32 v3, v56  }
0x560: {  	v3 =	vmax.f32 v3, v57  }
0x561: {  	v3 =	vmax.f32 v3, v4  }
0x562: {  	v3 =	vmax.f32 v3, v5  }
0x563: {  	v3 =	vmax.f32 v3, v58  }
0x564: {  	s17 =	sor.u32 s18, s17;
	s16 =	sor.u32 s16, s16;
	[tilespmem:s20+$0x1B800] =	vst v3  }
0x565: {  	s16 =	sor.u32 $0x380, s16;
	v3 =	vld [tilespmem:s17+$0xB00]  }
0x566: {  	v4 =	vld [tilespmem:s16+$0x800]  }
0x567: {  	v5 =	vld [tilespmem:s17+$0x2000]  }
0x568: {  	v59 =	vld [tilespmem:s17+$0x2080]  }
0x569: {  	v60 =	vld [tilespmem:s17+$0x2100]  }
0x56a: {  	v61 =	vld [tilespmem:s17+$0x2180]  }
0x56b: {  	v3 =	vmax.f32 v3, v4;
	v4 =	vld [tilespmem:s17+$0xE200]  }
0x56c: {  	v3 =	vmax.f32 v3, v5;
	v5 =	vld [tilespmem:s17+$0xE280]  }
0x56d: {  	v62 =	vld [tilespmem:s17+$0xE300];
	v3 =	vmax.f32 v3, v59  }
0x56e: {  	v63 =	vld [tilespmem:s16+$0xE000];
	v3 =	vmax.f32 v3, v60  }
0x56f: {  	v3 =	vmax.f32 v3, v61  }
0x570: {  	v3 =	vmax.f32 v3, v4  }
0x571: {  	s16 =	simm.s32 $0x80;
	v3 =	vmax.f32 v3, v5  }
0x572: {  	s23 =	sand.u32 $0x1C00, s16;
	v3 =	vmax.f32 v3, v62  }
0x573: {  	s18 =	sor.u32 s16, s14;
	s14 =	simm.s32 $0x20;
	s15 =	sor.u32 s23, s15;
	v3 =	vmax.f32 v3, v63  }
.LBB2_52:
0x574: {  	p0 =	sne.s32 s14, $0x2F0;
	v4 =	vld [tilespmem:s15+$0xB00];
	s18 =	sor.u32 $0x380, s18;
	[tilespmem:s17+$0x1B880] =	vst v3  }
0x575: {  	s17 =	smov.u32 s15;
	v3 =	vld [tilespmem:s18+$0x800]  }
0x576: {  	v5 =	vld [tilespmem:s17+$0x2000]  }
0x577: {  	v6 =	vld [tilespmem:s17+$0x2080]  }
0x578: {  	v7 =	vld [tilespmem:s17+$0x2100]  }
0x579: {  	v8 =	vld [tilespmem:s17+$0x2180]  }
0x57a: {  	v3 =	vmax.f32 v4, v3;
	v4 =	vld [tilespmem:s17+$0xE200]  }
0x57b: {  	v3 =	vmax.f32 v3, v5;
	v5 =	vld [tilespmem:s17+$0xE280]  }
0x57c: {  	v3 =	vmax.f32 v3, v6;
	v6 =	vld [tilespmem:s17+$0xE300]  }
0x57d: {  	v3 =	vmax.f32 v3, v7;
	v7 =	vld [tilespmem:s18+$0xE000]  }
.Ltmp25:
0x57e: {  	v3 =	vmax.f32 v3, v8;
	(pc) =	sbr.rel @p0 .LBB2_52-.Ltmp25, $4  }
0x57f: {  	v3 =	vmax.f32 v3, v4  }
0x580: {  	s16 =	sadd.s32 $0x80, s16;
	v3 =	vmax.f32 v3, v5  }
0x581: {  	s15 =	sand.u32 $0x70, s14;
	s18 =	sand.u32 $0x1C00, s16;
	v3 =	vmax.f32 v3, v6  }
0x582: {  	s15 =	sor.u32 s18, s15;
	s18 =	sor.u32 s16, s14;
	s14 =	sadd.s32 $0x10, s14;
	v3 =	vmax.f32 v3, v7  }
0x583: {  	v4 =	vld [tilespmem:s15+$0xB00];
	s14 =	sor.u32 $0x380, s18;
	[tilespmem:s17+$0x1B880] =	vst v3  }
0x584: {  	v3 =	vld [tilespmem:s14+$0x800]  }
0x585: {  	v5 =	vld [tilespmem:s15+$0x2000]  }
0x586: {  	v6 =	vld [tilespmem:s15+$0x2080]  }
0x587: {  	v7 =	vld [tilespmem:s15+$0x2100]  }
0x588: {  	v8 =	vld [tilespmem:s15+$0x2180]  }
0x589: {  	v3 =	vmax.f32 v4, v3;
	v4 =	vld [tilespmem:s15+$0xE200]  }
0x58a: {  	v3 =	vmax.f32 v3, v5;
	v5 =	vld [tilespmem:s15+$0xE280]  }
0x58b: {  	v3 =	vmax.f32 v3, v6;
	v6 =	vld [tilespmem:s15+$0xE300]  }
0x58c: {  	v3 =	vmax.f32 v3, v7;
	v7 =	vld [tilespmem:s14+$0xE000]  }
0x58d: {  	v3 =	vmax.f32 v3, v8  }
0x58e: {  	v3 =	vmax.f32 v3, v4  }
0x58f: {  	v3 =	vmax.f32 v3, v5  }
0x590: {  	s21 =	simm.s32 $0x0;
	v3 =	vmax.f32 v3, v6  }
0x591: {  	s16 =	sand.u32 $0x70, s21;
	s14 =	sand.u32 $0x1C00, s21;
	v3 =	vmax.f32 v3, v7  }
0x592: {  	s14 =	sor.u32 s16, s14;
	[tilespmem:s15+$0x1B880] =	vst v3  }
0x593: {  	v4 =	vld [tilespmem:s14+$0x2200]  }
0x594: {  	v5 =	vld [tilespmem:s14+$0x2280]  }
0x595: {  	v6 =	vld [tilespmem:s14+$0x2300]  }
0x596: {  	v7 =	vld [tilespmem:s14+$0x2380]  }
0x597: {  	v8 =	vld [tilespmem:s14+$0x3800]  }
0x598: {  	v3 =	vld [tilespmem:s14+$0x3880]  }
0x599: {  	v5 =	vmax.f32 v4, v5;
	v4 =	vld [tilespmem:s14+$0xF800]  }
0x59a: {  	s22 =	simm.s32 $0x10;
	s18 =	simm.s32 $0x80;
	v6 =	vmax.f32 v5, v6;
	v5 =	vld [tilespmem:s14+$0xF880]  }
0x59b: {  	s19 =	simm.s32 $0x20;
	s23 =	sand.u32 $0x1C00, s18;
	s15 =	sand.u32 $0x70, s22;
	v7 =	vmax.f32 v6, v7;
	v6 =	vld [tilespmem:s14+$0xF900]  }
0x59c: {  	s17 =	smov.u32 s14;
	s16 =	sor.u32 s15, s23;
	s23 =	simm.s32 $0x5000;
	v8 =	vmax.f32 v7, v8;
	v7 =	vld [tilespmem:s14+$0xF980]  }
.LBB2_54:
0x59d: {  	p0 =	sne.s32 s19, $0x2F0;
	v9 =	vld [tilespmem:s16+$0x2200];
	v3 =	vmax.f32 v8, v3  }
0x59e: {  	v8 =	vld [tilespmem:s16+$0x2280];
	v3 =	vmax.f32 v3, v4  }
0x59f: {  	v10 =	vld [tilespmem:s16+$0x2300];
	v3 =	vmax.f32 v3, v5  }
0x5a0: {  	v11 =	vld [tilespmem:s16+$0x2380];
	v3 =	vmax.f32 v3, v6  }
0x5a1: {  	v12 =	vld [tilespmem:s16+$0x3800];
	v4 =	vmax.f32 v3, v7  }
.Ltmp26:
0x5a2: {  	v3 =	vld [tilespmem:s16+$0x3880];
	[tilespmem:s17+$0x1B900] =	vst v4;
	s17 =	smov.u32 s16;
	(pc) =	sbr.rel @p0 .LBB2_54-.Ltmp26, $4  }
0x5a3: {  	v5 =	vmax.f32 v9, v8;
	v4 =	vld [tilespmem:s17+$0xF800]  }
0x5a4: {  	s18 =	sadd.s32 $0x80, s18;
	v6 =	vmax.f32 v5, v10;
	v5 =	vld [tilespmem:s17+$0xF880]  }
0x5a5: {  	s20 =	sand.u32 $0x1C00, s18;
	s16 =	sand.u32 $0x70, s19;
	v7 =	vmax.f32 v6, v11;
	v6 =	vld [tilespmem:s17+$0xF900]  }
0x5a6: {  	s19 =	sadd.s32 $0x10, s19;
	s16 =	sor.u32 s16, s20;
	v8 =	vmax.f32 v7, v12;
	v7 =	vld [tilespmem:s17+$0xF980]  }
0x5a7: {  	v9 =	vld [tilespmem:s16+$0x2200];
	v3 =	vmax.f32 v8, v3  }
0x5a8: {  	v8 =	vld [tilespmem:s16+$0x2280];
	v3 =	vmax.f32 v3, v4  }
0x5a9: {  	v4 =	vld [tilespmem:s16+$0x2300];
	v3 =	vmax.f32 v3, v5  }
0x5aa: {  	v5 =	vld [tilespmem:s16+$0x2380];
	v3 =	vmax.f32 v3, v6  }
0x5ab: {  	v6 =	vld [tilespmem:s16+$0x3800];
	v3 =	vmax.f32 v3, v7  }
0x5ac: {  	v7 =	vld [tilespmem:s16+$0x3880];
	[tilespmem:s17+$0x1B900] =	vst v3  }
0x5ad: {  	v3 =	vmax.f32 v9, v8;
	v8 =	vld [tilespmem:s16+$0xF800]  }
0x5ae: {  	v3 =	vmax.f32 v3, v4;
	v4 =	vld [tilespmem:s16+$0xF880]  }
0x5af: {  	v3 =	vmax.f32 v3, v5;
	v5 =	vld [tilespmem:s16+$0xF900]  }
0x5b0: {  	v3 =	vmax.f32 v3, v6;
	v6 =	vld [tilespmem:s16+$0xF980]  }
0x5b1: {  	v3 =	vmax.f32 v3, v7  }
0x5b2: {  	v3 =	vmax.f32 v3, v8  }
0x5b3: {  	v3 =	vmax.f32 v3, v4  }
0x5b4: {  	v3 =	vmax.f32 v3, v5  }
0x5b5: {  	v3 =	vmax.f32 v3, v6  }
0x5b6: {  	[tilespmem:s16+$0x1B900] =	vst v3  }
0x5b7: {  	v4 =	vld [tilespmem:s14+$0x3900]  }
0x5b8: {  	v5 =	vld [tilespmem:s14+$0x3980]  }
0x5b9: {  	v6 =	vld [tilespmem:s14+$0x3A00]  }
0x5ba: {  	v7 =	vld [tilespmem:s14+$0x3A80]  }
0x5bb: {  	v8 =	vld [tilespmem:s14+$0x3B00]  }
0x5bc: {  	v3 =	vld [tilespmem:s14+$0x3B80]  }
0x5bd: {  	v5 =	vmax.f32 v4, v5;
	v4 =	vld [tilespmem:s14+$0xFA00]  }
0x5be: {  	s16 =	simm.s32 $0x80;
	v6 =	vmax.f32 v5, v6;
	v5 =	vld [tilespmem:s14+$0xFA80]  }
0x5bf: {  	s22 =	sand.u32 $0x1C00, s16;
	v7 =	vmax.f32 v6, v7;
	v6 =	vld [tilespmem:s14+$0xFB00]  }
0x5c0: {  	s17 =	simm.s32 $0x20;
	s15 =	sor.u32 s15, s22;
	v8 =	vmax.f32 v7, v8;
	v7 =	vld [tilespmem:s14+$0xFB80]  }
.LBB2_56:
0x5c1: {  	p0 =	sne.s32 s17, $0x2F0;
	v9 =	vld [tilespmem:s15+$0x3900];
	v3 =	vmax.f32 v8, v3  }
0x5c2: {  	v8 =	vld [tilespmem:s15+$0x3980];
	v3 =	vmax.f32 v3, v4  }
0x5c3: {  	v10 =	vld [tilespmem:s15+$0x3A00];
	v3 =	vmax.f32 v3, v5  }
0x5c4: {  	v11 =	vld [tilespmem:s15+$0x3A80];
	v3 =	vmax.f32 v3, v6  }
0x5c5: {  	v12 =	vld [tilespmem:s15+$0x3B00];
	v4 =	vmax.f32 v3, v7  }
.Ltmp27:
0x5c6: {  	v3 =	vld [tilespmem:s15+$0x3B80];
	[tilespmem:s14+$0x1B980] =	vst v4;
	s14 =	smov.u32 s15;
	(pc) =	sbr.rel @p0 .LBB2_56-.Ltmp27, $4  }
0x5c7: {  	v5 =	vmax.f32 v9, v8;
	v4 =	vld [tilespmem:s14+$0xFA00]  }
0x5c8: {  	s16 =	sadd.s32 $0x80, s16;
	v6 =	vmax.f32 v5, v10;
	v5 =	vld [tilespmem:s14+$0xFA80]  }
0x5c9: {  	s18 =	sand.u32 $0x1C00, s16;
	s15 =	sand.u32 $0x70, s17;
	v7 =	vmax.f32 v6, v11;
	v6 =	vld [tilespmem:s14+$0xFB00]  }
0x5ca: {  	s17 =	sadd.s32 $0x10, s17;
	s15 =	sor.u32 s15, s18;
	v8 =	vmax.f32 v7, v12;
	v7 =	vld [tilespmem:s14+$0xFB80]  }
0x5cb: {  	v9 =	vld [tilespmem:s15+$0x3900];
	v3 =	vmax.f32 v8, v3  }
0x5cc: {  	v55 =	vld [tilespmem:s15+$0x3980];
	v3 =	vmax.f32 v3, v4  }
0x5cd: {  	v56 =	vld [tilespmem:s15+$0x3A00];
	v3 =	vmax.f32 v3, v5  }
0x5ce: {  	v57 =	vld [tilespmem:s15+$0x3A80];
	v3 =	vmax.f32 v3, v6  }
0x5cf: {  	v58 =	vld [tilespmem:s15+$0x3B00];
	v3 =	vmax.f32 v3, v7  }
0x5d0: {  	v59 =	vld [tilespmem:s15+$0x3B80];
	[tilespmem:s14+$0x1B980] =	vst v3  }
0x5d1: {  	v3 =	vmax.f32 v9, v55;
	v60 =	vld [tilespmem:s15+$0xFA00]  }
0x5d2: {  	v3 =	vmax.f32 v3, v56;
	v61 =	vld [tilespmem:s15+$0xFA80]  }
0x5d3: {  	v62 =	vld [tilespmem:s15+$0xFB00];
	v3 =	vmax.f32 v3, v57  }
0x5d4: {  	v63 =	vld [tilespmem:s15+$0xFB80];
	v3 =	vmax.f32 v3, v58  }
0x5d5: {  	v3 =	vmax.f32 v3, v59  }
0x5d6: {  	v3 =	vmax.f32 v3, v60  }
0x5d7: {  	v3 =	vmax.f32 v3, v61  }
0x5d8: {  	v3 =	vmax.f32 v3, v62  }
0x5d9: {  	v3 =	vmax.f32 v3, v63  }
0x5da: {  	s20 =	rddreg [dreg:$0x6];
	s21 =	simm.s32 $0x17000;
	[tilespmem:s15+$0x1B980] =	vst v3  }
0x5db: {  	[hbm4b:s20+s3] =	stream.linear.scatter [tilespmem:s21], [sflag:$0x7], $0x6000, $0x38;
	[tilespmem:$0x1D000] =	vst v63  }
0x5dc: {  	_ =	swait.ge [sflag:s13], $0x6000  }
0x5dd: {  	s0 =	sadd.s32 $0x1, s0;
	s22 =	rddreg [dreg:$0x7]  }
0x5de: {  	p0 =	sne.s32 s0, s22  }
.Ltmp28:
0x5df: {  	_ = 	snop;
	(pc) =	sbr.rel @p0 .LBB2_1-.Ltmp28, $3  }
0x5e0: {  	_ =	sdelay $0x1  }
0x5e1: {  	[sflag:s13] =	ssyncset.done $0x0  }
0x5e2: {  	[sflag:s13] =	ssyncadd.s32 $0xFFFFA000  }
0x5e3: {  	_ =	sfence.sel $0x180000  }
0x5e4: {  	[bflag:$0x0] =	sbarrier.arrive $0xFFFF  }
0x5e5: {  	_ =	strace $0x90000047  }
0x5e6: {  	s0 =	stileid.u32;
	[bflag:$0x2] =	sbarrier.arrive $0xFFFF  }
0x5e7: {  	p0 =	sne.s32 s0, $0x0;
	s0 =	rddreg [dreg:$0x3]  }
0x5e8: {  	s0 =	sadd.s32 @!p0 $0x100000, s0  }
0x5e9: {  	[sflag:s0] =	ssyncadd.tile.s32 @!p0 $0x1;
	_ =	shalt  }
.Lfunc_end2:
_tile_overlayer_lowered:
.L_overlay_start_2:
0x5ea: {  	(tag) =	ssettag $0x2  }
0x5eb: {  	s0 =	rddreg [dreg:$0x0];
	s2 =	stileid.u32  }
0x5ec: {  	s1 =	rddreg [dreg:$0x1];
	p0 =	sne.s32 s2, $0x0  }
0x5ed: {  	s3 =	rddreg [dreg:$0x2];
	[bflag:$0x3] =	sbarrier.arrive $0xFFFF;
	s2 =	simm.s32 @!p0 $0x1C07  }
0x5ee: {  	[timem:s3], [sflag:s2] =	dma.local @!p0 [hbm:s0], s1  }
0x5ef: {  	s0 =	simm.s32 @!p0 $0x7  }
0x5f0: {  	_ =	swait.ge @!p0 [sflag:s0], s1  }
0x5f1: {  	s1 =	ssub.s32 @!p0 $0x0, s1;
	[sflag:s0] =	ssyncset.done @!p0 $0x0  }
0x5f2: {  	[sflag:s0] =	ssyncadd.s32 @!p0 s1  }
0x5f3: {  	[bflag:$0x3] =	sbarrier.arrive $0xFFFF  }
0x5f4: {  	_ =	shalt  }

</sc_bundles>
